<compile_context>
chip_gen: v7x
topology: tpu7x:2x2x1
jax: 0.10.2.dev20260603
libtpu: 0.0.44.dev20260713+nightly
codegen_flags: <defaults>
</compile_context>

<pallas_src>
import functools

import jax
import jax.numpy as jnp
from jax import lax
from jax.experimental import pallas as pl
from jax.experimental.pallas import tpu as pltpu
from jax.experimental.pallas import tpu_sc as plsc

_LANES = 16
_SCATTER_BATCH = 128


@functools.lru_cache(maxsize=None)
def _make_sc_segsum(n_edges: int, n_nodes: int, d_edge: int):
    info = plsc.get_sparse_core_info()
    nc, ns = info.num_cores, info.num_subcores
    nw = nc * ns
    rows = n_edges // _SCATTER_BATCH
    assert rows * _SCATTER_BATCH == n_edges
    rpt = rows // nw
    extra = rows - rpt * nw
    stripe = (n_nodes // ns) // 8 * 8
    tail = n_nodes - ns * stripe
    assert tail % 8 == 0
    hs = 20
    chunks = []
    r = 0
    while r < rpt:
        n = min(hs, rpt - r)
        chunks.append((r, n))
        r += n

    mesh = plsc.VectorSubcoreMesh(core_axis_name="c", subcore_axis_name="s")
    f32 = jnp.float32

    @functools.partial(
        pl.kernel,
        mesh=mesh,
        compiler_params=pltpu.CompilerParams(use_tc_tiling_on_sc=False),
        out_type=jax.ShapeDtypeStruct((nc, n_nodes, 2 * d_edge), f32),
        scratch_types=[
            pltpu.VMEM_SHARED((n_nodes, d_edge), f32),
            pltpu.VMEM_SHARED((n_nodes, d_edge), f32),
            pltpu.VMEM((rpt * _SCATTER_BATCH,), jnp.int32),
            pltpu.VMEM((2, hs * _SCATTER_BATCH, d_edge), f32),
            pltpu.VMEM((_SCATTER_BATCH, d_edge), f32),
            pltpu.VMEM((stripe, d_edge), f32),
            pltpu.VMEM((_SCATTER_BATCH,), jnp.int32),
            pltpu.VMEM((_SCATTER_BATCH, d_edge), f32),
            pltpu.SemaphoreType.DMA,
            pltpu.SemaphoreType.DMA,
        ],
    )
    def sc_segsum(pair_hbm, idx_hbm, acc_out,
                  acc_sh, cnt_sh, idx_v, pair_v, ones_v, zero_v, eidx_v,
                  epair_v, lsem, ssem):
        c = lax.axis_index("c")
        s = lax.axis_index("s")
        wid = c * ns + s

        idx_h = pltpu.async_copy(
            idx_hbm.at[pl.ds(wid * rpt * _SCATTER_BATCH, rpt * _SCATTER_BATCH)],
            idx_v, lsem)

        def start_load(ci):
            r0, n = chunks[ci]
            return pltpu.async_copy(
                pair_hbm.at[pl.ds((wid * rpt + r0) * _SCATTER_BATCH,
                                  n * _SCATTER_BATCH)],
                pair_v.at[ci % 2, pl.ds(0, n * _SCATTER_BATCH)], lsem)

        loads = [start_load(0), None]

        def fill(i, _):
            zero_v[i] = jnp.zeros((_LANES,), f32)
            return 0
        lax.fori_loop(0, stripe, fill, 0)

        def fill1(i, _):
            ones_v[i] = jnp.ones((_LANES,), f32)
            return 0
        lax.fori_loop(0, _SCATTER_BATCH, fill1, 0)

        pltpu.sync_copy(zero_v, acc_sh.at[pl.ds(s * stripe, stripe)])
        pltpu.sync_copy(zero_v, cnt_sh.at[pl.ds(s * stripe, stripe)])

        @pl.when(s == 0)
        def _():
            pltpu.sync_copy(zero_v.at[pl.ds(0, tail)],
                            acc_sh.at[pl.ds(ns * stripe, tail)])
            pltpu.sync_copy(zero_v.at[pl.ds(0, tail)],
                            cnt_sh.at[pl.ds(ns * stripe, tail)])

        plsc.subcore_barrier()
        idx_h.wait()

        pending = [[], []]
        for ci, (r0, n) in enumerate(chunks):
            loads[ci % 2].wait()
            if ci + 1 < len(chunks):
                for h in pending[(ci + 1) % 2]:
                    h.wait()
                pending[(ci + 1) % 2] = []
                loads[(ci + 1) % 2] = start_load(ci + 1)
            handles = []
            for j in range(n):
                idx_row = idx_v.at[pl.ds((r0 + j) * _SCATTER_BATCH,
                                         _SCATTER_BATCH)]
                handles.append(pltpu.async_copy(
                    pair_v.at[ci % 2, pl.ds(j * _SCATTER_BATCH, _SCATTER_BATCH)],
                    acc_sh.at[idx_row], ssem, add=True))
                handles.append(pltpu.async_copy(
                    ones_v, cnt_sh.at[idx_row], ssem, add=True))
            pending[ci % 2] = handles
        for h in pending[0] + pending[1]:
            h.wait()

        if extra:
            @pl.when(wid < extra)
            def _():
                e_base = (nw * rpt + wid) * _SCATTER_BATCH
                pltpu.sync_copy(idx_hbm.at[pl.ds(e_base, _SCATTER_BATCH)], eidx_v)
                pltpu.sync_copy(pair_hbm.at[pl.ds(e_base, _SCATTER_BATCH)],
                                epair_v)
                pltpu.sync_copy(epair_v, acc_sh.at[eidx_v], add=True)
                pltpu.sync_copy(ones_v, cnt_sh.at[eidx_v], add=True)

        plsc.subcore_barrier()

        pltpu.sync_copy(acc_sh.at[pl.ds(s * stripe, stripe)],
                        acc_out.at[c, pl.ds(s * stripe, stripe),
                                   pl.ds(0, d_edge)])
        pltpu.sync_copy(cnt_sh.at[pl.ds(s * stripe, stripe)],
                        acc_out.at[c, pl.ds(s * stripe, stripe),
                                   pl.ds(d_edge, d_edge)])

        @pl.when(s == 0)
        def _():
            pltpu.sync_copy(acc_sh.at[pl.ds(ns * stripe, tail)],
                            acc_out.at[c, pl.ds(ns * stripe, tail),
                                       pl.ds(0, d_edge)])
            pltpu.sync_copy(cnt_sh.at[pl.ds(ns * stripe, tail)],
                            acc_out.at[c, pl.ds(ns * stripe, tail),
                                       pl.ds(d_edge, d_edge)])

    return sc_segsum


def _tc_body(acc_ref, atom_ref, wrbf_ref, wpair_ref, brbf_ref,
             bpair_ref, wa1_ref, ba1_ref, wa2_ref, ba2_ref, out_ref):
    f32 = jnp.float32
    d_edge = wrbf_ref.shape[0]
    wc = jnp.dot(wrbf_ref[...], wpair_ref[...], preferred_element_type=f32)
    w1 = jnp.dot(wc, wa1_ref[...], preferred_element_type=f32)
    bc = jnp.dot(brbf_ref[...], wpair_ref[...], preferred_element_type=f32) + bpair_ref[...]
    b1 = jnp.dot(bc, wa1_ref[...], preferred_element_type=f32)
    both = acc_ref[0] + acc_ref[1]
    seg = both[:, 0:d_edge]
    cnt = both[:, d_edge:d_edge + 1]
    h = jnp.dot(seg, w1, preferred_element_type=f32) + cnt * b1 + ba1_ref[...]
    h = h * jax.nn.sigmoid(h)
    out_ref[...] = (atom_ref[...]
                    + jnp.dot(h, wa2_ref[...], preferred_element_type=f32)
                    + ba2_ref[...])


@functools.lru_cache(maxsize=None)
def _make_tc_mlp(n_nodes: int, d_edge: int, hidden: int, blk: int):
    grid = n_nodes // blk
    assert grid * blk == n_nodes
    full = lambda shape: pl.BlockSpec(shape, lambda i: (0,) * len(shape))
    return pl.pallas_call(
        _tc_body,
        grid=(grid,),
        in_specs=[
            pl.BlockSpec((2, blk, 2 * d_edge), lambda i: (0, i, 0)),
            pl.BlockSpec((blk, hidden), lambda i: (i, 0)),
            full((d_edge, hidden)),
            full((hidden, hidden)),
            full((1, hidden)),
            full((1, hidden)),
            full((hidden, hidden)),
            full((1, hidden)),
            full((hidden, hidden)),
            full((1, hidden)),
        ],
        out_specs=pl.BlockSpec((blk, hidden), lambda i: (i, 0)),
        out_shape=jax.ShapeDtypeStruct((n_nodes, hidden), jnp.float32),
    )


def kernel(atom_feat, pair_feat, recv_idx, W_rbf, b_rbf, W_pair, b_pair,
           W_a1, b_a1, W_a2, b_a2):
    n_nodes, hidden = atom_feat.shape
    n_edges, d_edge = pair_feat.shape
    idx = recv_idx.astype(jnp.int32)
    acc = _make_sc_segsum(n_edges, n_nodes, d_edge)(pair_feat, idx)
    tc = _make_tc_mlp(n_nodes, d_edge, hidden, 2000)
    return tc(acc, atom_feat, W_rbf, W_pair,
              b_rbf.reshape(1, hidden), b_pair.reshape(1, hidden),
              W_a1, b_a1.reshape(1, hidden), W_a2, b_a2.reshape(1, hidden))

# --- scband reference (transcript-rebuilt; emitter-appended) ---
"""Pipeline reference for scband-interaction-block-13254269075581 (READ-ONLY COPY).

The authoritative reference and input builder live on the scoring server;
editing this copy changes nothing except your own understanding.
"""

import jax, jax.numpy as jnp
import numpy as np

N_NODES = 10000
N_EDGES = 320000
D_EDGE = 16
HIDDEN = 128

def setup_inputs(seed: int = 0) -> dict:
    key = jax.random.key(seed)
    ks = jax.random.split(key, 12)
    atom_feat = jax.random.normal(ks[0], (N_NODES, HIDDEN), dtype=jnp.float32)
    pair_feat = jax.random.normal(ks[1], (N_EDGES, D_EDGE), dtype=jnp.float32)
    recv_idx = jax.random.randint(ks[2], (N_EDGES,), 0, N_NODES, dtype=jnp.int64 if jax.config.jax_enable_x64 else jnp.int32)
    def glorot(k, shape):
        fan_in, fan_out = shape[0], shape[1]
        lim = (6.0 / (fan_in + fan_out)) ** 0.5
        return jax.random.uniform(k, shape, minval=-lim, maxval=lim, dtype=jnp.float32)
    W_rbf = glorot(ks[3], (D_EDGE, HIDDEN)); b_rbf = jnp.zeros((HIDDEN,), jnp.float32)
    W_pair = glorot(ks[4], (HIDDEN, HIDDEN)); b_pair = jnp.zeros((HIDDEN,), jnp.float32)
    W_a1 = glorot(ks[5], (HIDDEN, HIDDEN)); b_a1 = jnp.zeros((HIDDEN,), jnp.float32)
    W_a2 = glorot(ks[6], (HIDDEN, HIDDEN)); b_a2 = jnp.zeros((HIDDEN,), jnp.float32)
    return {
        "atom_feat": atom_feat,
        "pair_feat": pair_feat,
        "recv_idx": recv_idx,
        "W_rbf": W_rbf, "b_rbf": b_rbf,
        "W_pair": W_pair, "b_pair": b_pair,
        "W_a1": W_a1, "b_a1": b_a1,
        "W_a2": W_a2, "b_a2": b_a2,
    }

def reference(atom_feat, pair_feat, recv_idx, W_rbf, b_rbf, W_pair, b_pair, W_a1, b_a1, W_a2, b_a2):
    # dense_rbf
    edge_messages = pair_feat @ W_rbf + b_rbf
    # dense_pair
    edge_messages = edge_messages @ W_pair + b_pair
    # unsorted_segment_sum over receiving atoms
    aggregated = jax.ops.segment_sum(edge_messages, recv_idx, num_segments=atom_feat.shape[0])
    # dense_atom: Dense(swish) -> Dense
    h = aggregated @ W_a1 + b_a1
    h = h * jax.nn.sigmoid(h)  # swish
    h = h @ W_a2 + b_a2
    return atom_feat + h

if __name__ == "__main__":
    import jax
    _d = setup_inputs()
    print(jax.jit(kernel)(*tuple(_d.values())))

</pallas_src>

<mosaic_0001>
#map = affine_map<(d0, d1) -> (0, 0)>
#map1 = affine_map<(d0, d1) -> (0)>
#map2 = affine_map<(d0, d1) -> (0, 0, 0)>
module attributes {stable_mosaic.version = 14 : i64} {
  func.func @sc_segsum(%arg0: i32, %arg1: i32, %arg2: memref<320000x16xf32, #tpu.memory_space<hbm>>, %arg3: memref<320000xi32, #tpu.memory_space<hbm>>, %arg4: memref<2x10000x32xf32, #tpu.memory_space<hbm>>, %arg5: memref<10000x16xf32, #tpu.memory_space<vmem_shared>>, %arg6: memref<10000x16xf32, #tpu.memory_space<vmem_shared>>, %arg7: memref<9984xi32, #tpu.memory_space<vmem>>, %arg8: memref<2x2560x16xf32, #tpu.memory_space<vmem>>, %arg9: memref<128x16xf32, #tpu.memory_space<vmem>>, %arg10: memref<624x16xf32, #tpu.memory_space<vmem>>, %arg11: memref<128xi32, #tpu.memory_space<vmem>>, %arg12: memref<128x16xf32, #tpu.memory_space<vmem>>, %arg13: memref<!tpu.dma_semaphore, #tpu.memory_space<semaphore_mem>>, %arg14: memref<!tpu.dma_semaphore, #tpu.memory_space<semaphore_mem>>) attributes {dimension_semantics = [#tpu.dimension_semantics<core_parallel>, #tpu.dimension_semantics<subcore_parallel>], iteration_bounds = array<i64: 2, 16>, scalar_prefetch = 0 : i64, scratch_operands = 10 : i64, tpu.core_type = #tpu.core_type<sc_vector_subcore>, window_params = [{transform_indices = #map}, {transform_indices = #map1}, {transform_indices = #map2}]} {
    %mul3A = arith.constant 16 : i32
    %mul3A_0 = arith.muli %arg0, %mul3A : i32
    %add3A = arith.addi %mul3A_0, %arg1 : i32
    %mul3A_1 = arith.constant 78 : i32
    %mul3A_2 = arith.muli %add3A, %mul3A_1 : i32
    %mul3A_3 = arith.constant 128 : i32
    %mul3A_4 = arith.muli %mul3A_2, %mul3A_3 : i32
    %dma_start3A = tpu.memref_slice %arg3[%mul3A_4] : memref<320000xi32, #tpu.memory_space<hbm>> -> memref<9984xi32, #tpu.memory_space<hbm>>
    %dma_start3A_5 = tpu.memref_slice %arg3[%mul3A_4] : memref<320000xi32, #tpu.memory_space<hbm>> -> memref<9984xi32, #tpu.memory_space<hbm>>
    tpu.enqueue_dma source(%dma_start3A_5 : memref<9984xi32, #tpu.memory_space<hbm>>) target(%arg7 : memref<9984xi32, #tpu.memory_space<vmem>>) target_semaphore(%arg13 : memref<!tpu.dma_semaphore, #tpu.memory_space<semaphore_mem>>)
    %mul3A_6 = arith.constant 78 : i32
    %mul3A_7 = arith.muli %add3A, %mul3A_6 : i32
    %add3A_8 = arith.constant 0 : i32
    %add3A_9 = arith.addi %mul3A_7, %add3A_8 : i32
    %mul3A_10 = arith.constant 128 : i32
    %mul3A_11 = arith.muli %add3A_9, %mul3A_10 : i32
    %dma_start3A_12 = arith.constant 0 : i32
    %dma_start3A_13 = arith.constant 0 : i32
    %dma_start3A_14 = arith.constant 0 : i32
    %dma_start3A_15 = tpu.memref_slice %arg8[%dma_start3A_12, %dma_start3A_13, %dma_start3A_14] : memref<2x2560x16xf32, #tpu.memory_space<vmem>> -> memref<1x2560x16xf32, #tpu.memory_space<vmem>>
    %dma_start3A_16 = tpu.memref_squeeze %dma_start3A_15 : memref<1x2560x16xf32, #tpu.memory_space<vmem>> -> memref<2560x16xf32, #tpu.memory_space<vmem>>
    %dma_start3A_17 = arith.constant 0 : i32
    %dma_start3A_18 = tpu.memref_slice %arg2[%mul3A_11, %dma_start3A_17] : memref<320000x16xf32, #tpu.memory_space<hbm>> -> memref<2560x16xf32, #tpu.memory_space<hbm>>
    %dma_start3A_19 = arith.constant 0 : i32
    %dma_start3A_20 = arith.constant 0 : i32
    %dma_start3A_21 = tpu.memref_slice %arg8[%dma_start3A_12, %dma_start3A_19, %dma_start3A_20] : memref<2x2560x16xf32, #tpu.memory_space<vmem>> -> memref<1x2560x16xf32, #tpu.memory_space<vmem>>
    %dma_start3A_22 = tpu.memref_squeeze %dma_start3A_21 : memref<1x2560x16xf32, #tpu.memory_space<vmem>> -> memref<2560x16xf32, #tpu.memory_space<vmem>>
    %dma_start3A_23 = arith.constant 0 : i32
    %dma_start3A_24 = tpu.memref_slice %arg2[%mul3A_11, %dma_start3A_23] : memref<320000x16xf32, #tpu.memory_space<hbm>> -> memref<2560x16xf32, #tpu.memory_space<hbm>>
    tpu.enqueue_dma source(%dma_start3A_24 : memref<2560x16xf32, #tpu.memory_space<hbm>>) target(%dma_start3A_22 : memref<2560x16xf32, #tpu.memory_space<vmem>>) target_semaphore(%arg13 : memref<!tpu.dma_semaphore, #tpu.memory_space<semaphore_mem>>)
    %scan3A = arith.constant 0 : i32
    %scan3A_25 = arith.constant 0 : i32
    %scan3A_26 = arith.constant 624 : i32
    %scan3A_27 = arith.addi %scan3A_25, %scan3A_26 : i32
    %scan3A_28 = arith.constant 1 : i32
    %scan3A_29 = scf.for %scan3A_2512 = %scan3A_25 to %scan3A_27 step %scan3A_28 iter_args(%scan3A_2513 = %scan3A) -> (i32)  : i32 {
      %broadcast_in_dim3A = arith.constant 0.000000e+00 : f32
      %broadcast_in_dim3A_2514 = vector.broadcast %broadcast_in_dim3A : f32 to vector<16xf32>
      %swap3A = arith.index_cast %scan3A_2512 : i32 to index
      %swap3A_2515 = arith.constant 0 : index
      %swap3A_2516 = tpu.vector_load %arg10[%swap3A, %swap3A_2515] {strides = array<i32>} : memref<624x16xf32, #tpu.memory_space<vmem>>, vector<1x16xf32>,
      %swap3A_2517 = vector.shape_cast %swap3A_2516 : vector<1x16xf32> to vector<16xf32>
      %swap3A_2518 = vector.shape_cast %broadcast_in_dim3A_2514 : vector<16xf32> to vector<1x16xf32>
      tpu.vector_store %arg10[%swap3A, %swap3A_2515], %swap3A_2518 {strides = array<i32>} : memref<624x16xf32, #tpu.memory_space<vmem>>, vector<1x16xf32>,
      %scan3A_2519 = arith.constant 0 : i32
      scf.yield %scan3A_2519 : i32
    }
    %scan3A_30 = arith.constant 624 : i32
    %scan3A_31 = arith.constant 0 : i32
    %scan3A_32 = arith.constant 0 : i32
    %scan3A_33 = arith.constant 128 : i32
    %scan3A_34 = arith.addi %scan3A_32, %scan3A_33 : i32
    %scan3A_35 = arith.constant 1 : i32
    %scan3A_36 = scf.for %scan3A_2512 = %scan3A_32 to %scan3A_34 step %scan3A_35 iter_args(%scan3A_2513 = %scan3A_31) -> (i32)  : i32 {
      %broadcast_in_dim3A = arith.constant 1.000000e+00 : f32
      %broadcast_in_dim3A_2514 = vector.broadcast %broadcast_in_dim3A : f32 to vector<16xf32>
      %swap3A = arith.index_cast %scan3A_2512 : i32 to index
      %swap3A_2515 = arith.constant 0 : index
      %swap3A_2516 = tpu.vector_load %arg9[%swap3A, %swap3A_2515] {strides = array<i32>} : memref<128x16xf32, #tpu.memory_space<vmem>>, vector<1x16xf32>,
      %swap3A_2517 = vector.shape_cast %swap3A_2516 : vector<1x16xf32> to vector<16xf32>
      %swap3A_2518 = vector.shape_cast %broadcast_in_dim3A_2514 : vector<16xf32> to vector<1x16xf32>
      tpu.vector_store %arg9[%swap3A, %swap3A_2515], %swap3A_2518 {strides = array<i32>} : memref<128x16xf32, #tpu.memory_space<vmem>>, vector<1x16xf32>,
      %scan3A_2519 = arith.constant 0 : i32
      scf.yield %scan3A_2519 : i32
    }
    %scan3A_37 = arith.constant 128 : i32
    %mul3A_38 = arith.constant 624 : i32
    %mul3A_39 = arith.muli %arg1, %mul3A_38 : i32
    "tpu.region"() ({
      %run_scoped3A = tpu.sem_alloc : memref<!tpu.dma_semaphore, #tpu.memory_space<semaphore_mem>>
      %dma_start3A_2512 = arith.constant 0 : i32
      %dma_start3A_2513 = tpu.memref_slice %arg5[%mul3A_39, %dma_start3A_2512] : memref<10000x16xf32, #tpu.memory_space<vmem_shared>> -> memref<624x16xf32, #tpu.memory_space<vmem_shared>>
      %dma_start3A_2514 = arith.constant 0 : i32
      %dma_start3A_2515 = tpu.memref_slice %arg5[%mul3A_39, %dma_start3A_2514] : memref<10000x16xf32, #tpu.memory_space<vmem_shared>> -> memref<624x16xf32, #tpu.memory_space<vmem_shared>>
      tpu.enqueue_dma source(%arg10 : memref<624x16xf32, #tpu.memory_space<vmem>>) target(%dma_start3A_2515 : memref<624x16xf32, #tpu.memory_space<vmem_shared>>) target_semaphore(%run_scoped3A : memref<!tpu.dma_semaphore, #tpu.memory_space<semaphore_mem>>)
      %dma_wait3A_2516 = arith.constant 0 : i32
      %dma_wait3A_2517 = tpu.memref_slice %arg5[%mul3A_39, %dma_wait3A_2516] : memref<10000x16xf32, #tpu.memory_space<vmem_shared>> -> memref<624x16xf32, #tpu.memory_space<vmem_shared>>
      %dma_wait3A_2518 = arith.constant 0 : i32
      %dma_wait3A_2519 = tpu.memref_slice %arg5[%mul3A_39, %dma_wait3A_2518] : memref<10000x16xf32, #tpu.memory_space<vmem_shared>> -> memref<624x16xf32, #tpu.memory_space<vmem_shared>>
      tpu.wait_dma2 semaphore(%run_scoped3A : memref<!tpu.dma_semaphore, #tpu.memory_space<semaphore_mem>>) src(%arg10 : memref<624x16xf32, #tpu.memory_space<vmem>>) dst(%dma_wait3A_2519 : memref<624x16xf32, #tpu.memory_space<vmem_shared>>)
      tpu.yield
    }) : () -> ()
    %mul3A_40 = arith.constant 624 : i32
    %mul3A_41 = arith.muli %arg1, %mul3A_40 : i32
    "tpu.region"() ({
      %run_scoped3A = tpu.sem_alloc : memref<!tpu.dma_semaphore, #tpu.memory_space<semaphore_mem>>
      %dma_start3A_2512 = arith.constant 0 : i32
      %dma_start3A_2513 = tpu.memref_slice %arg6[%mul3A_41, %dma_start3A_2512] : memref<10000x16xf32, #tpu.memory_space<vmem_shared>> -> memref<624x16xf32, #tpu.memory_space<vmem_shared>>
      %dma_start3A_2514 = arith.constant 0 : i32
      %dma_start3A_2515 = tpu.memref_slice %arg6[%mul3A_41, %dma_start3A_2514] : memref<10000x16xf32, #tpu.memory_space<vmem_shared>> -> memref<624x16xf32, #tpu.memory_space<vmem_shared>>
      tpu.enqueue_dma source(%arg10 : memref<624x16xf32, #tpu.memory_space<vmem>>) target(%dma_start3A_2515 : memref<624x16xf32, #tpu.memory_space<vmem_shared>>) target_semaphore(%run_scoped3A : memref<!tpu.dma_semaphore, #tpu.memory_space<semaphore_mem>>)
      %dma_wait3A_2516 = arith.constant 0 : i32
      %dma_wait3A_2517 = tpu.memref_slice %arg6[%mul3A_41, %dma_wait3A_2516] : memref<10000x16xf32, #tpu.memory_space<vmem_shared>> -> memref<624x16xf32, #tpu.memory_space<vmem_shared>>
      %dma_wait3A_2518 = arith.constant 0 : i32
      %dma_wait3A_2519 = tpu.memref_slice %arg6[%mul3A_41, %dma_wait3A_2518] : memref<10000x16xf32, #tpu.memory_space<vmem_shared>> -> memref<624x16xf32, #tpu.memory_space<vmem_shared>>
      tpu.wait_dma2 semaphore(%run_scoped3A : memref<!tpu.dma_semaphore, #tpu.memory_space<semaphore_mem>>) src(%arg10 : memref<624x16xf32, #tpu.memory_space<vmem>>) dst(%dma_wait3A_2519 : memref<624x16xf32, #tpu.memory_space<vmem_shared>>)
      tpu.yield
    }) : () -> ()
    %eq3A = arith.constant 0 : i32
    %eq3A_42 = arith.cmpi eq, %arg1, %eq3A : i32
    %convert_element_type3A = arith.extui %eq3A_42 : i1 to i32
    %cond3A = arith.constant 0 : i32
    %cond3A_43 = arith.cmpi ne, %convert_element_type3A, %cond3A : i32
    scf.if %cond3A_43 {
      "tpu.region"() ({
        %run_scoped3A = tpu.sem_alloc : memref<!tpu.dma_semaphore, #tpu.memory_space<semaphore_mem>>
        %dma_start3A_2512 = arith.constant 0 : i32
        %dma_start3A_2513 = arith.constant 0 : i32
        %dma_start3A_2514 = tpu.memref_slice %arg10[%dma_start3A_2512, %dma_start3A_2513] : memref<624x16xf32, #tpu.memory_space<vmem>> -> memref<16x16xf32, #tpu.memory_space<vmem>>
        %dma_start3A_2515 = arith.constant 9984 : i32
        %dma_start3A_2516 = arith.constant 0 : i32
        %dma_start3A_2517 = tpu.memref_slice %arg5[%dma_start3A_2515, %dma_start3A_2516] : memref<10000x16xf32, #tpu.memory_space<vmem_shared>> -> memref<16x16xf32, #tpu.memory_space<vmem_shared>>
        %dma_start3A_2518 = arith.constant 9984 : i32
        %dma_start3A_2519 = arith.constant 0 : i32
        %dma_start3A_2520 = tpu.memref_slice %arg5[%dma_start3A_2518, %dma_start3A_2519] : memref<10000x16xf32, #tpu.memory_space<vmem_shared>> -> memref<16x16xf32, #tpu.memory_space<vmem_shared>>
        %dma_start3A_2521 = arith.constant 0 : i32
        %dma_start3A_2522 = arith.constant 0 : i32
        %dma_start3A_2523 = tpu.memref_slice %arg10[%dma_start3A_2521, %dma_start3A_2522] : memref<624x16xf32, #tpu.memory_space<vmem>> -> memref<16x16xf32, #tpu.memory_space<vmem>>
        tpu.enqueue_dma source(%dma_start3A_2523 : memref<16x16xf32, #tpu.memory_space<vmem>>) target(%dma_start3A_2520 : memref<16x16xf32, #tpu.memory_space<vmem_shared>>) target_semaphore(%run_scoped3A : memref<!tpu.dma_semaphore, #tpu.memory_space<semaphore_mem>>)
        %dma_wait3A_2524 = arith.constant 0 : i32
        %dma_wait3A_2525 = arith.constant 0 : i32
        %dma_wait3A_2526 = tpu.memref_slice %arg10[%dma_wait3A_2524, %dma_wait3A_2525] : memref<624x16xf32, #tpu.memory_space<vmem>> -> memref<16x16xf32, #tpu.memory_space<vmem>>
        %dma_wait3A_2527 = arith.constant 9984 : i32
        %dma_wait3A_2528 = arith.constant 0 : i32
        %dma_wait3A_2529 = tpu.memref_slice %arg5[%dma_wait3A_2527, %dma_wait3A_2528] : memref<10000x16xf32, #tpu.memory_space<vmem_shared>> -> memref<16x16xf32, #tpu.memory_space<vmem_shared>>
        %dma_wait3A_2530 = arith.constant 9984 : i32
        %dma_wait3A_2531 = arith.constant 0 : i32
        %dma_wait3A_2532 = tpu.memref_slice %arg5[%dma_wait3A_2530, %dma_wait3A_2531] : memref<10000x16xf32, #tpu.memory_space<vmem_shared>> -> memref<16x16xf32, #tpu.memory_space<vmem_shared>>
        %dma_wait3A_2533 = arith.constant 0 : i32
        %dma_wait3A_2534 = arith.constant 0 : i32
        %dma_wait3A_2535 = tpu.memref_slice %arg10[%dma_wait3A_2533, %dma_wait3A_2534] : memref<624x16xf32, #tpu.memory_space<vmem>> -> memref<16x16xf32, #tpu.memory_space<vmem>>
        tpu.wait_dma2 semaphore(%run_scoped3A : memref<!tpu.dma_semaphore, #tpu.memory_space<semaphore_mem>>) src(%dma_wait3A_2535 : memref<16x16xf32, #tpu.memory_space<vmem>>) dst(%dma_wait3A_2532 : memref<16x16xf32, #tpu.memory_space<vmem_shared>>)
        tpu.yield
      }) : () -> ()
      "tpu.region"() ({
        %run_scoped3A = tpu.sem_alloc : memref<!tpu.dma_semaphore, #tpu.memory_space<semaphore_mem>>
        %dma_start3A_2512 = arith.constant 0 : i32
        %dma_start3A_2513 = arith.constant 0 : i32
        %dma_start3A_2514 = tpu.memref_slice %arg10[%dma_start3A_2512, %dma_start3A_2513] : memref<624x16xf32, #tpu.memory_space<vmem>> -> memref<16x16xf32, #tpu.memory_space<vmem>>
        %dma_start3A_2515 = arith.constant 9984 : i32
        %dma_start3A_2516 = arith.constant 0 : i32
        %dma_start3A_2517 = tpu.memref_slice %arg6[%dma_start3A_2515, %dma_start3A_2516] : memref<10000x16xf32, #tpu.memory_space<vmem_shared>> -> memref<16x16xf32, #tpu.memory_space<vmem_shared>>
        %dma_start3A_2518 = arith.constant 9984 : i32
        %dma_start3A_2519 = arith.constant 0 : i32
        %dma_start3A_2520 = tpu.memref_slice %arg6[%dma_start3A_2518, %dma_start3A_2519] : memref<10000x16xf32, #tpu.memory_space<vmem_shared>> -> memref<16x16xf32, #tpu.memory_space<vmem_shared>>
        %dma_start3A_2521 = arith.constant 0 : i32
        %dma_start3A_2522 = arith.constant 0 : i32
        %dma_start3A_2523 = tpu.memref_slice %arg10[%dma_start3A_2521, %dma_start3A_2522] : memref<624x16xf32, #tpu.memory_space<vmem>> -> memref<16x16xf32, #tpu.memory_space<vmem>>
        tpu.enqueue_dma source(%dma_start3A_2523 : memref<16x16xf32, #tpu.memory_space<vmem>>) target(%dma_start3A_2520 : memref<16x16xf32, #tpu.memory_space<vmem_shared>>) target_semaphore(%run_scoped3A : memref<!tpu.dma_semaphore, #tpu.memory_space<semaphore_mem>>)
        %dma_wait3A_2524 = arith.constant 0 : i32
        %dma_wait3A_2525 = arith.constant 0 : i32
        %dma_wait3A_2526 = tpu.memref_slice %arg10[%dma_wait3A_2524, %dma_wait3A_2525] : memref<624x16xf32, #tpu.memory_space<vmem>> -> memref<16x16xf32, #tpu.memory_space<vmem>>
        %dma_wait3A_2527 = arith.constant 9984 : i32
        %dma_wait3A_2528 = arith.constant 0 : i32
        %dma_wait3A_2529 = tpu.memref_slice %arg6[%dma_wait3A_2527, %dma_wait3A_2528] : memref<10000x16xf32, #tpu.memory_space<vmem_shared>> -> memref<16x16xf32, #tpu.memory_space<vmem_shared>>
        %dma_wait3A_2530 = arith.constant 9984 : i32
        %dma_wait3A_2531 = arith.constant 0 : i32
        %dma_wait3A_2532 = tpu.memref_slice %arg6[%dma_wait3A_2530, %dma_wait3A_2531] : memref<10000x16xf32, #tpu.memory_space<vmem_shared>> -> memref<16x16xf32, #tpu.memory_space<vmem_shared>>
        %dma_wait3A_2533 = arith.constant 0 : i32
        %dma_wait3A_2534 = arith.constant 0 : i32
        %dma_wait3A_2535 = tpu.memref_slice %arg10[%dma_wait3A_2533, %dma_wait3A_2534] : memref<624x16xf32, #tpu.memory_space<vmem>> -> memref<16x16xf32, #tpu.memory_space<vmem>>
        tpu.wait_dma2 semaphore(%run_scoped3A : memref<!tpu.dma_semaphore, #tpu.memory_space<semaphore_mem>>) src(%dma_wait3A_2535 : memref<16x16xf32, #tpu.memory_space<vmem>>) dst(%dma_wait3A_2532 : memref<16x16xf32, #tpu.memory_space<vmem_shared>>)
        tpu.yield
      }) : () -> ()
    } else {
    }
    %barrier3A = arith.constant 0 : index
    tpu.barrier barrier_id(%barrier3A)
    %dma_wait3A = tpu.memref_slice %arg3[%mul3A_4] : memref<320000xi32, #tpu.memory_space<hbm>> -> memref<9984xi32, #tpu.memory_space<hbm>>
    %dma_wait3A_44 = tpu.memref_slice %arg3[%mul3A_4] : memref<320000xi32, #tpu.memory_space<hbm>> -> memref<9984xi32, #tpu.memory_space<hbm>>
    tpu.wait_dma2 semaphore(%arg13 : memref<!tpu.dma_semaphore, #tpu.memory_space<semaphore_mem>>) src(%dma_wait3A_44 : memref<9984xi32, #tpu.memory_space<hbm>>) dst(%arg7 : memref<9984xi32, #tpu.memory_space<vmem>>)
    %dma_wait3A_45 = arith.constant 0 : i32
    %dma_wait3A_46 = arith.constant 0 : i32
    %dma_wait3A_47 = arith.constant 0 : i32
    %dma_wait3A_48 = tpu.memref_slice %arg8[%dma_wait3A_45, %dma_wait3A_46, %dma_wait3A_47] : memref<2x2560x16xf32, #tpu.memory_space<vmem>> -> memref<1x2560x16xf32, #tpu.memory_space<vmem>>
    %dma_wait3A_49 = tpu.memref_squeeze %dma_wait3A_48 : memref<1x2560x16xf32, #tpu.memory_space<vmem>> -> memref<2560x16xf32, #tpu.memory_space<vmem>>
    %dma_wait3A_50 = arith.constant 0 : i32
    %dma_wait3A_51 = tpu.memref_slice %arg2[%mul3A_11, %dma_wait3A_50] : memref<320000x16xf32, #tpu.memory_space<hbm>> -> memref<2560x16xf32, #tpu.memory_space<hbm>>
    %dma_wait3A_52 = arith.constant 0 : i32
    %dma_wait3A_53 = arith.constant 0 : i32
    %dma_wait3A_54 = tpu.memref_slice %arg8[%dma_wait3A_45, %dma_wait3A_52, %dma_wait3A_53] : memref<2x2560x16xf32, #tpu.memory_space<vmem>> -> memref<1x2560x16xf32, #tpu.memory_space<vmem>>
    %dma_wait3A_55 = tpu.memref_squeeze %dma_wait3A_54 : memref<1x2560x16xf32, #tpu.memory_space<vmem>> -> memref<2560x16xf32, #tpu.memory_space<vmem>>
    %dma_wait3A_56 = arith.constant 0 : i32
    %dma_wait3A_57 = tpu.memref_slice %arg2[%mul3A_11, %dma_wait3A_56] : memref<320000x16xf32, #tpu.memory_space<hbm>> -> memref<2560x16xf32, #tpu.memory_space<hbm>>
    tpu.wait_dma2 semaphore(%arg13 : memref<!tpu.dma_semaphore, #tpu.memory_space<semaphore_mem>>) src(%dma_wait3A_57 : memref<2560x16xf32, #tpu.memory_space<hbm>>) dst(%dma_wait3A_55 : memref<2560x16xf32, #tpu.memory_space<vmem>>)
    %mul3A_58 = arith.constant 78 : i32
    %mul3A_59 = arith.muli %add3A, %mul3A_58 : i32
    %add3A_60 = arith.constant 20 : i32
    %add3A_61 = arith.addi %mul3A_59, %add3A_60 : i32
    %mul3A_62 = arith.constant 128 : i32
    %mul3A_63 = arith.muli %add3A_61, %mul3A_62 : i32
    %dma_start3A_64 = arith.constant 1 : i32
    %dma_start3A_65 = arith.constant 0 : i32
    %dma_start3A_66 = arith.constant 0 : i32
    %dma_start3A_67 = tpu.memref_slice %arg8[%dma_start3A_64, %dma_start3A_65, %dma_start3A_66] : memref<2x2560x16xf32, #tpu.memory_space<vmem>> -> memref<1x2560x16xf32, #tpu.memory_space<vmem>>
    %dma_start3A_68 = tpu.memref_squeeze %dma_start3A_67 : memref<1x2560x16xf32, #tpu.memory_space<vmem>> -> memref<2560x16xf32, #tpu.memory_space<vmem>>
    %dma_start3A_69 = arith.constant 0 : i32
    %dma_start3A_70 = tpu.memref_slice %arg2[%mul3A_63, %dma_start3A_69] : memref<320000x16xf32, #tpu.memory_space<hbm>> -> memref<2560x16xf32, #tpu.memory_space<hbm>>
    %dma_start3A_71 = arith.constant 0 : i32
    %dma_start3A_72 = arith.constant 0 : i32
    %dma_start3A_73 = tpu.memref_slice %arg8[%dma_start3A_64, %dma_start3A_71, %dma_start3A_72] : memref<2x2560x16xf32, #tpu.memory_space<vmem>> -> memref<1x2560x16xf32, #tpu.memory_space<vmem>>
    %dma_start3A_74 = tpu.memref_squeeze %dma_start3A_73 : memref<1x2560x16xf32, #tpu.memory_space<vmem>> -> memref<2560x16xf32, #tpu.memory_space<vmem>>
    %dma_start3A_75 = arith.constant 0 : i32
    %dma_start3A_76 = tpu.memref_slice %arg2[%mul3A_63, %dma_start3A_75] : memref<320000x16xf32, #tpu.memory_space<hbm>> -> memref<2560x16xf32, #tpu.memory_space<hbm>>
    tpu.enqueue_dma source(%dma_start3A_76 : memref<2560x16xf32, #tpu.memory_space<hbm>>) target(%dma_start3A_74 : memref<2560x16xf32, #tpu.memory_space<vmem>>) target_semaphore(%arg13 : memref<!tpu.dma_semaphore, #tpu.memory_space<semaphore_mem>>)
    %dma_start3A_77 = arith.constant 0 : i32
    %dma_start3A_78 = arith.constant 0 : i32
    %dma_start3A_79 = arith.constant 0 : i32
    %dma_start3A_80 = tpu.memref_slice %arg8[%dma_start3A_77, %dma_start3A_78, %dma_start3A_79] : memref<2x2560x16xf32, #tpu.memory_space<vmem>> -> memref<1x128x16xf32, #tpu.memory_space<vmem>>
    %dma_start3A_81 = tpu.memref_squeeze %dma_start3A_80 : memref<1x128x16xf32, #tpu.memory_space<vmem>> -> memref<128x16xf32, #tpu.memory_space<vmem>>
    %dma_start3A_82 = arith.constant 0 : i32
    %dma_start3A_83 = tpu.memref_slice %arg7[%dma_start3A_82] : memref<9984xi32, #tpu.memory_space<vmem>> -> memref<128xi32, #tpu.memory_space<vmem>>
    %dma_start3A_84 = arith.constant 0 : i32
    %dma_start3A_85 = arith.constant 0 : i32
    %dma_start3A_86 = tpu.memref_slice %arg5[%dma_start3A_84, %dma_start3A_85] : memref<10000x16xf32, #tpu.memory_space<vmem_shared>> -> memref<10000x16xf32, #tpu.memory_space<vmem_shared>>
    tpu.enqueue_indirect_dma source(%dma_start3A_81 : memref<128x16xf32, #tpu.memory_space<vmem>>) target(%dma_start3A_86 : memref<10000x16xf32, #tpu.memory_space<vmem_shared>>) offsets(%dma_start3A_83 : memref<128xi32, #tpu.memory_space<vmem>>) semaphore(%arg14 : memref<!tpu.dma_semaphore, #tpu.memory_space<semaphore_mem>>) {add = true}
    %dma_start3A_87 = arith.constant 0 : i32
    %dma_start3A_88 = tpu.memref_slice %arg7[%dma_start3A_87] : memref<9984xi32, #tpu.memory_space<vmem>> -> memref<128xi32, #tpu.memory_space<vmem>>
    %dma_start3A_89 = arith.constant 0 : i32
    %dma_start3A_90 = arith.constant 0 : i32
    %dma_start3A_91 = tpu.memref_slice %arg6[%dma_start3A_89, %dma_start3A_90] : memref<10000x16xf32, #tpu.memory_space<vmem_shared>> -> memref<10000x16xf32, #tpu.memory_space<vmem_shared>>
    tpu.enqueue_indirect_dma source(%arg9 : memref<128x16xf32, #tpu.memory_space<vmem>>) target(%dma_start3A_91 : memref<10000x16xf32, #tpu.memory_space<vmem_shared>>) offsets(%dma_start3A_88 : memref<128xi32, #tpu.memory_space<vmem>>) semaphore(%arg14 : memref<!tpu.dma_semaphore, #tpu.memory_space<semaphore_mem>>) {add = true}
    %dma_start3A_92 = arith.constant 0 : i32
    %dma_start3A_93 = arith.constant 128 : i32
    %dma_start3A_94 = arith.constant 0 : i32
    %dma_start3A_95 = tpu.memref_slice %arg8[%dma_start3A_92, %dma_start3A_93, %dma_start3A_94] : memref<2x2560x16xf32, #tpu.memory_space<vmem>> -> memref<1x128x16xf32, #tpu.memory_space<vmem>>
    %dma_start3A_96 = tpu.memref_squeeze %dma_start3A_95 : memref<1x128x16xf32, #tpu.memory_space<vmem>> -> memref<128x16xf32, #tpu.memory_space<vmem>>
    %dma_start3A_97 = arith.constant 128 : i32
    %dma_start3A_98 = tpu.memref_slice %arg7[%dma_start3A_97] : memref<9984xi32, #tpu.memory_space<vmem>> -> memref<128xi32, #tpu.memory_space<vmem>>
    %dma_start3A_99 = arith.constant 0 : i32
    %dma_start3A_100 = arith.constant 0 : i32
    %dma_start3A_101 = tpu.memref_slice %arg5[%dma_start3A_99, %dma_start3A_100] : memref<10000x16xf32, #tpu.memory_space<vmem_shared>> -> memref<10000x16xf32, #tpu.memory_space<vmem_shared>>
    tpu.enqueue_indirect_dma source(%dma_start3A_96 : memref<128x16xf32, #tpu.memory_space<vmem>>) target(%dma_start3A_101 : memref<10000x16xf32, #tpu.memory_space<vmem_shared>>) offsets(%dma_start3A_98 : memref<128xi32, #tpu.memory_space<vmem>>) semaphore(%arg14 : memref<!tpu.dma_semaphore, #tpu.memory_space<semaphore_mem>>) {add = true}
    %dma_start3A_102 = arith.constant 128 : i32
    %dma_start3A_103 = tpu.memref_slice %arg7[%dma_start3A_102] : memref<9984xi32, #tpu.memory_space<vmem>> -> memref<128xi32, #tpu.memory_space<vmem>>
    %dma_start3A_104 = arith.constant 0 : i32
    %dma_start3A_105 = arith.constant 0 : i32
    %dma_start3A_106 = tpu.memref_slice %arg6[%dma_start3A_104, %dma_start3A_105] : memref<10000x16xf32, #tpu.memory_space<vmem_shared>> -> memref<10000x16xf32, #tpu.memory_space<vmem_shared>>
    tpu.enqueue_indirect_dma source(%arg9 : memref<128x16xf32, #tpu.memory_space<vmem>>) target(%dma_start3A_106 : memref<10000x16xf32, #tpu.memory_space<vmem_shared>>) offsets(%dma_start3A_103 : memref<128xi32, #tpu.memory_space<vmem>>) semaphore(%arg14 : memref<!tpu.dma_semaphore, #tpu.memory_space<semaphore_mem>>) {add = true}
    %dma_start3A_107 = arith.constant 0 : i32
    %dma_start3A_108 = arith.constant 256 : i32
    %dma_start3A_109 = arith.constant 0 : i32
    %dma_start3A_110 = tpu.memref_slice %arg8[%dma_start3A_107, %dma_start3A_108, %dma_start3A_109] : memref<2x2560x16xf32, #tpu.memory_space<vmem>> -> memref<1x128x16xf32, #tpu.memory_space<vmem>>
    %dma_start3A_111 = tpu.memref_squeeze %dma_start3A_110 : memref<1x128x16xf32, #tpu.memory_space<vmem>> -> memref<128x16xf32, #tpu.memory_space<vmem>>
    %dma_start3A_112 = arith.constant 256 : i32
    %dma_start3A_113 = tpu.memref_slice %arg7[%dma_start3A_112] : memref<9984xi32, #tpu.memory_space<vmem>> -> memref<128xi32, #tpu.memory_space<vmem>>
    %dma_start3A_114 = arith.constant 0 : i32
    %dma_start3A_115 = arith.constant 0 : i32
    %dma_start3A_116 = tpu.memref_slice %arg5[%dma_start3A_114, %dma_start3A_115] : memref<10000x16xf32, #tpu.memory_space<vmem_shared>> -> memref<10000x16xf32, #tpu.memory_space<vmem_shared>>
    tpu.enqueue_indirect_dma source(%dma_start3A_111 : memref<128x16xf32, #tpu.memory_space<vmem>>) target(%dma_start3A_116 : memref<10000x16xf32, #tpu.memory_space<vmem_shared>>) offsets(%dma_start3A_113 : memref<128xi32, #tpu.memory_space<vmem>>) semaphore(%arg14 : memref<!tpu.dma_semaphore, #tpu.memory_space<semaphore_mem>>) {add = true}
    %dma_start3A_117 = arith.constant 256 : i32
    %dma_start3A_118 = tpu.memref_slice %arg7[%dma_start3A_117] : memref<9984xi32, #tpu.memory_space<vmem>> -> memref<128xi32, #tpu.memory_space<vmem>>
    %dma_start3A_119 = arith.constant 0 : i32
    %dma_start3A_120 = arith.constant 0 : i32
    %dma_start3A_121 = tpu.memref_slice %arg6[%dma_start3A_119, %dma_start3A_120] : memref<10000x16xf32, #tpu.memory_space<vmem_shared>> -> memref<10000x16xf32, #tpu.memory_space<vmem_shared>>
    tpu.enqueue_indirect_dma source(%arg9 : memref<128x16xf32, #tpu.memory_space<vmem>>) target(%dma_start3A_121 : memref<10000x16xf32, #tpu.memory_space<vmem_shared>>) offsets(%dma_start3A_118 : memref<128xi32, #tpu.memory_space<vmem>>) semaphore(%arg14 : memref<!tpu.dma_semaphore, #tpu.memory_space<semaphore_mem>>) {add = true}
    %dma_start3A_122 = arith.constant 0 : i32
    %dma_start3A_123 = arith.constant 384 : i32
    %dma_start3A_124 = arith.constant 0 : i32
    %dma_start3A_125 = tpu.memref_slice %arg8[%dma_start3A_122, %dma_start3A_123, %dma_start3A_124] : memref<2x2560x16xf32, #tpu.memory_space<vmem>> -> memref<1x128x16xf32, #tpu.memory_space<vmem>>
    %dma_start3A_126 = tpu.memref_squeeze %dma_start3A_125 : memref<1x128x16xf32, #tpu.memory_space<vmem>> -> memref<128x16xf32, #tpu.memory_space<vmem>>
    %dma_start3A_127 = arith.constant 384 : i32
    %dma_start3A_128 = tpu.memref_slice %arg7[%dma_start3A_127] : memref<9984xi32, #tpu.memory_space<vmem>> -> memref<128xi32, #tpu.memory_space<vmem>>
    %dma_start3A_129 = arith.constant 0 : i32
    %dma_start3A_130 = arith.constant 0 : i32
    %dma_start3A_131 = tpu.memref_slice %arg5[%dma_start3A_129, %dma_start3A_130] : memref<10000x16xf32, #tpu.memory_space<vmem_shared>> -> memref<10000x16xf32, #tpu.memory_space<vmem_shared>>
    tpu.enqueue_indirect_dma source(%dma_start3A_126 : memref<128x16xf32, #tpu.memory_space<vmem>>) target(%dma_start3A_131 : memref<10000x16xf32, #tpu.memory_space<vmem_shared>>) offsets(%dma_start3A_128 : memref<128xi32, #tpu.memory_space<vmem>>) semaphore(%arg14 : memref<!tpu.dma_semaphore, #tpu.memory_space<semaphore_mem>>) {add = true}
    %dma_start3A_132 = arith.constant 384 : i32
    %dma_start3A_133 = tpu.memref_slice %arg7[%dma_start3A_132] : memref<9984xi32, #tpu.memory_space<vmem>> -> memref<128xi32, #tpu.memory_space<vmem>>
    %dma_start3A_134 = arith.constant 0 : i32
    %dma_start3A_135 = arith.constant 0 : i32
    %dma_start3A_136 = tpu.memref_slice %arg6[%dma_start3A_134, %dma_start3A_135] : memref<10000x16xf32, #tpu.memory_space<vmem_shared>> -> memref<10000x16xf32, #tpu.memory_space<vmem_shared>>
    tpu.enqueue_indirect_dma source(%arg9 : memref<128x16xf32, #tpu.memory_space<vmem>>) target(%dma_start3A_136 : memref<10000x16xf32, #tpu.memory_space<vmem_shared>>) offsets(%dma_start3A_133 : memref<128xi32, #tpu.memory_space<vmem>>) semaphore(%arg14 : memref<!tpu.dma_semaphore, #tpu.memory_space<semaphore_mem>>) {add = true}
    %dma_start3A_137 = arith.constant 0 : i32
    %dma_start3A_138 = arith.constant 512 : i32
    %dma_start3A_139 = arith.constant 0 : i32
    %dma_start3A_140 = tpu.memref_slice %arg8[%dma_start3A_137, %dma_start3A_138, %dma_start3A_139] : memref<2x2560x16xf32, #tpu.memory_space<vmem>> -> memref<1x128x16xf32, #tpu.memory_space<vmem>>
    %dma_start3A_141 = tpu.memref_squeeze %dma_start3A_140 : memref<1x128x16xf32, #tpu.memory_space<vmem>> -> memref<128x16xf32, #tpu.memory_space<vmem>>
    %dma_start3A_142 = arith.constant 512 : i32
    %dma_start3A_143 = tpu.memref_slice %arg7[%dma_start3A_142] : memref<9984xi32, #tpu.memory_space<vmem>> -> memref<128xi32, #tpu.memory_space<vmem>>
    %dma_start3A_144 = arith.constant 0 : i32
    %dma_start3A_145 = arith.constant 0 : i32
    %dma_start3A_146 = tpu.memref_slice %arg5[%dma_start3A_144, %dma_start3A_145] : memref<10000x16xf32, #tpu.memory_space<vmem_shared>> -> memref<10000x16xf32, #tpu.memory_space<vmem_shared>>
    tpu.enqueue_indirect_dma source(%dma_start3A_141 : memref<128x16xf32, #tpu.memory_space<vmem>>) target(%dma_start3A_146 : memref<10000x16xf32, #tpu.memory_space<vmem_shared>>) offsets(%dma_start3A_143 : memref<128xi32, #tpu.memory_space<vmem>>) semaphore(%arg14 : memref<!tpu.dma_semaphore, #tpu.memory_space<semaphore_mem>>) {add = true}
    %dma_start3A_147 = arith.constant 512 : i32
    %dma_start3A_148 = tpu.memref_slice %arg7[%dma_start3A_147] : memref<9984xi32, #tpu.memory_space<vmem>> -> memref<128xi32, #tpu.memory_space<vmem>>
    %dma_start3A_149 = arith.constant 0 : i32
    %dma_start3A_150 = arith.constant 0 : i32
    %dma_start3A_151 = tpu.memref_slice %arg6[%dma_start3A_149, %dma_start3A_150] : memref<10000x16xf32, #tpu.memory_space<vmem_shared>> -> memref<10000x16xf32, #tpu.memory_space<vmem_shared>>
    tpu.enqueue_indirect_dma source(%arg9 : memref<128x16xf32, #tpu.memory_space<vmem>>) target(%dma_start3A_151 : memref<10000x16xf32, #tpu.memory_space<vmem_shared>>) offsets(%dma_start3A_148 : memref<128xi32, #tpu.memory_space<vmem>>) semaphore(%arg14 : memref<!tpu.dma_semaphore, #tpu.memory_space<semaphore_mem>>) {add = true}
    %dma_start3A_152 = arith.constant 0 : i32
    %dma_start3A_153 = arith.constant 640 : i32
    %dma_start3A_154 = arith.constant 0 : i32
    %dma_start3A_155 = tpu.memref_slice %arg8[%dma_start3A_152, %dma_start3A_153, %dma_start3A_154] : memref<2x2560x16xf32, #tpu.memory_space<vmem>> -> memref<1x128x16xf32, #tpu.memory_space<vmem>>
    %dma_start3A_156 = tpu.memref_squeeze %dma_start3A_155 : memref<1x128x16xf32, #tpu.memory_space<vmem>> -> memref<128x16xf32, #tpu.memory_space<vmem>>
    %dma_start3A_157 = arith.constant 640 : i32
    %dma_start3A_158 = tpu.memref_slice %arg7[%dma_start3A_157] : memref<9984xi32, #tpu.memory_space<vmem>> -> memref<128xi32, #tpu.memory_space<vmem>>
    %dma_start3A_159 = arith.constant 0 : i32
    %dma_start3A_160 = arith.constant 0 : i32
    %dma_start3A_161 = tpu.memref_slice %arg5[%dma_start3A_159, %dma_start3A_160] : memref<10000x16xf32, #tpu.memory_space<vmem_shared>> -> memref<10000x16xf32, #tpu.memory_space<vmem_shared>>
    tpu.enqueue_indirect_dma source(%dma_start3A_156 : memref<128x16xf32, #tpu.memory_space<vmem>>) target(%dma_start3A_161 : memref<10000x16xf32, #tpu.memory_space<vmem_shared>>) offsets(%dma_start3A_158 : memref<128xi32, #tpu.memory_space<vmem>>) semaphore(%arg14 : memref<!tpu.dma_semaphore, #tpu.memory_space<semaphore_mem>>) {add = true}
    %dma_start3A_162 = arith.constant 640 : i32
    %dma_start3A_163 = tpu.memref_slice %arg7[%dma_start3A_162] : memref<9984xi32, #tpu.memory_space<vmem>> -> memref<128xi32, #tpu.memory_space<vmem>>
    %dma_start3A_164 = arith.constant 0 : i32
    %dma_start3A_165 = arith.constant 0 : i32
    %dma_start3A_166 = tpu.memref_slice %arg6[%dma_start3A_164, %dma_start3A_165] : memref<10000x16xf32, #tpu.memory_space<vmem_shared>> -> memref<10000x16xf32, #tpu.memory_space<vmem_shared>>
    tpu.enqueue_indirect_dma source(%arg9 : memref<128x16xf32, #tpu.memory_space<vmem>>) target(%dma_start3A_166 : memref<10000x16xf32, #tpu.memory_space<vmem_shared>>) offsets(%dma_start3A_163 : memref<128xi32, #tpu.memory_space<vmem>>) semaphore(%arg14 : memref<!tpu.dma_semaphore, #tpu.memory_space<semaphore_mem>>) {add = true}
    %dma_start3A_167 = arith.constant 0 : i32
    %dma_start3A_168 = arith.constant 768 : i32
    %dma_start3A_169 = arith.constant 0 : i32
    %dma_start3A_170 = tpu.memref_slice %arg8[%dma_start3A_167, %dma_start3A_168, %dma_start3A_169] : memref<2x2560x16xf32, #tpu.memory_space<vmem>> -> memref<1x128x16xf32, #tpu.memory_space<vmem>>
    %dma_start3A_171 = tpu.memref_squeeze %dma_start3A_170 : memref<1x128x16xf32, #tpu.memory_space<vmem>> -> memref<128x16xf32, #tpu.memory_space<vmem>>
    %dma_start3A_172 = arith.constant 768 : i32
    %dma_start3A_173 = tpu.memref_slice %arg7[%dma_start3A_172] : memref<9984xi32, #tpu.memory_space<vmem>> -> memref<128xi32, #tpu.memory_space<vmem>>
    %dma_start3A_174 = arith.constant 0 : i32
    %dma_start3A_175 = arith.constant 0 : i32
    %dma_start3A_176 = tpu.memref_slice %arg5[%dma_start3A_174, %dma_start3A_175] : memref<10000x16xf32, #tpu.memory_space<vmem_shared>> -> memref<10000x16xf32, #tpu.memory_space<vmem_shared>>
    tpu.enqueue_indirect_dma source(%dma_start3A_171 : memref<128x16xf32, #tpu.memory_space<vmem>>) target(%dma_start3A_176 : memref<10000x16xf32, #tpu.memory_space<vmem_shared>>) offsets(%dma_start3A_173 : memref<128xi32, #tpu.memory_space<vmem>>) semaphore(%arg14 : memref<!tpu.dma_semaphore, #tpu.memory_space<semaphore_mem>>) {add = true}
    %dma_start3A_177 = arith.constant 768 : i32
    %dma_start3A_178 = tpu.memref_slice %arg7[%dma_start3A_177] : memref<9984xi32, #tpu.memory_space<vmem>> -> memref<128xi32, #tpu.memory_space<vmem>>
    %dma_start3A_179 = arith.constant 0 : i32
    %dma_start3A_180 = arith.constant 0 : i32
    %dma_start3A_181 = tpu.memref_slice %arg6[%dma_start3A_179, %dma_start3A_180] : memref<10000x16xf32, #tpu.memory_space<vmem_shared>> -> memref<10000x16xf32, #tpu.memory_space<vmem_shared>>
    tpu.enqueue_indirect_dma source(%arg9 : memref<128x16xf32, #tpu.memory_space<vmem>>) target(%dma_start3A_181 : memref<10000x16xf32, #tpu.memory_space<vmem_shared>>) offsets(%dma_start3A_178 : memref<128xi32, #tpu.memory_space<vmem>>) semaphore(%arg14 : memref<!tpu.dma_semaphore, #tpu.memory_space<semaphore_mem>>) {add = true}
    %dma_start3A_182 = arith.constant 0 : i32
    %dma_start3A_183 = arith.constant 896 : i32
    %dma_start3A_184 = arith.constant 0 : i32
    %dma_start3A_185 = tpu.memref_slice %arg8[%dma_start3A_182, %dma_start3A_183, %dma_start3A_184] : memref<2x2560x16xf32, #tpu.memory_space<vmem>> -> memref<1x128x16xf32, #tpu.memory_space<vmem>>
    %dma_start3A_186 = tpu.memref_squeeze %dma_start3A_185 : memref<1x128x16xf32, #tpu.memory_space<vmem>> -> memref<128x16xf32, #tpu.memory_space<vmem>>
    %dma_start3A_187 = arith.constant 896 : i32
    %dma_start3A_188 = tpu.memref_slice %arg7[%dma_start3A_187] : memref<9984xi32, #tpu.memory_space<vmem>> -> memref<128xi32, #tpu.memory_space<vmem>>
    %dma_start3A_189 = arith.constant 0 : i32
    %dma_start3A_190 = arith.constant 0 : i32
    %dma_start3A_191 = tpu.memref_slice %arg5[%dma_start3A_189, %dma_start3A_190] : memref<10000x16xf32, #tpu.memory_space<vmem_shared>> -> memref<10000x16xf32, #tpu.memory_space<vmem_shared>>
    tpu.enqueue_indirect_dma source(%dma_start3A_186 : memref<128x16xf32, #tpu.memory_space<vmem>>) target(%dma_start3A_191 : memref<10000x16xf32, #tpu.memory_space<vmem_shared>>) offsets(%dma_start3A_188 : memref<128xi32, #tpu.memory_space<vmem>>) semaphore(%arg14 : memref<!tpu.dma_semaphore, #tpu.memory_space<semaphore_mem>>) {add = true}
    %dma_start3A_192 = arith.constant 896 : i32
    %dma_start3A_193 = tpu.memref_slice %arg7[%dma_start3A_192] : memref<9984xi32, #tpu.memory_space<vmem>> -> memref<128xi32, #tpu.memory_space<vmem>>
    %dma_start3A_194 = arith.constant 0 : i32
    %dma_start3A_195 = arith.constant 0 : i32
    %dma_start3A_196 = tpu.memref_slice %arg6[%dma_start3A_194, %dma_start3A_195] : memref<10000x16xf32, #tpu.memory_space<vmem_shared>> -> memref<10000x16xf32, #tpu.memory_space<vmem_shared>>
    tpu.enqueue_indirect_dma source(%arg9 : memref<128x16xf32, #tpu.memory_space<vmem>>) target(%dma_start3A_196 : memref<10000x16xf32, #tpu.memory_space<vmem_shared>>) offsets(%dma_start3A_193 : memref<128xi32, #tpu.memory_space<vmem>>) semaphore(%arg14 : memref<!tpu.dma_semaphore, #tpu.memory_space<semaphore_mem>>) {add = true}
    %dma_start3A_197 = arith.constant 0 : i32
    %dma_start3A_198 = arith.constant 1024 : i32
    %dma_start3A_199 = arith.constant 0 : i32
    %dma_start3A_200 = tpu.memref_slice %arg8[%dma_start3A_197, %dma_start3A_198, %dma_start3A_199] : memref<2x2560x16xf32, #tpu.memory_space<vmem>> -> memref<1x128x16xf32, #tpu.memory_space<vmem>>
    %dma_start3A_201 = tpu.memref_squeeze %dma_start3A_200 : memref<1x128x16xf32, #tpu.memory_space<vmem>> -> memref<128x16xf32, #tpu.memory_space<vmem>>
    %dma_start3A_202 = arith.constant 1024 : i32
    %dma_start3A_203 = tpu.memref_slice %arg7[%dma_start3A_202] : memref<9984xi32, #tpu.memory_space<vmem>> -> memref<128xi32, #tpu.memory_space<vmem>>
    %dma_start3A_204 = arith.constant 0 : i32
    %dma_start3A_205 = arith.constant 0 : i32
    %dma_start3A_206 = tpu.memref_slice %arg5[%dma_start3A_204, %dma_start3A_205] : memref<10000x16xf32, #tpu.memory_space<vmem_shared>> -> memref<10000x16xf32, #tpu.memory_space<vmem_shared>>
    tpu.enqueue_indirect_dma source(%dma_start3A_201 : memref<128x16xf32, #tpu.memory_space<vmem>>) target(%dma_start3A_206 : memref<10000x16xf32, #tpu.memory_space<vmem_shared>>) offsets(%dma_start3A_203 : memref<128xi32, #tpu.memory_space<vmem>>) semaphore(%arg14 : memref<!tpu.dma_semaphore, #tpu.memory_space<semaphore_mem>>) {add = true}
    %dma_start3A_207 = arith.constant 1024 : i32
    %dma_start3A_208 = tpu.memref_slice %arg7[%dma_start3A_207] : memref<9984xi32, #tpu.memory_space<vmem>> -> memref<128xi32, #tpu.memory_space<vmem>>
    %dma_start3A_209 = arith.constant 0 : i32
    %dma_start3A_210 = arith.constant 0 : i32
    %dma_start3A_211 = tpu.memref_slice %arg6[%dma_start3A_209, %dma_start3A_210] : memref<10000x16xf32, #tpu.memory_space<vmem_shared>> -> memref<10000x16xf32, #tpu.memory_space<vmem_shared>>
    tpu.enqueue_indirect_dma source(%arg9 : memref<128x16xf32, #tpu.memory_space<vmem>>) target(%dma_start3A_211 : memref<10000x16xf32, #tpu.memory_space<vmem_shared>>) offsets(%dma_start3A_208 : memref<128xi32, #tpu.memory_space<vmem>>) semaphore(%arg14 : memref<!tpu.dma_semaphore, #tpu.memory_space<semaphore_mem>>) {add = true}
    %dma_start3A_212 = arith.constant 0 : i32
    %dma_start3A_213 = arith.constant 1152 : i32
    %dma_start3A_214 = arith.constant 0 : i32
    %dma_start3A_215 = tpu.memref_slice %arg8[%dma_start3A_212, %dma_start3A_213, %dma_start3A_214] : memref<2x2560x16xf32, #tpu.memory_space<vmem>> -> memref<1x128x16xf32, #tpu.memory_space<vmem>>
    %dma_start3A_216 = tpu.memref_squeeze %dma_start3A_215 : memref<1x128x16xf32, #tpu.memory_space<vmem>> -> memref<128x16xf32, #tpu.memory_space<vmem>>
    %dma_start3A_217 = arith.constant 1152 : i32
    %dma_start3A_218 = tpu.memref_slice %arg7[%dma_start3A_217] : memref<9984xi32, #tpu.memory_space<vmem>> -> memref<128xi32, #tpu.memory_space<vmem>>
    %dma_start3A_219 = arith.constant 0 : i32
    %dma_start3A_220 = arith.constant 0 : i32
    %dma_start3A_221 = tpu.memref_slice %arg5[%dma_start3A_219, %dma_start3A_220] : memref<10000x16xf32, #tpu.memory_space<vmem_shared>> -> memref<10000x16xf32, #tpu.memory_space<vmem_shared>>
    tpu.enqueue_indirect_dma source(%dma_start3A_216 : memref<128x16xf32, #tpu.memory_space<vmem>>) target(%dma_start3A_221 : memref<10000x16xf32, #tpu.memory_space<vmem_shared>>) offsets(%dma_start3A_218 : memref<128xi32, #tpu.memory_space<vmem>>) semaphore(%arg14 : memref<!tpu.dma_semaphore, #tpu.memory_space<semaphore_mem>>) {add = true}
    %dma_start3A_222 = arith.constant 1152 : i32
    %dma_start3A_223 = tpu.memref_slice %arg7[%dma_start3A_222] : memref<9984xi32, #tpu.memory_space<vmem>> -> memref<128xi32, #tpu.memory_space<vmem>>
    %dma_start3A_224 = arith.constant 0 : i32
    %dma_start3A_225 = arith.constant 0 : i32
    %dma_start3A_226 = tpu.memref_slice %arg6[%dma_start3A_224, %dma_start3A_225] : memref<10000x16xf32, #tpu.memory_space<vmem_shared>> -> memref<10000x16xf32, #tpu.memory_space<vmem_shared>>
    tpu.enqueue_indirect_dma source(%arg9 : memref<128x16xf32, #tpu.memory_space<vmem>>) target(%dma_start3A_226 : memref<10000x16xf32, #tpu.memory_space<vmem_shared>>) offsets(%dma_start3A_223 : memref<128xi32, #tpu.memory_space<vmem>>) semaphore(%arg14 : memref<!tpu.dma_semaphore, #tpu.memory_space<semaphore_mem>>) {add = true}
    %dma_start3A_227 = arith.constant 0 : i32
    %dma_start3A_228 = arith.constant 1280 : i32
    %dma_start3A_229 = arith.constant 0 : i32
    %dma_start3A_230 = tpu.memref_slice %arg8[%dma_start3A_227, %dma_start3A_228, %dma_start3A_229] : memref<2x2560x16xf32, #tpu.memory_space<vmem>> -> memref<1x128x16xf32, #tpu.memory_space<vmem>>
    %dma_start3A_231 = tpu.memref_squeeze %dma_start3A_230 : memref<1x128x16xf32, #tpu.memory_space<vmem>> -> memref<128x16xf32, #tpu.memory_space<vmem>>
    %dma_start3A_232 = arith.constant 1280 : i32
    %dma_start3A_233 = tpu.memref_slice %arg7[%dma_start3A_232] : memref<9984xi32, #tpu.memory_space<vmem>> -> memref<128xi32, #tpu.memory_space<vmem>>
    %dma_start3A_234 = arith.constant 0 : i32
    %dma_start3A_235 = arith.constant 0 : i32
    %dma_start3A_236 = tpu.memref_slice %arg5[%dma_start3A_234, %dma_start3A_235] : memref<10000x16xf32, #tpu.memory_space<vmem_shared>> -> memref<10000x16xf32, #tpu.memory_space<vmem_shared>>
    tpu.enqueue_indirect_dma source(%dma_start3A_231 : memref<128x16xf32, #tpu.memory_space<vmem>>) target(%dma_start3A_236 : memref<10000x16xf32, #tpu.memory_space<vmem_shared>>) offsets(%dma_start3A_233 : memref<128xi32, #tpu.memory_space<vmem>>) semaphore(%arg14 : memref<!tpu.dma_semaphore, #tpu.memory_space<semaphore_mem>>) {add = true}
    %dma_start3A_237 = arith.constant 1280 : i32
    %dma_start3A_238 = tpu.memref_slice %arg7[%dma_start3A_237] : memref<9984xi32, #tpu.memory_space<vmem>> -> memref<128xi32, #tpu.memory_space<vmem>>
    %dma_start3A_239 = arith.constant 0 : i32
    %dma_start3A_240 = arith.constant 0 : i32
    %dma_start3A_241 = tpu.memref_slice %arg6[%dma_start3A_239, %dma_start3A_240] : memref<10000x16xf32, #tpu.memory_space<vmem_shared>> -> memref<10000x16xf32, #tpu.memory_space<vmem_shared>>
    tpu.enqueue_indirect_dma source(%arg9 : memref<128x16xf32, #tpu.memory_space<vmem>>) target(%dma_start3A_241 : memref<10000x16xf32, #tpu.memory_space<vmem_shared>>) offsets(%dma_start3A_238 : memref<128xi32, #tpu.memory_space<vmem>>) semaphore(%arg14 : memref<!tpu.dma_semaphore, #tpu.memory_space<semaphore_mem>>) {add = true}
    %dma_start3A_242 = arith.constant 0 : i32
    %dma_start3A_243 = arith.constant 1408 : i32
    %dma_start3A_244 = arith.constant 0 : i32
    %dma_start3A_245 = tpu.memref_slice %arg8[%dma_start3A_242, %dma_start3A_243, %dma_start3A_244] : memref<2x2560x16xf32, #tpu.memory_space<vmem>> -> memref<1x128x16xf32, #tpu.memory_space<vmem>>
    %dma_start3A_246 = tpu.memref_squeeze %dma_start3A_245 : memref<1x128x16xf32, #tpu.memory_space<vmem>> -> memref<128x16xf32, #tpu.memory_space<vmem>>
    %dma_start3A_247 = arith.constant 1408 : i32
    %dma_start3A_248 = tpu.memref_slice %arg7[%dma_start3A_247] : memref<9984xi32, #tpu.memory_space<vmem>> -> memref<128xi32, #tpu.memory_space<vmem>>
    %dma_start3A_249 = arith.constant 0 : i32
    %dma_start3A_250 = arith.constant 0 : i32
    %dma_start3A_251 = tpu.memref_slice %arg5[%dma_start3A_249, %dma_start3A_250] : memref<10000x16xf32, #tpu.memory_space<vmem_shared>> -> memref<10000x16xf32, #tpu.memory_space<vmem_shared>>
    tpu.enqueue_indirect_dma source(%dma_start3A_246 : memref<128x16xf32, #tpu.memory_space<vmem>>) target(%dma_start3A_251 : memref<10000x16xf32, #tpu.memory_space<vmem_shared>>) offsets(%dma_start3A_248 : memref<128xi32, #tpu.memory_space<vmem>>) semaphore(%arg14 : memref<!tpu.dma_semaphore, #tpu.memory_space<semaphore_mem>>) {add = true}
    %dma_start3A_252 = arith.constant 1408 : i32
    %dma_start3A_253 = tpu.memref_slice %arg7[%dma_start3A_252] : memref<9984xi32, #tpu.memory_space<vmem>> -> memref<128xi32, #tpu.memory_space<vmem>>
    %dma_start3A_254 = arith.constant 0 : i32
    %dma_start3A_255 = arith.constant 0 : i32
    %dma_start3A_256 = tpu.memref_slice %arg6[%dma_start3A_254, %dma_start3A_255] : memref<10000x16xf32, #tpu.memory_space<vmem_shared>> -> memref<10000x16xf32, #tpu.memory_space<vmem_shared>>
    tpu.enqueue_indirect_dma source(%arg9 : memref<128x16xf32, #tpu.memory_space<vmem>>) target(%dma_start3A_256 : memref<10000x16xf32, #tpu.memory_space<vmem_shared>>) offsets(%dma_start3A_253 : memref<128xi32, #tpu.memory_space<vmem>>) semaphore(%arg14 : memref<!tpu.dma_semaphore, #tpu.memory_space<semaphore_mem>>) {add = true}
    %dma_start3A_257 = arith.constant 0 : i32
    %dma_start3A_258 = arith.constant 1536 : i32
    %dma_start3A_259 = arith.constant 0 : i32
    %dma_start3A_260 = tpu.memref_slice %arg8[%dma_start3A_257, %dma_start3A_258, %dma_start3A_259] : memref<2x2560x16xf32, #tpu.memory_space<vmem>> -> memref<1x128x16xf32, #tpu.memory_space<vmem>>
    %dma_start3A_261 = tpu.memref_squeeze %dma_start3A_260 : memref<1x128x16xf32, #tpu.memory_space<vmem>> -> memref<128x16xf32, #tpu.memory_space<vmem>>
    %dma_start3A_262 = arith.constant 1536 : i32
    %dma_start3A_263 = tpu.memref_slice %arg7[%dma_start3A_262] : memref<9984xi32, #tpu.memory_space<vmem>> -> memref<128xi32, #tpu.memory_space<vmem>>
    %dma_start3A_264 = arith.constant 0 : i32
    %dma_start3A_265 = arith.constant 0 : i32
    %dma_start3A_266 = tpu.memref_slice %arg5[%dma_start3A_264, %dma_start3A_265] : memref<10000x16xf32, #tpu.memory_space<vmem_shared>> -> memref<10000x16xf32, #tpu.memory_space<vmem_shared>>
    tpu.enqueue_indirect_dma source(%dma_start3A_261 : memref<128x16xf32, #tpu.memory_space<vmem>>) target(%dma_start3A_266 : memref<10000x16xf32, #tpu.memory_space<vmem_shared>>) offsets(%dma_start3A_263 : memref<128xi32, #tpu.memory_space<vmem>>) semaphore(%arg14 : memref<!tpu.dma_semaphore, #tpu.memory_space<semaphore_mem>>) {add = true}
    %dma_start3A_267 = arith.constant 1536 : i32
    %dma_start3A_268 = tpu.memref_slice %arg7[%dma_start3A_267] : memref<9984xi32, #tpu.memory_space<vmem>> -> memref<128xi32, #tpu.memory_space<vmem>>
    %dma_start3A_269 = arith.constant 0 : i32
    %dma_start3A_270 = arith.constant 0 : i32
    %dma_start3A_271 = tpu.memref_slice %arg6[%dma_start3A_269, %dma_start3A_270] : memref<10000x16xf32, #tpu.memory_space<vmem_shared>> -> memref<10000x16xf32, #tpu.memory_space<vmem_shared>>
    tpu.enqueue_indirect_dma source(%arg9 : memref<128x16xf32, #tpu.memory_space<vmem>>) target(%dma_start3A_271 : memref<10000x16xf32, #tpu.memory_space<vmem_shared>>) offsets(%dma_start3A_268 : memref<128xi32, #tpu.memory_space<vmem>>) semaphore(%arg14 : memref<!tpu.dma_semaphore, #tpu.memory_space<semaphore_mem>>) {add = true}
    %dma_start3A_272 = arith.constant 0 : i32
    %dma_start3A_273 = arith.constant 1664 : i32
    %dma_start3A_274 = arith.constant 0 : i32
    %dma_start3A_275 = tpu.memref_slice %arg8[%dma_start3A_272, %dma_start3A_273, %dma_start3A_274] : memref<2x2560x16xf32, #tpu.memory_space<vmem>> -> memref<1x128x16xf32, #tpu.memory_space<vmem>>
    %dma_start3A_276 = tpu.memref_squeeze %dma_start3A_275 : memref<1x128x16xf32, #tpu.memory_space<vmem>> -> memref<128x16xf32, #tpu.memory_space<vmem>>
    %dma_start3A_277 = arith.constant 1664 : i32
    %dma_start3A_278 = tpu.memref_slice %arg7[%dma_start3A_277] : memref<9984xi32, #tpu.memory_space<vmem>> -> memref<128xi32, #tpu.memory_space<vmem>>
    %dma_start3A_279 = arith.constant 0 : i32
    %dma_start3A_280 = arith.constant 0 : i32
    %dma_start3A_281 = tpu.memref_slice %arg5[%dma_start3A_279, %dma_start3A_280] : memref<10000x16xf32, #tpu.memory_space<vmem_shared>> -> memref<10000x16xf32, #tpu.memory_space<vmem_shared>>
    tpu.enqueue_indirect_dma source(%dma_start3A_276 : memref<128x16xf32, #tpu.memory_space<vmem>>) target(%dma_start3A_281 : memref<10000x16xf32, #tpu.memory_space<vmem_shared>>) offsets(%dma_start3A_278 : memref<128xi32, #tpu.memory_space<vmem>>) semaphore(%arg14 : memref<!tpu.dma_semaphore, #tpu.memory_space<semaphore_mem>>) {add = true}
    %dma_start3A_282 = arith.constant 1664 : i32
    %dma_start3A_283 = tpu.memref_slice %arg7[%dma_start3A_282] : memref<9984xi32, #tpu.memory_space<vmem>> -> memref<128xi32, #tpu.memory_space<vmem>>
    %dma_start3A_284 = arith.constant 0 : i32
    %dma_start3A_285 = arith.constant 0 : i32
    %dma_start3A_286 = tpu.memref_slice %arg6[%dma_start3A_284, %dma_start3A_285] : memref<10000x16xf32, #tpu.memory_space<vmem_shared>> -> memref<10000x16xf32, #tpu.memory_space<vmem_shared>>
    tpu.enqueue_indirect_dma source(%arg9 : memref<128x16xf32, #tpu.memory_space<vmem>>) target(%dma_start3A_286 : memref<10000x16xf32, #tpu.memory_space<vmem_shared>>) offsets(%dma_start3A_283 : memref<128xi32, #tpu.memory_space<vmem>>) semaphore(%arg14 : memref<!tpu.dma_semaphore, #tpu.memory_space<semaphore_mem>>) {add = true}
    %dma_start3A_287 = arith.constant 0 : i32
    %dma_start3A_288 = arith.constant 1792 : i32
    %dma_start3A_289 = arith.constant 0 : i32
    %dma_start3A_290 = tpu.memref_slice %arg8[%dma_start3A_287, %dma_start3A_288, %dma_start3A_289] : memref<2x2560x16xf32, #tpu.memory_space<vmem>> -> memref<1x128x16xf32, #tpu.memory_space<vmem>>
    %dma_start3A_291 = tpu.memref_squeeze %dma_start3A_290 : memref<1x128x16xf32, #tpu.memory_space<vmem>> -> memref<128x16xf32, #tpu.memory_space<vmem>>
    %dma_start3A_292 = arith.constant 1792 : i32
    %dma_start3A_293 = tpu.memref_slice %arg7[%dma_start3A_292] : memref<9984xi32, #tpu.memory_space<vmem>> -> memref<128xi32, #tpu.memory_space<vmem>>
    %dma_start3A_294 = arith.constant 0 : i32
    %dma_start3A_295 = arith.constant 0 : i32
    %dma_start3A_296 = tpu.memref_slice %arg5[%dma_start3A_294, %dma_start3A_295] : memref<10000x16xf32, #tpu.memory_space<vmem_shared>> -> memref<10000x16xf32, #tpu.memory_space<vmem_shared>>
    tpu.enqueue_indirect_dma source(%dma_start3A_291 : memref<128x16xf32, #tpu.memory_space<vmem>>) target(%dma_start3A_296 : memref<10000x16xf32, #tpu.memory_space<vmem_shared>>) offsets(%dma_start3A_293 : memref<128xi32, #tpu.memory_space<vmem>>) semaphore(%arg14 : memref<!tpu.dma_semaphore, #tpu.memory_space<semaphore_mem>>) {add = true}
    %dma_start3A_297 = arith.constant 1792 : i32
    %dma_start3A_298 = tpu.memref_slice %arg7[%dma_start3A_297] : memref<9984xi32, #tpu.memory_space<vmem>> -> memref<128xi32, #tpu.memory_space<vmem>>
    %dma_start3A_299 = arith.constant 0 : i32
    %dma_start3A_300 = arith.constant 0 : i32
    %dma_start3A_301 = tpu.memref_slice %arg6[%dma_start3A_299, %dma_start3A_300] : memref<10000x16xf32, #tpu.memory_space<vmem_shared>> -> memref<10000x16xf32, #tpu.memory_space<vmem_shared>>
    tpu.enqueue_indirect_dma source(%arg9 : memref<128x16xf32, #tpu.memory_space<vmem>>) target(%dma_start3A_301 : memref<10000x16xf32, #tpu.memory_space<vmem_shared>>) offsets(%dma_start3A_298 : memref<128xi32, #tpu.memory_space<vmem>>) semaphore(%arg14 : memref<!tpu.dma_semaphore, #tpu.memory_space<semaphore_mem>>) {add = true}
    %dma_start3A_302 = arith.constant 0 : i32
    %dma_start3A_303 = arith.constant 1920 : i32
    %dma_start3A_304 = arith.constant 0 : i32
    %dma_start3A_305 = tpu.memref_slice %arg8[%dma_start3A_302, %dma_start3A_303, %dma_start3A_304] : memref<2x2560x16xf32, #tpu.memory_space<vmem>> -> memref<1x128x16xf32, #tpu.memory_space<vmem>>
    %dma_start3A_306 = tpu.memref_squeeze %dma_start3A_305 : memref<1x128x16xf32, #tpu.memory_space<vmem>> -> memref<128x16xf32, #tpu.memory_space<vmem>>
    %dma_start3A_307 = arith.constant 1920 : i32
    %dma_start3A_308 = tpu.memref_slice %arg7[%dma_start3A_307] : memref<9984xi32, #tpu.memory_space<vmem>> -> memref<128xi32, #tpu.memory_space<vmem>>
    %dma_start3A_309 = arith.constant 0 : i32
    %dma_start3A_310 = arith.constant 0 : i32
    %dma_start3A_311 = tpu.memref_slice %arg5[%dma_start3A_309, %dma_start3A_310] : memref<10000x16xf32, #tpu.memory_space<vmem_shared>> -> memref<10000x16xf32, #tpu.memory_space<vmem_shared>>
    tpu.enqueue_indirect_dma source(%dma_start3A_306 : memref<128x16xf32, #tpu.memory_space<vmem>>) target(%dma_start3A_311 : memref<10000x16xf32, #tpu.memory_space<vmem_shared>>) offsets(%dma_start3A_308 : memref<128xi32, #tpu.memory_space<vmem>>) semaphore(%arg14 : memref<!tpu.dma_semaphore, #tpu.memory_space<semaphore_mem>>) {add = true}
    %dma_start3A_312 = arith.constant 1920 : i32
    %dma_start3A_313 = tpu.memref_slice %arg7[%dma_start3A_312] : memref<9984xi32, #tpu.memory_space<vmem>> -> memref<128xi32, #tpu.memory_space<vmem>>
    %dma_start3A_314 = arith.constant 0 : i32
    %dma_start3A_315 = arith.constant 0 : i32
    %dma_start3A_316 = tpu.memref_slice %arg6[%dma_start3A_314, %dma_start3A_315] : memref<10000x16xf32, #tpu.memory_space<vmem_shared>> -> memref<10000x16xf32, #tpu.memory_space<vmem_shared>>
    tpu.enqueue_indirect_dma source(%arg9 : memref<128x16xf32, #tpu.memory_space<vmem>>) target(%dma_start3A_316 : memref<10000x16xf32, #tpu.memory_space<vmem_shared>>) offsets(%dma_start3A_313 : memref<128xi32, #tpu.memory_space<vmem>>) semaphore(%arg14 : memref<!tpu.dma_semaphore, #tpu.memory_space<semaphore_mem>>) {add = true}
    %dma_start3A_317 = arith.constant 0 : i32
    %dma_start3A_318 = arith.constant 2048 : i32
    %dma_start3A_319 = arith.constant 0 : i32
    %dma_start3A_320 = tpu.memref_slice %arg8[%dma_start3A_317, %dma_start3A_318, %dma_start3A_319] : memref<2x2560x16xf32, #tpu.memory_space<vmem>> -> memref<1x128x16xf32, #tpu.memory_space<vmem>>
    %dma_start3A_321 = tpu.memref_squeeze %dma_start3A_320 : memref<1x128x16xf32, #tpu.memory_space<vmem>> -> memref<128x16xf32, #tpu.memory_space<vmem>>
    %dma_start3A_322 = arith.constant 2048 : i32
    %dma_start3A_323 = tpu.memref_slice %arg7[%dma_start3A_322] : memref<9984xi32, #tpu.memory_space<vmem>> -> memref<128xi32, #tpu.memory_space<vmem>>
    %dma_start3A_324 = arith.constant 0 : i32
    %dma_start3A_325 = arith.constant 0 : i32
    %dma_start3A_326 = tpu.memref_slice %arg5[%dma_start3A_324, %dma_start3A_325] : memref<10000x16xf32, #tpu.memory_space<vmem_shared>> -> memref<10000x16xf32, #tpu.memory_space<vmem_shared>>
    tpu.enqueue_indirect_dma source(%dma_start3A_321 : memref<128x16xf32, #tpu.memory_space<vmem>>) target(%dma_start3A_326 : memref<10000x16xf32, #tpu.memory_space<vmem_shared>>) offsets(%dma_start3A_323 : memref<128xi32, #tpu.memory_space<vmem>>) semaphore(%arg14 : memref<!tpu.dma_semaphore, #tpu.memory_space<semaphore_mem>>) {add = true}
    %dma_start3A_327 = arith.constant 2048 : i32
    %dma_start3A_328 = tpu.memref_slice %arg7[%dma_start3A_327] : memref<9984xi32, #tpu.memory_space<vmem>> -> memref<128xi32, #tpu.memory_space<vmem>>
    %dma_start3A_329 = arith.constant 0 : i32
    %dma_start3A_330 = arith.constant 0 : i32
    %dma_start3A_331 = tpu.memref_slice %arg6[%dma_start3A_329, %dma_start3A_330] : memref<10000x16xf32, #tpu.memory_space<vmem_shared>> -> memref<10000x16xf32, #tpu.memory_space<vmem_shared>>
    tpu.enqueue_indirect_dma source(%arg9 : memref<128x16xf32, #tpu.memory_space<vmem>>) target(%dma_start3A_331 : memref<10000x16xf32, #tpu.memory_space<vmem_shared>>) offsets(%dma_start3A_328 : memref<128xi32, #tpu.memory_space<vmem>>) semaphore(%arg14 : memref<!tpu.dma_semaphore, #tpu.memory_space<semaphore_mem>>) {add = true}
    %dma_start3A_332 = arith.constant 0 : i32
    %dma_start3A_333 = arith.constant 2176 : i32
    %dma_start3A_334 = arith.constant 0 : i32
    %dma_start3A_335 = tpu.memref_slice %arg8[%dma_start3A_332, %dma_start3A_333, %dma_start3A_334] : memref<2x2560x16xf32, #tpu.memory_space<vmem>> -> memref<1x128x16xf32, #tpu.memory_space<vmem>>
    %dma_start3A_336 = tpu.memref_squeeze %dma_start3A_335 : memref<1x128x16xf32, #tpu.memory_space<vmem>> -> memref<128x16xf32, #tpu.memory_space<vmem>>
    %dma_start3A_337 = arith.constant 2176 : i32
    %dma_start3A_338 = tpu.memref_slice %arg7[%dma_start3A_337] : memref<9984xi32, #tpu.memory_space<vmem>> -> memref<128xi32, #tpu.memory_space<vmem>>
    %dma_start3A_339 = arith.constant 0 : i32
    %dma_start3A_340 = arith.constant 0 : i32
    %dma_start3A_341 = tpu.memref_slice %arg5[%dma_start3A_339, %dma_start3A_340] : memref<10000x16xf32, #tpu.memory_space<vmem_shared>> -> memref<10000x16xf32, #tpu.memory_space<vmem_shared>>
    tpu.enqueue_indirect_dma source(%dma_start3A_336 : memref<128x16xf32, #tpu.memory_space<vmem>>) target(%dma_start3A_341 : memref<10000x16xf32, #tpu.memory_space<vmem_shared>>) offsets(%dma_start3A_338 : memref<128xi32, #tpu.memory_space<vmem>>) semaphore(%arg14 : memref<!tpu.dma_semaphore, #tpu.memory_space<semaphore_mem>>) {add = true}
    %dma_start3A_342 = arith.constant 2176 : i32
    %dma_start3A_343 = tpu.memref_slice %arg7[%dma_start3A_342] : memref<9984xi32, #tpu.memory_space<vmem>> -> memref<128xi32, #tpu.memory_space<vmem>>
    %dma_start3A_344 = arith.constant 0 : i32
    %dma_start3A_345 = arith.constant 0 : i32
    %dma_start3A_346 = tpu.memref_slice %arg6[%dma_start3A_344, %dma_start3A_345] : memref<10000x16xf32, #tpu.memory_space<vmem_shared>> -> memref<10000x16xf32, #tpu.memory_space<vmem_shared>>
    tpu.enqueue_indirect_dma source(%arg9 : memref<128x16xf32, #tpu.memory_space<vmem>>) target(%dma_start3A_346 : memref<10000x16xf32, #tpu.memory_space<vmem_shared>>) offsets(%dma_start3A_343 : memref<128xi32, #tpu.memory_space<vmem>>) semaphore(%arg14 : memref<!tpu.dma_semaphore, #tpu.memory_space<semaphore_mem>>) {add = true}
    %dma_start3A_347 = arith.constant 0 : i32
    %dma_start3A_348 = arith.constant 2304 : i32
    %dma_start3A_349 = arith.constant 0 : i32
    %dma_start3A_350 = tpu.memref_slice %arg8[%dma_start3A_347, %dma_start3A_348, %dma_start3A_349] : memref<2x2560x16xf32, #tpu.memory_space<vmem>> -> memref<1x128x16xf32, #tpu.memory_space<vmem>>
    %dma_start3A_351 = tpu.memref_squeeze %dma_start3A_350 : memref<1x128x16xf32, #tpu.memory_space<vmem>> -> memref<128x16xf32, #tpu.memory_space<vmem>>
    %dma_start3A_352 = arith.constant 2304 : i32
    %dma_start3A_353 = tpu.memref_slice %arg7[%dma_start3A_352] : memref<9984xi32, #tpu.memory_space<vmem>> -> memref<128xi32, #tpu.memory_space<vmem>>
    %dma_start3A_354 = arith.constant 0 : i32
    %dma_start3A_355 = arith.constant 0 : i32
    %dma_start3A_356 = tpu.memref_slice %arg5[%dma_start3A_354, %dma_start3A_355] : memref<10000x16xf32, #tpu.memory_space<vmem_shared>> -> memref<10000x16xf32, #tpu.memory_space<vmem_shared>>
    tpu.enqueue_indirect_dma source(%dma_start3A_351 : memref<128x16xf32, #tpu.memory_space<vmem>>) target(%dma_start3A_356 : memref<10000x16xf32, #tpu.memory_space<vmem_shared>>) offsets(%dma_start3A_353 : memref<128xi32, #tpu.memory_space<vmem>>) semaphore(%arg14 : memref<!tpu.dma_semaphore, #tpu.memory_space<semaphore_mem>>) {add = true}
    %dma_start3A_357 = arith.constant 2304 : i32
    %dma_start3A_358 = tpu.memref_slice %arg7[%dma_start3A_357] : memref<9984xi32, #tpu.memory_space<vmem>> -> memref<128xi32, #tpu.memory_space<vmem>>
    %dma_start3A_359 = arith.constant 0 : i32
    %dma_start3A_360 = arith.constant 0 : i32
    %dma_start3A_361 = tpu.memref_slice %arg6[%dma_start3A_359, %dma_start3A_360] : memref<10000x16xf32, #tpu.memory_space<vmem_shared>> -> memref<10000x16xf32, #tpu.memory_space<vmem_shared>>
    tpu.enqueue_indirect_dma source(%arg9 : memref<128x16xf32, #tpu.memory_space<vmem>>) target(%dma_start3A_361 : memref<10000x16xf32, #tpu.memory_space<vmem_shared>>) offsets(%dma_start3A_358 : memref<128xi32, #tpu.memory_space<vmem>>) semaphore(%arg14 : memref<!tpu.dma_semaphore, #tpu.memory_space<semaphore_mem>>) {add = true}
    %dma_start3A_362 = arith.constant 0 : i32
    %dma_start3A_363 = arith.constant 2432 : i32
    %dma_start3A_364 = arith.constant 0 : i32
    %dma_start3A_365 = tpu.memref_slice %arg8[%dma_start3A_362, %dma_start3A_363, %dma_start3A_364] : memref<2x2560x16xf32, #tpu.memory_space<vmem>> -> memref<1x128x16xf32, #tpu.memory_space<vmem>>
    %dma_start3A_366 = tpu.memref_squeeze %dma_start3A_365 : memref<1x128x16xf32, #tpu.memory_space<vmem>> -> memref<128x16xf32, #tpu.memory_space<vmem>>
    %dma_start3A_367 = arith.constant 2432 : i32
    %dma_start3A_368 = tpu.memref_slice %arg7[%dma_start3A_367] : memref<9984xi32, #tpu.memory_space<vmem>> -> memref<128xi32, #tpu.memory_space<vmem>>
    %dma_start3A_369 = arith.constant 0 : i32
    %dma_start3A_370 = arith.constant 0 : i32
    %dma_start3A_371 = tpu.memref_slice %arg5[%dma_start3A_369, %dma_start3A_370] : memref<10000x16xf32, #tpu.memory_space<vmem_shared>> -> memref<10000x16xf32, #tpu.memory_space<vmem_shared>>
    tpu.enqueue_indirect_dma source(%dma_start3A_366 : memref<128x16xf32, #tpu.memory_space<vmem>>) target(%dma_start3A_371 : memref<10000x16xf32, #tpu.memory_space<vmem_shared>>) offsets(%dma_start3A_368 : memref<128xi32, #tpu.memory_space<vmem>>) semaphore(%arg14 : memref<!tpu.dma_semaphore, #tpu.memory_space<semaphore_mem>>) {add = true}
    %dma_start3A_372 = arith.constant 2432 : i32
    %dma_start3A_373 = tpu.memref_slice %arg7[%dma_start3A_372] : memref<9984xi32, #tpu.memory_space<vmem>> -> memref<128xi32, #tpu.memory_space<vmem>>
    %dma_start3A_374 = arith.constant 0 : i32
    %dma_start3A_375 = arith.constant 0 : i32
    %dma_start3A_376 = tpu.memref_slice %arg6[%dma_start3A_374, %dma_start3A_375] : memref<10000x16xf32, #tpu.memory_space<vmem_shared>> -> memref<10000x16xf32, #tpu.memory_space<vmem_shared>>
    tpu.enqueue_indirect_dma source(%arg9 : memref<128x16xf32, #tpu.memory_space<vmem>>) target(%dma_start3A_376 : memref<10000x16xf32, #tpu.memory_space<vmem_shared>>) offsets(%dma_start3A_373 : memref<128xi32, #tpu.memory_space<vmem>>) semaphore(%arg14 : memref<!tpu.dma_semaphore, #tpu.memory_space<semaphore_mem>>) {add = true}
    %dma_wait3A_377 = arith.constant 1 : i32
    %dma_wait3A_378 = arith.constant 0 : i32
    %dma_wait3A_379 = arith.constant 0 : i32
    %dma_wait3A_380 = tpu.memref_slice %arg8[%dma_wait3A_377, %dma_wait3A_378, %dma_wait3A_379] : memref<2x2560x16xf32, #tpu.memory_space<vmem>> -> memref<1x2560x16xf32, #tpu.memory_space<vmem>>
    %dma_wait3A_381 = tpu.memref_squeeze %dma_wait3A_380 : memref<1x2560x16xf32, #tpu.memory_space<vmem>> -> memref<2560x16xf32, #tpu.memory_space<vmem>>
    %dma_wait3A_382 = arith.constant 0 : i32
    %dma_wait3A_383 = tpu.memref_slice %arg2[%mul3A_63, %dma_wait3A_382] : memref<320000x16xf32, #tpu.memory_space<hbm>> -> memref<2560x16xf32, #tpu.memory_space<hbm>>
    %dma_wait3A_384 = arith.constant 0 : i32
    %dma_wait3A_385 = arith.constant 0 : i32
    %dma_wait3A_386 = tpu.memref_slice %arg8[%dma_wait3A_377, %dma_wait3A_384, %dma_wait3A_385] : memref<2x2560x16xf32, #tpu.memory_space<vmem>> -> memref<1x2560x16xf32, #tpu.memory_space<vmem>>
    %dma_wait3A_387 = tpu.memref_squeeze %dma_wait3A_386 : memref<1x2560x16xf32, #tpu.memory_space<vmem>> -> memref<2560x16xf32, #tpu.memory_space<vmem>>
    %dma_wait3A_388 = arith.constant 0 : i32
    %dma_wait3A_389 = tpu.memref_slice %arg2[%mul3A_63, %dma_wait3A_388] : memref<320000x16xf32, #tpu.memory_space<hbm>> -> memref<2560x16xf32, #tpu.memory_space<hbm>>
    tpu.wait_dma2 semaphore(%arg13 : memref<!tpu.dma_semaphore, #tpu.memory_space<semaphore_mem>>) src(%dma_wait3A_389 : memref<2560x16xf32, #tpu.memory_space<hbm>>) dst(%dma_wait3A_387 : memref<2560x16xf32, #tpu.memory_space<vmem>>)
    %dma_wait3A_390 = arith.constant 0 : i32
    %dma_wait3A_391 = arith.constant 0 : i32
    %dma_wait3A_392 = arith.constant 0 : i32
    %dma_wait3A_393 = tpu.memref_slice %arg8[%dma_wait3A_390, %dma_wait3A_391, %dma_wait3A_392] : memref<2x2560x16xf32, #tpu.memory_space<vmem>> -> memref<1x128x16xf32, #tpu.memory_space<vmem>>
    %dma_wait3A_394 = tpu.memref_squeeze %dma_wait3A_393 : memref<1x128x16xf32, #tpu.memory_space<vmem>> -> memref<128x16xf32, #tpu.memory_space<vmem>>
    %dma_wait3A_395 = arith.constant 0 : i32
    %dma_wait3A_396 = tpu.memref_slice %arg7[%dma_wait3A_395] : memref<9984xi32, #tpu.memory_space<vmem>> -> memref<128xi32, #tpu.memory_space<vmem>>
    %dma_wait3A_397 = arith.constant 0 : i32
    %dma_wait3A_398 = arith.constant 0 : i32
    %dma_wait3A_399 = tpu.memref_slice %arg5[%dma_wait3A_397, %dma_wait3A_398] : memref<10000x16xf32, #tpu.memory_space<vmem_shared>> -> memref<10000x16xf32, #tpu.memory_space<vmem_shared>>
    tpu.wait_indirect_dma semaphore(%arg14 : memref<!tpu.dma_semaphore, #tpu.memory_space<semaphore_mem>>) src(%dma_wait3A_394 : memref<128x16xf32, #tpu.memory_space<vmem>>) dst(%dma_wait3A_399 : memref<10000x16xf32, #tpu.memory_space<vmem_shared>>)
    %dma_wait3A_400 = arith.constant 0 : i32
    %dma_wait3A_401 = tpu.memref_slice %arg7[%dma_wait3A_400] : memref<9984xi32, #tpu.memory_space<vmem>> -> memref<128xi32, #tpu.memory_space<vmem>>
    %dma_wait3A_402 = arith.constant 0 : i32
    %dma_wait3A_403 = arith.constant 0 : i32
    %dma_wait3A_404 = tpu.memref_slice %arg6[%dma_wait3A_402, %dma_wait3A_403] : memref<10000x16xf32, #tpu.memory_space<vmem_shared>> -> memref<10000x16xf32, #tpu.memory_space<vmem_shared>>
    tpu.wait_indirect_dma semaphore(%arg14 : memref<!tpu.dma_semaphore, #tpu.memory_space<semaphore_mem>>) src(%arg9 : memref<128x16xf32, #tpu.memory_space<vmem>>) dst(%dma_wait3A_404 : memref<10000x16xf32, #tpu.memory_space<vmem_shared>>)
    %dma_wait3A_405 = arith.constant 0 : i32
    %dma_wait3A_406 = arith.constant 128 : i32
    %dma_wait3A_407 = arith.constant 0 : i32
    %dma_wait3A_408 = tpu.memref_slice %arg8[%dma_wait3A_405, %dma_wait3A_406, %dma_wait3A_407] : memref<2x2560x16xf32, #tpu.memory_space<vmem>> -> memref<1x128x16xf32, #tpu.memory_space<vmem>>
    %dma_wait3A_409 = tpu.memref_squeeze %dma_wait3A_408 : memref<1x128x16xf32, #tpu.memory_space<vmem>> -> memref<128x16xf32, #tpu.memory_space<vmem>>
    %dma_wait3A_410 = arith.constant 128 : i32
    %dma_wait3A_411 = tpu.memref_slice %arg7[%dma_wait3A_410] : memref<9984xi32, #tpu.memory_space<vmem>> -> memref<128xi32, #tpu.memory_space<vmem>>
    %dma_wait3A_412 = arith.constant 0 : i32
    %dma_wait3A_413 = arith.constant 0 : i32
    %dma_wait3A_414 = tpu.memref_slice %arg5[%dma_wait3A_412, %dma_wait3A_413] : memref<10000x16xf32, #tpu.memory_space<vmem_shared>> -> memref<10000x16xf32, #tpu.memory_space<vmem_shared>>
    tpu.wait_indirect_dma semaphore(%arg14 : memref<!tpu.dma_semaphore, #tpu.memory_space<semaphore_mem>>) src(%dma_wait3A_409 : memref<128x16xf32, #tpu.memory_space<vmem>>) dst(%dma_wait3A_414 : memref<10000x16xf32, #tpu.memory_space<vmem_shared>>)
    %dma_wait3A_415 = arith.constant 128 : i32
    %dma_wait3A_416 = tpu.memref_slice %arg7[%dma_wait3A_415] : memref<9984xi32, #tpu.memory_space<vmem>> -> memref<128xi32, #tpu.memory_space<vmem>>
    %dma_wait3A_417 = arith.constant 0 : i32
    %dma_wait3A_418 = arith.constant 0 : i32
    %dma_wait3A_419 = tpu.memref_slice %arg6[%dma_wait3A_417, %dma_wait3A_418] : memref<10000x16xf32, #tpu.memory_space<vmem_shared>> -> memref<10000x16xf32, #tpu.memory_space<vmem_shared>>
    tpu.wait_indirect_dma semaphore(%arg14 : memref<!tpu.dma_semaphore, #tpu.memory_space<semaphore_mem>>) src(%arg9 : memref<128x16xf32, #tpu.memory_space<vmem>>) dst(%dma_wait3A_419 : memref<10000x16xf32, #tpu.memory_space<vmem_shared>>)
    %dma_wait3A_420 = arith.constant 0 : i32
    %dma_wait3A_421 = arith.constant 256 : i32
    %dma_wait3A_422 = arith.constant 0 : i32
    %dma_wait3A_423 = tpu.memref_slice %arg8[%dma_wait3A_420, %dma_wait3A_421, %dma_wait3A_422] : memref<2x2560x16xf32, #tpu.memory_space<vmem>> -> memref<1x128x16xf32, #tpu.memory_space<vmem>>
    %dma_wait3A_424 = tpu.memref_squeeze %dma_wait3A_423 : memref<1x128x16xf32, #tpu.memory_space<vmem>> -> memref<128x16xf32, #tpu.memory_space<vmem>>
    %dma_wait3A_425 = arith.constant 256 : i32
    %dma_wait3A_426 = tpu.memref_slice %arg7[%dma_wait3A_425] : memref<9984xi32, #tpu.memory_space<vmem>> -> memref<128xi32, #tpu.memory_space<vmem>>
    %dma_wait3A_427 = arith.constant 0 : i32
    %dma_wait3A_428 = arith.constant 0 : i32
    %dma_wait3A_429 = tpu.memref_slice %arg5[%dma_wait3A_427, %dma_wait3A_428] : memref<10000x16xf32, #tpu.memory_space<vmem_shared>> -> memref<10000x16xf32, #tpu.memory_space<vmem_shared>>
    tpu.wait_indirect_dma semaphore(%arg14 : memref<!tpu.dma_semaphore, #tpu.memory_space<semaphore_mem>>) src(%dma_wait3A_424 : memref<128x16xf32, #tpu.memory_space<vmem>>) dst(%dma_wait3A_429 : memref<10000x16xf32, #tpu.memory_space<vmem_shared>>)
    %dma_wait3A_430 = arith.constant 256 : i32
    %dma_wait3A_431 = tpu.memref_slice %arg7[%dma_wait3A_430] : memref<9984xi32, #tpu.memory_space<vmem>> -> memref<128xi32, #tpu.memory_space<vmem>>
    %dma_wait3A_432 = arith.constant 0 : i32
    %dma_wait3A_433 = arith.constant 0 : i32
    %dma_wait3A_434 = tpu.memref_slice %arg6[%dma_wait3A_432, %dma_wait3A_433] : memref<10000x16xf32, #tpu.memory_space<vmem_shared>> -> memref<10000x16xf32, #tpu.memory_space<vmem_shared>>
    tpu.wait_indirect_dma semaphore(%arg14 : memref<!tpu.dma_semaphore, #tpu.memory_space<semaphore_mem>>) src(%arg9 : memref<128x16xf32, #tpu.memory_space<vmem>>) dst(%dma_wait3A_434 : memref<10000x16xf32, #tpu.memory_space<vmem_shared>>)
    %dma_wait3A_435 = arith.constant 0 : i32
    %dma_wait3A_436 = arith.constant 384 : i32
    %dma_wait3A_437 = arith.constant 0 : i32
    %dma_wait3A_438 = tpu.memref_slice %arg8[%dma_wait3A_435, %dma_wait3A_436, %dma_wait3A_437] : memref<2x2560x16xf32, #tpu.memory_space<vmem>> -> memref<1x128x16xf32, #tpu.memory_space<vmem>>
    %dma_wait3A_439 = tpu.memref_squeeze %dma_wait3A_438 : memref<1x128x16xf32, #tpu.memory_space<vmem>> -> memref<128x16xf32, #tpu.memory_space<vmem>>
    %dma_wait3A_440 = arith.constant 384 : i32
    %dma_wait3A_441 = tpu.memref_slice %arg7[%dma_wait3A_440] : memref<9984xi32, #tpu.memory_space<vmem>> -> memref<128xi32, #tpu.memory_space<vmem>>
    %dma_wait3A_442 = arith.constant 0 : i32
    %dma_wait3A_443 = arith.constant 0 : i32
    %dma_wait3A_444 = tpu.memref_slice %arg5[%dma_wait3A_442, %dma_wait3A_443] : memref<10000x16xf32, #tpu.memory_space<vmem_shared>> -> memref<10000x16xf32, #tpu.memory_space<vmem_shared>>
    tpu.wait_indirect_dma semaphore(%arg14 : memref<!tpu.dma_semaphore, #tpu.memory_space<semaphore_mem>>) src(%dma_wait3A_439 : memref<128x16xf32, #tpu.memory_space<vmem>>) dst(%dma_wait3A_444 : memref<10000x16xf32, #tpu.memory_space<vmem_shared>>)
    %dma_wait3A_445 = arith.constant 384 : i32
    %dma_wait3A_446 = tpu.memref_slice %arg7[%dma_wait3A_445] : memref<9984xi32, #tpu.memory_space<vmem>> -> memref<128xi32, #tpu.memory_space<vmem>>
    %dma_wait3A_447 = arith.constant 0 : i32
    %dma_wait3A_448 = arith.constant 0 : i32
    %dma_wait3A_449 = tpu.memref_slice %arg6[%dma_wait3A_447, %dma_wait3A_448] : memref<10000x16xf32, #tpu.memory_space<vmem_shared>> -> memref<10000x16xf32, #tpu.memory_space<vmem_shared>>
    tpu.wait_indirect_dma semaphore(%arg14 : memref<!tpu.dma_semaphore, #tpu.memory_space<semaphore_mem>>) src(%arg9 : memref<128x16xf32, #tpu.memory_space<vmem>>) dst(%dma_wait3A_449 : memref<10000x16xf32, #tpu.memory_space<vmem_shared>>)
    %dma_wait3A_450 = arith.constant 0 : i32
    %dma_wait3A_451 = arith.constant 512 : i32
    %dma_wait3A_452 = arith.constant 0 : i32
    %dma_wait3A_453 = tpu.memref_slice %arg8[%dma_wait3A_450, %dma_wait3A_451, %dma_wait3A_452] : memref<2x2560x16xf32, #tpu.memory_space<vmem>> -> memref<1x128x16xf32, #tpu.memory_space<vmem>>
    %dma_wait3A_454 = tpu.memref_squeeze %dma_wait3A_453 : memref<1x128x16xf32, #tpu.memory_space<vmem>> -> memref<128x16xf32, #tpu.memory_space<vmem>>
    %dma_wait3A_455 = arith.constant 512 : i32
    %dma_wait3A_456 = tpu.memref_slice %arg7[%dma_wait3A_455] : memref<9984xi32, #tpu.memory_space<vmem>> -> memref<128xi32, #tpu.memory_space<vmem>>
    %dma_wait3A_457 = arith.constant 0 : i32
    %dma_wait3A_458 = arith.constant 0 : i32
    %dma_wait3A_459 = tpu.memref_slice %arg5[%dma_wait3A_457, %dma_wait3A_458] : memref<10000x16xf32, #tpu.memory_space<vmem_shared>> -> memref<10000x16xf32, #tpu.memory_space<vmem_shared>>
    tpu.wait_indirect_dma semaphore(%arg14 : memref<!tpu.dma_semaphore, #tpu.memory_space<semaphore_mem>>) src(%dma_wait3A_454 : memref<128x16xf32, #tpu.memory_space<vmem>>) dst(%dma_wait3A_459 : memref<10000x16xf32, #tpu.memory_space<vmem_shared>>)
    %dma_wait3A_460 = arith.constant 512 : i32
    %dma_wait3A_461 = tpu.memref_slice %arg7[%dma_wait3A_460] : memref<9984xi32, #tpu.memory_space<vmem>> -> memref<128xi32, #tpu.memory_space<vmem>>
    %dma_wait3A_462 = arith.constant 0 : i32
    %dma_wait3A_463 = arith.constant 0 : i32
    %dma_wait3A_464 = tpu.memref_slice %arg6[%dma_wait3A_462, %dma_wait3A_463] : memref<10000x16xf32, #tpu.memory_space<vmem_shared>> -> memref<10000x16xf32, #tpu.memory_space<vmem_shared>>
    tpu.wait_indirect_dma semaphore(%arg14 : memref<!tpu.dma_semaphore, #tpu.memory_space<semaphore_mem>>) src(%arg9 : memref<128x16xf32, #tpu.memory_space<vmem>>) dst(%dma_wait3A_464 : memref<10000x16xf32, #tpu.memory_space<vmem_shared>>)
    %dma_wait3A_465 = arith.constant 0 : i32
    %dma_wait3A_466 = arith.constant 640 : i32
    %dma_wait3A_467 = arith.constant 0 : i32
    %dma_wait3A_468 = tpu.memref_slice %arg8[%dma_wait3A_465, %dma_wait3A_466, %dma_wait3A_467] : memref<2x2560x16xf32, #tpu.memory_space<vmem>> -> memref<1x128x16xf32, #tpu.memory_space<vmem>>
    %dma_wait3A_469 = tpu.memref_squeeze %dma_wait3A_468 : memref<1x128x16xf32, #tpu.memory_space<vmem>> -> memref<128x16xf32, #tpu.memory_space<vmem>>
    %dma_wait3A_470 = arith.constant 640 : i32
    %dma_wait3A_471 = tpu.memref_slice %arg7[%dma_wait3A_470] : memref<9984xi32, #tpu.memory_space<vmem>> -> memref<128xi32, #tpu.memory_space<vmem>>
    %dma_wait3A_472 = arith.constant 0 : i32
    %dma_wait3A_473 = arith.constant 0 : i32
    %dma_wait3A_474 = tpu.memref_slice %arg5[%dma_wait3A_472, %dma_wait3A_473] : memref<10000x16xf32, #tpu.memory_space<vmem_shared>> -> memref<10000x16xf32, #tpu.memory_space<vmem_shared>>
    tpu.wait_indirect_dma semaphore(%arg14 : memref<!tpu.dma_semaphore, #tpu.memory_space<semaphore_mem>>) src(%dma_wait3A_469 : memref<128x16xf32, #tpu.memory_space<vmem>>) dst(%dma_wait3A_474 : memref<10000x16xf32, #tpu.memory_space<vmem_shared>>)
    %dma_wait3A_475 = arith.constant 640 : i32
    %dma_wait3A_476 = tpu.memref_slice %arg7[%dma_wait3A_475] : memref<9984xi32, #tpu.memory_space<vmem>> -> memref<128xi32, #tpu.memory_space<vmem>>
    %dma_wait3A_477 = arith.constant 0 : i32
    %dma_wait3A_478 = arith.constant 0 : i32
    %dma_wait3A_479 = tpu.memref_slice %arg6[%dma_wait3A_477, %dma_wait3A_478] : memref<10000x16xf32, #tpu.memory_space<vmem_shared>> -> memref<10000x16xf32, #tpu.memory_space<vmem_shared>>
    tpu.wait_indirect_dma semaphore(%arg14 : memref<!tpu.dma_semaphore, #tpu.memory_space<semaphore_mem>>) src(%arg9 : memref<128x16xf32, #tpu.memory_space<vmem>>) dst(%dma_wait3A_479 : memref<10000x16xf32, #tpu.memory_space<vmem_shared>>)
    %dma_wait3A_480 = arith.constant 0 : i32
    %dma_wait3A_481 = arith.constant 768 : i32
    %dma_wait3A_482 = arith.constant 0 : i32
    %dma_wait3A_483 = tpu.memref_slice %arg8[%dma_wait3A_480, %dma_wait3A_481, %dma_wait3A_482] : memref<2x2560x16xf32, #tpu.memory_space<vmem>> -> memref<1x128x16xf32, #tpu.memory_space<vmem>>
    %dma_wait3A_484 = tpu.memref_squeeze %dma_wait3A_483 : memref<1x128x16xf32, #tpu.memory_space<vmem>> -> memref<128x16xf32, #tpu.memory_space<vmem>>
    %dma_wait3A_485 = arith.constant 768 : i32
    %dma_wait3A_486 = tpu.memref_slice %arg7[%dma_wait3A_485] : memref<9984xi32, #tpu.memory_space<vmem>> -> memref<128xi32, #tpu.memory_space<vmem>>
    %dma_wait3A_487 = arith.constant 0 : i32
    %dma_wait3A_488 = arith.constant 0 : i32
    %dma_wait3A_489 = tpu.memref_slice %arg5[%dma_wait3A_487, %dma_wait3A_488] : memref<10000x16xf32, #tpu.memory_space<vmem_shared>> -> memref<10000x16xf32, #tpu.memory_space<vmem_shared>>
    tpu.wait_indirect_dma semaphore(%arg14 : memref<!tpu.dma_semaphore, #tpu.memory_space<semaphore_mem>>) src(%dma_wait3A_484 : memref<128x16xf32, #tpu.memory_space<vmem>>) dst(%dma_wait3A_489 : memref<10000x16xf32, #tpu.memory_space<vmem_shared>>)
    %dma_wait3A_490 = arith.constant 768 : i32
    %dma_wait3A_491 = tpu.memref_slice %arg7[%dma_wait3A_490] : memref<9984xi32, #tpu.memory_space<vmem>> -> memref<128xi32, #tpu.memory_space<vmem>>
    %dma_wait3A_492 = arith.constant 0 : i32
    %dma_wait3A_493 = arith.constant 0 : i32
    %dma_wait3A_494 = tpu.memref_slice %arg6[%dma_wait3A_492, %dma_wait3A_493] : memref<10000x16xf32, #tpu.memory_space<vmem_shared>> -> memref<10000x16xf32, #tpu.memory_space<vmem_shared>>
    tpu.wait_indirect_dma semaphore(%arg14 : memref<!tpu.dma_semaphore, #tpu.memory_space<semaphore_mem>>) src(%arg9 : memref<128x16xf32, #tpu.memory_space<vmem>>) dst(%dma_wait3A_494 : memref<10000x16xf32, #tpu.memory_space<vmem_shared>>)
    %dma_wait3A_495 = arith.constant 0 : i32
    %dma_wait3A_496 = arith.constant 896 : i32
    %dma_wait3A_497 = arith.constant 0 : i32
    %dma_wait3A_498 = tpu.memref_slice %arg8[%dma_wait3A_495, %dma_wait3A_496, %dma_wait3A_497] : memref<2x2560x16xf32, #tpu.memory_space<vmem>> -> memref<1x128x16xf32, #tpu.memory_space<vmem>>
    %dma_wait3A_499 = tpu.memref_squeeze %dma_wait3A_498 : memref<1x128x16xf32, #tpu.memory_space<vmem>> -> memref<128x16xf32, #tpu.memory_space<vmem>>
    %dma_wait3A_500 = arith.constant 896 : i32
    %dma_wait3A_501 = tpu.memref_slice %arg7[%dma_wait3A_500] : memref<9984xi32, #tpu.memory_space<vmem>> -> memref<128xi32, #tpu.memory_space<vmem>>
    %dma_wait3A_502 = arith.constant 0 : i32
    %dma_wait3A_503 = arith.constant 0 : i32
    %dma_wait3A_504 = tpu.memref_slice %arg5[%dma_wait3A_502, %dma_wait3A_503] : memref<10000x16xf32, #tpu.memory_space<vmem_shared>> -> memref<10000x16xf32, #tpu.memory_space<vmem_shared>>
    tpu.wait_indirect_dma semaphore(%arg14 : memref<!tpu.dma_semaphore, #tpu.memory_space<semaphore_mem>>) src(%dma_wait3A_499 : memref<128x16xf32, #tpu.memory_space<vmem>>) dst(%dma_wait3A_504 : memref<10000x16xf32, #tpu.memory_space<vmem_shared>>)
    %dma_wait3A_505 = arith.constant 896 : i32
    %dma_wait3A_506 = tpu.memref_slice %arg7[%dma_wait3A_505] : memref<9984xi32, #tpu.memory_space<vmem>> -> memref<128xi32, #tpu.memory_space<vmem>>
    %dma_wait3A_507 = arith.constant 0 : i32
    %dma_wait3A_508 = arith.constant 0 : i32
    %dma_wait3A_509 = tpu.memref_slice %arg6[%dma_wait3A_507, %dma_wait3A_508] : memref<10000x16xf32, #tpu.memory_space<vmem_shared>> -> memref<10000x16xf32, #tpu.memory_space<vmem_shared>>
    tpu.wait_indirect_dma semaphore(%arg14 : memref<!tpu.dma_semaphore, #tpu.memory_space<semaphore_mem>>) src(%arg9 : memref<128x16xf32, #tpu.memory_space<vmem>>) dst(%dma_wait3A_509 : memref<10000x16xf32, #tpu.memory_space<vmem_shared>>)
    %dma_wait3A_510 = arith.constant 0 : i32
    %dma_wait3A_511 = arith.constant 1024 : i32
    %dma_wait3A_512 = arith.constant 0 : i32
    %dma_wait3A_513 = tpu.memref_slice %arg8[%dma_wait3A_510, %dma_wait3A_511, %dma_wait3A_512] : memref<2x2560x16xf32, #tpu.memory_space<vmem>> -> memref<1x128x16xf32, #tpu.memory_space<vmem>>
    %dma_wait3A_514 = tpu.memref_squeeze %dma_wait3A_513 : memref<1x128x16xf32, #tpu.memory_space<vmem>> -> memref<128x16xf32, #tpu.memory_space<vmem>>
    %dma_wait3A_515 = arith.constant 1024 : i32
    %dma_wait3A_516 = tpu.memref_slice %arg7[%dma_wait3A_515] : memref<9984xi32, #tpu.memory_space<vmem>> -> memref<128xi32, #tpu.memory_space<vmem>>
    %dma_wait3A_517 = arith.constant 0 : i32
    %dma_wait3A_518 = arith.constant 0 : i32
    %dma_wait3A_519 = tpu.memref_slice %arg5[%dma_wait3A_517, %dma_wait3A_518] : memref<10000x16xf32, #tpu.memory_space<vmem_shared>> -> memref<10000x16xf32, #tpu.memory_space<vmem_shared>>
    tpu.wait_indirect_dma semaphore(%arg14 : memref<!tpu.dma_semaphore, #tpu.memory_space<semaphore_mem>>) src(%dma_wait3A_514 : memref<128x16xf32, #tpu.memory_space<vmem>>) dst(%dma_wait3A_519 : memref<10000x16xf32, #tpu.memory_space<vmem_shared>>)
    %dma_wait3A_520 = arith.constant 1024 : i32
    %dma_wait3A_521 = tpu.memref_slice %arg7[%dma_wait3A_520] : memref<9984xi32, #tpu.memory_space<vmem>> -> memref<128xi32, #tpu.memory_space<vmem>>
    %dma_wait3A_522 = arith.constant 0 : i32
    %dma_wait3A_523 = arith.constant 0 : i32
    %dma_wait3A_524 = tpu.memref_slice %arg6[%dma_wait3A_522, %dma_wait3A_523] : memref<10000x16xf32, #tpu.memory_space<vmem_shared>> -> memref<10000x16xf32, #tpu.memory_space<vmem_shared>>
    tpu.wait_indirect_dma semaphore(%arg14 : memref<!tpu.dma_semaphore, #tpu.memory_space<semaphore_mem>>) src(%arg9 : memref<128x16xf32, #tpu.memory_space<vmem>>) dst(%dma_wait3A_524 : memref<10000x16xf32, #tpu.memory_space<vmem_shared>>)
    %dma_wait3A_525 = arith.constant 0 : i32
    %dma_wait3A_526 = arith.constant 1152 : i32
    %dma_wait3A_527 = arith.constant 0 : i32
    %dma_wait3A_528 = tpu.memref_slice %arg8[%dma_wait3A_525, %dma_wait3A_526, %dma_wait3A_527] : memref<2x2560x16xf32, #tpu.memory_space<vmem>> -> memref<1x128x16xf32, #tpu.memory_space<vmem>>
    %dma_wait3A_529 = tpu.memref_squeeze %dma_wait3A_528 : memref<1x128x16xf32, #tpu.memory_space<vmem>> -> memref<128x16xf32, #tpu.memory_space<vmem>>
    %dma_wait3A_530 = arith.constant 1152 : i32
    %dma_wait3A_531 = tpu.memref_slice %arg7[%dma_wait3A_530] : memref<9984xi32, #tpu.memory_space<vmem>> -> memref<128xi32, #tpu.memory_space<vmem>>
    %dma_wait3A_532 = arith.constant 0 : i32
    %dma_wait3A_533 = arith.constant 0 : i32
    %dma_wait3A_534 = tpu.memref_slice %arg5[%dma_wait3A_532, %dma_wait3A_533] : memref<10000x16xf32, #tpu.memory_space<vmem_shared>> -> memref<10000x16xf32, #tpu.memory_space<vmem_shared>>
    tpu.wait_indirect_dma semaphore(%arg14 : memref<!tpu.dma_semaphore, #tpu.memory_space<semaphore_mem>>) src(%dma_wait3A_529 : memref<128x16xf32, #tpu.memory_space<vmem>>) dst(%dma_wait3A_534 : memref<10000x16xf32, #tpu.memory_space<vmem_shared>>)
    %dma_wait3A_535 = arith.constant 1152 : i32
    %dma_wait3A_536 = tpu.memref_slice %arg7[%dma_wait3A_535] : memref<9984xi32, #tpu.memory_space<vmem>> -> memref<128xi32, #tpu.memory_space<vmem>>
    %dma_wait3A_537 = arith.constant 0 : i32
    %dma_wait3A_538 = arith.constant 0 : i32
    %dma_wait3A_539 = tpu.memref_slice %arg6[%dma_wait3A_537, %dma_wait3A_538] : memref<10000x16xf32, #tpu.memory_space<vmem_shared>> -> memref<10000x16xf32, #tpu.memory_space<vmem_shared>>
    tpu.wait_indirect_dma semaphore(%arg14 : memref<!tpu.dma_semaphore, #tpu.memory_space<semaphore_mem>>) src(%arg9 : memref<128x16xf32, #tpu.memory_space<vmem>>) dst(%dma_wait3A_539 : memref<10000x16xf32, #tpu.memory_space<vmem_shared>>)
    %dma_wait3A_540 = arith.constant 0 : i32
    %dma_wait3A_541 = arith.constant 1280 : i32
    %dma_wait3A_542 = arith.constant 0 : i32
    %dma_wait3A_543 = tpu.memref_slice %arg8[%dma_wait3A_540, %dma_wait3A_541, %dma_wait3A_542] : memref<2x2560x16xf32, #tpu.memory_space<vmem>> -> memref<1x128x16xf32, #tpu.memory_space<vmem>>
    %dma_wait3A_544 = tpu.memref_squeeze %dma_wait3A_543 : memref<1x128x16xf32, #tpu.memory_space<vmem>> -> memref<128x16xf32, #tpu.memory_space<vmem>>
    %dma_wait3A_545 = arith.constant 1280 : i32
    %dma_wait3A_546 = tpu.memref_slice %arg7[%dma_wait3A_545] : memref<9984xi32, #tpu.memory_space<vmem>> -> memref<128xi32, #tpu.memory_space<vmem>>
    %dma_wait3A_547 = arith.constant 0 : i32
    %dma_wait3A_548 = arith.constant 0 : i32
    %dma_wait3A_549 = tpu.memref_slice %arg5[%dma_wait3A_547, %dma_wait3A_548] : memref<10000x16xf32, #tpu.memory_space<vmem_shared>> -> memref<10000x16xf32, #tpu.memory_space<vmem_shared>>
    tpu.wait_indirect_dma semaphore(%arg14 : memref<!tpu.dma_semaphore, #tpu.memory_space<semaphore_mem>>) src(%dma_wait3A_544 : memref<128x16xf32, #tpu.memory_space<vmem>>) dst(%dma_wait3A_549 : memref<10000x16xf32, #tpu.memory_space<vmem_shared>>)
    %dma_wait3A_550 = arith.constant 1280 : i32
    %dma_wait3A_551 = tpu.memref_slice %arg7[%dma_wait3A_550] : memref<9984xi32, #tpu.memory_space<vmem>> -> memref<128xi32, #tpu.memory_space<vmem>>
    %dma_wait3A_552 = arith.constant 0 : i32
    %dma_wait3A_553 = arith.constant 0 : i32
    %dma_wait3A_554 = tpu.memref_slice %arg6[%dma_wait3A_552, %dma_wait3A_553] : memref<10000x16xf32, #tpu.memory_space<vmem_shared>> -> memref<10000x16xf32, #tpu.memory_space<vmem_shared>>
    tpu.wait_indirect_dma semaphore(%arg14 : memref<!tpu.dma_semaphore, #tpu.memory_space<semaphore_mem>>) src(%arg9 : memref<128x16xf32, #tpu.memory_space<vmem>>) dst(%dma_wait3A_554 : memref<10000x16xf32, #tpu.memory_space<vmem_shared>>)
    %dma_wait3A_555 = arith.constant 0 : i32
    %dma_wait3A_556 = arith.constant 1408 : i32
    %dma_wait3A_557 = arith.constant 0 : i32
    %dma_wait3A_558 = tpu.memref_slice %arg8[%dma_wait3A_555, %dma_wait3A_556, %dma_wait3A_557] : memref<2x2560x16xf32, #tpu.memory_space<vmem>> -> memref<1x128x16xf32, #tpu.memory_space<vmem>>
    %dma_wait3A_559 = tpu.memref_squeeze %dma_wait3A_558 : memref<1x128x16xf32, #tpu.memory_space<vmem>> -> memref<128x16xf32, #tpu.memory_space<vmem>>
    %dma_wait3A_560 = arith.constant 1408 : i32
    %dma_wait3A_561 = tpu.memref_slice %arg7[%dma_wait3A_560] : memref<9984xi32, #tpu.memory_space<vmem>> -> memref<128xi32, #tpu.memory_space<vmem>>
    %dma_wait3A_562 = arith.constant 0 : i32
    %dma_wait3A_563 = arith.constant 0 : i32
    %dma_wait3A_564 = tpu.memref_slice %arg5[%dma_wait3A_562, %dma_wait3A_563] : memref<10000x16xf32, #tpu.memory_space<vmem_shared>> -> memref<10000x16xf32, #tpu.memory_space<vmem_shared>>
    tpu.wait_indirect_dma semaphore(%arg14 : memref<!tpu.dma_semaphore, #tpu.memory_space<semaphore_mem>>) src(%dma_wait3A_559 : memref<128x16xf32, #tpu.memory_space<vmem>>) dst(%dma_wait3A_564 : memref<10000x16xf32, #tpu.memory_space<vmem_shared>>)
    %dma_wait3A_565 = arith.constant 1408 : i32
    %dma_wait3A_566 = tpu.memref_slice %arg7[%dma_wait3A_565] : memref<9984xi32, #tpu.memory_space<vmem>> -> memref<128xi32, #tpu.memory_space<vmem>>
    %dma_wait3A_567 = arith.constant 0 : i32
    %dma_wait3A_568 = arith.constant 0 : i32
    %dma_wait3A_569 = tpu.memref_slice %arg6[%dma_wait3A_567, %dma_wait3A_568] : memref<10000x16xf32, #tpu.memory_space<vmem_shared>> -> memref<10000x16xf32, #tpu.memory_space<vmem_shared>>
    tpu.wait_indirect_dma semaphore(%arg14 : memref<!tpu.dma_semaphore, #tpu.memory_space<semaphore_mem>>) src(%arg9 : memref<128x16xf32, #tpu.memory_space<vmem>>) dst(%dma_wait3A_569 : memref<10000x16xf32, #tpu.memory_space<vmem_shared>>)
    %dma_wait3A_570 = arith.constant 0 : i32
    %dma_wait3A_571 = arith.constant 1536 : i32
    %dma_wait3A_572 = arith.constant 0 : i32
    %dma_wait3A_573 = tpu.memref_slice %arg8[%dma_wait3A_570, %dma_wait3A_571, %dma_wait3A_572] : memref<2x2560x16xf32, #tpu.memory_space<vmem>> -> memref<1x128x16xf32, #tpu.memory_space<vmem>>
    %dma_wait3A_574 = tpu.memref_squeeze %dma_wait3A_573 : memref<1x128x16xf32, #tpu.memory_space<vmem>> -> memref<128x16xf32, #tpu.memory_space<vmem>>
    %dma_wait3A_575 = arith.constant 1536 : i32
    %dma_wait3A_576 = tpu.memref_slice %arg7[%dma_wait3A_575] : memref<9984xi32, #tpu.memory_space<vmem>> -> memref<128xi32, #tpu.memory_space<vmem>>
    %dma_wait3A_577 = arith.constant 0 : i32
    %dma_wait3A_578 = arith.constant 0 : i32
    %dma_wait3A_579 = tpu.memref_slice %arg5[%dma_wait3A_577, %dma_wait3A_578] : memref<10000x16xf32, #tpu.memory_space<vmem_shared>> -> memref<10000x16xf32, #tpu.memory_space<vmem_shared>>
    tpu.wait_indirect_dma semaphore(%arg14 : memref<!tpu.dma_semaphore, #tpu.memory_space<semaphore_mem>>) src(%dma_wait3A_574 : memref<128x16xf32, #tpu.memory_space<vmem>>) dst(%dma_wait3A_579 : memref<10000x16xf32, #tpu.memory_space<vmem_shared>>)
    %dma_wait3A_580 = arith.constant 1536 : i32
    %dma_wait3A_581 = tpu.memref_slice %arg7[%dma_wait3A_580] : memref<9984xi32, #tpu.memory_space<vmem>> -> memref<128xi32, #tpu.memory_space<vmem>>
    %dma_wait3A_582 = arith.constant 0 : i32
    %dma_wait3A_583 = arith.constant 0 : i32
    %dma_wait3A_584 = tpu.memref_slice %arg6[%dma_wait3A_582, %dma_wait3A_583] : memref<10000x16xf32, #tpu.memory_space<vmem_shared>> -> memref<10000x16xf32, #tpu.memory_space<vmem_shared>>
    tpu.wait_indirect_dma semaphore(%arg14 : memref<!tpu.dma_semaphore, #tpu.memory_space<semaphore_mem>>) src(%arg9 : memref<128x16xf32, #tpu.memory_space<vmem>>) dst(%dma_wait3A_584 : memref<10000x16xf32, #tpu.memory_space<vmem_shared>>)
    %dma_wait3A_585 = arith.constant 0 : i32
    %dma_wait3A_586 = arith.constant 1664 : i32
    %dma_wait3A_587 = arith.constant 0 : i32
    %dma_wait3A_588 = tpu.memref_slice %arg8[%dma_wait3A_585, %dma_wait3A_586, %dma_wait3A_587] : memref<2x2560x16xf32, #tpu.memory_space<vmem>> -> memref<1x128x16xf32, #tpu.memory_space<vmem>>
    %dma_wait3A_589 = tpu.memref_squeeze %dma_wait3A_588 : memref<1x128x16xf32, #tpu.memory_space<vmem>> -> memref<128x16xf32, #tpu.memory_space<vmem>>
    %dma_wait3A_590 = arith.constant 1664 : i32
    %dma_wait3A_591 = tpu.memref_slice %arg7[%dma_wait3A_590] : memref<9984xi32, #tpu.memory_space<vmem>> -> memref<128xi32, #tpu.memory_space<vmem>>
    %dma_wait3A_592 = arith.constant 0 : i32
    %dma_wait3A_593 = arith.constant 0 : i32
    %dma_wait3A_594 = tpu.memref_slice %arg5[%dma_wait3A_592, %dma_wait3A_593] : memref<10000x16xf32, #tpu.memory_space<vmem_shared>> -> memref<10000x16xf32, #tpu.memory_space<vmem_shared>>
    tpu.wait_indirect_dma semaphore(%arg14 : memref<!tpu.dma_semaphore, #tpu.memory_space<semaphore_mem>>) src(%dma_wait3A_589 : memref<128x16xf32, #tpu.memory_space<vmem>>) dst(%dma_wait3A_594 : memref<10000x16xf32, #tpu.memory_space<vmem_shared>>)
    %dma_wait3A_595 = arith.constant 1664 : i32
    %dma_wait3A_596 = tpu.memref_slice %arg7[%dma_wait3A_595] : memref<9984xi32, #tpu.memory_space<vmem>> -> memref<128xi32, #tpu.memory_space<vmem>>
    %dma_wait3A_597 = arith.constant 0 : i32
    %dma_wait3A_598 = arith.constant 0 : i32
    %dma_wait3A_599 = tpu.memref_slice %arg6[%dma_wait3A_597, %dma_wait3A_598] : memref<10000x16xf32, #tpu.memory_space<vmem_shared>> -> memref<10000x16xf32, #tpu.memory_space<vmem_shared>>
    tpu.wait_indirect_dma semaphore(%arg14 : memref<!tpu.dma_semaphore, #tpu.memory_space<semaphore_mem>>) src(%arg9 : memref<128x16xf32, #tpu.memory_space<vmem>>) dst(%dma_wait3A_599 : memref<10000x16xf32, #tpu.memory_space<vmem_shared>>)
    %dma_wait3A_600 = arith.constant 0 : i32
    %dma_wait3A_601 = arith.constant 1792 : i32
    %dma_wait3A_602 = arith.constant 0 : i32
    %dma_wait3A_603 = tpu.memref_slice %arg8[%dma_wait3A_600, %dma_wait3A_601, %dma_wait3A_602] : memref<2x2560x16xf32, #tpu.memory_space<vmem>> -> memref<1x128x16xf32, #tpu.memory_space<vmem>>
    %dma_wait3A_604 = tpu.memref_squeeze %dma_wait3A_603 : memref<1x128x16xf32, #tpu.memory_space<vmem>> -> memref<128x16xf32, #tpu.memory_space<vmem>>
    %dma_wait3A_605 = arith.constant 1792 : i32
    %dma_wait3A_606 = tpu.memref_slice %arg7[%dma_wait3A_605] : memref<9984xi32, #tpu.memory_space<vmem>> -> memref<128xi32, #tpu.memory_space<vmem>>
    %dma_wait3A_607 = arith.constant 0 : i32
    %dma_wait3A_608 = arith.constant 0 : i32
    %dma_wait3A_609 = tpu.memref_slice %arg5[%dma_wait3A_607, %dma_wait3A_608] : memref<10000x16xf32, #tpu.memory_space<vmem_shared>> -> memref<10000x16xf32, #tpu.memory_space<vmem_shared>>
    tpu.wait_indirect_dma semaphore(%arg14 : memref<!tpu.dma_semaphore, #tpu.memory_space<semaphore_mem>>) src(%dma_wait3A_604 : memref<128x16xf32, #tpu.memory_space<vmem>>) dst(%dma_wait3A_609 : memref<10000x16xf32, #tpu.memory_space<vmem_shared>>)
    %dma_wait3A_610 = arith.constant 1792 : i32
    %dma_wait3A_611 = tpu.memref_slice %arg7[%dma_wait3A_610] : memref<9984xi32, #tpu.memory_space<vmem>> -> memref<128xi32, #tpu.memory_space<vmem>>
    %dma_wait3A_612 = arith.constant 0 : i32
    %dma_wait3A_613 = arith.constant 0 : i32
    %dma_wait3A_614 = tpu.memref_slice %arg6[%dma_wait3A_612, %dma_wait3A_613] : memref<10000x16xf32, #tpu.memory_space<vmem_shared>> -> memref<10000x16xf32, #tpu.memory_space<vmem_shared>>
    tpu.wait_indirect_dma semaphore(%arg14 : memref<!tpu.dma_semaphore, #tpu.memory_space<semaphore_mem>>) src(%arg9 : memref<128x16xf32, #tpu.memory_space<vmem>>) dst(%dma_wait3A_614 : memref<10000x16xf32, #tpu.memory_space<vmem_shared>>)
    %dma_wait3A_615 = arith.constant 0 : i32
    %dma_wait3A_616 = arith.constant 1920 : i32
    %dma_wait3A_617 = arith.constant 0 : i32
    %dma_wait3A_618 = tpu.memref_slice %arg8[%dma_wait3A_615, %dma_wait3A_616, %dma_wait3A_617] : memref<2x2560x16xf32, #tpu.memory_space<vmem>> -> memref<1x128x16xf32, #tpu.memory_space<vmem>>
    %dma_wait3A_619 = tpu.memref_squeeze %dma_wait3A_618 : memref<1x128x16xf32, #tpu.memory_space<vmem>> -> memref<128x16xf32, #tpu.memory_space<vmem>>
    %dma_wait3A_620 = arith.constant 1920 : i32
    %dma_wait3A_621 = tpu.memref_slice %arg7[%dma_wait3A_620] : memref<9984xi32, #tpu.memory_space<vmem>> -> memref<128xi32, #tpu.memory_space<vmem>>
    %dma_wait3A_622 = arith.constant 0 : i32
    %dma_wait3A_623 = arith.constant 0 : i32
    %dma_wait3A_624 = tpu.memref_slice %arg5[%dma_wait3A_622, %dma_wait3A_623] : memref<10000x16xf32, #tpu.memory_space<vmem_shared>> -> memref<10000x16xf32, #tpu.memory_space<vmem_shared>>
    tpu.wait_indirect_dma semaphore(%arg14 : memref<!tpu.dma_semaphore, #tpu.memory_space<semaphore_mem>>) src(%dma_wait3A_619 : memref<128x16xf32, #tpu.memory_space<vmem>>) dst(%dma_wait3A_624 : memref<10000x16xf32, #tpu.memory_space<vmem_shared>>)
    %dma_wait3A_625 = arith.constant 1920 : i32
    %dma_wait3A_626 = tpu.memref_slice %arg7[%dma_wait3A_625] : memref<9984xi32, #tpu.memory_space<vmem>> -> memref<128xi32, #tpu.memory_space<vmem>>
    %dma_wait3A_627 = arith.constant 0 : i32
    %dma_wait3A_628 = arith.constant 0 : i32
    %dma_wait3A_629 = tpu.memref_slice %arg6[%dma_wait3A_627, %dma_wait3A_628] : memref<10000x16xf32, #tpu.memory_space<vmem_shared>> -> memref<10000x16xf32, #tpu.memory_space<vmem_shared>>
    tpu.wait_indirect_dma semaphore(%arg14 : memref<!tpu.dma_semaphore, #tpu.memory_space<semaphore_mem>>) src(%arg9 : memref<128x16xf32, #tpu.memory_space<vmem>>) dst(%dma_wait3A_629 : memref<10000x16xf32, #tpu.memory_space<vmem_shared>>)
    %dma_wait3A_630 = arith.constant 0 : i32
    %dma_wait3A_631 = arith.constant 2048 : i32
    %dma_wait3A_632 = arith.constant 0 : i32
    %dma_wait3A_633 = tpu.memref_slice %arg8[%dma_wait3A_630, %dma_wait3A_631, %dma_wait3A_632] : memref<2x2560x16xf32, #tpu.memory_space<vmem>> -> memref<1x128x16xf32, #tpu.memory_space<vmem>>
    %dma_wait3A_634 = tpu.memref_squeeze %dma_wait3A_633 : memref<1x128x16xf32, #tpu.memory_space<vmem>> -> memref<128x16xf32, #tpu.memory_space<vmem>>
    %dma_wait3A_635 = arith.constant 2048 : i32
    %dma_wait3A_636 = tpu.memref_slice %arg7[%dma_wait3A_635] : memref<9984xi32, #tpu.memory_space<vmem>> -> memref<128xi32, #tpu.memory_space<vmem>>
    %dma_wait3A_637 = arith.constant 0 : i32
    %dma_wait3A_638 = arith.constant 0 : i32
    %dma_wait3A_639 = tpu.memref_slice %arg5[%dma_wait3A_637, %dma_wait3A_638] : memref<10000x16xf32, #tpu.memory_space<vmem_shared>> -> memref<10000x16xf32, #tpu.memory_space<vmem_shared>>
    tpu.wait_indirect_dma semaphore(%arg14 : memref<!tpu.dma_semaphore, #tpu.memory_space<semaphore_mem>>) src(%dma_wait3A_634 : memref<128x16xf32, #tpu.memory_space<vmem>>) dst(%dma_wait3A_639 : memref<10000x16xf32, #tpu.memory_space<vmem_shared>>)
    %dma_wait3A_640 = arith.constant 2048 : i32
    %dma_wait3A_641 = tpu.memref_slice %arg7[%dma_wait3A_640] : memref<9984xi32, #tpu.memory_space<vmem>> -> memref<128xi32, #tpu.memory_space<vmem>>
    %dma_wait3A_642 = arith.constant 0 : i32
    %dma_wait3A_643 = arith.constant 0 : i32
    %dma_wait3A_644 = tpu.memref_slice %arg6[%dma_wait3A_642, %dma_wait3A_643] : memref<10000x16xf32, #tpu.memory_space<vmem_shared>> -> memref<10000x16xf32, #tpu.memory_space<vmem_shared>>
    tpu.wait_indirect_dma semaphore(%arg14 : memref<!tpu.dma_semaphore, #tpu.memory_space<semaphore_mem>>) src(%arg9 : memref<128x16xf32, #tpu.memory_space<vmem>>) dst(%dma_wait3A_644 : memref<10000x16xf32, #tpu.memory_space<vmem_shared>>)
    %dma_wait3A_645 = arith.constant 0 : i32
    %dma_wait3A_646 = arith.constant 2176 : i32
    %dma_wait3A_647 = arith.constant 0 : i32
    %dma_wait3A_648 = tpu.memref_slice %arg8[%dma_wait3A_645, %dma_wait3A_646, %dma_wait3A_647] : memref<2x2560x16xf32, #tpu.memory_space<vmem>> -> memref<1x128x16xf32, #tpu.memory_space<vmem>>
    %dma_wait3A_649 = tpu.memref_squeeze %dma_wait3A_648 : memref<1x128x16xf32, #tpu.memory_space<vmem>> -> memref<128x16xf32, #tpu.memory_space<vmem>>
    %dma_wait3A_650 = arith.constant 2176 : i32
    %dma_wait3A_651 = tpu.memref_slice %arg7[%dma_wait3A_650] : memref<9984xi32, #tpu.memory_space<vmem>> -> memref<128xi32, #tpu.memory_space<vmem>>
    %dma_wait3A_652 = arith.constant 0 : i32
    %dma_wait3A_653 = arith.constant 0 : i32
    %dma_wait3A_654 = tpu.memref_slice %arg5[%dma_wait3A_652, %dma_wait3A_653] : memref<10000x16xf32, #tpu.memory_space<vmem_shared>> -> memref<10000x16xf32, #tpu.memory_space<vmem_shared>>
    tpu.wait_indirect_dma semaphore(%arg14 : memref<!tpu.dma_semaphore, #tpu.memory_space<semaphore_mem>>) src(%dma_wait3A_649 : memref<128x16xf32, #tpu.memory_space<vmem>>) dst(%dma_wait3A_654 : memref<10000x16xf32, #tpu.memory_space<vmem_shared>>)
    %dma_wait3A_655 = arith.constant 2176 : i32
    %dma_wait3A_656 = tpu.memref_slice %arg7[%dma_wait3A_655] : memref<9984xi32, #tpu.memory_space<vmem>> -> memref<128xi32, #tpu.memory_space<vmem>>
    %dma_wait3A_657 = arith.constant 0 : i32
    %dma_wait3A_658 = arith.constant 0 : i32
    %dma_wait3A_659 = tpu.memref_slice %arg6[%dma_wait3A_657, %dma_wait3A_658] : memref<10000x16xf32, #tpu.memory_space<vmem_shared>> -> memref<10000x16xf32, #tpu.memory_space<vmem_shared>>
    tpu.wait_indirect_dma semaphore(%arg14 : memref<!tpu.dma_semaphore, #tpu.memory_space<semaphore_mem>>) src(%arg9 : memref<128x16xf32, #tpu.memory_space<vmem>>) dst(%dma_wait3A_659 : memref<10000x16xf32, #tpu.memory_space<vmem_shared>>)
    %dma_wait3A_660 = arith.constant 0 : i32
    %dma_wait3A_661 = arith.constant 2304 : i32
    %dma_wait3A_662 = arith.constant 0 : i32
    %dma_wait3A_663 = tpu.memref_slice %arg8[%dma_wait3A_660, %dma_wait3A_661, %dma_wait3A_662] : memref<2x2560x16xf32, #tpu.memory_space<vmem>> -> memref<1x128x16xf32, #tpu.memory_space<vmem>>
    %dma_wait3A_664 = tpu.memref_squeeze %dma_wait3A_663 : memref<1x128x16xf32, #tpu.memory_space<vmem>> -> memref<128x16xf32, #tpu.memory_space<vmem>>
    %dma_wait3A_665 = arith.constant 2304 : i32
    %dma_wait3A_666 = tpu.memref_slice %arg7[%dma_wait3A_665] : memref<9984xi32, #tpu.memory_space<vmem>> -> memref<128xi32, #tpu.memory_space<vmem>>
    %dma_wait3A_667 = arith.constant 0 : i32
    %dma_wait3A_668 = arith.constant 0 : i32
    %dma_wait3A_669 = tpu.memref_slice %arg5[%dma_wait3A_667, %dma_wait3A_668] : memref<10000x16xf32, #tpu.memory_space<vmem_shared>> -> memref<10000x16xf32, #tpu.memory_space<vmem_shared>>
    tpu.wait_indirect_dma semaphore(%arg14 : memref<!tpu.dma_semaphore, #tpu.memory_space<semaphore_mem>>) src(%dma_wait3A_664 : memref<128x16xf32, #tpu.memory_space<vmem>>) dst(%dma_wait3A_669 : memref<10000x16xf32, #tpu.memory_space<vmem_shared>>)
    %dma_wait3A_670 = arith.constant 2304 : i32
    %dma_wait3A_671 = tpu.memref_slice %arg7[%dma_wait3A_670] : memref<9984xi32, #tpu.memory_space<vmem>> -> memref<128xi32, #tpu.memory_space<vmem>>
    %dma_wait3A_672 = arith.constant 0 : i32
    %dma_wait3A_673 = arith.constant 0 : i32
    %dma_wait3A_674 = tpu.memref_slice %arg6[%dma_wait3A_672, %dma_wait3A_673] : memref<10000x16xf32, #tpu.memory_space<vmem_shared>> -> memref<10000x16xf32, #tpu.memory_space<vmem_shared>>
    tpu.wait_indirect_dma semaphore(%arg14 : memref<!tpu.dma_semaphore, #tpu.memory_space<semaphore_mem>>) src(%arg9 : memref<128x16xf32, #tpu.memory_space<vmem>>) dst(%dma_wait3A_674 : memref<10000x16xf32, #tpu.memory_space<vmem_shared>>)
    %dma_wait3A_675 = arith.constant 0 : i32
    %dma_wait3A_676 = arith.constant 2432 : i32
    %dma_wait3A_677 = arith.constant 0 : i32
    %dma_wait3A_678 = tpu.memref_slice %arg8[%dma_wait3A_675, %dma_wait3A_676, %dma_wait3A_677] : memref<2x2560x16xf32, #tpu.memory_space<vmem>> -> memref<1x128x16xf32, #tpu.memory_space<vmem>>
    %dma_wait3A_679 = tpu.memref_squeeze %dma_wait3A_678 : memref<1x128x16xf32, #tpu.memory_space<vmem>> -> memref<128x16xf32, #tpu.memory_space<vmem>>
    %dma_wait3A_680 = arith.constant 2432 : i32
    %dma_wait3A_681 = tpu.memref_slice %arg7[%dma_wait3A_680] : memref<9984xi32, #tpu.memory_space<vmem>> -> memref<128xi32, #tpu.memory_space<vmem>>
    %dma_wait3A_682 = arith.constant 0 : i32
    %dma_wait3A_683 = arith.constant 0 : i32
    %dma_wait3A_684 = tpu.memref_slice %arg5[%dma_wait3A_682, %dma_wait3A_683] : memref<10000x16xf32, #tpu.memory_space<vmem_shared>> -> memref<10000x16xf32, #tpu.memory_space<vmem_shared>>
    tpu.wait_indirect_dma semaphore(%arg14 : memref<!tpu.dma_semaphore, #tpu.memory_space<semaphore_mem>>) src(%dma_wait3A_679 : memref<128x16xf32, #tpu.memory_space<vmem>>) dst(%dma_wait3A_684 : memref<10000x16xf32, #tpu.memory_space<vmem_shared>>)
    %dma_wait3A_685 = arith.constant 2432 : i32
    %dma_wait3A_686 = tpu.memref_slice %arg7[%dma_wait3A_685] : memref<9984xi32, #tpu.memory_space<vmem>> -> memref<128xi32, #tpu.memory_space<vmem>>
    %dma_wait3A_687 = arith.constant 0 : i32
    %dma_wait3A_688 = arith.constant 0 : i32
    %dma_wait3A_689 = tpu.memref_slice %arg6[%dma_wait3A_687, %dma_wait3A_688] : memref<10000x16xf32, #tpu.memory_space<vmem_shared>> -> memref<10000x16xf32, #tpu.memory_space<vmem_shared>>
    tpu.wait_indirect_dma semaphore(%arg14 : memref<!tpu.dma_semaphore, #tpu.memory_space<semaphore_mem>>) src(%arg9 : memref<128x16xf32, #tpu.memory_space<vmem>>) dst(%dma_wait3A_689 : memref<10000x16xf32, #tpu.memory_space<vmem_shared>>)
    %mul3A_690 = arith.constant 78 : i32
    %mul3A_691 = arith.muli %add3A, %mul3A_690 : i32
    %add3A_692 = arith.constant 40 : i32
    %add3A_693 = arith.addi %mul3A_691, %add3A_692 : i32
    %mul3A_694 = arith.constant 128 : i32
    %mul3A_695 = arith.muli %add3A_693, %mul3A_694 : i32
    %dma_start3A_696 = arith.constant 0 : i32
    %dma_start3A_697 = arith.constant 0 : i32
    %dma_start3A_698 = arith.constant 0 : i32
    %dma_start3A_699 = tpu.memref_slice %arg8[%dma_start3A_696, %dma_start3A_697, %dma_start3A_698] : memref<2x2560x16xf32, #tpu.memory_space<vmem>> -> memref<1x2560x16xf32, #tpu.memory_space<vmem>>
    %dma_start3A_700 = tpu.memref_squeeze %dma_start3A_699 : memref<1x2560x16xf32, #tpu.memory_space<vmem>> -> memref<2560x16xf32, #tpu.memory_space<vmem>>
    %dma_start3A_701 = arith.constant 0 : i32
    %dma_start3A_702 = tpu.memref_slice %arg2[%mul3A_695, %dma_start3A_701] : memref<320000x16xf32, #tpu.memory_space<hbm>> -> memref<2560x16xf32, #tpu.memory_space<hbm>>
    %dma_start3A_703 = arith.constant 0 : i32
    %dma_start3A_704 = arith.constant 0 : i32
    %dma_start3A_705 = tpu.memref_slice %arg8[%dma_start3A_696, %dma_start3A_703, %dma_start3A_704] : memref<2x2560x16xf32, #tpu.memory_space<vmem>> -> memref<1x2560x16xf32, #tpu.memory_space<vmem>>
    %dma_start3A_706 = tpu.memref_squeeze %dma_start3A_705 : memref<1x2560x16xf32, #tpu.memory_space<vmem>> -> memref<2560x16xf32, #tpu.memory_space<vmem>>
    %dma_start3A_707 = arith.constant 0 : i32
    %dma_start3A_708 = tpu.memref_slice %arg2[%mul3A_695, %dma_start3A_707] : memref<320000x16xf32, #tpu.memory_space<hbm>> -> memref<2560x16xf32, #tpu.memory_space<hbm>>
    tpu.enqueue_dma source(%dma_start3A_708 : memref<2560x16xf32, #tpu.memory_space<hbm>>) target(%dma_start3A_706 : memref<2560x16xf32, #tpu.memory_space<vmem>>) target_semaphore(%arg13 : memref<!tpu.dma_semaphore, #tpu.memory_space<semaphore_mem>>)
    %dma_start3A_709 = arith.constant 1 : i32
    %dma_start3A_710 = arith.constant 0 : i32
    %dma_start3A_711 = arith.constant 0 : i32
    %dma_start3A_712 = tpu.memref_slice %arg8[%dma_start3A_709, %dma_start3A_710, %dma_start3A_711] : memref<2x2560x16xf32, #tpu.memory_space<vmem>> -> memref<1x128x16xf32, #tpu.memory_space<vmem>>
    %dma_start3A_713 = tpu.memref_squeeze %dma_start3A_712 : memref<1x128x16xf32, #tpu.memory_space<vmem>> -> memref<128x16xf32, #tpu.memory_space<vmem>>
    %dma_start3A_714 = arith.constant 2560 : i32
    %dma_start3A_715 = tpu.memref_slice %arg7[%dma_start3A_714] : memref<9984xi32, #tpu.memory_space<vmem>> -> memref<128xi32, #tpu.memory_space<vmem>>
    %dma_start3A_716 = arith.constant 0 : i32
    %dma_start3A_717 = arith.constant 0 : i32
    %dma_start3A_718 = tpu.memref_slice %arg5[%dma_start3A_716, %dma_start3A_717] : memref<10000x16xf32, #tpu.memory_space<vmem_shared>> -> memref<10000x16xf32, #tpu.memory_space<vmem_shared>>
    tpu.enqueue_indirect_dma source(%dma_start3A_713 : memref<128x16xf32, #tpu.memory_space<vmem>>) target(%dma_start3A_718 : memref<10000x16xf32, #tpu.memory_space<vmem_shared>>) offsets(%dma_start3A_715 : memref<128xi32, #tpu.memory_space<vmem>>) semaphore(%arg14 : memref<!tpu.dma_semaphore, #tpu.memory_space<semaphore_mem>>) {add = true}
    %dma_start3A_719 = arith.constant 2560 : i32
    %dma_start3A_720 = tpu.memref_slice %arg7[%dma_start3A_719] : memref<9984xi32, #tpu.memory_space<vmem>> -> memref<128xi32, #tpu.memory_space<vmem>>
    %dma_start3A_721 = arith.constant 0 : i32
    %dma_start3A_722 = arith.constant 0 : i32
    %dma_start3A_723 = tpu.memref_slice %arg6[%dma_start3A_721, %dma_start3A_722] : memref<10000x16xf32, #tpu.memory_space<vmem_shared>> -> memref<10000x16xf32, #tpu.memory_space<vmem_shared>>
    tpu.enqueue_indirect_dma source(%arg9 : memref<128x16xf32, #tpu.memory_space<vmem>>) target(%dma_start3A_723 : memref<10000x16xf32, #tpu.memory_space<vmem_shared>>) offsets(%dma_start3A_720 : memref<128xi32, #tpu.memory_space<vmem>>) semaphore(%arg14 : memref<!tpu.dma_semaphore, #tpu.memory_space<semaphore_mem>>) {add = true}
    %dma_start3A_724 = arith.constant 1 : i32
    %dma_start3A_725 = arith.constant 128 : i32
    %dma_start3A_726 = arith.constant 0 : i32
    %dma_start3A_727 = tpu.memref_slice %arg8[%dma_start3A_724, %dma_start3A_725, %dma_start3A_726] : memref<2x2560x16xf32, #tpu.memory_space<vmem>> -> memref<1x128x16xf32, #tpu.memory_space<vmem>>
    %dma_start3A_728 = tpu.memref_squeeze %dma_start3A_727 : memref<1x128x16xf32, #tpu.memory_space<vmem>> -> memref<128x16xf32, #tpu.memory_space<vmem>>
    %dma_start3A_729 = arith.constant 2688 : i32
    %dma_start3A_730 = tpu.memref_slice %arg7[%dma_start3A_729] : memref<9984xi32, #tpu.memory_space<vmem>> -> memref<128xi32, #tpu.memory_space<vmem>>
    %dma_start3A_731 = arith.constant 0 : i32
    %dma_start3A_732 = arith.constant 0 : i32
    %dma_start3A_733 = tpu.memref_slice %arg5[%dma_start3A_731, %dma_start3A_732] : memref<10000x16xf32, #tpu.memory_space<vmem_shared>> -> memref<10000x16xf32, #tpu.memory_space<vmem_shared>>
    tpu.enqueue_indirect_dma source(%dma_start3A_728 : memref<128x16xf32, #tpu.memory_space<vmem>>) target(%dma_start3A_733 : memref<10000x16xf32, #tpu.memory_space<vmem_shared>>) offsets(%dma_start3A_730 : memref<128xi32, #tpu.memory_space<vmem>>) semaphore(%arg14 : memref<!tpu.dma_semaphore, #tpu.memory_space<semaphore_mem>>) {add = true}
    %dma_start3A_734 = arith.constant 2688 : i32
    %dma_start3A_735 = tpu.memref_slice %arg7[%dma_start3A_734] : memref<9984xi32, #tpu.memory_space<vmem>> -> memref<128xi32, #tpu.memory_space<vmem>>
    %dma_start3A_736 = arith.constant 0 : i32
    %dma_start3A_737 = arith.constant 0 : i32
    %dma_start3A_738 = tpu.memref_slice %arg6[%dma_start3A_736, %dma_start3A_737] : memref<10000x16xf32, #tpu.memory_space<vmem_shared>> -> memref<10000x16xf32, #tpu.memory_space<vmem_shared>>
    tpu.enqueue_indirect_dma source(%arg9 : memref<128x16xf32, #tpu.memory_space<vmem>>) target(%dma_start3A_738 : memref<10000x16xf32, #tpu.memory_space<vmem_shared>>) offsets(%dma_start3A_735 : memref<128xi32, #tpu.memory_space<vmem>>) semaphore(%arg14 : memref<!tpu.dma_semaphore, #tpu.memory_space<semaphore_mem>>) {add = true}
    %dma_start3A_739 = arith.constant 1 : i32
    %dma_start3A_740 = arith.constant 256 : i32
    %dma_start3A_741 = arith.constant 0 : i32
    %dma_start3A_742 = tpu.memref_slice %arg8[%dma_start3A_739, %dma_start3A_740, %dma_start3A_741] : memref<2x2560x16xf32, #tpu.memory_space<vmem>> -> memref<1x128x16xf32, #tpu.memory_space<vmem>>
    %dma_start3A_743 = tpu.memref_squeeze %dma_start3A_742 : memref<1x128x16xf32, #tpu.memory_space<vmem>> -> memref<128x16xf32, #tpu.memory_space<vmem>>
    %dma_start3A_744 = arith.constant 2816 : i32
    %dma_start3A_745 = tpu.memref_slice %arg7[%dma_start3A_744] : memref<9984xi32, #tpu.memory_space<vmem>> -> memref<128xi32, #tpu.memory_space<vmem>>
    %dma_start3A_746 = arith.constant 0 : i32
    %dma_start3A_747 = arith.constant 0 : i32
    %dma_start3A_748 = tpu.memref_slice %arg5[%dma_start3A_746, %dma_start3A_747] : memref<10000x16xf32, #tpu.memory_space<vmem_shared>> -> memref<10000x16xf32, #tpu.memory_space<vmem_shared>>
    tpu.enqueue_indirect_dma source(%dma_start3A_743 : memref<128x16xf32, #tpu.memory_space<vmem>>) target(%dma_start3A_748 : memref<10000x16xf32, #tpu.memory_space<vmem_shared>>) offsets(%dma_start3A_745 : memref<128xi32, #tpu.memory_space<vmem>>) semaphore(%arg14 : memref<!tpu.dma_semaphore, #tpu.memory_space<semaphore_mem>>) {add = true}
    %dma_start3A_749 = arith.constant 2816 : i32
    %dma_start3A_750 = tpu.memref_slice %arg7[%dma_start3A_749] : memref<9984xi32, #tpu.memory_space<vmem>> -> memref<128xi32, #tpu.memory_space<vmem>>
    %dma_start3A_751 = arith.constant 0 : i32
    %dma_start3A_752 = arith.constant 0 : i32
    %dma_start3A_753 = tpu.memref_slice %arg6[%dma_start3A_751, %dma_start3A_752] : memref<10000x16xf32, #tpu.memory_space<vmem_shared>> -> memref<10000x16xf32, #tpu.memory_space<vmem_shared>>
    tpu.enqueue_indirect_dma source(%arg9 : memref<128x16xf32, #tpu.memory_space<vmem>>) target(%dma_start3A_753 : memref<10000x16xf32, #tpu.memory_space<vmem_shared>>) offsets(%dma_start3A_750 : memref<128xi32, #tpu.memory_space<vmem>>) semaphore(%arg14 : memref<!tpu.dma_semaphore, #tpu.memory_space<semaphore_mem>>) {add = true}
    %dma_start3A_754 = arith.constant 1 : i32
    %dma_start3A_755 = arith.constant 384 : i32
    %dma_start3A_756 = arith.constant 0 : i32
    %dma_start3A_757 = tpu.memref_slice %arg8[%dma_start3A_754, %dma_start3A_755, %dma_start3A_756] : memref<2x2560x16xf32, #tpu.memory_space<vmem>> -> memref<1x128x16xf32, #tpu.memory_space<vmem>>
    %dma_start3A_758 = tpu.memref_squeeze %dma_start3A_757 : memref<1x128x16xf32, #tpu.memory_space<vmem>> -> memref<128x16xf32, #tpu.memory_space<vmem>>
    %dma_start3A_759 = arith.constant 2944 : i32
    %dma_start3A_760 = tpu.memref_slice %arg7[%dma_start3A_759] : memref<9984xi32, #tpu.memory_space<vmem>> -> memref<128xi32, #tpu.memory_space<vmem>>
    %dma_start3A_761 = arith.constant 0 : i32
    %dma_start3A_762 = arith.constant 0 : i32
    %dma_start3A_763 = tpu.memref_slice %arg5[%dma_start3A_761, %dma_start3A_762] : memref<10000x16xf32, #tpu.memory_space<vmem_shared>> -> memref<10000x16xf32, #tpu.memory_space<vmem_shared>>
    tpu.enqueue_indirect_dma source(%dma_start3A_758 : memref<128x16xf32, #tpu.memory_space<vmem>>) target(%dma_start3A_763 : memref<10000x16xf32, #tpu.memory_space<vmem_shared>>) offsets(%dma_start3A_760 : memref<128xi32, #tpu.memory_space<vmem>>) semaphore(%arg14 : memref<!tpu.dma_semaphore, #tpu.memory_space<semaphore_mem>>) {add = true}
    %dma_start3A_764 = arith.constant 2944 : i32
    %dma_start3A_765 = tpu.memref_slice %arg7[%dma_start3A_764] : memref<9984xi32, #tpu.memory_space<vmem>> -> memref<128xi32, #tpu.memory_space<vmem>>
    %dma_start3A_766 = arith.constant 0 : i32
    %dma_start3A_767 = arith.constant 0 : i32
    %dma_start3A_768 = tpu.memref_slice %arg6[%dma_start3A_766, %dma_start3A_767] : memref<10000x16xf32, #tpu.memory_space<vmem_shared>> -> memref<10000x16xf32, #tpu.memory_space<vmem_shared>>
    tpu.enqueue_indirect_dma source(%arg9 : memref<128x16xf32, #tpu.memory_space<vmem>>) target(%dma_start3A_768 : memref<10000x16xf32, #tpu.memory_space<vmem_shared>>) offsets(%dma_start3A_765 : memref<128xi32, #tpu.memory_space<vmem>>) semaphore(%arg14 : memref<!tpu.dma_semaphore, #tpu.memory_space<semaphore_mem>>) {add = true}
    %dma_start3A_769 = arith.constant 1 : i32
    %dma_start3A_770 = arith.constant 512 : i32
    %dma_start3A_771 = arith.constant 0 : i32
    %dma_start3A_772 = tpu.memref_slice %arg8[%dma_start3A_769, %dma_start3A_770, %dma_start3A_771] : memref<2x2560x16xf32, #tpu.memory_space<vmem>> -> memref<1x128x16xf32, #tpu.memory_space<vmem>>
    %dma_start3A_773 = tpu.memref_squeeze %dma_start3A_772 : memref<1x128x16xf32, #tpu.memory_space<vmem>> -> memref<128x16xf32, #tpu.memory_space<vmem>>
    %dma_start3A_774 = arith.constant 3072 : i32
    %dma_start3A_775 = tpu.memref_slice %arg7[%dma_start3A_774] : memref<9984xi32, #tpu.memory_space<vmem>> -> memref<128xi32, #tpu.memory_space<vmem>>
    %dma_start3A_776 = arith.constant 0 : i32
    %dma_start3A_777 = arith.constant 0 : i32
    %dma_start3A_778 = tpu.memref_slice %arg5[%dma_start3A_776, %dma_start3A_777] : memref<10000x16xf32, #tpu.memory_space<vmem_shared>> -> memref<10000x16xf32, #tpu.memory_space<vmem_shared>>
    tpu.enqueue_indirect_dma source(%dma_start3A_773 : memref<128x16xf32, #tpu.memory_space<vmem>>) target(%dma_start3A_778 : memref<10000x16xf32, #tpu.memory_space<vmem_shared>>) offsets(%dma_start3A_775 : memref<128xi32, #tpu.memory_space<vmem>>) semaphore(%arg14 : memref<!tpu.dma_semaphore, #tpu.memory_space<semaphore_mem>>) {add = true}
    %dma_start3A_779 = arith.constant 3072 : i32
    %dma_start3A_780 = tpu.memref_slice %arg7[%dma_start3A_779] : memref<9984xi32, #tpu.memory_space<vmem>> -> memref<128xi32, #tpu.memory_space<vmem>>
    %dma_start3A_781 = arith.constant 0 : i32
    %dma_start3A_782 = arith.constant 0 : i32
    %dma_start3A_783 = tpu.memref_slice %arg6[%dma_start3A_781, %dma_start3A_782] : memref<10000x16xf32, #tpu.memory_space<vmem_shared>> -> memref<10000x16xf32, #tpu.memory_space<vmem_shared>>
    tpu.enqueue_indirect_dma source(%arg9 : memref<128x16xf32, #tpu.memory_space<vmem>>) target(%dma_start3A_783 : memref<10000x16xf32, #tpu.memory_space<vmem_shared>>) offsets(%dma_start3A_780 : memref<128xi32, #tpu.memory_space<vmem>>) semaphore(%arg14 : memref<!tpu.dma_semaphore, #tpu.memory_space<semaphore_mem>>) {add = true}
    %dma_start3A_784 = arith.constant 1 : i32
    %dma_start3A_785 = arith.constant 640 : i32
    %dma_start3A_786 = arith.constant 0 : i32
    %dma_start3A_787 = tpu.memref_slice %arg8[%dma_start3A_784, %dma_start3A_785, %dma_start3A_786] : memref<2x2560x16xf32, #tpu.memory_space<vmem>> -> memref<1x128x16xf32, #tpu.memory_space<vmem>>
    %dma_start3A_788 = tpu.memref_squeeze %dma_start3A_787 : memref<1x128x16xf32, #tpu.memory_space<vmem>> -> memref<128x16xf32, #tpu.memory_space<vmem>>
    %dma_start3A_789 = arith.constant 3200 : i32
    %dma_start3A_790 = tpu.memref_slice %arg7[%dma_start3A_789] : memref<9984xi32, #tpu.memory_space<vmem>> -> memref<128xi32, #tpu.memory_space<vmem>>
    %dma_start3A_791 = arith.constant 0 : i32
    %dma_start3A_792 = arith.constant 0 : i32
    %dma_start3A_793 = tpu.memref_slice %arg5[%dma_start3A_791, %dma_start3A_792] : memref<10000x16xf32, #tpu.memory_space<vmem_shared>> -> memref<10000x16xf32, #tpu.memory_space<vmem_shared>>
    tpu.enqueue_indirect_dma source(%dma_start3A_788 : memref<128x16xf32, #tpu.memory_space<vmem>>) target(%dma_start3A_793 : memref<10000x16xf32, #tpu.memory_space<vmem_shared>>) offsets(%dma_start3A_790 : memref<128xi32, #tpu.memory_space<vmem>>) semaphore(%arg14 : memref<!tpu.dma_semaphore, #tpu.memory_space<semaphore_mem>>) {add = true}
    %dma_start3A_794 = arith.constant 3200 : i32
    %dma_start3A_795 = tpu.memref_slice %arg7[%dma_start3A_794] : memref<9984xi32, #tpu.memory_space<vmem>> -> memref<128xi32, #tpu.memory_space<vmem>>
    %dma_start3A_796 = arith.constant 0 : i32
    %dma_start3A_797 = arith.constant 0 : i32
    %dma_start3A_798 = tpu.memref_slice %arg6[%dma_start3A_796, %dma_start3A_797] : memref<10000x16xf32, #tpu.memory_space<vmem_shared>> -> memref<10000x16xf32, #tpu.memory_space<vmem_shared>>
    tpu.enqueue_indirect_dma source(%arg9 : memref<128x16xf32, #tpu.memory_space<vmem>>) target(%dma_start3A_798 : memref<10000x16xf32, #tpu.memory_space<vmem_shared>>) offsets(%dma_start3A_795 : memref<128xi32, #tpu.memory_space<vmem>>) semaphore(%arg14 : memref<!tpu.dma_semaphore, #tpu.memory_space<semaphore_mem>>) {add = true}
    %dma_start3A_799 = arith.constant 1 : i32
    %dma_start3A_800 = arith.constant 768 : i32
    %dma_start3A_801 = arith.constant 0 : i32
    %dma_start3A_802 = tpu.memref_slice %arg8[%dma_start3A_799, %dma_start3A_800, %dma_start3A_801] : memref<2x2560x16xf32, #tpu.memory_space<vmem>> -> memref<1x128x16xf32, #tpu.memory_space<vmem>>
    %dma_start3A_803 = tpu.memref_squeeze %dma_start3A_802 : memref<1x128x16xf32, #tpu.memory_space<vmem>> -> memref<128x16xf32, #tpu.memory_space<vmem>>
    %dma_start3A_804 = arith.constant 3328 : i32
    %dma_start3A_805 = tpu.memref_slice %arg7[%dma_start3A_804] : memref<9984xi32, #tpu.memory_space<vmem>> -> memref<128xi32, #tpu.memory_space<vmem>>
    %dma_start3A_806 = arith.constant 0 : i32
    %dma_start3A_807 = arith.constant 0 : i32
    %dma_start3A_808 = tpu.memref_slice %arg5[%dma_start3A_806, %dma_start3A_807] : memref<10000x16xf32, #tpu.memory_space<vmem_shared>> -> memref<10000x16xf32, #tpu.memory_space<vmem_shared>>
    tpu.enqueue_indirect_dma source(%dma_start3A_803 : memref<128x16xf32, #tpu.memory_space<vmem>>) target(%dma_start3A_808 : memref<10000x16xf32, #tpu.memory_space<vmem_shared>>) offsets(%dma_start3A_805 : memref<128xi32, #tpu.memory_space<vmem>>) semaphore(%arg14 : memref<!tpu.dma_semaphore, #tpu.memory_space<semaphore_mem>>) {add = true}
    %dma_start3A_809 = arith.constant 3328 : i32
    %dma_start3A_810 = tpu.memref_slice %arg7[%dma_start3A_809] : memref<9984xi32, #tpu.memory_space<vmem>> -> memref<128xi32, #tpu.memory_space<vmem>>
    %dma_start3A_811 = arith.constant 0 : i32
    %dma_start3A_812 = arith.constant 0 : i32
    %dma_start3A_813 = tpu.memref_slice %arg6[%dma_start3A_811, %dma_start3A_812] : memref<10000x16xf32, #tpu.memory_space<vmem_shared>> -> memref<10000x16xf32, #tpu.memory_space<vmem_shared>>
    tpu.enqueue_indirect_dma source(%arg9 : memref<128x16xf32, #tpu.memory_space<vmem>>) target(%dma_start3A_813 : memref<10000x16xf32, #tpu.memory_space<vmem_shared>>) offsets(%dma_start3A_810 : memref<128xi32, #tpu.memory_space<vmem>>) semaphore(%arg14 : memref<!tpu.dma_semaphore, #tpu.memory_space<semaphore_mem>>) {add = true}
    %dma_start3A_814 = arith.constant 1 : i32
    %dma_start3A_815 = arith.constant 896 : i32
    %dma_start3A_816 = arith.constant 0 : i32
    %dma_start3A_817 = tpu.memref_slice %arg8[%dma_start3A_814, %dma_start3A_815, %dma_start3A_816] : memref<2x2560x16xf32, #tpu.memory_space<vmem>> -> memref<1x128x16xf32, #tpu.memory_space<vmem>>
    %dma_start3A_818 = tpu.memref_squeeze %dma_start3A_817 : memref<1x128x16xf32, #tpu.memory_space<vmem>> -> memref<128x16xf32, #tpu.memory_space<vmem>>
    %dma_start3A_819 = arith.constant 3456 : i32
    %dma_start3A_820 = tpu.memref_slice %arg7[%dma_start3A_819] : memref<9984xi32, #tpu.memory_space<vmem>> -> memref<128xi32, #tpu.memory_space<vmem>>
    %dma_start3A_821 = arith.constant 0 : i32
    %dma_start3A_822 = arith.constant 0 : i32
    %dma_start3A_823 = tpu.memref_slice %arg5[%dma_start3A_821, %dma_start3A_822] : memref<10000x16xf32, #tpu.memory_space<vmem_shared>> -> memref<10000x16xf32, #tpu.memory_space<vmem_shared>>
    tpu.enqueue_indirect_dma source(%dma_start3A_818 : memref<128x16xf32, #tpu.memory_space<vmem>>) target(%dma_start3A_823 : memref<10000x16xf32, #tpu.memory_space<vmem_shared>>) offsets(%dma_start3A_820 : memref<128xi32, #tpu.memory_space<vmem>>) semaphore(%arg14 : memref<!tpu.dma_semaphore, #tpu.memory_space<semaphore_mem>>) {add = true}
    %dma_start3A_824 = arith.constant 3456 : i32
    %dma_start3A_825 = tpu.memref_slice %arg7[%dma_start3A_824] : memref<9984xi32, #tpu.memory_space<vmem>> -> memref<128xi32, #tpu.memory_space<vmem>>
    %dma_start3A_826 = arith.constant 0 : i32
    %dma_start3A_827 = arith.constant 0 : i32
    %dma_start3A_828 = tpu.memref_slice %arg6[%dma_start3A_826, %dma_start3A_827] : memref<10000x16xf32, #tpu.memory_space<vmem_shared>> -> memref<10000x16xf32, #tpu.memory_space<vmem_shared>>
    tpu.enqueue_indirect_dma source(%arg9 : memref<128x16xf32, #tpu.memory_space<vmem>>) target(%dma_start3A_828 : memref<10000x16xf32, #tpu.memory_space<vmem_shared>>) offsets(%dma_start3A_825 : memref<128xi32, #tpu.memory_space<vmem>>) semaphore(%arg14 : memref<!tpu.dma_semaphore, #tpu.memory_space<semaphore_mem>>) {add = true}
    %dma_start3A_829 = arith.constant 1 : i32
    %dma_start3A_830 = arith.constant 1024 : i32
    %dma_start3A_831 = arith.constant 0 : i32
    %dma_start3A_832 = tpu.memref_slice %arg8[%dma_start3A_829, %dma_start3A_830, %dma_start3A_831] : memref<2x2560x16xf32, #tpu.memory_space<vmem>> -> memref<1x128x16xf32, #tpu.memory_space<vmem>>
    %dma_start3A_833 = tpu.memref_squeeze %dma_start3A_832 : memref<1x128x16xf32, #tpu.memory_space<vmem>> -> memref<128x16xf32, #tpu.memory_space<vmem>>
    %dma_start3A_834 = arith.constant 3584 : i32
    %dma_start3A_835 = tpu.memref_slice %arg7[%dma_start3A_834] : memref<9984xi32, #tpu.memory_space<vmem>> -> memref<128xi32, #tpu.memory_space<vmem>>
    %dma_start3A_836 = arith.constant 0 : i32
    %dma_start3A_837 = arith.constant 0 : i32
    %dma_start3A_838 = tpu.memref_slice %arg5[%dma_start3A_836, %dma_start3A_837] : memref<10000x16xf32, #tpu.memory_space<vmem_shared>> -> memref<10000x16xf32, #tpu.memory_space<vmem_shared>>
    tpu.enqueue_indirect_dma source(%dma_start3A_833 : memref<128x16xf32, #tpu.memory_space<vmem>>) target(%dma_start3A_838 : memref<10000x16xf32, #tpu.memory_space<vmem_shared>>) offsets(%dma_start3A_835 : memref<128xi32, #tpu.memory_space<vmem>>) semaphore(%arg14 : memref<!tpu.dma_semaphore, #tpu.memory_space<semaphore_mem>>) {add = true}
    %dma_start3A_839 = arith.constant 3584 : i32
    %dma_start3A_840 = tpu.memref_slice %arg7[%dma_start3A_839] : memref<9984xi32, #tpu.memory_space<vmem>> -> memref<128xi32, #tpu.memory_space<vmem>>
    %dma_start3A_841 = arith.constant 0 : i32
    %dma_start3A_842 = arith.constant 0 : i32
    %dma_start3A_843 = tpu.memref_slice %arg6[%dma_start3A_841, %dma_start3A_842] : memref<10000x16xf32, #tpu.memory_space<vmem_shared>> -> memref<10000x16xf32, #tpu.memory_space<vmem_shared>>
    tpu.enqueue_indirect_dma source(%arg9 : memref<128x16xf32, #tpu.memory_space<vmem>>) target(%dma_start3A_843 : memref<10000x16xf32, #tpu.memory_space<vmem_shared>>) offsets(%dma_start3A_840 : memref<128xi32, #tpu.memory_space<vmem>>) semaphore(%arg14 : memref<!tpu.dma_semaphore, #tpu.memory_space<semaphore_mem>>) {add = true}
    %dma_start3A_844 = arith.constant 1 : i32
    %dma_start3A_845 = arith.constant 1152 : i32
    %dma_start3A_846 = arith.constant 0 : i32
    %dma_start3A_847 = tpu.memref_slice %arg8[%dma_start3A_844, %dma_start3A_845, %dma_start3A_846] : memref<2x2560x16xf32, #tpu.memory_space<vmem>> -> memref<1x128x16xf32, #tpu.memory_space<vmem>>
    %dma_start3A_848 = tpu.memref_squeeze %dma_start3A_847 : memref<1x128x16xf32, #tpu.memory_space<vmem>> -> memref<128x16xf32, #tpu.memory_space<vmem>>
    %dma_start3A_849 = arith.constant 3712 : i32
    %dma_start3A_850 = tpu.memref_slice %arg7[%dma_start3A_849] : memref<9984xi32, #tpu.memory_space<vmem>> -> memref<128xi32, #tpu.memory_space<vmem>>
    %dma_start3A_851 = arith.constant 0 : i32
    %dma_start3A_852 = arith.constant 0 : i32
    %dma_start3A_853 = tpu.memref_slice %arg5[%dma_start3A_851, %dma_start3A_852] : memref<10000x16xf32, #tpu.memory_space<vmem_shared>> -> memref<10000x16xf32, #tpu.memory_space<vmem_shared>>
    tpu.enqueue_indirect_dma source(%dma_start3A_848 : memref<128x16xf32, #tpu.memory_space<vmem>>) target(%dma_start3A_853 : memref<10000x16xf32, #tpu.memory_space<vmem_shared>>) offsets(%dma_start3A_850 : memref<128xi32, #tpu.memory_space<vmem>>) semaphore(%arg14 : memref<!tpu.dma_semaphore, #tpu.memory_space<semaphore_mem>>) {add = true}
    %dma_start3A_854 = arith.constant 3712 : i32
    %dma_start3A_855 = tpu.memref_slice %arg7[%dma_start3A_854] : memref<9984xi32, #tpu.memory_space<vmem>> -> memref<128xi32, #tpu.memory_space<vmem>>
    %dma_start3A_856 = arith.constant 0 : i32
    %dma_start3A_857 = arith.constant 0 : i32
    %dma_start3A_858 = tpu.memref_slice %arg6[%dma_start3A_856, %dma_start3A_857] : memref<10000x16xf32, #tpu.memory_space<vmem_shared>> -> memref<10000x16xf32, #tpu.memory_space<vmem_shared>>
    tpu.enqueue_indirect_dma source(%arg9 : memref<128x16xf32, #tpu.memory_space<vmem>>) target(%dma_start3A_858 : memref<10000x16xf32, #tpu.memory_space<vmem_shared>>) offsets(%dma_start3A_855 : memref<128xi32, #tpu.memory_space<vmem>>) semaphore(%arg14 : memref<!tpu.dma_semaphore, #tpu.memory_space<semaphore_mem>>) {add = true}
    %dma_start3A_859 = arith.constant 1 : i32
    %dma_start3A_860 = arith.constant 1280 : i32
    %dma_start3A_861 = arith.constant 0 : i32
    %dma_start3A_862 = tpu.memref_slice %arg8[%dma_start3A_859, %dma_start3A_860, %dma_start3A_861] : memref<2x2560x16xf32, #tpu.memory_space<vmem>> -> memref<1x128x16xf32, #tpu.memory_space<vmem>>
    %dma_start3A_863 = tpu.memref_squeeze %dma_start3A_862 : memref<1x128x16xf32, #tpu.memory_space<vmem>> -> memref<128x16xf32, #tpu.memory_space<vmem>>
    %dma_start3A_864 = arith.constant 3840 : i32
    %dma_start3A_865 = tpu.memref_slice %arg7[%dma_start3A_864] : memref<9984xi32, #tpu.memory_space<vmem>> -> memref<128xi32, #tpu.memory_space<vmem>>
    %dma_start3A_866 = arith.constant 0 : i32
    %dma_start3A_867 = arith.constant 0 : i32
    %dma_start3A_868 = tpu.memref_slice %arg5[%dma_start3A_866, %dma_start3A_867] : memref<10000x16xf32, #tpu.memory_space<vmem_shared>> -> memref<10000x16xf32, #tpu.memory_space<vmem_shared>>
    tpu.enqueue_indirect_dma source(%dma_start3A_863 : memref<128x16xf32, #tpu.memory_space<vmem>>) target(%dma_start3A_868 : memref<10000x16xf32, #tpu.memory_space<vmem_shared>>) offsets(%dma_start3A_865 : memref<128xi32, #tpu.memory_space<vmem>>) semaphore(%arg14 : memref<!tpu.dma_semaphore, #tpu.memory_space<semaphore_mem>>) {add = true}
    %dma_start3A_869 = arith.constant 3840 : i32
    %dma_start3A_870 = tpu.memref_slice %arg7[%dma_start3A_869] : memref<9984xi32, #tpu.memory_space<vmem>> -> memref<128xi32, #tpu.memory_space<vmem>>
    %dma_start3A_871 = arith.constant 0 : i32
    %dma_start3A_872 = arith.constant 0 : i32
    %dma_start3A_873 = tpu.memref_slice %arg6[%dma_start3A_871, %dma_start3A_872] : memref<10000x16xf32, #tpu.memory_space<vmem_shared>> -> memref<10000x16xf32, #tpu.memory_space<vmem_shared>>
    tpu.enqueue_indirect_dma source(%arg9 : memref<128x16xf32, #tpu.memory_space<vmem>>) target(%dma_start3A_873 : memref<10000x16xf32, #tpu.memory_space<vmem_shared>>) offsets(%dma_start3A_870 : memref<128xi32, #tpu.memory_space<vmem>>) semaphore(%arg14 : memref<!tpu.dma_semaphore, #tpu.memory_space<semaphore_mem>>) {add = true}
    %dma_start3A_874 = arith.constant 1 : i32
    %dma_start3A_875 = arith.constant 1408 : i32
    %dma_start3A_876 = arith.constant 0 : i32
    %dma_start3A_877 = tpu.memref_slice %arg8[%dma_start3A_874, %dma_start3A_875, %dma_start3A_876] : memref<2x2560x16xf32, #tpu.memory_space<vmem>> -> memref<1x128x16xf32, #tpu.memory_space<vmem>>
    %dma_start3A_878 = tpu.memref_squeeze %dma_start3A_877 : memref<1x128x16xf32, #tpu.memory_space<vmem>> -> memref<128x16xf32, #tpu.memory_space<vmem>>
    %dma_start3A_879 = arith.constant 3968 : i32
    %dma_start3A_880 = tpu.memref_slice %arg7[%dma_start3A_879] : memref<9984xi32, #tpu.memory_space<vmem>> -> memref<128xi32, #tpu.memory_space<vmem>>
    %dma_start3A_881 = arith.constant 0 : i32
    %dma_start3A_882 = arith.constant 0 : i32
    %dma_start3A_883 = tpu.memref_slice %arg5[%dma_start3A_881, %dma_start3A_882] : memref<10000x16xf32, #tpu.memory_space<vmem_shared>> -> memref<10000x16xf32, #tpu.memory_space<vmem_shared>>
    tpu.enqueue_indirect_dma source(%dma_start3A_878 : memref<128x16xf32, #tpu.memory_space<vmem>>) target(%dma_start3A_883 : memref<10000x16xf32, #tpu.memory_space<vmem_shared>>) offsets(%dma_start3A_880 : memref<128xi32, #tpu.memory_space<vmem>>) semaphore(%arg14 : memref<!tpu.dma_semaphore, #tpu.memory_space<semaphore_mem>>) {add = true}
    %dma_start3A_884 = arith.constant 3968 : i32
    %dma_start3A_885 = tpu.memref_slice %arg7[%dma_start3A_884] : memref<9984xi32, #tpu.memory_space<vmem>> -> memref<128xi32, #tpu.memory_space<vmem>>
    %dma_start3A_886 = arith.constant 0 : i32
    %dma_start3A_887 = arith.constant 0 : i32
    %dma_start3A_888 = tpu.memref_slice %arg6[%dma_start3A_886, %dma_start3A_887] : memref<10000x16xf32, #tpu.memory_space<vmem_shared>> -> memref<10000x16xf32, #tpu.memory_space<vmem_shared>>
    tpu.enqueue_indirect_dma source(%arg9 : memref<128x16xf32, #tpu.memory_space<vmem>>) target(%dma_start3A_888 : memref<10000x16xf32, #tpu.memory_space<vmem_shared>>) offsets(%dma_start3A_885 : memref<128xi32, #tpu.memory_space<vmem>>) semaphore(%arg14 : memref<!tpu.dma_semaphore, #tpu.memory_space<semaphore_mem>>) {add = true}
    %dma_start3A_889 = arith.constant 1 : i32
    %dma_start3A_890 = arith.constant 1536 : i32
    %dma_start3A_891 = arith.constant 0 : i32
    %dma_start3A_892 = tpu.memref_slice %arg8[%dma_start3A_889, %dma_start3A_890, %dma_start3A_891] : memref<2x2560x16xf32, #tpu.memory_space<vmem>> -> memref<1x128x16xf32, #tpu.memory_space<vmem>>
    %dma_start3A_893 = tpu.memref_squeeze %dma_start3A_892 : memref<1x128x16xf32, #tpu.memory_space<vmem>> -> memref<128x16xf32, #tpu.memory_space<vmem>>
    %dma_start3A_894 = arith.constant 4096 : i32
    %dma_start3A_895 = tpu.memref_slice %arg7[%dma_start3A_894] : memref<9984xi32, #tpu.memory_space<vmem>> -> memref<128xi32, #tpu.memory_space<vmem>>
    %dma_start3A_896 = arith.constant 0 : i32
    %dma_start3A_897 = arith.constant 0 : i32
    %dma_start3A_898 = tpu.memref_slice %arg5[%dma_start3A_896, %dma_start3A_897] : memref<10000x16xf32, #tpu.memory_space<vmem_shared>> -> memref<10000x16xf32, #tpu.memory_space<vmem_shared>>
    tpu.enqueue_indirect_dma source(%dma_start3A_893 : memref<128x16xf32, #tpu.memory_space<vmem>>) target(%dma_start3A_898 : memref<10000x16xf32, #tpu.memory_space<vmem_shared>>) offsets(%dma_start3A_895 : memref<128xi32, #tpu.memory_space<vmem>>) semaphore(%arg14 : memref<!tpu.dma_semaphore, #tpu.memory_space<semaphore_mem>>) {add = true}
    %dma_start3A_899 = arith.constant 4096 : i32
    %dma_start3A_900 = tpu.memref_slice %arg7[%dma_start3A_899] : memref<9984xi32, #tpu.memory_space<vmem>> -> memref<128xi32, #tpu.memory_space<vmem>>
    %dma_start3A_901 = arith.constant 0 : i32
    %dma_start3A_902 = arith.constant 0 : i32
    %dma_start3A_903 = tpu.memref_slice %arg6[%dma_start3A_901, %dma_start3A_902] : memref<10000x16xf32, #tpu.memory_space<vmem_shared>> -> memref<10000x16xf32, #tpu.memory_space<vmem_shared>>
    tpu.enqueue_indirect_dma source(%arg9 : memref<128x16xf32, #tpu.memory_space<vmem>>) target(%dma_start3A_903 : memref<10000x16xf32, #tpu.memory_space<vmem_shared>>) offsets(%dma_start3A_900 : memref<128xi32, #tpu.memory_space<vmem>>) semaphore(%arg14 : memref<!tpu.dma_semaphore, #tpu.memory_space<semaphore_mem>>) {add = true}
    %dma_start3A_904 = arith.constant 1 : i32
    %dma_start3A_905 = arith.constant 1664 : i32
    %dma_start3A_906 = arith.constant 0 : i32
    %dma_start3A_907 = tpu.memref_slice %arg8[%dma_start3A_904, %dma_start3A_905, %dma_start3A_906] : memref<2x2560x16xf32, #tpu.memory_space<vmem>> -> memref<1x128x16xf32, #tpu.memory_space<vmem>>
    %dma_start3A_908 = tpu.memref_squeeze %dma_start3A_907 : memref<1x128x16xf32, #tpu.memory_space<vmem>> -> memref<128x16xf32, #tpu.memory_space<vmem>>
    %dma_start3A_909 = arith.constant 4224 : i32
    %dma_start3A_910 = tpu.memref_slice %arg7[%dma_start3A_909] : memref<9984xi32, #tpu.memory_space<vmem>> -> memref<128xi32, #tpu.memory_space<vmem>>
    %dma_start3A_911 = arith.constant 0 : i32
    %dma_start3A_912 = arith.constant 0 : i32
    %dma_start3A_913 = tpu.memref_slice %arg5[%dma_start3A_911, %dma_start3A_912] : memref<10000x16xf32, #tpu.memory_space<vmem_shared>> -> memref<10000x16xf32, #tpu.memory_space<vmem_shared>>
    tpu.enqueue_indirect_dma source(%dma_start3A_908 : memref<128x16xf32, #tpu.memory_space<vmem>>) target(%dma_start3A_913 : memref<10000x16xf32, #tpu.memory_space<vmem_shared>>) offsets(%dma_start3A_910 : memref<128xi32, #tpu.memory_space<vmem>>) semaphore(%arg14 : memref<!tpu.dma_semaphore, #tpu.memory_space<semaphore_mem>>) {add = true}
    %dma_start3A_914 = arith.constant 4224 : i32
    %dma_start3A_915 = tpu.memref_slice %arg7[%dma_start3A_914] : memref<9984xi32, #tpu.memory_space<vmem>> -> memref<128xi32, #tpu.memory_space<vmem>>
    %dma_start3A_916 = arith.constant 0 : i32
    %dma_start3A_917 = arith.constant 0 : i32
    %dma_start3A_918 = tpu.memref_slice %arg6[%dma_start3A_916, %dma_start3A_917] : memref<10000x16xf32, #tpu.memory_space<vmem_shared>> -> memref<10000x16xf32, #tpu.memory_space<vmem_shared>>
    tpu.enqueue_indirect_dma source(%arg9 : memref<128x16xf32, #tpu.memory_space<vmem>>) target(%dma_start3A_918 : memref<10000x16xf32, #tpu.memory_space<vmem_shared>>) offsets(%dma_start3A_915 : memref<128xi32, #tpu.memory_space<vmem>>) semaphore(%arg14 : memref<!tpu.dma_semaphore, #tpu.memory_space<semaphore_mem>>) {add = true}
    %dma_start3A_919 = arith.constant 1 : i32
    %dma_start3A_920 = arith.constant 1792 : i32
    %dma_start3A_921 = arith.constant 0 : i32
    %dma_start3A_922 = tpu.memref_slice %arg8[%dma_start3A_919, %dma_start3A_920, %dma_start3A_921] : memref<2x2560x16xf32, #tpu.memory_space<vmem>> -> memref<1x128x16xf32, #tpu.memory_space<vmem>>
    %dma_start3A_923 = tpu.memref_squeeze %dma_start3A_922 : memref<1x128x16xf32, #tpu.memory_space<vmem>> -> memref<128x16xf32, #tpu.memory_space<vmem>>
    %dma_start3A_924 = arith.constant 4352 : i32
    %dma_start3A_925 = tpu.memref_slice %arg7[%dma_start3A_924] : memref<9984xi32, #tpu.memory_space<vmem>> -> memref<128xi32, #tpu.memory_space<vmem>>
    %dma_start3A_926 = arith.constant 0 : i32
    %dma_start3A_927 = arith.constant 0 : i32
    %dma_start3A_928 = tpu.memref_slice %arg5[%dma_start3A_926, %dma_start3A_927] : memref<10000x16xf32, #tpu.memory_space<vmem_shared>> -> memref<10000x16xf32, #tpu.memory_space<vmem_shared>>
    tpu.enqueue_indirect_dma source(%dma_start3A_923 : memref<128x16xf32, #tpu.memory_space<vmem>>) target(%dma_start3A_928 : memref<10000x16xf32, #tpu.memory_space<vmem_shared>>) offsets(%dma_start3A_925 : memref<128xi32, #tpu.memory_space<vmem>>) semaphore(%arg14 : memref<!tpu.dma_semaphore, #tpu.memory_space<semaphore_mem>>) {add = true}
    %dma_start3A_929 = arith.constant 4352 : i32
    %dma_start3A_930 = tpu.memref_slice %arg7[%dma_start3A_929] : memref<9984xi32, #tpu.memory_space<vmem>> -> memref<128xi32, #tpu.memory_space<vmem>>
    %dma_start3A_931 = arith.constant 0 : i32
    %dma_start3A_932 = arith.constant 0 : i32
    %dma_start3A_933 = tpu.memref_slice %arg6[%dma_start3A_931, %dma_start3A_932] : memref<10000x16xf32, #tpu.memory_space<vmem_shared>> -> memref<10000x16xf32, #tpu.memory_space<vmem_shared>>
    tpu.enqueue_indirect_dma source(%arg9 : memref<128x16xf32, #tpu.memory_space<vmem>>) target(%dma_start3A_933 : memref<10000x16xf32, #tpu.memory_space<vmem_shared>>) offsets(%dma_start3A_930 : memref<128xi32, #tpu.memory_space<vmem>>) semaphore(%arg14 : memref<!tpu.dma_semaphore, #tpu.memory_space<semaphore_mem>>) {add = true}
    %dma_start3A_934 = arith.constant 1 : i32
    %dma_start3A_935 = arith.constant 1920 : i32
    %dma_start3A_936 = arith.constant 0 : i32
    %dma_start3A_937 = tpu.memref_slice %arg8[%dma_start3A_934, %dma_start3A_935, %dma_start3A_936] : memref<2x2560x16xf32, #tpu.memory_space<vmem>> -> memref<1x128x16xf32, #tpu.memory_space<vmem>>
    %dma_start3A_938 = tpu.memref_squeeze %dma_start3A_937 : memref<1x128x16xf32, #tpu.memory_space<vmem>> -> memref<128x16xf32, #tpu.memory_space<vmem>>
    %dma_start3A_939 = arith.constant 4480 : i32
    %dma_start3A_940 = tpu.memref_slice %arg7[%dma_start3A_939] : memref<9984xi32, #tpu.memory_space<vmem>> -> memref<128xi32, #tpu.memory_space<vmem>>
    %dma_start3A_941 = arith.constant 0 : i32
    %dma_start3A_942 = arith.constant 0 : i32
    %dma_start3A_943 = tpu.memref_slice %arg5[%dma_start3A_941, %dma_start3A_942] : memref<10000x16xf32, #tpu.memory_space<vmem_shared>> -> memref<10000x16xf32, #tpu.memory_space<vmem_shared>>
    tpu.enqueue_indirect_dma source(%dma_start3A_938 : memref<128x16xf32, #tpu.memory_space<vmem>>) target(%dma_start3A_943 : memref<10000x16xf32, #tpu.memory_space<vmem_shared>>) offsets(%dma_start3A_940 : memref<128xi32, #tpu.memory_space<vmem>>) semaphore(%arg14 : memref<!tpu.dma_semaphore, #tpu.memory_space<semaphore_mem>>) {add = true}
    %dma_start3A_944 = arith.constant 4480 : i32
    %dma_start3A_945 = tpu.memref_slice %arg7[%dma_start3A_944] : memref<9984xi32, #tpu.memory_space<vmem>> -> memref<128xi32, #tpu.memory_space<vmem>>
    %dma_start3A_946 = arith.constant 0 : i32
    %dma_start3A_947 = arith.constant 0 : i32
    %dma_start3A_948 = tpu.memref_slice %arg6[%dma_start3A_946, %dma_start3A_947] : memref<10000x16xf32, #tpu.memory_space<vmem_shared>> -> memref<10000x16xf32, #tpu.memory_space<vmem_shared>>
    tpu.enqueue_indirect_dma source(%arg9 : memref<128x16xf32, #tpu.memory_space<vmem>>) target(%dma_start3A_948 : memref<10000x16xf32, #tpu.memory_space<vmem_shared>>) offsets(%dma_start3A_945 : memref<128xi32, #tpu.memory_space<vmem>>) semaphore(%arg14 : memref<!tpu.dma_semaphore, #tpu.memory_space<semaphore_mem>>) {add = true}
    %dma_start3A_949 = arith.constant 1 : i32
    %dma_start3A_950 = arith.constant 2048 : i32
    %dma_start3A_951 = arith.constant 0 : i32
    %dma_start3A_952 = tpu.memref_slice %arg8[%dma_start3A_949, %dma_start3A_950, %dma_start3A_951] : memref<2x2560x16xf32, #tpu.memory_space<vmem>> -> memref<1x128x16xf32, #tpu.memory_space<vmem>>
    %dma_start3A_953 = tpu.memref_squeeze %dma_start3A_952 : memref<1x128x16xf32, #tpu.memory_space<vmem>> -> memref<128x16xf32, #tpu.memory_space<vmem>>
    %dma_start3A_954 = arith.constant 4608 : i32
    %dma_start3A_955 = tpu.memref_slice %arg7[%dma_start3A_954] : memref<9984xi32, #tpu.memory_space<vmem>> -> memref<128xi32, #tpu.memory_space<vmem>>
    %dma_start3A_956 = arith.constant 0 : i32
    %dma_start3A_957 = arith.constant 0 : i32
    %dma_start3A_958 = tpu.memref_slice %arg5[%dma_start3A_956, %dma_start3A_957] : memref<10000x16xf32, #tpu.memory_space<vmem_shared>> -> memref<10000x16xf32, #tpu.memory_space<vmem_shared>>
    tpu.enqueue_indirect_dma source(%dma_start3A_953 : memref<128x16xf32, #tpu.memory_space<vmem>>) target(%dma_start3A_958 : memref<10000x16xf32, #tpu.memory_space<vmem_shared>>) offsets(%dma_start3A_955 : memref<128xi32, #tpu.memory_space<vmem>>) semaphore(%arg14 : memref<!tpu.dma_semaphore, #tpu.memory_space<semaphore_mem>>) {add = true}
    %dma_start3A_959 = arith.constant 4608 : i32
    %dma_start3A_960 = tpu.memref_slice %arg7[%dma_start3A_959] : memref<9984xi32, #tpu.memory_space<vmem>> -> memref<128xi32, #tpu.memory_space<vmem>>
    %dma_start3A_961 = arith.constant 0 : i32
    %dma_start3A_962 = arith.constant 0 : i32
    %dma_start3A_963 = tpu.memref_slice %arg6[%dma_start3A_961, %dma_start3A_962] : memref<10000x16xf32, #tpu.memory_space<vmem_shared>> -> memref<10000x16xf32, #tpu.memory_space<vmem_shared>>
    tpu.enqueue_indirect_dma source(%arg9 : memref<128x16xf32, #tpu.memory_space<vmem>>) target(%dma_start3A_963 : memref<10000x16xf32, #tpu.memory_space<vmem_shared>>) offsets(%dma_start3A_960 : memref<128xi32, #tpu.memory_space<vmem>>) semaphore(%arg14 : memref<!tpu.dma_semaphore, #tpu.memory_space<semaphore_mem>>) {add = true}
    %dma_start3A_964 = arith.constant 1 : i32
    %dma_start3A_965 = arith.constant 2176 : i32
    %dma_start3A_966 = arith.constant 0 : i32
    %dma_start3A_967 = tpu.memref_slice %arg8[%dma_start3A_964, %dma_start3A_965, %dma_start3A_966] : memref<2x2560x16xf32, #tpu.memory_space<vmem>> -> memref<1x128x16xf32, #tpu.memory_space<vmem>>
    %dma_start3A_968 = tpu.memref_squeeze %dma_start3A_967 : memref<1x128x16xf32, #tpu.memory_space<vmem>> -> memref<128x16xf32, #tpu.memory_space<vmem>>
    %dma_start3A_969 = arith.constant 4736 : i32
    %dma_start3A_970 = tpu.memref_slice %arg7[%dma_start3A_969] : memref<9984xi32, #tpu.memory_space<vmem>> -> memref<128xi32, #tpu.memory_space<vmem>>
    %dma_start3A_971 = arith.constant 0 : i32
    %dma_start3A_972 = arith.constant 0 : i32
    %dma_start3A_973 = tpu.memref_slice %arg5[%dma_start3A_971, %dma_start3A_972] : memref<10000x16xf32, #tpu.memory_space<vmem_shared>> -> memref<10000x16xf32, #tpu.memory_space<vmem_shared>>
    tpu.enqueue_indirect_dma source(%dma_start3A_968 : memref<128x16xf32, #tpu.memory_space<vmem>>) target(%dma_start3A_973 : memref<10000x16xf32, #tpu.memory_space<vmem_shared>>) offsets(%dma_start3A_970 : memref<128xi32, #tpu.memory_space<vmem>>) semaphore(%arg14 : memref<!tpu.dma_semaphore, #tpu.memory_space<semaphore_mem>>) {add = true}
    %dma_start3A_974 = arith.constant 4736 : i32
    %dma_start3A_975 = tpu.memref_slice %arg7[%dma_start3A_974] : memref<9984xi32, #tpu.memory_space<vmem>> -> memref<128xi32, #tpu.memory_space<vmem>>
    %dma_start3A_976 = arith.constant 0 : i32
    %dma_start3A_977 = arith.constant 0 : i32
    %dma_start3A_978 = tpu.memref_slice %arg6[%dma_start3A_976, %dma_start3A_977] : memref<10000x16xf32, #tpu.memory_space<vmem_shared>> -> memref<10000x16xf32, #tpu.memory_space<vmem_shared>>
    tpu.enqueue_indirect_dma source(%arg9 : memref<128x16xf32, #tpu.memory_space<vmem>>) target(%dma_start3A_978 : memref<10000x16xf32, #tpu.memory_space<vmem_shared>>) offsets(%dma_start3A_975 : memref<128xi32, #tpu.memory_space<vmem>>) semaphore(%arg14 : memref<!tpu.dma_semaphore, #tpu.memory_space<semaphore_mem>>) {add = true}
    %dma_start3A_979 = arith.constant 1 : i32
    %dma_start3A_980 = arith.constant 2304 : i32
    %dma_start3A_981 = arith.constant 0 : i32
    %dma_start3A_982 = tpu.memref_slice %arg8[%dma_start3A_979, %dma_start3A_980, %dma_start3A_981] : memref<2x2560x16xf32, #tpu.memory_space<vmem>> -> memref<1x128x16xf32, #tpu.memory_space<vmem>>
    %dma_start3A_983 = tpu.memref_squeeze %dma_start3A_982 : memref<1x128x16xf32, #tpu.memory_space<vmem>> -> memref<128x16xf32, #tpu.memory_space<vmem>>
    %dma_start3A_984 = arith.constant 4864 : i32
    %dma_start3A_985 = tpu.memref_slice %arg7[%dma_start3A_984] : memref<9984xi32, #tpu.memory_space<vmem>> -> memref<128xi32, #tpu.memory_space<vmem>>
    %dma_start3A_986 = arith.constant 0 : i32
    %dma_start3A_987 = arith.constant 0 : i32
    %dma_start3A_988 = tpu.memref_slice %arg5[%dma_start3A_986, %dma_start3A_987] : memref<10000x16xf32, #tpu.memory_space<vmem_shared>> -> memref<10000x16xf32, #tpu.memory_space<vmem_shared>>
    tpu.enqueue_indirect_dma source(%dma_start3A_983 : memref<128x16xf32, #tpu.memory_space<vmem>>) target(%dma_start3A_988 : memref<10000x16xf32, #tpu.memory_space<vmem_shared>>) offsets(%dma_start3A_985 : memref<128xi32, #tpu.memory_space<vmem>>) semaphore(%arg14 : memref<!tpu.dma_semaphore, #tpu.memory_space<semaphore_mem>>) {add = true}
    %dma_start3A_989 = arith.constant 4864 : i32
    %dma_start3A_990 = tpu.memref_slice %arg7[%dma_start3A_989] : memref<9984xi32, #tpu.memory_space<vmem>> -> memref<128xi32, #tpu.memory_space<vmem>>
    %dma_start3A_991 = arith.constant 0 : i32
    %dma_start3A_992 = arith.constant 0 : i32
    %dma_start3A_993 = tpu.memref_slice %arg6[%dma_start3A_991, %dma_start3A_992] : memref<10000x16xf32, #tpu.memory_space<vmem_shared>> -> memref<10000x16xf32, #tpu.memory_space<vmem_shared>>
    tpu.enqueue_indirect_dma source(%arg9 : memref<128x16xf32, #tpu.memory_space<vmem>>) target(%dma_start3A_993 : memref<10000x16xf32, #tpu.memory_space<vmem_shared>>) offsets(%dma_start3A_990 : memref<128xi32, #tpu.memory_space<vmem>>) semaphore(%arg14 : memref<!tpu.dma_semaphore, #tpu.memory_space<semaphore_mem>>) {add = true}
    %dma_start3A_994 = arith.constant 1 : i32
    %dma_start3A_995 = arith.constant 2432 : i32
    %dma_start3A_996 = arith.constant 0 : i32
    %dma_start3A_997 = tpu.memref_slice %arg8[%dma_start3A_994, %dma_start3A_995, %dma_start3A_996] : memref<2x2560x16xf32, #tpu.memory_space<vmem>> -> memref<1x128x16xf32, #tpu.memory_space<vmem>>
    %dma_start3A_998 = tpu.memref_squeeze %dma_start3A_997 : memref<1x128x16xf32, #tpu.memory_space<vmem>> -> memref<128x16xf32, #tpu.memory_space<vmem>>
    %dma_start3A_999 = arith.constant 4992 : i32
    %dma_start3A_1000 = tpu.memref_slice %arg7[%dma_start3A_999] : memref<9984xi32, #tpu.memory_space<vmem>> -> memref<128xi32, #tpu.memory_space<vmem>>
    %dma_start3A_1001 = arith.constant 0 : i32
    %dma_start3A_1002 = arith.constant 0 : i32
    %dma_start3A_1003 = tpu.memref_slice %arg5[%dma_start3A_1001, %dma_start3A_1002] : memref<10000x16xf32, #tpu.memory_space<vmem_shared>> -> memref<10000x16xf32, #tpu.memory_space<vmem_shared>>
    tpu.enqueue_indirect_dma source(%dma_start3A_998 : memref<128x16xf32, #tpu.memory_space<vmem>>) target(%dma_start3A_1003 : memref<10000x16xf32, #tpu.memory_space<vmem_shared>>) offsets(%dma_start3A_1000 : memref<128xi32, #tpu.memory_space<vmem>>) semaphore(%arg14 : memref<!tpu.dma_semaphore, #tpu.memory_space<semaphore_mem>>) {add = true}
    %dma_start3A_1004 = arith.constant 4992 : i32
    %dma_start3A_1005 = tpu.memref_slice %arg7[%dma_start3A_1004] : memref<9984xi32, #tpu.memory_space<vmem>> -> memref<128xi32, #tpu.memory_space<vmem>>
    %dma_start3A_1006 = arith.constant 0 : i32
    %dma_start3A_1007 = arith.constant 0 : i32
    %dma_start3A_1008 = tpu.memref_slice %arg6[%dma_start3A_1006, %dma_start3A_1007] : memref<10000x16xf32, #tpu.memory_space<vmem_shared>> -> memref<10000x16xf32, #tpu.memory_space<vmem_shared>>
    tpu.enqueue_indirect_dma source(%arg9 : memref<128x16xf32, #tpu.memory_space<vmem>>) target(%dma_start3A_1008 : memref<10000x16xf32, #tpu.memory_space<vmem_shared>>) offsets(%dma_start3A_1005 : memref<128xi32, #tpu.memory_space<vmem>>) semaphore(%arg14 : memref<!tpu.dma_semaphore, #tpu.memory_space<semaphore_mem>>) {add = true}
    %dma_wait3A_1009 = arith.constant 0 : i32
    %dma_wait3A_1010 = arith.constant 0 : i32
    %dma_wait3A_1011 = arith.constant 0 : i32
    %dma_wait3A_1012 = tpu.memref_slice %arg8[%dma_wait3A_1009, %dma_wait3A_1010, %dma_wait3A_1011] : memref<2x2560x16xf32, #tpu.memory_space<vmem>> -> memref<1x2560x16xf32, #tpu.memory_space<vmem>>
    %dma_wait3A_1013 = tpu.memref_squeeze %dma_wait3A_1012 : memref<1x2560x16xf32, #tpu.memory_space<vmem>> -> memref<2560x16xf32, #tpu.memory_space<vmem>>
    %dma_wait3A_1014 = arith.constant 0 : i32
    %dma_wait3A_1015 = tpu.memref_slice %arg2[%mul3A_695, %dma_wait3A_1014] : memref<320000x16xf32, #tpu.memory_space<hbm>> -> memref<2560x16xf32, #tpu.memory_space<hbm>>
    %dma_wait3A_1016 = arith.constant 0 : i32
    %dma_wait3A_1017 = arith.constant 0 : i32
    %dma_wait3A_1018 = tpu.memref_slice %arg8[%dma_wait3A_1009, %dma_wait3A_1016, %dma_wait3A_1017] : memref<2x2560x16xf32, #tpu.memory_space<vmem>> -> memref<1x2560x16xf32, #tpu.memory_space<vmem>>
    %dma_wait3A_1019 = tpu.memref_squeeze %dma_wait3A_1018 : memref<1x2560x16xf32, #tpu.memory_space<vmem>> -> memref<2560x16xf32, #tpu.memory_space<vmem>>
    %dma_wait3A_1020 = arith.constant 0 : i32
    %dma_wait3A_1021 = tpu.memref_slice %arg2[%mul3A_695, %dma_wait3A_1020] : memref<320000x16xf32, #tpu.memory_space<hbm>> -> memref<2560x16xf32, #tpu.memory_space<hbm>>
    tpu.wait_dma2 semaphore(%arg13 : memref<!tpu.dma_semaphore, #tpu.memory_space<semaphore_mem>>) src(%dma_wait3A_1021 : memref<2560x16xf32, #tpu.memory_space<hbm>>) dst(%dma_wait3A_1019 : memref<2560x16xf32, #tpu.memory_space<vmem>>)
    %dma_wait3A_1022 = arith.constant 1 : i32
    %dma_wait3A_1023 = arith.constant 0 : i32
    %dma_wait3A_1024 = arith.constant 0 : i32
    %dma_wait3A_1025 = tpu.memref_slice %arg8[%dma_wait3A_1022, %dma_wait3A_1023, %dma_wait3A_1024] : memref<2x2560x16xf32, #tpu.memory_space<vmem>> -> memref<1x128x16xf32, #tpu.memory_space<vmem>>
    %dma_wait3A_1026 = tpu.memref_squeeze %dma_wait3A_1025 : memref<1x128x16xf32, #tpu.memory_space<vmem>> -> memref<128x16xf32, #tpu.memory_space<vmem>>
    %dma_wait3A_1027 = arith.constant 2560 : i32
    %dma_wait3A_1028 = tpu.memref_slice %arg7[%dma_wait3A_1027] : memref<9984xi32, #tpu.memory_space<vmem>> -> memref<128xi32, #tpu.memory_space<vmem>>
    %dma_wait3A_1029 = arith.constant 0 : i32
    %dma_wait3A_1030 = arith.constant 0 : i32
    %dma_wait3A_1031 = tpu.memref_slice %arg5[%dma_wait3A_1029, %dma_wait3A_1030] : memref<10000x16xf32, #tpu.memory_space<vmem_shared>> -> memref<10000x16xf32, #tpu.memory_space<vmem_shared>>
    tpu.wait_indirect_dma semaphore(%arg14 : memref<!tpu.dma_semaphore, #tpu.memory_space<semaphore_mem>>) src(%dma_wait3A_1026 : memref<128x16xf32, #tpu.memory_space<vmem>>) dst(%dma_wait3A_1031 : memref<10000x16xf32, #tpu.memory_space<vmem_shared>>)
    %dma_wait3A_1032 = arith.constant 2560 : i32
    %dma_wait3A_1033 = tpu.memref_slice %arg7[%dma_wait3A_1032] : memref<9984xi32, #tpu.memory_space<vmem>> -> memref<128xi32, #tpu.memory_space<vmem>>
    %dma_wait3A_1034 = arith.constant 0 : i32
    %dma_wait3A_1035 = arith.constant 0 : i32
    %dma_wait3A_1036 = tpu.memref_slice %arg6[%dma_wait3A_1034, %dma_wait3A_1035] : memref<10000x16xf32, #tpu.memory_space<vmem_shared>> -> memref<10000x16xf32, #tpu.memory_space<vmem_shared>>
    tpu.wait_indirect_dma semaphore(%arg14 : memref<!tpu.dma_semaphore, #tpu.memory_space<semaphore_mem>>) src(%arg9 : memref<128x16xf32, #tpu.memory_space<vmem>>) dst(%dma_wait3A_1036 : memref<10000x16xf32, #tpu.memory_space<vmem_shared>>)
    %dma_wait3A_1037 = arith.constant 1 : i32
    %dma_wait3A_1038 = arith.constant 128 : i32
    %dma_wait3A_1039 = arith.constant 0 : i32
    %dma_wait3A_1040 = tpu.memref_slice %arg8[%dma_wait3A_1037, %dma_wait3A_1038, %dma_wait3A_1039] : memref<2x2560x16xf32, #tpu.memory_space<vmem>> -> memref<1x128x16xf32, #tpu.memory_space<vmem>>
    %dma_wait3A_1041 = tpu.memref_squeeze %dma_wait3A_1040 : memref<1x128x16xf32, #tpu.memory_space<vmem>> -> memref<128x16xf32, #tpu.memory_space<vmem>>
    %dma_wait3A_1042 = arith.constant 2688 : i32
    %dma_wait3A_1043 = tpu.memref_slice %arg7[%dma_wait3A_1042] : memref<9984xi32, #tpu.memory_space<vmem>> -> memref<128xi32, #tpu.memory_space<vmem>>
    %dma_wait3A_1044 = arith.constant 0 : i32
    %dma_wait3A_1045 = arith.constant 0 : i32
    %dma_wait3A_1046 = tpu.memref_slice %arg5[%dma_wait3A_1044, %dma_wait3A_1045] : memref<10000x16xf32, #tpu.memory_space<vmem_shared>> -> memref<10000x16xf32, #tpu.memory_space<vmem_shared>>
    tpu.wait_indirect_dma semaphore(%arg14 : memref<!tpu.dma_semaphore, #tpu.memory_space<semaphore_mem>>) src(%dma_wait3A_1041 : memref<128x16xf32, #tpu.memory_space<vmem>>) dst(%dma_wait3A_1046 : memref<10000x16xf32, #tpu.memory_space<vmem_shared>>)
    %dma_wait3A_1047 = arith.constant 2688 : i32
    %dma_wait3A_1048 = tpu.memref_slice %arg7[%dma_wait3A_1047] : memref<9984xi32, #tpu.memory_space<vmem>> -> memref<128xi32, #tpu.memory_space<vmem>>
    %dma_wait3A_1049 = arith.constant 0 : i32
    %dma_wait3A_1050 = arith.constant 0 : i32
    %dma_wait3A_1051 = tpu.memref_slice %arg6[%dma_wait3A_1049, %dma_wait3A_1050] : memref<10000x16xf32, #tpu.memory_space<vmem_shared>> -> memref<10000x16xf32, #tpu.memory_space<vmem_shared>>
    tpu.wait_indirect_dma semaphore(%arg14 : memref<!tpu.dma_semaphore, #tpu.memory_space<semaphore_mem>>) src(%arg9 : memref<128x16xf32, #tpu.memory_space<vmem>>) dst(%dma_wait3A_1051 : memref<10000x16xf32, #tpu.memory_space<vmem_shared>>)
    %dma_wait3A_1052 = arith.constant 1 : i32
    %dma_wait3A_1053 = arith.constant 256 : i32
    %dma_wait3A_1054 = arith.constant 0 : i32
    %dma_wait3A_1055 = tpu.memref_slice %arg8[%dma_wait3A_1052, %dma_wait3A_1053, %dma_wait3A_1054] : memref<2x2560x16xf32, #tpu.memory_space<vmem>> -> memref<1x128x16xf32, #tpu.memory_space<vmem>>
    %dma_wait3A_1056 = tpu.memref_squeeze %dma_wait3A_1055 : memref<1x128x16xf32, #tpu.memory_space<vmem>> -> memref<128x16xf32, #tpu.memory_space<vmem>>
    %dma_wait3A_1057 = arith.constant 2816 : i32
    %dma_wait3A_1058 = tpu.memref_slice %arg7[%dma_wait3A_1057] : memref<9984xi32, #tpu.memory_space<vmem>> -> memref<128xi32, #tpu.memory_space<vmem>>
    %dma_wait3A_1059 = arith.constant 0 : i32
    %dma_wait3A_1060 = arith.constant 0 : i32
    %dma_wait3A_1061 = tpu.memref_slice %arg5[%dma_wait3A_1059, %dma_wait3A_1060] : memref<10000x16xf32, #tpu.memory_space<vmem_shared>> -> memref<10000x16xf32, #tpu.memory_space<vmem_shared>>
    tpu.wait_indirect_dma semaphore(%arg14 : memref<!tpu.dma_semaphore, #tpu.memory_space<semaphore_mem>>) src(%dma_wait3A_1056 : memref<128x16xf32, #tpu.memory_space<vmem>>) dst(%dma_wait3A_1061 : memref<10000x16xf32, #tpu.memory_space<vmem_shared>>)
    %dma_wait3A_1062 = arith.constant 2816 : i32
    %dma_wait3A_1063 = tpu.memref_slice %arg7[%dma_wait3A_1062] : memref<9984xi32, #tpu.memory_space<vmem>> -> memref<128xi32, #tpu.memory_space<vmem>>
    %dma_wait3A_1064 = arith.constant 0 : i32
    %dma_wait3A_1065 = arith.constant 0 : i32
    %dma_wait3A_1066 = tpu.memref_slice %arg6[%dma_wait3A_1064, %dma_wait3A_1065] : memref<10000x16xf32, #tpu.memory_space<vmem_shared>> -> memref<10000x16xf32, #tpu.memory_space<vmem_shared>>
    tpu.wait_indirect_dma semaphore(%arg14 : memref<!tpu.dma_semaphore, #tpu.memory_space<semaphore_mem>>) src(%arg9 : memref<128x16xf32, #tpu.memory_space<vmem>>) dst(%dma_wait3A_1066 : memref<10000x16xf32, #tpu.memory_space<vmem_shared>>)
    %dma_wait3A_1067 = arith.constant 1 : i32
    %dma_wait3A_1068 = arith.constant 384 : i32
    %dma_wait3A_1069 = arith.constant 0 : i32
    %dma_wait3A_1070 = tpu.memref_slice %arg8[%dma_wait3A_1067, %dma_wait3A_1068, %dma_wait3A_1069] : memref<2x2560x16xf32, #tpu.memory_space<vmem>> -> memref<1x128x16xf32, #tpu.memory_space<vmem>>
    %dma_wait3A_1071 = tpu.memref_squeeze %dma_wait3A_1070 : memref<1x128x16xf32, #tpu.memory_space<vmem>> -> memref<128x16xf32, #tpu.memory_space<vmem>>
    %dma_wait3A_1072 = arith.constant 2944 : i32
    %dma_wait3A_1073 = tpu.memref_slice %arg7[%dma_wait3A_1072] : memref<9984xi32, #tpu.memory_space<vmem>> -> memref<128xi32, #tpu.memory_space<vmem>>
    %dma_wait3A_1074 = arith.constant 0 : i32
    %dma_wait3A_1075 = arith.constant 0 : i32
    %dma_wait3A_1076 = tpu.memref_slice %arg5[%dma_wait3A_1074, %dma_wait3A_1075] : memref<10000x16xf32, #tpu.memory_space<vmem_shared>> -> memref<10000x16xf32, #tpu.memory_space<vmem_shared>>
    tpu.wait_indirect_dma semaphore(%arg14 : memref<!tpu.dma_semaphore, #tpu.memory_space<semaphore_mem>>) src(%dma_wait3A_1071 : memref<128x16xf32, #tpu.memory_space<vmem>>) dst(%dma_wait3A_1076 : memref<10000x16xf32, #tpu.memory_space<vmem_shared>>)
    %dma_wait3A_1077 = arith.constant 2944 : i32
    %dma_wait3A_1078 = tpu.memref_slice %arg7[%dma_wait3A_1077] : memref<9984xi32, #tpu.memory_space<vmem>> -> memref<128xi32, #tpu.memory_space<vmem>>
    %dma_wait3A_1079 = arith.constant 0 : i32
    %dma_wait3A_1080 = arith.constant 0 : i32
    %dma_wait3A_1081 = tpu.memref_slice %arg6[%dma_wait3A_1079, %dma_wait3A_1080] : memref<10000x16xf32, #tpu.memory_space<vmem_shared>> -> memref<10000x16xf32, #tpu.memory_space<vmem_shared>>
    tpu.wait_indirect_dma semaphore(%arg14 : memref<!tpu.dma_semaphore, #tpu.memory_space<semaphore_mem>>) src(%arg9 : memref<128x16xf32, #tpu.memory_space<vmem>>) dst(%dma_wait3A_1081 : memref<10000x16xf32, #tpu.memory_space<vmem_shared>>)
    %dma_wait3A_1082 = arith.constant 1 : i32
    %dma_wait3A_1083 = arith.constant 512 : i32
    %dma_wait3A_1084 = arith.constant 0 : i32
    %dma_wait3A_1085 = tpu.memref_slice %arg8[%dma_wait3A_1082, %dma_wait3A_1083, %dma_wait3A_1084] : memref<2x2560x16xf32, #tpu.memory_space<vmem>> -> memref<1x128x16xf32, #tpu.memory_space<vmem>>
    %dma_wait3A_1086 = tpu.memref_squeeze %dma_wait3A_1085 : memref<1x128x16xf32, #tpu.memory_space<vmem>> -> memref<128x16xf32, #tpu.memory_space<vmem>>
    %dma_wait3A_1087 = arith.constant 3072 : i32
    %dma_wait3A_1088 = tpu.memref_slice %arg7[%dma_wait3A_1087] : memref<9984xi32, #tpu.memory_space<vmem>> -> memref<128xi32, #tpu.memory_space<vmem>>
    %dma_wait3A_1089 = arith.constant 0 : i32
    %dma_wait3A_1090 = arith.constant 0 : i32
    %dma_wait3A_1091 = tpu.memref_slice %arg5[%dma_wait3A_1089, %dma_wait3A_1090] : memref<10000x16xf32, #tpu.memory_space<vmem_shared>> -> memref<10000x16xf32, #tpu.memory_space<vmem_shared>>
    tpu.wait_indirect_dma semaphore(%arg14 : memref<!tpu.dma_semaphore, #tpu.memory_space<semaphore_mem>>) src(%dma_wait3A_1086 : memref<128x16xf32, #tpu.memory_space<vmem>>) dst(%dma_wait3A_1091 : memref<10000x16xf32, #tpu.memory_space<vmem_shared>>)
    %dma_wait3A_1092 = arith.constant 3072 : i32
    %dma_wait3A_1093 = tpu.memref_slice %arg7[%dma_wait3A_1092] : memref<9984xi32, #tpu.memory_space<vmem>> -> memref<128xi32, #tpu.memory_space<vmem>>
    %dma_wait3A_1094 = arith.constant 0 : i32
    %dma_wait3A_1095 = arith.constant 0 : i32
    %dma_wait3A_1096 = tpu.memref_slice %arg6[%dma_wait3A_1094, %dma_wait3A_1095] : memref<10000x16xf32, #tpu.memory_space<vmem_shared>> -> memref<10000x16xf32, #tpu.memory_space<vmem_shared>>
    tpu.wait_indirect_dma semaphore(%arg14 : memref<!tpu.dma_semaphore, #tpu.memory_space<semaphore_mem>>) src(%arg9 : memref<128x16xf32, #tpu.memory_space<vmem>>) dst(%dma_wait3A_1096 : memref<10000x16xf32, #tpu.memory_space<vmem_shared>>)
    %dma_wait3A_1097 = arith.constant 1 : i32
    %dma_wait3A_1098 = arith.constant 640 : i32
    %dma_wait3A_1099 = arith.constant 0 : i32
    %dma_wait3A_1100 = tpu.memref_slice %arg8[%dma_wait3A_1097, %dma_wait3A_1098, %dma_wait3A_1099] : memref<2x2560x16xf32, #tpu.memory_space<vmem>> -> memref<1x128x16xf32, #tpu.memory_space<vmem>>
    %dma_wait3A_1101 = tpu.memref_squeeze %dma_wait3A_1100 : memref<1x128x16xf32, #tpu.memory_space<vmem>> -> memref<128x16xf32, #tpu.memory_space<vmem>>
    %dma_wait3A_1102 = arith.constant 3200 : i32
    %dma_wait3A_1103 = tpu.memref_slice %arg7[%dma_wait3A_1102] : memref<9984xi32, #tpu.memory_space<vmem>> -> memref<128xi32, #tpu.memory_space<vmem>>
    %dma_wait3A_1104 = arith.constant 0 : i32
    %dma_wait3A_1105 = arith.constant 0 : i32
    %dma_wait3A_1106 = tpu.memref_slice %arg5[%dma_wait3A_1104, %dma_wait3A_1105] : memref<10000x16xf32, #tpu.memory_space<vmem_shared>> -> memref<10000x16xf32, #tpu.memory_space<vmem_shared>>
    tpu.wait_indirect_dma semaphore(%arg14 : memref<!tpu.dma_semaphore, #tpu.memory_space<semaphore_mem>>) src(%dma_wait3A_1101 : memref<128x16xf32, #tpu.memory_space<vmem>>) dst(%dma_wait3A_1106 : memref<10000x16xf32, #tpu.memory_space<vmem_shared>>)
    %dma_wait3A_1107 = arith.constant 3200 : i32
    %dma_wait3A_1108 = tpu.memref_slice %arg7[%dma_wait3A_1107] : memref<9984xi32, #tpu.memory_space<vmem>> -> memref<128xi32, #tpu.memory_space<vmem>>
    %dma_wait3A_1109 = arith.constant 0 : i32
    %dma_wait3A_1110 = arith.constant 0 : i32
    %dma_wait3A_1111 = tpu.memref_slice %arg6[%dma_wait3A_1109, %dma_wait3A_1110] : memref<10000x16xf32, #tpu.memory_space<vmem_shared>> -> memref<10000x16xf32, #tpu.memory_space<vmem_shared>>
    tpu.wait_indirect_dma semaphore(%arg14 : memref<!tpu.dma_semaphore, #tpu.memory_space<semaphore_mem>>) src(%arg9 : memref<128x16xf32, #tpu.memory_space<vmem>>) dst(%dma_wait3A_1111 : memref<10000x16xf32, #tpu.memory_space<vmem_shared>>)
    %dma_wait3A_1112 = arith.constant 1 : i32
    %dma_wait3A_1113 = arith.constant 768 : i32
    %dma_wait3A_1114 = arith.constant 0 : i32
    %dma_wait3A_1115 = tpu.memref_slice %arg8[%dma_wait3A_1112, %dma_wait3A_1113, %dma_wait3A_1114] : memref<2x2560x16xf32, #tpu.memory_space<vmem>> -> memref<1x128x16xf32, #tpu.memory_space<vmem>>
    %dma_wait3A_1116 = tpu.memref_squeeze %dma_wait3A_1115 : memref<1x128x16xf32, #tpu.memory_space<vmem>> -> memref<128x16xf32, #tpu.memory_space<vmem>>
    %dma_wait3A_1117 = arith.constant 3328 : i32
    %dma_wait3A_1118 = tpu.memref_slice %arg7[%dma_wait3A_1117] : memref<9984xi32, #tpu.memory_space<vmem>> -> memref<128xi32, #tpu.memory_space<vmem>>
    %dma_wait3A_1119 = arith.constant 0 : i32
    %dma_wait3A_1120 = arith.constant 0 : i32
    %dma_wait3A_1121 = tpu.memref_slice %arg5[%dma_wait3A_1119, %dma_wait3A_1120] : memref<10000x16xf32, #tpu.memory_space<vmem_shared>> -> memref<10000x16xf32, #tpu.memory_space<vmem_shared>>
    tpu.wait_indirect_dma semaphore(%arg14 : memref<!tpu.dma_semaphore, #tpu.memory_space<semaphore_mem>>) src(%dma_wait3A_1116 : memref<128x16xf32, #tpu.memory_space<vmem>>) dst(%dma_wait3A_1121 : memref<10000x16xf32, #tpu.memory_space<vmem_shared>>)
    %dma_wait3A_1122 = arith.constant 3328 : i32
    %dma_wait3A_1123 = tpu.memref_slice %arg7[%dma_wait3A_1122] : memref<9984xi32, #tpu.memory_space<vmem>> -> memref<128xi32, #tpu.memory_space<vmem>>
    %dma_wait3A_1124 = arith.constant 0 : i32
    %dma_wait3A_1125 = arith.constant 0 : i32
    %dma_wait3A_1126 = tpu.memref_slice %arg6[%dma_wait3A_1124, %dma_wait3A_1125] : memref<10000x16xf32, #tpu.memory_space<vmem_shared>> -> memref<10000x16xf32, #tpu.memory_space<vmem_shared>>
    tpu.wait_indirect_dma semaphore(%arg14 : memref<!tpu.dma_semaphore, #tpu.memory_space<semaphore_mem>>) src(%arg9 : memref<128x16xf32, #tpu.memory_space<vmem>>) dst(%dma_wait3A_1126 : memref<10000x16xf32, #tpu.memory_space<vmem_shared>>)
    %dma_wait3A_1127 = arith.constant 1 : i32
    %dma_wait3A_1128 = arith.constant 896 : i32
    %dma_wait3A_1129 = arith.constant 0 : i32
    %dma_wait3A_1130 = tpu.memref_slice %arg8[%dma_wait3A_1127, %dma_wait3A_1128, %dma_wait3A_1129] : memref<2x2560x16xf32, #tpu.memory_space<vmem>> -> memref<1x128x16xf32, #tpu.memory_space<vmem>>
    %dma_wait3A_1131 = tpu.memref_squeeze %dma_wait3A_1130 : memref<1x128x16xf32, #tpu.memory_space<vmem>> -> memref<128x16xf32, #tpu.memory_space<vmem>>
    %dma_wait3A_1132 = arith.constant 3456 : i32
    %dma_wait3A_1133 = tpu.memref_slice %arg7[%dma_wait3A_1132] : memref<9984xi32, #tpu.memory_space<vmem>> -> memref<128xi32, #tpu.memory_space<vmem>>
    %dma_wait3A_1134 = arith.constant 0 : i32
    %dma_wait3A_1135 = arith.constant 0 : i32
    %dma_wait3A_1136 = tpu.memref_slice %arg5[%dma_wait3A_1134, %dma_wait3A_1135] : memref<10000x16xf32, #tpu.memory_space<vmem_shared>> -> memref<10000x16xf32, #tpu.memory_space<vmem_shared>>
    tpu.wait_indirect_dma semaphore(%arg14 : memref<!tpu.dma_semaphore, #tpu.memory_space<semaphore_mem>>) src(%dma_wait3A_1131 : memref<128x16xf32, #tpu.memory_space<vmem>>) dst(%dma_wait3A_1136 : memref<10000x16xf32, #tpu.memory_space<vmem_shared>>)
    %dma_wait3A_1137 = arith.constant 3456 : i32
    %dma_wait3A_1138 = tpu.memref_slice %arg7[%dma_wait3A_1137] : memref<9984xi32, #tpu.memory_space<vmem>> -> memref<128xi32, #tpu.memory_space<vmem>>
    %dma_wait3A_1139 = arith.constant 0 : i32
    %dma_wait3A_1140 = arith.constant 0 : i32
    %dma_wait3A_1141 = tpu.memref_slice %arg6[%dma_wait3A_1139, %dma_wait3A_1140] : memref<10000x16xf32, #tpu.memory_space<vmem_shared>> -> memref<10000x16xf32, #tpu.memory_space<vmem_shared>>
    tpu.wait_indirect_dma semaphore(%arg14 : memref<!tpu.dma_semaphore, #tpu.memory_space<semaphore_mem>>) src(%arg9 : memref<128x16xf32, #tpu.memory_space<vmem>>) dst(%dma_wait3A_1141 : memref<10000x16xf32, #tpu.memory_space<vmem_shared>>)
    %dma_wait3A_1142 = arith.constant 1 : i32
    %dma_wait3A_1143 = arith.constant 1024 : i32
    %dma_wait3A_1144 = arith.constant 0 : i32
    %dma_wait3A_1145 = tpu.memref_slice %arg8[%dma_wait3A_1142, %dma_wait3A_1143, %dma_wait3A_1144] : memref<2x2560x16xf32, #tpu.memory_space<vmem>> -> memref<1x128x16xf32, #tpu.memory_space<vmem>>
    %dma_wait3A_1146 = tpu.memref_squeeze %dma_wait3A_1145 : memref<1x128x16xf32, #tpu.memory_space<vmem>> -> memref<128x16xf32, #tpu.memory_space<vmem>>
    %dma_wait3A_1147 = arith.constant 3584 : i32
    %dma_wait3A_1148 = tpu.memref_slice %arg7[%dma_wait3A_1147] : memref<9984xi32, #tpu.memory_space<vmem>> -> memref<128xi32, #tpu.memory_space<vmem>>
    %dma_wait3A_1149 = arith.constant 0 : i32
    %dma_wait3A_1150 = arith.constant 0 : i32
    %dma_wait3A_1151 = tpu.memref_slice %arg5[%dma_wait3A_1149, %dma_wait3A_1150] : memref<10000x16xf32, #tpu.memory_space<vmem_shared>> -> memref<10000x16xf32, #tpu.memory_space<vmem_shared>>
    tpu.wait_indirect_dma semaphore(%arg14 : memref<!tpu.dma_semaphore, #tpu.memory_space<semaphore_mem>>) src(%dma_wait3A_1146 : memref<128x16xf32, #tpu.memory_space<vmem>>) dst(%dma_wait3A_1151 : memref<10000x16xf32, #tpu.memory_space<vmem_shared>>)
    %dma_wait3A_1152 = arith.constant 3584 : i32
    %dma_wait3A_1153 = tpu.memref_slice %arg7[%dma_wait3A_1152] : memref<9984xi32, #tpu.memory_space<vmem>> -> memref<128xi32, #tpu.memory_space<vmem>>
    %dma_wait3A_1154 = arith.constant 0 : i32
    %dma_wait3A_1155 = arith.constant 0 : i32
    %dma_wait3A_1156 = tpu.memref_slice %arg6[%dma_wait3A_1154, %dma_wait3A_1155] : memref<10000x16xf32, #tpu.memory_space<vmem_shared>> -> memref<10000x16xf32, #tpu.memory_space<vmem_shared>>
    tpu.wait_indirect_dma semaphore(%arg14 : memref<!tpu.dma_semaphore, #tpu.memory_space<semaphore_mem>>) src(%arg9 : memref<128x16xf32, #tpu.memory_space<vmem>>) dst(%dma_wait3A_1156 : memref<10000x16xf32, #tpu.memory_space<vmem_shared>>)
    %dma_wait3A_1157 = arith.constant 1 : i32
    %dma_wait3A_1158 = arith.constant 1152 : i32
    %dma_wait3A_1159 = arith.constant 0 : i32
    %dma_wait3A_1160 = tpu.memref_slice %arg8[%dma_wait3A_1157, %dma_wait3A_1158, %dma_wait3A_1159] : memref<2x2560x16xf32, #tpu.memory_space<vmem>> -> memref<1x128x16xf32, #tpu.memory_space<vmem>>
    %dma_wait3A_1161 = tpu.memref_squeeze %dma_wait3A_1160 : memref<1x128x16xf32, #tpu.memory_space<vmem>> -> memref<128x16xf32, #tpu.memory_space<vmem>>
    %dma_wait3A_1162 = arith.constant 3712 : i32
    %dma_wait3A_1163 = tpu.memref_slice %arg7[%dma_wait3A_1162] : memref<9984xi32, #tpu.memory_space<vmem>> -> memref<128xi32, #tpu.memory_space<vmem>>
    %dma_wait3A_1164 = arith.constant 0 : i32
    %dma_wait3A_1165 = arith.constant 0 : i32
    %dma_wait3A_1166 = tpu.memref_slice %arg5[%dma_wait3A_1164, %dma_wait3A_1165] : memref<10000x16xf32, #tpu.memory_space<vmem_shared>> -> memref<10000x16xf32, #tpu.memory_space<vmem_shared>>
    tpu.wait_indirect_dma semaphore(%arg14 : memref<!tpu.dma_semaphore, #tpu.memory_space<semaphore_mem>>) src(%dma_wait3A_1161 : memref<128x16xf32, #tpu.memory_space<vmem>>) dst(%dma_wait3A_1166 : memref<10000x16xf32, #tpu.memory_space<vmem_shared>>)
    %dma_wait3A_1167 = arith.constant 3712 : i32
    %dma_wait3A_1168 = tpu.memref_slice %arg7[%dma_wait3A_1167] : memref<9984xi32, #tpu.memory_space<vmem>> -> memref<128xi32, #tpu.memory_space<vmem>>
    %dma_wait3A_1169 = arith.constant 0 : i32
    %dma_wait3A_1170 = arith.constant 0 : i32
    %dma_wait3A_1171 = tpu.memref_slice %arg6[%dma_wait3A_1169, %dma_wait3A_1170] : memref<10000x16xf32, #tpu.memory_space<vmem_shared>> -> memref<10000x16xf32, #tpu.memory_space<vmem_shared>>
    tpu.wait_indirect_dma semaphore(%arg14 : memref<!tpu.dma_semaphore, #tpu.memory_space<semaphore_mem>>) src(%arg9 : memref<128x16xf32, #tpu.memory_space<vmem>>) dst(%dma_wait3A_1171 : memref<10000x16xf32, #tpu.memory_space<vmem_shared>>)
    %dma_wait3A_1172 = arith.constant 1 : i32
    %dma_wait3A_1173 = arith.constant 1280 : i32
    %dma_wait3A_1174 = arith.constant 0 : i32
    %dma_wait3A_1175 = tpu.memref_slice %arg8[%dma_wait3A_1172, %dma_wait3A_1173, %dma_wait3A_1174] : memref<2x2560x16xf32, #tpu.memory_space<vmem>> -> memref<1x128x16xf32, #tpu.memory_space<vmem>>
    %dma_wait3A_1176 = tpu.memref_squeeze %dma_wait3A_1175 : memref<1x128x16xf32, #tpu.memory_space<vmem>> -> memref<128x16xf32, #tpu.memory_space<vmem>>
    %dma_wait3A_1177 = arith.constant 3840 : i32
    %dma_wait3A_1178 = tpu.memref_slice %arg7[%dma_wait3A_1177] : memref<9984xi32, #tpu.memory_space<vmem>> -> memref<128xi32, #tpu.memory_space<vmem>>
    %dma_wait3A_1179 = arith.constant 0 : i32
    %dma_wait3A_1180 = arith.constant 0 : i32
    %dma_wait3A_1181 = tpu.memref_slice %arg5[%dma_wait3A_1179, %dma_wait3A_1180] : memref<10000x16xf32, #tpu.memory_space<vmem_shared>> -> memref<10000x16xf32, #tpu.memory_space<vmem_shared>>
    tpu.wait_indirect_dma semaphore(%arg14 : memref<!tpu.dma_semaphore, #tpu.memory_space<semaphore_mem>>) src(%dma_wait3A_1176 : memref<128x16xf32, #tpu.memory_space<vmem>>) dst(%dma_wait3A_1181 : memref<10000x16xf32, #tpu.memory_space<vmem_shared>>)
    %dma_wait3A_1182 = arith.constant 3840 : i32
    %dma_wait3A_1183 = tpu.memref_slice %arg7[%dma_wait3A_1182] : memref<9984xi32, #tpu.memory_space<vmem>> -> memref<128xi32, #tpu.memory_space<vmem>>
    %dma_wait3A_1184 = arith.constant 0 : i32
    %dma_wait3A_1185 = arith.constant 0 : i32
    %dma_wait3A_1186 = tpu.memref_slice %arg6[%dma_wait3A_1184, %dma_wait3A_1185] : memref<10000x16xf32, #tpu.memory_space<vmem_shared>> -> memref<10000x16xf32, #tpu.memory_space<vmem_shared>>
    tpu.wait_indirect_dma semaphore(%arg14 : memref<!tpu.dma_semaphore, #tpu.memory_space<semaphore_mem>>) src(%arg9 : memref<128x16xf32, #tpu.memory_space<vmem>>) dst(%dma_wait3A_1186 : memref<10000x16xf32, #tpu.memory_space<vmem_shared>>)
    %dma_wait3A_1187 = arith.constant 1 : i32
    %dma_wait3A_1188 = arith.constant 1408 : i32
    %dma_wait3A_1189 = arith.constant 0 : i32
    %dma_wait3A_1190 = tpu.memref_slice %arg8[%dma_wait3A_1187, %dma_wait3A_1188, %dma_wait3A_1189] : memref<2x2560x16xf32, #tpu.memory_space<vmem>> -> memref<1x128x16xf32, #tpu.memory_space<vmem>>
    %dma_wait3A_1191 = tpu.memref_squeeze %dma_wait3A_1190 : memref<1x128x16xf32, #tpu.memory_space<vmem>> -> memref<128x16xf32, #tpu.memory_space<vmem>>
    %dma_wait3A_1192 = arith.constant 3968 : i32
    %dma_wait3A_1193 = tpu.memref_slice %arg7[%dma_wait3A_1192] : memref<9984xi32, #tpu.memory_space<vmem>> -> memref<128xi32, #tpu.memory_space<vmem>>
    %dma_wait3A_1194 = arith.constant 0 : i32
    %dma_wait3A_1195 = arith.constant 0 : i32
    %dma_wait3A_1196 = tpu.memref_slice %arg5[%dma_wait3A_1194, %dma_wait3A_1195] : memref<10000x16xf32, #tpu.memory_space<vmem_shared>> -> memref<10000x16xf32, #tpu.memory_space<vmem_shared>>
    tpu.wait_indirect_dma semaphore(%arg14 : memref<!tpu.dma_semaphore, #tpu.memory_space<semaphore_mem>>) src(%dma_wait3A_1191 : memref<128x16xf32, #tpu.memory_space<vmem>>) dst(%dma_wait3A_1196 : memref<10000x16xf32, #tpu.memory_space<vmem_shared>>)
    %dma_wait3A_1197 = arith.constant 3968 : i32
    %dma_wait3A_1198 = tpu.memref_slice %arg7[%dma_wait3A_1197] : memref<9984xi32, #tpu.memory_space<vmem>> -> memref<128xi32, #tpu.memory_space<vmem>>
    %dma_wait3A_1199 = arith.constant 0 : i32
    %dma_wait3A_1200 = arith.constant 0 : i32
    %dma_wait3A_1201 = tpu.memref_slice %arg6[%dma_wait3A_1199, %dma_wait3A_1200] : memref<10000x16xf32, #tpu.memory_space<vmem_shared>> -> memref<10000x16xf32, #tpu.memory_space<vmem_shared>>
    tpu.wait_indirect_dma semaphore(%arg14 : memref<!tpu.dma_semaphore, #tpu.memory_space<semaphore_mem>>) src(%arg9 : memref<128x16xf32, #tpu.memory_space<vmem>>) dst(%dma_wait3A_1201 : memref<10000x16xf32, #tpu.memory_space<vmem_shared>>)
    %dma_wait3A_1202 = arith.constant 1 : i32
    %dma_wait3A_1203 = arith.constant 1536 : i32
    %dma_wait3A_1204 = arith.constant 0 : i32
    %dma_wait3A_1205 = tpu.memref_slice %arg8[%dma_wait3A_1202, %dma_wait3A_1203, %dma_wait3A_1204] : memref<2x2560x16xf32, #tpu.memory_space<vmem>> -> memref<1x128x16xf32, #tpu.memory_space<vmem>>
    %dma_wait3A_1206 = tpu.memref_squeeze %dma_wait3A_1205 : memref<1x128x16xf32, #tpu.memory_space<vmem>> -> memref<128x16xf32, #tpu.memory_space<vmem>>
    %dma_wait3A_1207 = arith.constant 4096 : i32
    %dma_wait3A_1208 = tpu.memref_slice %arg7[%dma_wait3A_1207] : memref<9984xi32, #tpu.memory_space<vmem>> -> memref<128xi32, #tpu.memory_space<vmem>>
    %dma_wait3A_1209 = arith.constant 0 : i32
    %dma_wait3A_1210 = arith.constant 0 : i32
    %dma_wait3A_1211 = tpu.memref_slice %arg5[%dma_wait3A_1209, %dma_wait3A_1210] : memref<10000x16xf32, #tpu.memory_space<vmem_shared>> -> memref<10000x16xf32, #tpu.memory_space<vmem_shared>>
    tpu.wait_indirect_dma semaphore(%arg14 : memref<!tpu.dma_semaphore, #tpu.memory_space<semaphore_mem>>) src(%dma_wait3A_1206 : memref<128x16xf32, #tpu.memory_space<vmem>>) dst(%dma_wait3A_1211 : memref<10000x16xf32, #tpu.memory_space<vmem_shared>>)
    %dma_wait3A_1212 = arith.constant 4096 : i32
    %dma_wait3A_1213 = tpu.memref_slice %arg7[%dma_wait3A_1212] : memref<9984xi32, #tpu.memory_space<vmem>> -> memref<128xi32, #tpu.memory_space<vmem>>
    %dma_wait3A_1214 = arith.constant 0 : i32
    %dma_wait3A_1215 = arith.constant 0 : i32
    %dma_wait3A_1216 = tpu.memref_slice %arg6[%dma_wait3A_1214, %dma_wait3A_1215] : memref<10000x16xf32, #tpu.memory_space<vmem_shared>> -> memref<10000x16xf32, #tpu.memory_space<vmem_shared>>
    tpu.wait_indirect_dma semaphore(%arg14 : memref<!tpu.dma_semaphore, #tpu.memory_space<semaphore_mem>>) src(%arg9 : memref<128x16xf32, #tpu.memory_space<vmem>>) dst(%dma_wait3A_1216 : memref<10000x16xf32, #tpu.memory_space<vmem_shared>>)
    %dma_wait3A_1217 = arith.constant 1 : i32
    %dma_wait3A_1218 = arith.constant 1664 : i32
    %dma_wait3A_1219 = arith.constant 0 : i32
    %dma_wait3A_1220 = tpu.memref_slice %arg8[%dma_wait3A_1217, %dma_wait3A_1218, %dma_wait3A_1219] : memref<2x2560x16xf32, #tpu.memory_space<vmem>> -> memref<1x128x16xf32, #tpu.memory_space<vmem>>
    %dma_wait3A_1221 = tpu.memref_squeeze %dma_wait3A_1220 : memref<1x128x16xf32, #tpu.memory_space<vmem>> -> memref<128x16xf32, #tpu.memory_space<vmem>>
    %dma_wait3A_1222 = arith.constant 4224 : i32
    %dma_wait3A_1223 = tpu.memref_slice %arg7[%dma_wait3A_1222] : memref<9984xi32, #tpu.memory_space<vmem>> -> memref<128xi32, #tpu.memory_space<vmem>>
    %dma_wait3A_1224 = arith.constant 0 : i32
    %dma_wait3A_1225 = arith.constant 0 : i32
    %dma_wait3A_1226 = tpu.memref_slice %arg5[%dma_wait3A_1224, %dma_wait3A_1225] : memref<10000x16xf32, #tpu.memory_space<vmem_shared>> -> memref<10000x16xf32, #tpu.memory_space<vmem_shared>>
    tpu.wait_indirect_dma semaphore(%arg14 : memref<!tpu.dma_semaphore, #tpu.memory_space<semaphore_mem>>) src(%dma_wait3A_1221 : memref<128x16xf32, #tpu.memory_space<vmem>>) dst(%dma_wait3A_1226 : memref<10000x16xf32, #tpu.memory_space<vmem_shared>>)
    %dma_wait3A_1227 = arith.constant 4224 : i32
    %dma_wait3A_1228 = tpu.memref_slice %arg7[%dma_wait3A_1227] : memref<9984xi32, #tpu.memory_space<vmem>> -> memref<128xi32, #tpu.memory_space<vmem>>
    %dma_wait3A_1229 = arith.constant 0 : i32
    %dma_wait3A_1230 = arith.constant 0 : i32
    %dma_wait3A_1231 = tpu.memref_slice %arg6[%dma_wait3A_1229, %dma_wait3A_1230] : memref<10000x16xf32, #tpu.memory_space<vmem_shared>> -> memref<10000x16xf32, #tpu.memory_space<vmem_shared>>
    tpu.wait_indirect_dma semaphore(%arg14 : memref<!tpu.dma_semaphore, #tpu.memory_space<semaphore_mem>>) src(%arg9 : memref<128x16xf32, #tpu.memory_space<vmem>>) dst(%dma_wait3A_1231 : memref<10000x16xf32, #tpu.memory_space<vmem_shared>>)
    %dma_wait3A_1232 = arith.constant 1 : i32
    %dma_wait3A_1233 = arith.constant 1792 : i32
    %dma_wait3A_1234 = arith.constant 0 : i32
    %dma_wait3A_1235 = tpu.memref_slice %arg8[%dma_wait3A_1232, %dma_wait3A_1233, %dma_wait3A_1234] : memref<2x2560x16xf32, #tpu.memory_space<vmem>> -> memref<1x128x16xf32, #tpu.memory_space<vmem>>
    %dma_wait3A_1236 = tpu.memref_squeeze %dma_wait3A_1235 : memref<1x128x16xf32, #tpu.memory_space<vmem>> -> memref<128x16xf32, #tpu.memory_space<vmem>>
    %dma_wait3A_1237 = arith.constant 4352 : i32
    %dma_wait3A_1238 = tpu.memref_slice %arg7[%dma_wait3A_1237] : memref<9984xi32, #tpu.memory_space<vmem>> -> memref<128xi32, #tpu.memory_space<vmem>>
    %dma_wait3A_1239 = arith.constant 0 : i32
    %dma_wait3A_1240 = arith.constant 0 : i32
    %dma_wait3A_1241 = tpu.memref_slice %arg5[%dma_wait3A_1239, %dma_wait3A_1240] : memref<10000x16xf32, #tpu.memory_space<vmem_shared>> -> memref<10000x16xf32, #tpu.memory_space<vmem_shared>>
    tpu.wait_indirect_dma semaphore(%arg14 : memref<!tpu.dma_semaphore, #tpu.memory_space<semaphore_mem>>) src(%dma_wait3A_1236 : memref<128x16xf32, #tpu.memory_space<vmem>>) dst(%dma_wait3A_1241 : memref<10000x16xf32, #tpu.memory_space<vmem_shared>>)
    %dma_wait3A_1242 = arith.constant 4352 : i32
    %dma_wait3A_1243 = tpu.memref_slice %arg7[%dma_wait3A_1242] : memref<9984xi32, #tpu.memory_space<vmem>> -> memref<128xi32, #tpu.memory_space<vmem>>
    %dma_wait3A_1244 = arith.constant 0 : i32
    %dma_wait3A_1245 = arith.constant 0 : i32
    %dma_wait3A_1246 = tpu.memref_slice %arg6[%dma_wait3A_1244, %dma_wait3A_1245] : memref<10000x16xf32, #tpu.memory_space<vmem_shared>> -> memref<10000x16xf32, #tpu.memory_space<vmem_shared>>
    tpu.wait_indirect_dma semaphore(%arg14 : memref<!tpu.dma_semaphore, #tpu.memory_space<semaphore_mem>>) src(%arg9 : memref<128x16xf32, #tpu.memory_space<vmem>>) dst(%dma_wait3A_1246 : memref<10000x16xf32, #tpu.memory_space<vmem_shared>>)
    %dma_wait3A_1247 = arith.constant 1 : i32
    %dma_wait3A_1248 = arith.constant 1920 : i32
    %dma_wait3A_1249 = arith.constant 0 : i32
    %dma_wait3A_1250 = tpu.memref_slice %arg8[%dma_wait3A_1247, %dma_wait3A_1248, %dma_wait3A_1249] : memref<2x2560x16xf32, #tpu.memory_space<vmem>> -> memref<1x128x16xf32, #tpu.memory_space<vmem>>
    %dma_wait3A_1251 = tpu.memref_squeeze %dma_wait3A_1250 : memref<1x128x16xf32, #tpu.memory_space<vmem>> -> memref<128x16xf32, #tpu.memory_space<vmem>>
    %dma_wait3A_1252 = arith.constant 4480 : i32
    %dma_wait3A_1253 = tpu.memref_slice %arg7[%dma_wait3A_1252] : memref<9984xi32, #tpu.memory_space<vmem>> -> memref<128xi32, #tpu.memory_space<vmem>>
    %dma_wait3A_1254 = arith.constant 0 : i32
    %dma_wait3A_1255 = arith.constant 0 : i32
    %dma_wait3A_1256 = tpu.memref_slice %arg5[%dma_wait3A_1254, %dma_wait3A_1255] : memref<10000x16xf32, #tpu.memory_space<vmem_shared>> -> memref<10000x16xf32, #tpu.memory_space<vmem_shared>>
    tpu.wait_indirect_dma semaphore(%arg14 : memref<!tpu.dma_semaphore, #tpu.memory_space<semaphore_mem>>) src(%dma_wait3A_1251 : memref<128x16xf32, #tpu.memory_space<vmem>>) dst(%dma_wait3A_1256 : memref<10000x16xf32, #tpu.memory_space<vmem_shared>>)
    %dma_wait3A_1257 = arith.constant 4480 : i32
    %dma_wait3A_1258 = tpu.memref_slice %arg7[%dma_wait3A_1257] : memref<9984xi32, #tpu.memory_space<vmem>> -> memref<128xi32, #tpu.memory_space<vmem>>
    %dma_wait3A_1259 = arith.constant 0 : i32
    %dma_wait3A_1260 = arith.constant 0 : i32
    %dma_wait3A_1261 = tpu.memref_slice %arg6[%dma_wait3A_1259, %dma_wait3A_1260] : memref<10000x16xf32, #tpu.memory_space<vmem_shared>> -> memref<10000x16xf32, #tpu.memory_space<vmem_shared>>
    tpu.wait_indirect_dma semaphore(%arg14 : memref<!tpu.dma_semaphore, #tpu.memory_space<semaphore_mem>>) src(%arg9 : memref<128x16xf32, #tpu.memory_space<vmem>>) dst(%dma_wait3A_1261 : memref<10000x16xf32, #tpu.memory_space<vmem_shared>>)
    %dma_wait3A_1262 = arith.constant 1 : i32
    %dma_wait3A_1263 = arith.constant 2048 : i32
    %dma_wait3A_1264 = arith.constant 0 : i32
    %dma_wait3A_1265 = tpu.memref_slice %arg8[%dma_wait3A_1262, %dma_wait3A_1263, %dma_wait3A_1264] : memref<2x2560x16xf32, #tpu.memory_space<vmem>> -> memref<1x128x16xf32, #tpu.memory_space<vmem>>
    %dma_wait3A_1266 = tpu.memref_squeeze %dma_wait3A_1265 : memref<1x128x16xf32, #tpu.memory_space<vmem>> -> memref<128x16xf32, #tpu.memory_space<vmem>>
    %dma_wait3A_1267 = arith.constant 4608 : i32
    %dma_wait3A_1268 = tpu.memref_slice %arg7[%dma_wait3A_1267] : memref<9984xi32, #tpu.memory_space<vmem>> -> memref<128xi32, #tpu.memory_space<vmem>>
    %dma_wait3A_1269 = arith.constant 0 : i32
    %dma_wait3A_1270 = arith.constant 0 : i32
    %dma_wait3A_1271 = tpu.memref_slice %arg5[%dma_wait3A_1269, %dma_wait3A_1270] : memref<10000x16xf32, #tpu.memory_space<vmem_shared>> -> memref<10000x16xf32, #tpu.memory_space<vmem_shared>>
    tpu.wait_indirect_dma semaphore(%arg14 : memref<!tpu.dma_semaphore, #tpu.memory_space<semaphore_mem>>) src(%dma_wait3A_1266 : memref<128x16xf32, #tpu.memory_space<vmem>>) dst(%dma_wait3A_1271 : memref<10000x16xf32, #tpu.memory_space<vmem_shared>>)
    %dma_wait3A_1272 = arith.constant 4608 : i32
    %dma_wait3A_1273 = tpu.memref_slice %arg7[%dma_wait3A_1272] : memref<9984xi32, #tpu.memory_space<vmem>> -> memref<128xi32, #tpu.memory_space<vmem>>
    %dma_wait3A_1274 = arith.constant 0 : i32
    %dma_wait3A_1275 = arith.constant 0 : i32
    %dma_wait3A_1276 = tpu.memref_slice %arg6[%dma_wait3A_1274, %dma_wait3A_1275] : memref<10000x16xf32, #tpu.memory_space<vmem_shared>> -> memref<10000x16xf32, #tpu.memory_space<vmem_shared>>
    tpu.wait_indirect_dma semaphore(%arg14 : memref<!tpu.dma_semaphore, #tpu.memory_space<semaphore_mem>>) src(%arg9 : memref<128x16xf32, #tpu.memory_space<vmem>>) dst(%dma_wait3A_1276 : memref<10000x16xf32, #tpu.memory_space<vmem_shared>>)
    %dma_wait3A_1277 = arith.constant 1 : i32
    %dma_wait3A_1278 = arith.constant 2176 : i32
    %dma_wait3A_1279 = arith.constant 0 : i32
    %dma_wait3A_1280 = tpu.memref_slice %arg8[%dma_wait3A_1277, %dma_wait3A_1278, %dma_wait3A_1279] : memref<2x2560x16xf32, #tpu.memory_space<vmem>> -> memref<1x128x16xf32, #tpu.memory_space<vmem>>
    %dma_wait3A_1281 = tpu.memref_squeeze %dma_wait3A_1280 : memref<1x128x16xf32, #tpu.memory_space<vmem>> -> memref<128x16xf32, #tpu.memory_space<vmem>>
    %dma_wait3A_1282 = arith.constant 4736 : i32
    %dma_wait3A_1283 = tpu.memref_slice %arg7[%dma_wait3A_1282] : memref<9984xi32, #tpu.memory_space<vmem>> -> memref<128xi32, #tpu.memory_space<vmem>>
    %dma_wait3A_1284 = arith.constant 0 : i32
    %dma_wait3A_1285 = arith.constant 0 : i32
    %dma_wait3A_1286 = tpu.memref_slice %arg5[%dma_wait3A_1284, %dma_wait3A_1285] : memref<10000x16xf32, #tpu.memory_space<vmem_shared>> -> memref<10000x16xf32, #tpu.memory_space<vmem_shared>>
    tpu.wait_indirect_dma semaphore(%arg14 : memref<!tpu.dma_semaphore, #tpu.memory_space<semaphore_mem>>) src(%dma_wait3A_1281 : memref<128x16xf32, #tpu.memory_space<vmem>>) dst(%dma_wait3A_1286 : memref<10000x16xf32, #tpu.memory_space<vmem_shared>>)
    %dma_wait3A_1287 = arith.constant 4736 : i32
    %dma_wait3A_1288 = tpu.memref_slice %arg7[%dma_wait3A_1287] : memref<9984xi32, #tpu.memory_space<vmem>> -> memref<128xi32, #tpu.memory_space<vmem>>
    %dma_wait3A_1289 = arith.constant 0 : i32
    %dma_wait3A_1290 = arith.constant 0 : i32
    %dma_wait3A_1291 = tpu.memref_slice %arg6[%dma_wait3A_1289, %dma_wait3A_1290] : memref<10000x16xf32, #tpu.memory_space<vmem_shared>> -> memref<10000x16xf32, #tpu.memory_space<vmem_shared>>
    tpu.wait_indirect_dma semaphore(%arg14 : memref<!tpu.dma_semaphore, #tpu.memory_space<semaphore_mem>>) src(%arg9 : memref<128x16xf32, #tpu.memory_space<vmem>>) dst(%dma_wait3A_1291 : memref<10000x16xf32, #tpu.memory_space<vmem_shared>>)
    %dma_wait3A_1292 = arith.constant 1 : i32
    %dma_wait3A_1293 = arith.constant 2304 : i32
    %dma_wait3A_1294 = arith.constant 0 : i32
    %dma_wait3A_1295 = tpu.memref_slice %arg8[%dma_wait3A_1292, %dma_wait3A_1293, %dma_wait3A_1294] : memref<2x2560x16xf32, #tpu.memory_space<vmem>> -> memref<1x128x16xf32, #tpu.memory_space<vmem>>
    %dma_wait3A_1296 = tpu.memref_squeeze %dma_wait3A_1295 : memref<1x128x16xf32, #tpu.memory_space<vmem>> -> memref<128x16xf32, #tpu.memory_space<vmem>>
    %dma_wait3A_1297 = arith.constant 4864 : i32
    %dma_wait3A_1298 = tpu.memref_slice %arg7[%dma_wait3A_1297] : memref<9984xi32, #tpu.memory_space<vmem>> -> memref<128xi32, #tpu.memory_space<vmem>>
    %dma_wait3A_1299 = arith.constant 0 : i32
    %dma_wait3A_1300 = arith.constant 0 : i32
    %dma_wait3A_1301 = tpu.memref_slice %arg5[%dma_wait3A_1299, %dma_wait3A_1300] : memref<10000x16xf32, #tpu.memory_space<vmem_shared>> -> memref<10000x16xf32, #tpu.memory_space<vmem_shared>>
    tpu.wait_indirect_dma semaphore(%arg14 : memref<!tpu.dma_semaphore, #tpu.memory_space<semaphore_mem>>) src(%dma_wait3A_1296 : memref<128x16xf32, #tpu.memory_space<vmem>>) dst(%dma_wait3A_1301 : memref<10000x16xf32, #tpu.memory_space<vmem_shared>>)
    %dma_wait3A_1302 = arith.constant 4864 : i32
    %dma_wait3A_1303 = tpu.memref_slice %arg7[%dma_wait3A_1302] : memref<9984xi32, #tpu.memory_space<vmem>> -> memref<128xi32, #tpu.memory_space<vmem>>
    %dma_wait3A_1304 = arith.constant 0 : i32
    %dma_wait3A_1305 = arith.constant 0 : i32
    %dma_wait3A_1306 = tpu.memref_slice %arg6[%dma_wait3A_1304, %dma_wait3A_1305] : memref<10000x16xf32, #tpu.memory_space<vmem_shared>> -> memref<10000x16xf32, #tpu.memory_space<vmem_shared>>
    tpu.wait_indirect_dma semaphore(%arg14 : memref<!tpu.dma_semaphore, #tpu.memory_space<semaphore_mem>>) src(%arg9 : memref<128x16xf32, #tpu.memory_space<vmem>>) dst(%dma_wait3A_1306 : memref<10000x16xf32, #tpu.memory_space<vmem_shared>>)
    %dma_wait3A_1307 = arith.constant 1 : i32
    %dma_wait3A_1308 = arith.constant 2432 : i32
    %dma_wait3A_1309 = arith.constant 0 : i32
    %dma_wait3A_1310 = tpu.memref_slice %arg8[%dma_wait3A_1307, %dma_wait3A_1308, %dma_wait3A_1309] : memref<2x2560x16xf32, #tpu.memory_space<vmem>> -> memref<1x128x16xf32, #tpu.memory_space<vmem>>
    %dma_wait3A_1311 = tpu.memref_squeeze %dma_wait3A_1310 : memref<1x128x16xf32, #tpu.memory_space<vmem>> -> memref<128x16xf32, #tpu.memory_space<vmem>>
    %dma_wait3A_1312 = arith.constant 4992 : i32
    %dma_wait3A_1313 = tpu.memref_slice %arg7[%dma_wait3A_1312] : memref<9984xi32, #tpu.memory_space<vmem>> -> memref<128xi32, #tpu.memory_space<vmem>>
    %dma_wait3A_1314 = arith.constant 0 : i32
    %dma_wait3A_1315 = arith.constant 0 : i32
    %dma_wait3A_1316 = tpu.memref_slice %arg5[%dma_wait3A_1314, %dma_wait3A_1315] : memref<10000x16xf32, #tpu.memory_space<vmem_shared>> -> memref<10000x16xf32, #tpu.memory_space<vmem_shared>>
    tpu.wait_indirect_dma semaphore(%arg14 : memref<!tpu.dma_semaphore, #tpu.memory_space<semaphore_mem>>) src(%dma_wait3A_1311 : memref<128x16xf32, #tpu.memory_space<vmem>>) dst(%dma_wait3A_1316 : memref<10000x16xf32, #tpu.memory_space<vmem_shared>>)
    %dma_wait3A_1317 = arith.constant 4992 : i32
    %dma_wait3A_1318 = tpu.memref_slice %arg7[%dma_wait3A_1317] : memref<9984xi32, #tpu.memory_space<vmem>> -> memref<128xi32, #tpu.memory_space<vmem>>
    %dma_wait3A_1319 = arith.constant 0 : i32
    %dma_wait3A_1320 = arith.constant 0 : i32
    %dma_wait3A_1321 = tpu.memref_slice %arg6[%dma_wait3A_1319, %dma_wait3A_1320] : memref<10000x16xf32, #tpu.memory_space<vmem_shared>> -> memref<10000x16xf32, #tpu.memory_space<vmem_shared>>
    tpu.wait_indirect_dma semaphore(%arg14 : memref<!tpu.dma_semaphore, #tpu.memory_space<semaphore_mem>>) src(%arg9 : memref<128x16xf32, #tpu.memory_space<vmem>>) dst(%dma_wait3A_1321 : memref<10000x16xf32, #tpu.memory_space<vmem_shared>>)
    %mul3A_1322 = arith.constant 78 : i32
    %mul3A_1323 = arith.muli %add3A, %mul3A_1322 : i32
    %add3A_1324 = arith.constant 60 : i32
    %add3A_1325 = arith.addi %mul3A_1323, %add3A_1324 : i32
    %mul3A_1326 = arith.constant 128 : i32
    %mul3A_1327 = arith.muli %add3A_1325, %mul3A_1326 : i32
    %dma_start3A_1328 = arith.constant 1 : i32
    %dma_start3A_1329 = arith.constant 0 : i32
    %dma_start3A_1330 = arith.constant 0 : i32
    %dma_start3A_1331 = tpu.memref_slice %arg8[%dma_start3A_1328, %dma_start3A_1329, %dma_start3A_1330] : memref<2x2560x16xf32, #tpu.memory_space<vmem>> -> memref<1x2304x16xf32, #tpu.memory_space<vmem>>
    %dma_start3A_1332 = tpu.memref_squeeze %dma_start3A_1331 : memref<1x2304x16xf32, #tpu.memory_space<vmem>> -> memref<2304x16xf32, #tpu.memory_space<vmem>>
    %dma_start3A_1333 = arith.constant 0 : i32
    %dma_start3A_1334 = tpu.memref_slice %arg2[%mul3A_1327, %dma_start3A_1333] : memref<320000x16xf32, #tpu.memory_space<hbm>> -> memref<2304x16xf32, #tpu.memory_space<hbm>>
    %dma_start3A_1335 = arith.constant 0 : i32
    %dma_start3A_1336 = arith.constant 0 : i32
    %dma_start3A_1337 = tpu.memref_slice %arg8[%dma_start3A_1328, %dma_start3A_1335, %dma_start3A_1336] : memref<2x2560x16xf32, #tpu.memory_space<vmem>> -> memref<1x2304x16xf32, #tpu.memory_space<vmem>>
    %dma_start3A_1338 = tpu.memref_squeeze %dma_start3A_1337 : memref<1x2304x16xf32, #tpu.memory_space<vmem>> -> memref<2304x16xf32, #tpu.memory_space<vmem>>
    %dma_start3A_1339 = arith.constant 0 : i32
    %dma_start3A_1340 = tpu.memref_slice %arg2[%mul3A_1327, %dma_start3A_1339] : memref<320000x16xf32, #tpu.memory_space<hbm>> -> memref<2304x16xf32, #tpu.memory_space<hbm>>
    tpu.enqueue_dma source(%dma_start3A_1340 : memref<2304x16xf32, #tpu.memory_space<hbm>>) target(%dma_start3A_1338 : memref<2304x16xf32, #tpu.memory_space<vmem>>) target_semaphore(%arg13 : memref<!tpu.dma_semaphore, #tpu.memory_space<semaphore_mem>>)
    %dma_start3A_1341 = arith.constant 0 : i32
    %dma_start3A_1342 = arith.constant 0 : i32
    %dma_start3A_1343 = arith.constant 0 : i32
    %dma_start3A_1344 = tpu.memref_slice %arg8[%dma_start3A_1341, %dma_start3A_1342, %dma_start3A_1343] : memref<2x2560x16xf32, #tpu.memory_space<vmem>> -> memref<1x128x16xf32, #tpu.memory_space<vmem>>
    %dma_start3A_1345 = tpu.memref_squeeze %dma_start3A_1344 : memref<1x128x16xf32, #tpu.memory_space<vmem>> -> memref<128x16xf32, #tpu.memory_space<vmem>>
    %dma_start3A_1346 = arith.constant 5120 : i32
    %dma_start3A_1347 = tpu.memref_slice %arg7[%dma_start3A_1346] : memref<9984xi32, #tpu.memory_space<vmem>> -> memref<128xi32, #tpu.memory_space<vmem>>
    %dma_start3A_1348 = arith.constant 0 : i32
    %dma_start3A_1349 = arith.constant 0 : i32
    %dma_start3A_1350 = tpu.memref_slice %arg5[%dma_start3A_1348, %dma_start3A_1349] : memref<10000x16xf32, #tpu.memory_space<vmem_shared>> -> memref<10000x16xf32, #tpu.memory_space<vmem_shared>>
    tpu.enqueue_indirect_dma source(%dma_start3A_1345 : memref<128x16xf32, #tpu.memory_space<vmem>>) target(%dma_start3A_1350 : memref<10000x16xf32, #tpu.memory_space<vmem_shared>>) offsets(%dma_start3A_1347 : memref<128xi32, #tpu.memory_space<vmem>>) semaphore(%arg14 : memref<!tpu.dma_semaphore, #tpu.memory_space<semaphore_mem>>) {add = true}
    %dma_start3A_1351 = arith.constant 5120 : i32
    %dma_start3A_1352 = tpu.memref_slice %arg7[%dma_start3A_1351] : memref<9984xi32, #tpu.memory_space<vmem>> -> memref<128xi32, #tpu.memory_space<vmem>>
    %dma_start3A_1353 = arith.constant 0 : i32
    %dma_start3A_1354 = arith.constant 0 : i32
    %dma_start3A_1355 = tpu.memref_slice %arg6[%dma_start3A_1353, %dma_start3A_1354] : memref<10000x16xf32, #tpu.memory_space<vmem_shared>> -> memref<10000x16xf32, #tpu.memory_space<vmem_shared>>
    tpu.enqueue_indirect_dma source(%arg9 : memref<128x16xf32, #tpu.memory_space<vmem>>) target(%dma_start3A_1355 : memref<10000x16xf32, #tpu.memory_space<vmem_shared>>) offsets(%dma_start3A_1352 : memref<128xi32, #tpu.memory_space<vmem>>) semaphore(%arg14 : memref<!tpu.dma_semaphore, #tpu.memory_space<semaphore_mem>>) {add = true}
    %dma_start3A_1356 = arith.constant 0 : i32
    %dma_start3A_1357 = arith.constant 128 : i32
    %dma_start3A_1358 = arith.constant 0 : i32
    %dma_start3A_1359 = tpu.memref_slice %arg8[%dma_start3A_1356, %dma_start3A_1357, %dma_start3A_1358] : memref<2x2560x16xf32, #tpu.memory_space<vmem>> -> memref<1x128x16xf32, #tpu.memory_space<vmem>>
    %dma_start3A_1360 = tpu.memref_squeeze %dma_start3A_1359 : memref<1x128x16xf32, #tpu.memory_space<vmem>> -> memref<128x16xf32, #tpu.memory_space<vmem>>
    %dma_start3A_1361 = arith.constant 5248 : i32
    %dma_start3A_1362 = tpu.memref_slice %arg7[%dma_start3A_1361] : memref<9984xi32, #tpu.memory_space<vmem>> -> memref<128xi32, #tpu.memory_space<vmem>>
    %dma_start3A_1363 = arith.constant 0 : i32
    %dma_start3A_1364 = arith.constant 0 : i32
    %dma_start3A_1365 = tpu.memref_slice %arg5[%dma_start3A_1363, %dma_start3A_1364] : memref<10000x16xf32, #tpu.memory_space<vmem_shared>> -> memref<10000x16xf32, #tpu.memory_space<vmem_shared>>
    tpu.enqueue_indirect_dma source(%dma_start3A_1360 : memref<128x16xf32, #tpu.memory_space<vmem>>) target(%dma_start3A_1365 : memref<10000x16xf32, #tpu.memory_space<vmem_shared>>) offsets(%dma_start3A_1362 : memref<128xi32, #tpu.memory_space<vmem>>) semaphore(%arg14 : memref<!tpu.dma_semaphore, #tpu.memory_space<semaphore_mem>>) {add = true}
    %dma_start3A_1366 = arith.constant 5248 : i32
    %dma_start3A_1367 = tpu.memref_slice %arg7[%dma_start3A_1366] : memref<9984xi32, #tpu.memory_space<vmem>> -> memref<128xi32, #tpu.memory_space<vmem>>
    %dma_start3A_1368 = arith.constant 0 : i32
    %dma_start3A_1369 = arith.constant 0 : i32
    %dma_start3A_1370 = tpu.memref_slice %arg6[%dma_start3A_1368, %dma_start3A_1369] : memref<10000x16xf32, #tpu.memory_space<vmem_shared>> -> memref<10000x16xf32, #tpu.memory_space<vmem_shared>>
    tpu.enqueue_indirect_dma source(%arg9 : memref<128x16xf32, #tpu.memory_space<vmem>>) target(%dma_start3A_1370 : memref<10000x16xf32, #tpu.memory_space<vmem_shared>>) offsets(%dma_start3A_1367 : memref<128xi32, #tpu.memory_space<vmem>>) semaphore(%arg14 : memref<!tpu.dma_semaphore, #tpu.memory_space<semaphore_mem>>) {add = true}
    %dma_start3A_1371 = arith.constant 0 : i32
    %dma_start3A_1372 = arith.constant 256 : i32
    %dma_start3A_1373 = arith.constant 0 : i32
    %dma_start3A_1374 = tpu.memref_slice %arg8[%dma_start3A_1371, %dma_start3A_1372, %dma_start3A_1373] : memref<2x2560x16xf32, #tpu.memory_space<vmem>> -> memref<1x128x16xf32, #tpu.memory_space<vmem>>
    %dma_start3A_1375 = tpu.memref_squeeze %dma_start3A_1374 : memref<1x128x16xf32, #tpu.memory_space<vmem>> -> memref<128x16xf32, #tpu.memory_space<vmem>>
    %dma_start3A_1376 = arith.constant 5376 : i32
    %dma_start3A_1377 = tpu.memref_slice %arg7[%dma_start3A_1376] : memref<9984xi32, #tpu.memory_space<vmem>> -> memref<128xi32, #tpu.memory_space<vmem>>
    %dma_start3A_1378 = arith.constant 0 : i32
    %dma_start3A_1379 = arith.constant 0 : i32
    %dma_start3A_1380 = tpu.memref_slice %arg5[%dma_start3A_1378, %dma_start3A_1379] : memref<10000x16xf32, #tpu.memory_space<vmem_shared>> -> memref<10000x16xf32, #tpu.memory_space<vmem_shared>>
    tpu.enqueue_indirect_dma source(%dma_start3A_1375 : memref<128x16xf32, #tpu.memory_space<vmem>>) target(%dma_start3A_1380 : memref<10000x16xf32, #tpu.memory_space<vmem_shared>>) offsets(%dma_start3A_1377 : memref<128xi32, #tpu.memory_space<vmem>>) semaphore(%arg14 : memref<!tpu.dma_semaphore, #tpu.memory_space<semaphore_mem>>) {add = true}
    %dma_start3A_1381 = arith.constant 5376 : i32
    %dma_start3A_1382 = tpu.memref_slice %arg7[%dma_start3A_1381] : memref<9984xi32, #tpu.memory_space<vmem>> -> memref<128xi32, #tpu.memory_space<vmem>>
    %dma_start3A_1383 = arith.constant 0 : i32
    %dma_start3A_1384 = arith.constant 0 : i32
    %dma_start3A_1385 = tpu.memref_slice %arg6[%dma_start3A_1383, %dma_start3A_1384] : memref<10000x16xf32, #tpu.memory_space<vmem_shared>> -> memref<10000x16xf32, #tpu.memory_space<vmem_shared>>
    tpu.enqueue_indirect_dma source(%arg9 : memref<128x16xf32, #tpu.memory_space<vmem>>) target(%dma_start3A_1385 : memref<10000x16xf32, #tpu.memory_space<vmem_shared>>) offsets(%dma_start3A_1382 : memref<128xi32, #tpu.memory_space<vmem>>) semaphore(%arg14 : memref<!tpu.dma_semaphore, #tpu.memory_space<semaphore_mem>>) {add = true}
    %dma_start3A_1386 = arith.constant 0 : i32
    %dma_start3A_1387 = arith.constant 384 : i32
    %dma_start3A_1388 = arith.constant 0 : i32
    %dma_start3A_1389 = tpu.memref_slice %arg8[%dma_start3A_1386, %dma_start3A_1387, %dma_start3A_1388] : memref<2x2560x16xf32, #tpu.memory_space<vmem>> -> memref<1x128x16xf32, #tpu.memory_space<vmem>>
    %dma_start3A_1390 = tpu.memref_squeeze %dma_start3A_1389 : memref<1x128x16xf32, #tpu.memory_space<vmem>> -> memref<128x16xf32, #tpu.memory_space<vmem>>
    %dma_start3A_1391 = arith.constant 5504 : i32
    %dma_start3A_1392 = tpu.memref_slice %arg7[%dma_start3A_1391] : memref<9984xi32, #tpu.memory_space<vmem>> -> memref<128xi32, #tpu.memory_space<vmem>>
    %dma_start3A_1393 = arith.constant 0 : i32
    %dma_start3A_1394 = arith.constant 0 : i32
    %dma_start3A_1395 = tpu.memref_slice %arg5[%dma_start3A_1393, %dma_start3A_1394] : memref<10000x16xf32, #tpu.memory_space<vmem_shared>> -> memref<10000x16xf32, #tpu.memory_space<vmem_shared>>
    tpu.enqueue_indirect_dma source(%dma_start3A_1390 : memref<128x16xf32, #tpu.memory_space<vmem>>) target(%dma_start3A_1395 : memref<10000x16xf32, #tpu.memory_space<vmem_shared>>) offsets(%dma_start3A_1392 : memref<128xi32, #tpu.memory_space<vmem>>) semaphore(%arg14 : memref<!tpu.dma_semaphore, #tpu.memory_space<semaphore_mem>>) {add = true}
    %dma_start3A_1396 = arith.constant 5504 : i32
    %dma_start3A_1397 = tpu.memref_slice %arg7[%dma_start3A_1396] : memref<9984xi32, #tpu.memory_space<vmem>> -> memref<128xi32, #tpu.memory_space<vmem>>
    %dma_start3A_1398 = arith.constant 0 : i32
    %dma_start3A_1399 = arith.constant 0 : i32
    %dma_start3A_1400 = tpu.memref_slice %arg6[%dma_start3A_1398, %dma_start3A_1399] : memref<10000x16xf32, #tpu.memory_space<vmem_shared>> -> memref<10000x16xf32, #tpu.memory_space<vmem_shared>>
    tpu.enqueue_indirect_dma source(%arg9 : memref<128x16xf32, #tpu.memory_space<vmem>>) target(%dma_start3A_1400 : memref<10000x16xf32, #tpu.memory_space<vmem_shared>>) offsets(%dma_start3A_1397 : memref<128xi32, #tpu.memory_space<vmem>>) semaphore(%arg14 : memref<!tpu.dma_semaphore, #tpu.memory_space<semaphore_mem>>) {add = true}
    %dma_start3A_1401 = arith.constant 0 : i32
    %dma_start3A_1402 = arith.constant 512 : i32
    %dma_start3A_1403 = arith.constant 0 : i32
    %dma_start3A_1404 = tpu.memref_slice %arg8[%dma_start3A_1401, %dma_start3A_1402, %dma_start3A_1403] : memref<2x2560x16xf32, #tpu.memory_space<vmem>> -> memref<1x128x16xf32, #tpu.memory_space<vmem>>
    %dma_start3A_1405 = tpu.memref_squeeze %dma_start3A_1404 : memref<1x128x16xf32, #tpu.memory_space<vmem>> -> memref<128x16xf32, #tpu.memory_space<vmem>>
    %dma_start3A_1406 = arith.constant 5632 : i32
    %dma_start3A_1407 = tpu.memref_slice %arg7[%dma_start3A_1406] : memref<9984xi32, #tpu.memory_space<vmem>> -> memref<128xi32, #tpu.memory_space<vmem>>
    %dma_start3A_1408 = arith.constant 0 : i32
    %dma_start3A_1409 = arith.constant 0 : i32
    %dma_start3A_1410 = tpu.memref_slice %arg5[%dma_start3A_1408, %dma_start3A_1409] : memref<10000x16xf32, #tpu.memory_space<vmem_shared>> -> memref<10000x16xf32, #tpu.memory_space<vmem_shared>>
    tpu.enqueue_indirect_dma source(%dma_start3A_1405 : memref<128x16xf32, #tpu.memory_space<vmem>>) target(%dma_start3A_1410 : memref<10000x16xf32, #tpu.memory_space<vmem_shared>>) offsets(%dma_start3A_1407 : memref<128xi32, #tpu.memory_space<vmem>>) semaphore(%arg14 : memref<!tpu.dma_semaphore, #tpu.memory_space<semaphore_mem>>) {add = true}
    %dma_start3A_1411 = arith.constant 5632 : i32
    %dma_start3A_1412 = tpu.memref_slice %arg7[%dma_start3A_1411] : memref<9984xi32, #tpu.memory_space<vmem>> -> memref<128xi32, #tpu.memory_space<vmem>>
    %dma_start3A_1413 = arith.constant 0 : i32
    %dma_start3A_1414 = arith.constant 0 : i32
    %dma_start3A_1415 = tpu.memref_slice %arg6[%dma_start3A_1413, %dma_start3A_1414] : memref<10000x16xf32, #tpu.memory_space<vmem_shared>> -> memref<10000x16xf32, #tpu.memory_space<vmem_shared>>
    tpu.enqueue_indirect_dma source(%arg9 : memref<128x16xf32, #tpu.memory_space<vmem>>) target(%dma_start3A_1415 : memref<10000x16xf32, #tpu.memory_space<vmem_shared>>) offsets(%dma_start3A_1412 : memref<128xi32, #tpu.memory_space<vmem>>) semaphore(%arg14 : memref<!tpu.dma_semaphore, #tpu.memory_space<semaphore_mem>>) {add = true}
    %dma_start3A_1416 = arith.constant 0 : i32
    %dma_start3A_1417 = arith.constant 640 : i32
    %dma_start3A_1418 = arith.constant 0 : i32
    %dma_start3A_1419 = tpu.memref_slice %arg8[%dma_start3A_1416, %dma_start3A_1417, %dma_start3A_1418] : memref<2x2560x16xf32, #tpu.memory_space<vmem>> -> memref<1x128x16xf32, #tpu.memory_space<vmem>>
    %dma_start3A_1420 = tpu.memref_squeeze %dma_start3A_1419 : memref<1x128x16xf32, #tpu.memory_space<vmem>> -> memref<128x16xf32, #tpu.memory_space<vmem>>
    %dma_start3A_1421 = arith.constant 5760 : i32
    %dma_start3A_1422 = tpu.memref_slice %arg7[%dma_start3A_1421] : memref<9984xi32, #tpu.memory_space<vmem>> -> memref<128xi32, #tpu.memory_space<vmem>>
    %dma_start3A_1423 = arith.constant 0 : i32
    %dma_start3A_1424 = arith.constant 0 : i32
    %dma_start3A_1425 = tpu.memref_slice %arg5[%dma_start3A_1423, %dma_start3A_1424] : memref<10000x16xf32, #tpu.memory_space<vmem_shared>> -> memref<10000x16xf32, #tpu.memory_space<vmem_shared>>
    tpu.enqueue_indirect_dma source(%dma_start3A_1420 : memref<128x16xf32, #tpu.memory_space<vmem>>) target(%dma_start3A_1425 : memref<10000x16xf32, #tpu.memory_space<vmem_shared>>) offsets(%dma_start3A_1422 : memref<128xi32, #tpu.memory_space<vmem>>) semaphore(%arg14 : memref<!tpu.dma_semaphore, #tpu.memory_space<semaphore_mem>>) {add = true}
    %dma_start3A_1426 = arith.constant 5760 : i32
    %dma_start3A_1427 = tpu.memref_slice %arg7[%dma_start3A_1426] : memref<9984xi32, #tpu.memory_space<vmem>> -> memref<128xi32, #tpu.memory_space<vmem>>
    %dma_start3A_1428 = arith.constant 0 : i32
    %dma_start3A_1429 = arith.constant 0 : i32
    %dma_start3A_1430 = tpu.memref_slice %arg6[%dma_start3A_1428, %dma_start3A_1429] : memref<10000x16xf32, #tpu.memory_space<vmem_shared>> -> memref<10000x16xf32, #tpu.memory_space<vmem_shared>>
    tpu.enqueue_indirect_dma source(%arg9 : memref<128x16xf32, #tpu.memory_space<vmem>>) target(%dma_start3A_1430 : memref<10000x16xf32, #tpu.memory_space<vmem_shared>>) offsets(%dma_start3A_1427 : memref<128xi32, #tpu.memory_space<vmem>>) semaphore(%arg14 : memref<!tpu.dma_semaphore, #tpu.memory_space<semaphore_mem>>) {add = true}
    %dma_start3A_1431 = arith.constant 0 : i32
    %dma_start3A_1432 = arith.constant 768 : i32
    %dma_start3A_1433 = arith.constant 0 : i32
    %dma_start3A_1434 = tpu.memref_slice %arg8[%dma_start3A_1431, %dma_start3A_1432, %dma_start3A_1433] : memref<2x2560x16xf32, #tpu.memory_space<vmem>> -> memref<1x128x16xf32, #tpu.memory_space<vmem>>
    %dma_start3A_1435 = tpu.memref_squeeze %dma_start3A_1434 : memref<1x128x16xf32, #tpu.memory_space<vmem>> -> memref<128x16xf32, #tpu.memory_space<vmem>>
    %dma_start3A_1436 = arith.constant 5888 : i32
    %dma_start3A_1437 = tpu.memref_slice %arg7[%dma_start3A_1436] : memref<9984xi32, #tpu.memory_space<vmem>> -> memref<128xi32, #tpu.memory_space<vmem>>
    %dma_start3A_1438 = arith.constant 0 : i32
    %dma_start3A_1439 = arith.constant 0 : i32
    %dma_start3A_1440 = tpu.memref_slice %arg5[%dma_start3A_1438, %dma_start3A_1439] : memref<10000x16xf32, #tpu.memory_space<vmem_shared>> -> memref<10000x16xf32, #tpu.memory_space<vmem_shared>>
    tpu.enqueue_indirect_dma source(%dma_start3A_1435 : memref<128x16xf32, #tpu.memory_space<vmem>>) target(%dma_start3A_1440 : memref<10000x16xf32, #tpu.memory_space<vmem_shared>>) offsets(%dma_start3A_1437 : memref<128xi32, #tpu.memory_space<vmem>>) semaphore(%arg14 : memref<!tpu.dma_semaphore, #tpu.memory_space<semaphore_mem>>) {add = true}
    %dma_start3A_1441 = arith.constant 5888 : i32
    %dma_start3A_1442 = tpu.memref_slice %arg7[%dma_start3A_1441] : memref<9984xi32, #tpu.memory_space<vmem>> -> memref<128xi32, #tpu.memory_space<vmem>>
    %dma_start3A_1443 = arith.constant 0 : i32
    %dma_start3A_1444 = arith.constant 0 : i32
    %dma_start3A_1445 = tpu.memref_slice %arg6[%dma_start3A_1443, %dma_start3A_1444] : memref<10000x16xf32, #tpu.memory_space<vmem_shared>> -> memref<10000x16xf32, #tpu.memory_space<vmem_shared>>
    tpu.enqueue_indirect_dma source(%arg9 : memref<128x16xf32, #tpu.memory_space<vmem>>) target(%dma_start3A_1445 : memref<10000x16xf32, #tpu.memory_space<vmem_shared>>) offsets(%dma_start3A_1442 : memref<128xi32, #tpu.memory_space<vmem>>) semaphore(%arg14 : memref<!tpu.dma_semaphore, #tpu.memory_space<semaphore_mem>>) {add = true}
    %dma_start3A_1446 = arith.constant 0 : i32
    %dma_start3A_1447 = arith.constant 896 : i32
    %dma_start3A_1448 = arith.constant 0 : i32
    %dma_start3A_1449 = tpu.memref_slice %arg8[%dma_start3A_1446, %dma_start3A_1447, %dma_start3A_1448] : memref<2x2560x16xf32, #tpu.memory_space<vmem>> -> memref<1x128x16xf32, #tpu.memory_space<vmem>>
    %dma_start3A_1450 = tpu.memref_squeeze %dma_start3A_1449 : memref<1x128x16xf32, #tpu.memory_space<vmem>> -> memref<128x16xf32, #tpu.memory_space<vmem>>
    %dma_start3A_1451 = arith.constant 6016 : i32
    %dma_start3A_1452 = tpu.memref_slice %arg7[%dma_start3A_1451] : memref<9984xi32, #tpu.memory_space<vmem>> -> memref<128xi32, #tpu.memory_space<vmem>>
    %dma_start3A_1453 = arith.constant 0 : i32
    %dma_start3A_1454 = arith.constant 0 : i32
    %dma_start3A_1455 = tpu.memref_slice %arg5[%dma_start3A_1453, %dma_start3A_1454] : memref<10000x16xf32, #tpu.memory_space<vmem_shared>> -> memref<10000x16xf32, #tpu.memory_space<vmem_shared>>
    tpu.enqueue_indirect_dma source(%dma_start3A_1450 : memref<128x16xf32, #tpu.memory_space<vmem>>) target(%dma_start3A_1455 : memref<10000x16xf32, #tpu.memory_space<vmem_shared>>) offsets(%dma_start3A_1452 : memref<128xi32, #tpu.memory_space<vmem>>) semaphore(%arg14 : memref<!tpu.dma_semaphore, #tpu.memory_space<semaphore_mem>>) {add = true}
    %dma_start3A_1456 = arith.constant 6016 : i32
    %dma_start3A_1457 = tpu.memref_slice %arg7[%dma_start3A_1456] : memref<9984xi32, #tpu.memory_space<vmem>> -> memref<128xi32, #tpu.memory_space<vmem>>
    %dma_start3A_1458 = arith.constant 0 : i32
    %dma_start3A_1459 = arith.constant 0 : i32
    %dma_start3A_1460 = tpu.memref_slice %arg6[%dma_start3A_1458, %dma_start3A_1459] : memref<10000x16xf32, #tpu.memory_space<vmem_shared>> -> memref<10000x16xf32, #tpu.memory_space<vmem_shared>>
    tpu.enqueue_indirect_dma source(%arg9 : memref<128x16xf32, #tpu.memory_space<vmem>>) target(%dma_start3A_1460 : memref<10000x16xf32, #tpu.memory_space<vmem_shared>>) offsets(%dma_start3A_1457 : memref<128xi32, #tpu.memory_space<vmem>>) semaphore(%arg14 : memref<!tpu.dma_semaphore, #tpu.memory_space<semaphore_mem>>) {add = true}
    %dma_start3A_1461 = arith.constant 0 : i32
    %dma_start3A_1462 = arith.constant 1024 : i32
    %dma_start3A_1463 = arith.constant 0 : i32
    %dma_start3A_1464 = tpu.memref_slice %arg8[%dma_start3A_1461, %dma_start3A_1462, %dma_start3A_1463] : memref<2x2560x16xf32, #tpu.memory_space<vmem>> -> memref<1x128x16xf32, #tpu.memory_space<vmem>>
    %dma_start3A_1465 = tpu.memref_squeeze %dma_start3A_1464 : memref<1x128x16xf32, #tpu.memory_space<vmem>> -> memref<128x16xf32, #tpu.memory_space<vmem>>
    %dma_start3A_1466 = arith.constant 6144 : i32
    %dma_start3A_1467 = tpu.memref_slice %arg7[%dma_start3A_1466] : memref<9984xi32, #tpu.memory_space<vmem>> -> memref<128xi32, #tpu.memory_space<vmem>>
    %dma_start3A_1468 = arith.constant 0 : i32
    %dma_start3A_1469 = arith.constant 0 : i32
    %dma_start3A_1470 = tpu.memref_slice %arg5[%dma_start3A_1468, %dma_start3A_1469] : memref<10000x16xf32, #tpu.memory_space<vmem_shared>> -> memref<10000x16xf32, #tpu.memory_space<vmem_shared>>
    tpu.enqueue_indirect_dma source(%dma_start3A_1465 : memref<128x16xf32, #tpu.memory_space<vmem>>) target(%dma_start3A_1470 : memref<10000x16xf32, #tpu.memory_space<vmem_shared>>) offsets(%dma_start3A_1467 : memref<128xi32, #tpu.memory_space<vmem>>) semaphore(%arg14 : memref<!tpu.dma_semaphore, #tpu.memory_space<semaphore_mem>>) {add = true}
    %dma_start3A_1471 = arith.constant 6144 : i32
    %dma_start3A_1472 = tpu.memref_slice %arg7[%dma_start3A_1471] : memref<9984xi32, #tpu.memory_space<vmem>> -> memref<128xi32, #tpu.memory_space<vmem>>
    %dma_start3A_1473 = arith.constant 0 : i32
    %dma_start3A_1474 = arith.constant 0 : i32
    %dma_start3A_1475 = tpu.memref_slice %arg6[%dma_start3A_1473, %dma_start3A_1474] : memref<10000x16xf32, #tpu.memory_space<vmem_shared>> -> memref<10000x16xf32, #tpu.memory_space<vmem_shared>>
    tpu.enqueue_indirect_dma source(%arg9 : memref<128x16xf32, #tpu.memory_space<vmem>>) target(%dma_start3A_1475 : memref<10000x16xf32, #tpu.memory_space<vmem_shared>>) offsets(%dma_start3A_1472 : memref<128xi32, #tpu.memory_space<vmem>>) semaphore(%arg14 : memref<!tpu.dma_semaphore, #tpu.memory_space<semaphore_mem>>) {add = true}
    %dma_start3A_1476 = arith.constant 0 : i32
    %dma_start3A_1477 = arith.constant 1152 : i32
    %dma_start3A_1478 = arith.constant 0 : i32
    %dma_start3A_1479 = tpu.memref_slice %arg8[%dma_start3A_1476, %dma_start3A_1477, %dma_start3A_1478] : memref<2x2560x16xf32, #tpu.memory_space<vmem>> -> memref<1x128x16xf32, #tpu.memory_space<vmem>>
    %dma_start3A_1480 = tpu.memref_squeeze %dma_start3A_1479 : memref<1x128x16xf32, #tpu.memory_space<vmem>> -> memref<128x16xf32, #tpu.memory_space<vmem>>
    %dma_start3A_1481 = arith.constant 6272 : i32
    %dma_start3A_1482 = tpu.memref_slice %arg7[%dma_start3A_1481] : memref<9984xi32, #tpu.memory_space<vmem>> -> memref<128xi32, #tpu.memory_space<vmem>>
    %dma_start3A_1483 = arith.constant 0 : i32
    %dma_start3A_1484 = arith.constant 0 : i32
    %dma_start3A_1485 = tpu.memref_slice %arg5[%dma_start3A_1483, %dma_start3A_1484] : memref<10000x16xf32, #tpu.memory_space<vmem_shared>> -> memref<10000x16xf32, #tpu.memory_space<vmem_shared>>
    tpu.enqueue_indirect_dma source(%dma_start3A_1480 : memref<128x16xf32, #tpu.memory_space<vmem>>) target(%dma_start3A_1485 : memref<10000x16xf32, #tpu.memory_space<vmem_shared>>) offsets(%dma_start3A_1482 : memref<128xi32, #tpu.memory_space<vmem>>) semaphore(%arg14 : memref<!tpu.dma_semaphore, #tpu.memory_space<semaphore_mem>>) {add = true}
    %dma_start3A_1486 = arith.constant 6272 : i32
    %dma_start3A_1487 = tpu.memref_slice %arg7[%dma_start3A_1486] : memref<9984xi32, #tpu.memory_space<vmem>> -> memref<128xi32, #tpu.memory_space<vmem>>
    %dma_start3A_1488 = arith.constant 0 : i32
    %dma_start3A_1489 = arith.constant 0 : i32
    %dma_start3A_1490 = tpu.memref_slice %arg6[%dma_start3A_1488, %dma_start3A_1489] : memref<10000x16xf32, #tpu.memory_space<vmem_shared>> -> memref<10000x16xf32, #tpu.memory_space<vmem_shared>>
    tpu.enqueue_indirect_dma source(%arg9 : memref<128x16xf32, #tpu.memory_space<vmem>>) target(%dma_start3A_1490 : memref<10000x16xf32, #tpu.memory_space<vmem_shared>>) offsets(%dma_start3A_1487 : memref<128xi32, #tpu.memory_space<vmem>>) semaphore(%arg14 : memref<!tpu.dma_semaphore, #tpu.memory_space<semaphore_mem>>) {add = true}
    %dma_start3A_1491 = arith.constant 0 : i32
    %dma_start3A_1492 = arith.constant 1280 : i32
    %dma_start3A_1493 = arith.constant 0 : i32
    %dma_start3A_1494 = tpu.memref_slice %arg8[%dma_start3A_1491, %dma_start3A_1492, %dma_start3A_1493] : memref<2x2560x16xf32, #tpu.memory_space<vmem>> -> memref<1x128x16xf32, #tpu.memory_space<vmem>>
    %dma_start3A_1495 = tpu.memref_squeeze %dma_start3A_1494 : memref<1x128x16xf32, #tpu.memory_space<vmem>> -> memref<128x16xf32, #tpu.memory_space<vmem>>
    %dma_start3A_1496 = arith.constant 6400 : i32
    %dma_start3A_1497 = tpu.memref_slice %arg7[%dma_start3A_1496] : memref<9984xi32, #tpu.memory_space<vmem>> -> memref<128xi32, #tpu.memory_space<vmem>>
    %dma_start3A_1498 = arith.constant 0 : i32
    %dma_start3A_1499 = arith.constant 0 : i32
    %dma_start3A_1500 = tpu.memref_slice %arg5[%dma_start3A_1498, %dma_start3A_1499] : memref<10000x16xf32, #tpu.memory_space<vmem_shared>> -> memref<10000x16xf32, #tpu.memory_space<vmem_shared>>
    tpu.enqueue_indirect_dma source(%dma_start3A_1495 : memref<128x16xf32, #tpu.memory_space<vmem>>) target(%dma_start3A_1500 : memref<10000x16xf32, #tpu.memory_space<vmem_shared>>) offsets(%dma_start3A_1497 : memref<128xi32, #tpu.memory_space<vmem>>) semaphore(%arg14 : memref<!tpu.dma_semaphore, #tpu.memory_space<semaphore_mem>>) {add = true}
    %dma_start3A_1501 = arith.constant 6400 : i32
    %dma_start3A_1502 = tpu.memref_slice %arg7[%dma_start3A_1501] : memref<9984xi32, #tpu.memory_space<vmem>> -> memref<128xi32, #tpu.memory_space<vmem>>
    %dma_start3A_1503 = arith.constant 0 : i32
    %dma_start3A_1504 = arith.constant 0 : i32
    %dma_start3A_1505 = tpu.memref_slice %arg6[%dma_start3A_1503, %dma_start3A_1504] : memref<10000x16xf32, #tpu.memory_space<vmem_shared>> -> memref<10000x16xf32, #tpu.memory_space<vmem_shared>>
    tpu.enqueue_indirect_dma source(%arg9 : memref<128x16xf32, #tpu.memory_space<vmem>>) target(%dma_start3A_1505 : memref<10000x16xf32, #tpu.memory_space<vmem_shared>>) offsets(%dma_start3A_1502 : memref<128xi32, #tpu.memory_space<vmem>>) semaphore(%arg14 : memref<!tpu.dma_semaphore, #tpu.memory_space<semaphore_mem>>) {add = true}
    %dma_start3A_1506 = arith.constant 0 : i32
    %dma_start3A_1507 = arith.constant 1408 : i32
    %dma_start3A_1508 = arith.constant 0 : i32
    %dma_start3A_1509 = tpu.memref_slice %arg8[%dma_start3A_1506, %dma_start3A_1507, %dma_start3A_1508] : memref<2x2560x16xf32, #tpu.memory_space<vmem>> -> memref<1x128x16xf32, #tpu.memory_space<vmem>>
    %dma_start3A_1510 = tpu.memref_squeeze %dma_start3A_1509 : memref<1x128x16xf32, #tpu.memory_space<vmem>> -> memref<128x16xf32, #tpu.memory_space<vmem>>
    %dma_start3A_1511 = arith.constant 6528 : i32
    %dma_start3A_1512 = tpu.memref_slice %arg7[%dma_start3A_1511] : memref<9984xi32, #tpu.memory_space<vmem>> -> memref<128xi32, #tpu.memory_space<vmem>>
    %dma_start3A_1513 = arith.constant 0 : i32
    %dma_start3A_1514 = arith.constant 0 : i32
    %dma_start3A_1515 = tpu.memref_slice %arg5[%dma_start3A_1513, %dma_start3A_1514] : memref<10000x16xf32, #tpu.memory_space<vmem_shared>> -> memref<10000x16xf32, #tpu.memory_space<vmem_shared>>
    tpu.enqueue_indirect_dma source(%dma_start3A_1510 : memref<128x16xf32, #tpu.memory_space<vmem>>) target(%dma_start3A_1515 : memref<10000x16xf32, #tpu.memory_space<vmem_shared>>) offsets(%dma_start3A_1512 : memref<128xi32, #tpu.memory_space<vmem>>) semaphore(%arg14 : memref<!tpu.dma_semaphore, #tpu.memory_space<semaphore_mem>>) {add = true}
    %dma_start3A_1516 = arith.constant 6528 : i32
    %dma_start3A_1517 = tpu.memref_slice %arg7[%dma_start3A_1516] : memref<9984xi32, #tpu.memory_space<vmem>> -> memref<128xi32, #tpu.memory_space<vmem>>
    %dma_start3A_1518 = arith.constant 0 : i32
    %dma_start3A_1519 = arith.constant 0 : i32
    %dma_start3A_1520 = tpu.memref_slice %arg6[%dma_start3A_1518, %dma_start3A_1519] : memref<10000x16xf32, #tpu.memory_space<vmem_shared>> -> memref<10000x16xf32, #tpu.memory_space<vmem_shared>>
    tpu.enqueue_indirect_dma source(%arg9 : memref<128x16xf32, #tpu.memory_space<vmem>>) target(%dma_start3A_1520 : memref<10000x16xf32, #tpu.memory_space<vmem_shared>>) offsets(%dma_start3A_1517 : memref<128xi32, #tpu.memory_space<vmem>>) semaphore(%arg14 : memref<!tpu.dma_semaphore, #tpu.memory_space<semaphore_mem>>) {add = true}
    %dma_start3A_1521 = arith.constant 0 : i32
    %dma_start3A_1522 = arith.constant 1536 : i32
    %dma_start3A_1523 = arith.constant 0 : i32
    %dma_start3A_1524 = tpu.memref_slice %arg8[%dma_start3A_1521, %dma_start3A_1522, %dma_start3A_1523] : memref<2x2560x16xf32, #tpu.memory_space<vmem>> -> memref<1x128x16xf32, #tpu.memory_space<vmem>>
    %dma_start3A_1525 = tpu.memref_squeeze %dma_start3A_1524 : memref<1x128x16xf32, #tpu.memory_space<vmem>> -> memref<128x16xf32, #tpu.memory_space<vmem>>
    %dma_start3A_1526 = arith.constant 6656 : i32
    %dma_start3A_1527 = tpu.memref_slice %arg7[%dma_start3A_1526] : memref<9984xi32, #tpu.memory_space<vmem>> -> memref<128xi32, #tpu.memory_space<vmem>>
    %dma_start3A_1528 = arith.constant 0 : i32
    %dma_start3A_1529 = arith.constant 0 : i32
    %dma_start3A_1530 = tpu.memref_slice %arg5[%dma_start3A_1528, %dma_start3A_1529] : memref<10000x16xf32, #tpu.memory_space<vmem_shared>> -> memref<10000x16xf32, #tpu.memory_space<vmem_shared>>
    tpu.enqueue_indirect_dma source(%dma_start3A_1525 : memref<128x16xf32, #tpu.memory_space<vmem>>) target(%dma_start3A_1530 : memref<10000x16xf32, #tpu.memory_space<vmem_shared>>) offsets(%dma_start3A_1527 : memref<128xi32, #tpu.memory_space<vmem>>) semaphore(%arg14 : memref<!tpu.dma_semaphore, #tpu.memory_space<semaphore_mem>>) {add = true}
    %dma_start3A_1531 = arith.constant 6656 : i32
    %dma_start3A_1532 = tpu.memref_slice %arg7[%dma_start3A_1531] : memref<9984xi32, #tpu.memory_space<vmem>> -> memref<128xi32, #tpu.memory_space<vmem>>
    %dma_start3A_1533 = arith.constant 0 : i32
    %dma_start3A_1534 = arith.constant 0 : i32
    %dma_start3A_1535 = tpu.memref_slice %arg6[%dma_start3A_1533, %dma_start3A_1534] : memref<10000x16xf32, #tpu.memory_space<vmem_shared>> -> memref<10000x16xf32, #tpu.memory_space<vmem_shared>>
    tpu.enqueue_indirect_dma source(%arg9 : memref<128x16xf32, #tpu.memory_space<vmem>>) target(%dma_start3A_1535 : memref<10000x16xf32, #tpu.memory_space<vmem_shared>>) offsets(%dma_start3A_1532 : memref<128xi32, #tpu.memory_space<vmem>>) semaphore(%arg14 : memref<!tpu.dma_semaphore, #tpu.memory_space<semaphore_mem>>) {add = true}
    %dma_start3A_1536 = arith.constant 0 : i32
    %dma_start3A_1537 = arith.constant 1664 : i32
    %dma_start3A_1538 = arith.constant 0 : i32
    %dma_start3A_1539 = tpu.memref_slice %arg8[%dma_start3A_1536, %dma_start3A_1537, %dma_start3A_1538] : memref<2x2560x16xf32, #tpu.memory_space<vmem>> -> memref<1x128x16xf32, #tpu.memory_space<vmem>>
    %dma_start3A_1540 = tpu.memref_squeeze %dma_start3A_1539 : memref<1x128x16xf32, #tpu.memory_space<vmem>> -> memref<128x16xf32, #tpu.memory_space<vmem>>
    %dma_start3A_1541 = arith.constant 6784 : i32
    %dma_start3A_1542 = tpu.memref_slice %arg7[%dma_start3A_1541] : memref<9984xi32, #tpu.memory_space<vmem>> -> memref<128xi32, #tpu.memory_space<vmem>>
    %dma_start3A_1543 = arith.constant 0 : i32
    %dma_start3A_1544 = arith.constant 0 : i32
    %dma_start3A_1545 = tpu.memref_slice %arg5[%dma_start3A_1543, %dma_start3A_1544] : memref<10000x16xf32, #tpu.memory_space<vmem_shared>> -> memref<10000x16xf32, #tpu.memory_space<vmem_shared>>
    tpu.enqueue_indirect_dma source(%dma_start3A_1540 : memref<128x16xf32, #tpu.memory_space<vmem>>) target(%dma_start3A_1545 : memref<10000x16xf32, #tpu.memory_space<vmem_shared>>) offsets(%dma_start3A_1542 : memref<128xi32, #tpu.memory_space<vmem>>) semaphore(%arg14 : memref<!tpu.dma_semaphore, #tpu.memory_space<semaphore_mem>>) {add = true}
    %dma_start3A_1546 = arith.constant 6784 : i32
    %dma_start3A_1547 = tpu.memref_slice %arg7[%dma_start3A_1546] : memref<9984xi32, #tpu.memory_space<vmem>> -> memref<128xi32, #tpu.memory_space<vmem>>
    %dma_start3A_1548 = arith.constant 0 : i32
    %dma_start3A_1549 = arith.constant 0 : i32
    %dma_start3A_1550 = tpu.memref_slice %arg6[%dma_start3A_1548, %dma_start3A_1549] : memref<10000x16xf32, #tpu.memory_space<vmem_shared>> -> memref<10000x16xf32, #tpu.memory_space<vmem_shared>>
    tpu.enqueue_indirect_dma source(%arg9 : memref<128x16xf32, #tpu.memory_space<vmem>>) target(%dma_start3A_1550 : memref<10000x16xf32, #tpu.memory_space<vmem_shared>>) offsets(%dma_start3A_1547 : memref<128xi32, #tpu.memory_space<vmem>>) semaphore(%arg14 : memref<!tpu.dma_semaphore, #tpu.memory_space<semaphore_mem>>) {add = true}
    %dma_start3A_1551 = arith.constant 0 : i32
    %dma_start3A_1552 = arith.constant 1792 : i32
    %dma_start3A_1553 = arith.constant 0 : i32
    %dma_start3A_1554 = tpu.memref_slice %arg8[%dma_start3A_1551, %dma_start3A_1552, %dma_start3A_1553] : memref<2x2560x16xf32, #tpu.memory_space<vmem>> -> memref<1x128x16xf32, #tpu.memory_space<vmem>>
    %dma_start3A_1555 = tpu.memref_squeeze %dma_start3A_1554 : memref<1x128x16xf32, #tpu.memory_space<vmem>> -> memref<128x16xf32, #tpu.memory_space<vmem>>
    %dma_start3A_1556 = arith.constant 6912 : i32
    %dma_start3A_1557 = tpu.memref_slice %arg7[%dma_start3A_1556] : memref<9984xi32, #tpu.memory_space<vmem>> -> memref<128xi32, #tpu.memory_space<vmem>>
    %dma_start3A_1558 = arith.constant 0 : i32
    %dma_start3A_1559 = arith.constant 0 : i32
    %dma_start3A_1560 = tpu.memref_slice %arg5[%dma_start3A_1558, %dma_start3A_1559] : memref<10000x16xf32, #tpu.memory_space<vmem_shared>> -> memref<10000x16xf32, #tpu.memory_space<vmem_shared>>
    tpu.enqueue_indirect_dma source(%dma_start3A_1555 : memref<128x16xf32, #tpu.memory_space<vmem>>) target(%dma_start3A_1560 : memref<10000x16xf32, #tpu.memory_space<vmem_shared>>) offsets(%dma_start3A_1557 : memref<128xi32, #tpu.memory_space<vmem>>) semaphore(%arg14 : memref<!tpu.dma_semaphore, #tpu.memory_space<semaphore_mem>>) {add = true}
    %dma_start3A_1561 = arith.constant 6912 : i32
    %dma_start3A_1562 = tpu.memref_slice %arg7[%dma_start3A_1561] : memref<9984xi32, #tpu.memory_space<vmem>> -> memref<128xi32, #tpu.memory_space<vmem>>
    %dma_start3A_1563 = arith.constant 0 : i32
    %dma_start3A_1564 = arith.constant 0 : i32
    %dma_start3A_1565 = tpu.memref_slice %arg6[%dma_start3A_1563, %dma_start3A_1564] : memref<10000x16xf32, #tpu.memory_space<vmem_shared>> -> memref<10000x16xf32, #tpu.memory_space<vmem_shared>>
    tpu.enqueue_indirect_dma source(%arg9 : memref<128x16xf32, #tpu.memory_space<vmem>>) target(%dma_start3A_1565 : memref<10000x16xf32, #tpu.memory_space<vmem_shared>>) offsets(%dma_start3A_1562 : memref<128xi32, #tpu.memory_space<vmem>>) semaphore(%arg14 : memref<!tpu.dma_semaphore, #tpu.memory_space<semaphore_mem>>) {add = true}
    %dma_start3A_1566 = arith.constant 0 : i32
    %dma_start3A_1567 = arith.constant 1920 : i32
    %dma_start3A_1568 = arith.constant 0 : i32
    %dma_start3A_1569 = tpu.memref_slice %arg8[%dma_start3A_1566, %dma_start3A_1567, %dma_start3A_1568] : memref<2x2560x16xf32, #tpu.memory_space<vmem>> -> memref<1x128x16xf32, #tpu.memory_space<vmem>>
    %dma_start3A_1570 = tpu.memref_squeeze %dma_start3A_1569 : memref<1x128x16xf32, #tpu.memory_space<vmem>> -> memref<128x16xf32, #tpu.memory_space<vmem>>
    %dma_start3A_1571 = arith.constant 7040 : i32
    %dma_start3A_1572 = tpu.memref_slice %arg7[%dma_start3A_1571] : memref<9984xi32, #tpu.memory_space<vmem>> -> memref<128xi32, #tpu.memory_space<vmem>>
    %dma_start3A_1573 = arith.constant 0 : i32
    %dma_start3A_1574 = arith.constant 0 : i32
    %dma_start3A_1575 = tpu.memref_slice %arg5[%dma_start3A_1573, %dma_start3A_1574] : memref<10000x16xf32, #tpu.memory_space<vmem_shared>> -> memref<10000x16xf32, #tpu.memory_space<vmem_shared>>
    tpu.enqueue_indirect_dma source(%dma_start3A_1570 : memref<128x16xf32, #tpu.memory_space<vmem>>) target(%dma_start3A_1575 : memref<10000x16xf32, #tpu.memory_space<vmem_shared>>) offsets(%dma_start3A_1572 : memref<128xi32, #tpu.memory_space<vmem>>) semaphore(%arg14 : memref<!tpu.dma_semaphore, #tpu.memory_space<semaphore_mem>>) {add = true}
    %dma_start3A_1576 = arith.constant 7040 : i32
    %dma_start3A_1577 = tpu.memref_slice %arg7[%dma_start3A_1576] : memref<9984xi32, #tpu.memory_space<vmem>> -> memref<128xi32, #tpu.memory_space<vmem>>
    %dma_start3A_1578 = arith.constant 0 : i32
    %dma_start3A_1579 = arith.constant 0 : i32
    %dma_start3A_1580 = tpu.memref_slice %arg6[%dma_start3A_1578, %dma_start3A_1579] : memref<10000x16xf32, #tpu.memory_space<vmem_shared>> -> memref<10000x16xf32, #tpu.memory_space<vmem_shared>>
    tpu.enqueue_indirect_dma source(%arg9 : memref<128x16xf32, #tpu.memory_space<vmem>>) target(%dma_start3A_1580 : memref<10000x16xf32, #tpu.memory_space<vmem_shared>>) offsets(%dma_start3A_1577 : memref<128xi32, #tpu.memory_space<vmem>>) semaphore(%arg14 : memref<!tpu.dma_semaphore, #tpu.memory_space<semaphore_mem>>) {add = true}
    %dma_start3A_1581 = arith.constant 0 : i32
    %dma_start3A_1582 = arith.constant 2048 : i32
    %dma_start3A_1583 = arith.constant 0 : i32
    %dma_start3A_1584 = tpu.memref_slice %arg8[%dma_start3A_1581, %dma_start3A_1582, %dma_start3A_1583] : memref<2x2560x16xf32, #tpu.memory_space<vmem>> -> memref<1x128x16xf32, #tpu.memory_space<vmem>>
    %dma_start3A_1585 = tpu.memref_squeeze %dma_start3A_1584 : memref<1x128x16xf32, #tpu.memory_space<vmem>> -> memref<128x16xf32, #tpu.memory_space<vmem>>
    %dma_start3A_1586 = arith.constant 7168 : i32
    %dma_start3A_1587 = tpu.memref_slice %arg7[%dma_start3A_1586] : memref<9984xi32, #tpu.memory_space<vmem>> -> memref<128xi32, #tpu.memory_space<vmem>>
    %dma_start3A_1588 = arith.constant 0 : i32
    %dma_start3A_1589 = arith.constant 0 : i32
    %dma_start3A_1590 = tpu.memref_slice %arg5[%dma_start3A_1588, %dma_start3A_1589] : memref<10000x16xf32, #tpu.memory_space<vmem_shared>> -> memref<10000x16xf32, #tpu.memory_space<vmem_shared>>
    tpu.enqueue_indirect_dma source(%dma_start3A_1585 : memref<128x16xf32, #tpu.memory_space<vmem>>) target(%dma_start3A_1590 : memref<10000x16xf32, #tpu.memory_space<vmem_shared>>) offsets(%dma_start3A_1587 : memref<128xi32, #tpu.memory_space<vmem>>) semaphore(%arg14 : memref<!tpu.dma_semaphore, #tpu.memory_space<semaphore_mem>>) {add = true}
    %dma_start3A_1591 = arith.constant 7168 : i32
    %dma_start3A_1592 = tpu.memref_slice %arg7[%dma_start3A_1591] : memref<9984xi32, #tpu.memory_space<vmem>> -> memref<128xi32, #tpu.memory_space<vmem>>
    %dma_start3A_1593 = arith.constant 0 : i32
    %dma_start3A_1594 = arith.constant 0 : i32
    %dma_start3A_1595 = tpu.memref_slice %arg6[%dma_start3A_1593, %dma_start3A_1594] : memref<10000x16xf32, #tpu.memory_space<vmem_shared>> -> memref<10000x16xf32, #tpu.memory_space<vmem_shared>>
    tpu.enqueue_indirect_dma source(%arg9 : memref<128x16xf32, #tpu.memory_space<vmem>>) target(%dma_start3A_1595 : memref<10000x16xf32, #tpu.memory_space<vmem_shared>>) offsets(%dma_start3A_1592 : memref<128xi32, #tpu.memory_space<vmem>>) semaphore(%arg14 : memref<!tpu.dma_semaphore, #tpu.memory_space<semaphore_mem>>) {add = true}
    %dma_start3A_1596 = arith.constant 0 : i32
    %dma_start3A_1597 = arith.constant 2176 : i32
    %dma_start3A_1598 = arith.constant 0 : i32
    %dma_start3A_1599 = tpu.memref_slice %arg8[%dma_start3A_1596, %dma_start3A_1597, %dma_start3A_1598] : memref<2x2560x16xf32, #tpu.memory_space<vmem>> -> memref<1x128x16xf32, #tpu.memory_space<vmem>>
    %dma_start3A_1600 = tpu.memref_squeeze %dma_start3A_1599 : memref<1x128x16xf32, #tpu.memory_space<vmem>> -> memref<128x16xf32, #tpu.memory_space<vmem>>
    %dma_start3A_1601 = arith.constant 7296 : i32
    %dma_start3A_1602 = tpu.memref_slice %arg7[%dma_start3A_1601] : memref<9984xi32, #tpu.memory_space<vmem>> -> memref<128xi32, #tpu.memory_space<vmem>>
    %dma_start3A_1603 = arith.constant 0 : i32
    %dma_start3A_1604 = arith.constant 0 : i32
    %dma_start3A_1605 = tpu.memref_slice %arg5[%dma_start3A_1603, %dma_start3A_1604] : memref<10000x16xf32, #tpu.memory_space<vmem_shared>> -> memref<10000x16xf32, #tpu.memory_space<vmem_shared>>
    tpu.enqueue_indirect_dma source(%dma_start3A_1600 : memref<128x16xf32, #tpu.memory_space<vmem>>) target(%dma_start3A_1605 : memref<10000x16xf32, #tpu.memory_space<vmem_shared>>) offsets(%dma_start3A_1602 : memref<128xi32, #tpu.memory_space<vmem>>) semaphore(%arg14 : memref<!tpu.dma_semaphore, #tpu.memory_space<semaphore_mem>>) {add = true}
    %dma_start3A_1606 = arith.constant 7296 : i32
    %dma_start3A_1607 = tpu.memref_slice %arg7[%dma_start3A_1606] : memref<9984xi32, #tpu.memory_space<vmem>> -> memref<128xi32, #tpu.memory_space<vmem>>
    %dma_start3A_1608 = arith.constant 0 : i32
    %dma_start3A_1609 = arith.constant 0 : i32
    %dma_start3A_1610 = tpu.memref_slice %arg6[%dma_start3A_1608, %dma_start3A_1609] : memref<10000x16xf32, #tpu.memory_space<vmem_shared>> -> memref<10000x16xf32, #tpu.memory_space<vmem_shared>>
    tpu.enqueue_indirect_dma source(%arg9 : memref<128x16xf32, #tpu.memory_space<vmem>>) target(%dma_start3A_1610 : memref<10000x16xf32, #tpu.memory_space<vmem_shared>>) offsets(%dma_start3A_1607 : memref<128xi32, #tpu.memory_space<vmem>>) semaphore(%arg14 : memref<!tpu.dma_semaphore, #tpu.memory_space<semaphore_mem>>) {add = true}
    %dma_start3A_1611 = arith.constant 0 : i32
    %dma_start3A_1612 = arith.constant 2304 : i32
    %dma_start3A_1613 = arith.constant 0 : i32
    %dma_start3A_1614 = tpu.memref_slice %arg8[%dma_start3A_1611, %dma_start3A_1612, %dma_start3A_1613] : memref<2x2560x16xf32, #tpu.memory_space<vmem>> -> memref<1x128x16xf32, #tpu.memory_space<vmem>>
    %dma_start3A_1615 = tpu.memref_squeeze %dma_start3A_1614 : memref<1x128x16xf32, #tpu.memory_space<vmem>> -> memref<128x16xf32, #tpu.memory_space<vmem>>
    %dma_start3A_1616 = arith.constant 7424 : i32
    %dma_start3A_1617 = tpu.memref_slice %arg7[%dma_start3A_1616] : memref<9984xi32, #tpu.memory_space<vmem>> -> memref<128xi32, #tpu.memory_space<vmem>>
    %dma_start3A_1618 = arith.constant 0 : i32
    %dma_start3A_1619 = arith.constant 0 : i32
    %dma_start3A_1620 = tpu.memref_slice %arg5[%dma_start3A_1618, %dma_start3A_1619] : memref<10000x16xf32, #tpu.memory_space<vmem_shared>> -> memref<10000x16xf32, #tpu.memory_space<vmem_shared>>
    tpu.enqueue_indirect_dma source(%dma_start3A_1615 : memref<128x16xf32, #tpu.memory_space<vmem>>) target(%dma_start3A_1620 : memref<10000x16xf32, #tpu.memory_space<vmem_shared>>) offsets(%dma_start3A_1617 : memref<128xi32, #tpu.memory_space<vmem>>) semaphore(%arg14 : memref<!tpu.dma_semaphore, #tpu.memory_space<semaphore_mem>>) {add = true}
    %dma_start3A_1621 = arith.constant 7424 : i32
    %dma_start3A_1622 = tpu.memref_slice %arg7[%dma_start3A_1621] : memref<9984xi32, #tpu.memory_space<vmem>> -> memref<128xi32, #tpu.memory_space<vmem>>
    %dma_start3A_1623 = arith.constant 0 : i32
    %dma_start3A_1624 = arith.constant 0 : i32
    %dma_start3A_1625 = tpu.memref_slice %arg6[%dma_start3A_1623, %dma_start3A_1624] : memref<10000x16xf32, #tpu.memory_space<vmem_shared>> -> memref<10000x16xf32, #tpu.memory_space<vmem_shared>>
    tpu.enqueue_indirect_dma source(%arg9 : memref<128x16xf32, #tpu.memory_space<vmem>>) target(%dma_start3A_1625 : memref<10000x16xf32, #tpu.memory_space<vmem_shared>>) offsets(%dma_start3A_1622 : memref<128xi32, #tpu.memory_space<vmem>>) semaphore(%arg14 : memref<!tpu.dma_semaphore, #tpu.memory_space<semaphore_mem>>) {add = true}
    %dma_start3A_1626 = arith.constant 0 : i32
    %dma_start3A_1627 = arith.constant 2432 : i32
    %dma_start3A_1628 = arith.constant 0 : i32
    %dma_start3A_1629 = tpu.memref_slice %arg8[%dma_start3A_1626, %dma_start3A_1627, %dma_start3A_1628] : memref<2x2560x16xf32, #tpu.memory_space<vmem>> -> memref<1x128x16xf32, #tpu.memory_space<vmem>>
    %dma_start3A_1630 = tpu.memref_squeeze %dma_start3A_1629 : memref<1x128x16xf32, #tpu.memory_space<vmem>> -> memref<128x16xf32, #tpu.memory_space<vmem>>
    %dma_start3A_1631 = arith.constant 7552 : i32
    %dma_start3A_1632 = tpu.memref_slice %arg7[%dma_start3A_1631] : memref<9984xi32, #tpu.memory_space<vmem>> -> memref<128xi32, #tpu.memory_space<vmem>>
    %dma_start3A_1633 = arith.constant 0 : i32
    %dma_start3A_1634 = arith.constant 0 : i32
    %dma_start3A_1635 = tpu.memref_slice %arg5[%dma_start3A_1633, %dma_start3A_1634] : memref<10000x16xf32, #tpu.memory_space<vmem_shared>> -> memref<10000x16xf32, #tpu.memory_space<vmem_shared>>
    tpu.enqueue_indirect_dma source(%dma_start3A_1630 : memref<128x16xf32, #tpu.memory_space<vmem>>) target(%dma_start3A_1635 : memref<10000x16xf32, #tpu.memory_space<vmem_shared>>) offsets(%dma_start3A_1632 : memref<128xi32, #tpu.memory_space<vmem>>) semaphore(%arg14 : memref<!tpu.dma_semaphore, #tpu.memory_space<semaphore_mem>>) {add = true}
    %dma_start3A_1636 = arith.constant 7552 : i32
    %dma_start3A_1637 = tpu.memref_slice %arg7[%dma_start3A_1636] : memref<9984xi32, #tpu.memory_space<vmem>> -> memref<128xi32, #tpu.memory_space<vmem>>
    %dma_start3A_1638 = arith.constant 0 : i32
    %dma_start3A_1639 = arith.constant 0 : i32
    %dma_start3A_1640 = tpu.memref_slice %arg6[%dma_start3A_1638, %dma_start3A_1639] : memref<10000x16xf32, #tpu.memory_space<vmem_shared>> -> memref<10000x16xf32, #tpu.memory_space<vmem_shared>>
    tpu.enqueue_indirect_dma source(%arg9 : memref<128x16xf32, #tpu.memory_space<vmem>>) target(%dma_start3A_1640 : memref<10000x16xf32, #tpu.memory_space<vmem_shared>>) offsets(%dma_start3A_1637 : memref<128xi32, #tpu.memory_space<vmem>>) semaphore(%arg14 : memref<!tpu.dma_semaphore, #tpu.memory_space<semaphore_mem>>) {add = true}
    %dma_wait3A_1641 = arith.constant 1 : i32
    %dma_wait3A_1642 = arith.constant 0 : i32
    %dma_wait3A_1643 = arith.constant 0 : i32
    %dma_wait3A_1644 = tpu.memref_slice %arg8[%dma_wait3A_1641, %dma_wait3A_1642, %dma_wait3A_1643] : memref<2x2560x16xf32, #tpu.memory_space<vmem>> -> memref<1x2304x16xf32, #tpu.memory_space<vmem>>
    %dma_wait3A_1645 = tpu.memref_squeeze %dma_wait3A_1644 : memref<1x2304x16xf32, #tpu.memory_space<vmem>> -> memref<2304x16xf32, #tpu.memory_space<vmem>>
    %dma_wait3A_1646 = arith.constant 0 : i32
    %dma_wait3A_1647 = tpu.memref_slice %arg2[%mul3A_1327, %dma_wait3A_1646] : memref<320000x16xf32, #tpu.memory_space<hbm>> -> memref<2304x16xf32, #tpu.memory_space<hbm>>
    %dma_wait3A_1648 = arith.constant 0 : i32
    %dma_wait3A_1649 = arith.constant 0 : i32
    %dma_wait3A_1650 = tpu.memref_slice %arg8[%dma_wait3A_1641, %dma_wait3A_1648, %dma_wait3A_1649] : memref<2x2560x16xf32, #tpu.memory_space<vmem>> -> memref<1x2304x16xf32, #tpu.memory_space<vmem>>
    %dma_wait3A_1651 = tpu.memref_squeeze %dma_wait3A_1650 : memref<1x2304x16xf32, #tpu.memory_space<vmem>> -> memref<2304x16xf32, #tpu.memory_space<vmem>>
    %dma_wait3A_1652 = arith.constant 0 : i32
    %dma_wait3A_1653 = tpu.memref_slice %arg2[%mul3A_1327, %dma_wait3A_1652] : memref<320000x16xf32, #tpu.memory_space<hbm>> -> memref<2304x16xf32, #tpu.memory_space<hbm>>
    tpu.wait_dma2 semaphore(%arg13 : memref<!tpu.dma_semaphore, #tpu.memory_space<semaphore_mem>>) src(%dma_wait3A_1653 : memref<2304x16xf32, #tpu.memory_space<hbm>>) dst(%dma_wait3A_1651 : memref<2304x16xf32, #tpu.memory_space<vmem>>)
    %dma_start3A_1654 = arith.constant 1 : i32
    %dma_start3A_1655 = arith.constant 0 : i32
    %dma_start3A_1656 = arith.constant 0 : i32
    %dma_start3A_1657 = tpu.memref_slice %arg8[%dma_start3A_1654, %dma_start3A_1655, %dma_start3A_1656] : memref<2x2560x16xf32, #tpu.memory_space<vmem>> -> memref<1x128x16xf32, #tpu.memory_space<vmem>>
    %dma_start3A_1658 = tpu.memref_squeeze %dma_start3A_1657 : memref<1x128x16xf32, #tpu.memory_space<vmem>> -> memref<128x16xf32, #tpu.memory_space<vmem>>
    %dma_start3A_1659 = arith.constant 7680 : i32
    %dma_start3A_1660 = tpu.memref_slice %arg7[%dma_start3A_1659] : memref<9984xi32, #tpu.memory_space<vmem>> -> memref<128xi32, #tpu.memory_space<vmem>>
    %dma_start3A_1661 = arith.constant 0 : i32
    %dma_start3A_1662 = arith.constant 0 : i32
    %dma_start3A_1663 = tpu.memref_slice %arg5[%dma_start3A_1661, %dma_start3A_1662] : memref<10000x16xf32, #tpu.memory_space<vmem_shared>> -> memref<10000x16xf32, #tpu.memory_space<vmem_shared>>
    tpu.enqueue_indirect_dma source(%dma_start3A_1658 : memref<128x16xf32, #tpu.memory_space<vmem>>) target(%dma_start3A_1663 : memref<10000x16xf32, #tpu.memory_space<vmem_shared>>) offsets(%dma_start3A_1660 : memref<128xi32, #tpu.memory_space<vmem>>) semaphore(%arg14 : memref<!tpu.dma_semaphore, #tpu.memory_space<semaphore_mem>>) {add = true}
    %dma_start3A_1664 = arith.constant 7680 : i32
    %dma_start3A_1665 = tpu.memref_slice %arg7[%dma_start3A_1664] : memref<9984xi32, #tpu.memory_space<vmem>> -> memref<128xi32, #tpu.memory_space<vmem>>
    %dma_start3A_1666 = arith.constant 0 : i32
    %dma_start3A_1667 = arith.constant 0 : i32
    %dma_start3A_1668 = tpu.memref_slice %arg6[%dma_start3A_1666, %dma_start3A_1667] : memref<10000x16xf32, #tpu.memory_space<vmem_shared>> -> memref<10000x16xf32, #tpu.memory_space<vmem_shared>>
    tpu.enqueue_indirect_dma source(%arg9 : memref<128x16xf32, #tpu.memory_space<vmem>>) target(%dma_start3A_1668 : memref<10000x16xf32, #tpu.memory_space<vmem_shared>>) offsets(%dma_start3A_1665 : memref<128xi32, #tpu.memory_space<vmem>>) semaphore(%arg14 : memref<!tpu.dma_semaphore, #tpu.memory_space<semaphore_mem>>) {add = true}
    %dma_start3A_1669 = arith.constant 1 : i32
    %dma_start3A_1670 = arith.constant 128 : i32
    %dma_start3A_1671 = arith.constant 0 : i32
    %dma_start3A_1672 = tpu.memref_slice %arg8[%dma_start3A_1669, %dma_start3A_1670, %dma_start3A_1671] : memref<2x2560x16xf32, #tpu.memory_space<vmem>> -> memref<1x128x16xf32, #tpu.memory_space<vmem>>
    %dma_start3A_1673 = tpu.memref_squeeze %dma_start3A_1672 : memref<1x128x16xf32, #tpu.memory_space<vmem>> -> memref<128x16xf32, #tpu.memory_space<vmem>>
    %dma_start3A_1674 = arith.constant 7808 : i32
    %dma_start3A_1675 = tpu.memref_slice %arg7[%dma_start3A_1674] : memref<9984xi32, #tpu.memory_space<vmem>> -> memref<128xi32, #tpu.memory_space<vmem>>
    %dma_start3A_1676 = arith.constant 0 : i32
    %dma_start3A_1677 = arith.constant 0 : i32
    %dma_start3A_1678 = tpu.memref_slice %arg5[%dma_start3A_1676, %dma_start3A_1677] : memref<10000x16xf32, #tpu.memory_space<vmem_shared>> -> memref<10000x16xf32, #tpu.memory_space<vmem_shared>>
    tpu.enqueue_indirect_dma source(%dma_start3A_1673 : memref<128x16xf32, #tpu.memory_space<vmem>>) target(%dma_start3A_1678 : memref<10000x16xf32, #tpu.memory_space<vmem_shared>>) offsets(%dma_start3A_1675 : memref<128xi32, #tpu.memory_space<vmem>>) semaphore(%arg14 : memref<!tpu.dma_semaphore, #tpu.memory_space<semaphore_mem>>) {add = true}
    %dma_start3A_1679 = arith.constant 7808 : i32
    %dma_start3A_1680 = tpu.memref_slice %arg7[%dma_start3A_1679] : memref<9984xi32, #tpu.memory_space<vmem>> -> memref<128xi32, #tpu.memory_space<vmem>>
    %dma_start3A_1681 = arith.constant 0 : i32
    %dma_start3A_1682 = arith.constant 0 : i32
    %dma_start3A_1683 = tpu.memref_slice %arg6[%dma_start3A_1681, %dma_start3A_1682] : memref<10000x16xf32, #tpu.memory_space<vmem_shared>> -> memref<10000x16xf32, #tpu.memory_space<vmem_shared>>
    tpu.enqueue_indirect_dma source(%arg9 : memref<128x16xf32, #tpu.memory_space<vmem>>) target(%dma_start3A_1683 : memref<10000x16xf32, #tpu.memory_space<vmem_shared>>) offsets(%dma_start3A_1680 : memref<128xi32, #tpu.memory_space<vmem>>) semaphore(%arg14 : memref<!tpu.dma_semaphore, #tpu.memory_space<semaphore_mem>>) {add = true}
    %dma_start3A_1684 = arith.constant 1 : i32
    %dma_start3A_1685 = arith.constant 256 : i32
    %dma_start3A_1686 = arith.constant 0 : i32
    %dma_start3A_1687 = tpu.memref_slice %arg8[%dma_start3A_1684, %dma_start3A_1685, %dma_start3A_1686] : memref<2x2560x16xf32, #tpu.memory_space<vmem>> -> memref<1x128x16xf32, #tpu.memory_space<vmem>>
    %dma_start3A_1688 = tpu.memref_squeeze %dma_start3A_1687 : memref<1x128x16xf32, #tpu.memory_space<vmem>> -> memref<128x16xf32, #tpu.memory_space<vmem>>
    %dma_start3A_1689 = arith.constant 7936 : i32
    %dma_start3A_1690 = tpu.memref_slice %arg7[%dma_start3A_1689] : memref<9984xi32, #tpu.memory_space<vmem>> -> memref<128xi32, #tpu.memory_space<vmem>>
    %dma_start3A_1691 = arith.constant 0 : i32
    %dma_start3A_1692 = arith.constant 0 : i32
    %dma_start3A_1693 = tpu.memref_slice %arg5[%dma_start3A_1691, %dma_start3A_1692] : memref<10000x16xf32, #tpu.memory_space<vmem_shared>> -> memref<10000x16xf32, #tpu.memory_space<vmem_shared>>
    tpu.enqueue_indirect_dma source(%dma_start3A_1688 : memref<128x16xf32, #tpu.memory_space<vmem>>) target(%dma_start3A_1693 : memref<10000x16xf32, #tpu.memory_space<vmem_shared>>) offsets(%dma_start3A_1690 : memref<128xi32, #tpu.memory_space<vmem>>) semaphore(%arg14 : memref<!tpu.dma_semaphore, #tpu.memory_space<semaphore_mem>>) {add = true}
    %dma_start3A_1694 = arith.constant 7936 : i32
    %dma_start3A_1695 = tpu.memref_slice %arg7[%dma_start3A_1694] : memref<9984xi32, #tpu.memory_space<vmem>> -> memref<128xi32, #tpu.memory_space<vmem>>
    %dma_start3A_1696 = arith.constant 0 : i32
    %dma_start3A_1697 = arith.constant 0 : i32
    %dma_start3A_1698 = tpu.memref_slice %arg6[%dma_start3A_1696, %dma_start3A_1697] : memref<10000x16xf32, #tpu.memory_space<vmem_shared>> -> memref<10000x16xf32, #tpu.memory_space<vmem_shared>>
    tpu.enqueue_indirect_dma source(%arg9 : memref<128x16xf32, #tpu.memory_space<vmem>>) target(%dma_start3A_1698 : memref<10000x16xf32, #tpu.memory_space<vmem_shared>>) offsets(%dma_start3A_1695 : memref<128xi32, #tpu.memory_space<vmem>>) semaphore(%arg14 : memref<!tpu.dma_semaphore, #tpu.memory_space<semaphore_mem>>) {add = true}
    %dma_start3A_1699 = arith.constant 1 : i32
    %dma_start3A_1700 = arith.constant 384 : i32
    %dma_start3A_1701 = arith.constant 0 : i32
    %dma_start3A_1702 = tpu.memref_slice %arg8[%dma_start3A_1699, %dma_start3A_1700, %dma_start3A_1701] : memref<2x2560x16xf32, #tpu.memory_space<vmem>> -> memref<1x128x16xf32, #tpu.memory_space<vmem>>
    %dma_start3A_1703 = tpu.memref_squeeze %dma_start3A_1702 : memref<1x128x16xf32, #tpu.memory_space<vmem>> -> memref<128x16xf32, #tpu.memory_space<vmem>>
    %dma_start3A_1704 = arith.constant 8064 : i32
    %dma_start3A_1705 = tpu.memref_slice %arg7[%dma_start3A_1704] : memref<9984xi32, #tpu.memory_space<vmem>> -> memref<128xi32, #tpu.memory_space<vmem>>
    %dma_start3A_1706 = arith.constant 0 : i32
    %dma_start3A_1707 = arith.constant 0 : i32
    %dma_start3A_1708 = tpu.memref_slice %arg5[%dma_start3A_1706, %dma_start3A_1707] : memref<10000x16xf32, #tpu.memory_space<vmem_shared>> -> memref<10000x16xf32, #tpu.memory_space<vmem_shared>>
    tpu.enqueue_indirect_dma source(%dma_start3A_1703 : memref<128x16xf32, #tpu.memory_space<vmem>>) target(%dma_start3A_1708 : memref<10000x16xf32, #tpu.memory_space<vmem_shared>>) offsets(%dma_start3A_1705 : memref<128xi32, #tpu.memory_space<vmem>>) semaphore(%arg14 : memref<!tpu.dma_semaphore, #tpu.memory_space<semaphore_mem>>) {add = true}
    %dma_start3A_1709 = arith.constant 8064 : i32
    %dma_start3A_1710 = tpu.memref_slice %arg7[%dma_start3A_1709] : memref<9984xi32, #tpu.memory_space<vmem>> -> memref<128xi32, #tpu.memory_space<vmem>>
    %dma_start3A_1711 = arith.constant 0 : i32
    %dma_start3A_1712 = arith.constant 0 : i32
    %dma_start3A_1713 = tpu.memref_slice %arg6[%dma_start3A_1711, %dma_start3A_1712] : memref<10000x16xf32, #tpu.memory_space<vmem_shared>> -> memref<10000x16xf32, #tpu.memory_space<vmem_shared>>
    tpu.enqueue_indirect_dma source(%arg9 : memref<128x16xf32, #tpu.memory_space<vmem>>) target(%dma_start3A_1713 : memref<10000x16xf32, #tpu.memory_space<vmem_shared>>) offsets(%dma_start3A_1710 : memref<128xi32, #tpu.memory_space<vmem>>) semaphore(%arg14 : memref<!tpu.dma_semaphore, #tpu.memory_space<semaphore_mem>>) {add = true}
    %dma_start3A_1714 = arith.constant 1 : i32
    %dma_start3A_1715 = arith.constant 512 : i32
    %dma_start3A_1716 = arith.constant 0 : i32
    %dma_start3A_1717 = tpu.memref_slice %arg8[%dma_start3A_1714, %dma_start3A_1715, %dma_start3A_1716] : memref<2x2560x16xf32, #tpu.memory_space<vmem>> -> memref<1x128x16xf32, #tpu.memory_space<vmem>>
    %dma_start3A_1718 = tpu.memref_squeeze %dma_start3A_1717 : memref<1x128x16xf32, #tpu.memory_space<vmem>> -> memref<128x16xf32, #tpu.memory_space<vmem>>
    %dma_start3A_1719 = arith.constant 8192 : i32
    %dma_start3A_1720 = tpu.memref_slice %arg7[%dma_start3A_1719] : memref<9984xi32, #tpu.memory_space<vmem>> -> memref<128xi32, #tpu.memory_space<vmem>>
    %dma_start3A_1721 = arith.constant 0 : i32
    %dma_start3A_1722 = arith.constant 0 : i32
    %dma_start3A_1723 = tpu.memref_slice %arg5[%dma_start3A_1721, %dma_start3A_1722] : memref<10000x16xf32, #tpu.memory_space<vmem_shared>> -> memref<10000x16xf32, #tpu.memory_space<vmem_shared>>
    tpu.enqueue_indirect_dma source(%dma_start3A_1718 : memref<128x16xf32, #tpu.memory_space<vmem>>) target(%dma_start3A_1723 : memref<10000x16xf32, #tpu.memory_space<vmem_shared>>) offsets(%dma_start3A_1720 : memref<128xi32, #tpu.memory_space<vmem>>) semaphore(%arg14 : memref<!tpu.dma_semaphore, #tpu.memory_space<semaphore_mem>>) {add = true}
    %dma_start3A_1724 = arith.constant 8192 : i32
    %dma_start3A_1725 = tpu.memref_slice %arg7[%dma_start3A_1724] : memref<9984xi32, #tpu.memory_space<vmem>> -> memref<128xi32, #tpu.memory_space<vmem>>
    %dma_start3A_1726 = arith.constant 0 : i32
    %dma_start3A_1727 = arith.constant 0 : i32
    %dma_start3A_1728 = tpu.memref_slice %arg6[%dma_start3A_1726, %dma_start3A_1727] : memref<10000x16xf32, #tpu.memory_space<vmem_shared>> -> memref<10000x16xf32, #tpu.memory_space<vmem_shared>>
    tpu.enqueue_indirect_dma source(%arg9 : memref<128x16xf32, #tpu.memory_space<vmem>>) target(%dma_start3A_1728 : memref<10000x16xf32, #tpu.memory_space<vmem_shared>>) offsets(%dma_start3A_1725 : memref<128xi32, #tpu.memory_space<vmem>>) semaphore(%arg14 : memref<!tpu.dma_semaphore, #tpu.memory_space<semaphore_mem>>) {add = true}
    %dma_start3A_1729 = arith.constant 1 : i32
    %dma_start3A_1730 = arith.constant 640 : i32
    %dma_start3A_1731 = arith.constant 0 : i32
    %dma_start3A_1732 = tpu.memref_slice %arg8[%dma_start3A_1729, %dma_start3A_1730, %dma_start3A_1731] : memref<2x2560x16xf32, #tpu.memory_space<vmem>> -> memref<1x128x16xf32, #tpu.memory_space<vmem>>
    %dma_start3A_1733 = tpu.memref_squeeze %dma_start3A_1732 : memref<1x128x16xf32, #tpu.memory_space<vmem>> -> memref<128x16xf32, #tpu.memory_space<vmem>>
    %dma_start3A_1734 = arith.constant 8320 : i32
    %dma_start3A_1735 = tpu.memref_slice %arg7[%dma_start3A_1734] : memref<9984xi32, #tpu.memory_space<vmem>> -> memref<128xi32, #tpu.memory_space<vmem>>
    %dma_start3A_1736 = arith.constant 0 : i32
    %dma_start3A_1737 = arith.constant 0 : i32
    %dma_start3A_1738 = tpu.memref_slice %arg5[%dma_start3A_1736, %dma_start3A_1737] : memref<10000x16xf32, #tpu.memory_space<vmem_shared>> -> memref<10000x16xf32, #tpu.memory_space<vmem_shared>>
    tpu.enqueue_indirect_dma source(%dma_start3A_1733 : memref<128x16xf32, #tpu.memory_space<vmem>>) target(%dma_start3A_1738 : memref<10000x16xf32, #tpu.memory_space<vmem_shared>>) offsets(%dma_start3A_1735 : memref<128xi32, #tpu.memory_space<vmem>>) semaphore(%arg14 : memref<!tpu.dma_semaphore, #tpu.memory_space<semaphore_mem>>) {add = true}
    %dma_start3A_1739 = arith.constant 8320 : i32
    %dma_start3A_1740 = tpu.memref_slice %arg7[%dma_start3A_1739] : memref<9984xi32, #tpu.memory_space<vmem>> -> memref<128xi32, #tpu.memory_space<vmem>>
    %dma_start3A_1741 = arith.constant 0 : i32
    %dma_start3A_1742 = arith.constant 0 : i32
    %dma_start3A_1743 = tpu.memref_slice %arg6[%dma_start3A_1741, %dma_start3A_1742] : memref<10000x16xf32, #tpu.memory_space<vmem_shared>> -> memref<10000x16xf32, #tpu.memory_space<vmem_shared>>
    tpu.enqueue_indirect_dma source(%arg9 : memref<128x16xf32, #tpu.memory_space<vmem>>) target(%dma_start3A_1743 : memref<10000x16xf32, #tpu.memory_space<vmem_shared>>) offsets(%dma_start3A_1740 : memref<128xi32, #tpu.memory_space<vmem>>) semaphore(%arg14 : memref<!tpu.dma_semaphore, #tpu.memory_space<semaphore_mem>>) {add = true}
    %dma_start3A_1744 = arith.constant 1 : i32
    %dma_start3A_1745 = arith.constant 768 : i32
    %dma_start3A_1746 = arith.constant 0 : i32
    %dma_start3A_1747 = tpu.memref_slice %arg8[%dma_start3A_1744, %dma_start3A_1745, %dma_start3A_1746] : memref<2x2560x16xf32, #tpu.memory_space<vmem>> -> memref<1x128x16xf32, #tpu.memory_space<vmem>>
    %dma_start3A_1748 = tpu.memref_squeeze %dma_start3A_1747 : memref<1x128x16xf32, #tpu.memory_space<vmem>> -> memref<128x16xf32, #tpu.memory_space<vmem>>
    %dma_start3A_1749 = arith.constant 8448 : i32
    %dma_start3A_1750 = tpu.memref_slice %arg7[%dma_start3A_1749] : memref<9984xi32, #tpu.memory_space<vmem>> -> memref<128xi32, #tpu.memory_space<vmem>>
    %dma_start3A_1751 = arith.constant 0 : i32
    %dma_start3A_1752 = arith.constant 0 : i32
    %dma_start3A_1753 = tpu.memref_slice %arg5[%dma_start3A_1751, %dma_start3A_1752] : memref<10000x16xf32, #tpu.memory_space<vmem_shared>> -> memref<10000x16xf32, #tpu.memory_space<vmem_shared>>
    tpu.enqueue_indirect_dma source(%dma_start3A_1748 : memref<128x16xf32, #tpu.memory_space<vmem>>) target(%dma_start3A_1753 : memref<10000x16xf32, #tpu.memory_space<vmem_shared>>) offsets(%dma_start3A_1750 : memref<128xi32, #tpu.memory_space<vmem>>) semaphore(%arg14 : memref<!tpu.dma_semaphore, #tpu.memory_space<semaphore_mem>>) {add = true}
    %dma_start3A_1754 = arith.constant 8448 : i32
    %dma_start3A_1755 = tpu.memref_slice %arg7[%dma_start3A_1754] : memref<9984xi32, #tpu.memory_space<vmem>> -> memref<128xi32, #tpu.memory_space<vmem>>
    %dma_start3A_1756 = arith.constant 0 : i32
    %dma_start3A_1757 = arith.constant 0 : i32
    %dma_start3A_1758 = tpu.memref_slice %arg6[%dma_start3A_1756, %dma_start3A_1757] : memref<10000x16xf32, #tpu.memory_space<vmem_shared>> -> memref<10000x16xf32, #tpu.memory_space<vmem_shared>>
    tpu.enqueue_indirect_dma source(%arg9 : memref<128x16xf32, #tpu.memory_space<vmem>>) target(%dma_start3A_1758 : memref<10000x16xf32, #tpu.memory_space<vmem_shared>>) offsets(%dma_start3A_1755 : memref<128xi32, #tpu.memory_space<vmem>>) semaphore(%arg14 : memref<!tpu.dma_semaphore, #tpu.memory_space<semaphore_mem>>) {add = true}
    %dma_start3A_1759 = arith.constant 1 : i32
    %dma_start3A_1760 = arith.constant 896 : i32
    %dma_start3A_1761 = arith.constant 0 : i32
    %dma_start3A_1762 = tpu.memref_slice %arg8[%dma_start3A_1759, %dma_start3A_1760, %dma_start3A_1761] : memref<2x2560x16xf32, #tpu.memory_space<vmem>> -> memref<1x128x16xf32, #tpu.memory_space<vmem>>
    %dma_start3A_1763 = tpu.memref_squeeze %dma_start3A_1762 : memref<1x128x16xf32, #tpu.memory_space<vmem>> -> memref<128x16xf32, #tpu.memory_space<vmem>>
    %dma_start3A_1764 = arith.constant 8576 : i32
    %dma_start3A_1765 = tpu.memref_slice %arg7[%dma_start3A_1764] : memref<9984xi32, #tpu.memory_space<vmem>> -> memref<128xi32, #tpu.memory_space<vmem>>
    %dma_start3A_1766 = arith.constant 0 : i32
    %dma_start3A_1767 = arith.constant 0 : i32
    %dma_start3A_1768 = tpu.memref_slice %arg5[%dma_start3A_1766, %dma_start3A_1767] : memref<10000x16xf32, #tpu.memory_space<vmem_shared>> -> memref<10000x16xf32, #tpu.memory_space<vmem_shared>>
    tpu.enqueue_indirect_dma source(%dma_start3A_1763 : memref<128x16xf32, #tpu.memory_space<vmem>>) target(%dma_start3A_1768 : memref<10000x16xf32, #tpu.memory_space<vmem_shared>>) offsets(%dma_start3A_1765 : memref<128xi32, #tpu.memory_space<vmem>>) semaphore(%arg14 : memref<!tpu.dma_semaphore, #tpu.memory_space<semaphore_mem>>) {add = true}
    %dma_start3A_1769 = arith.constant 8576 : i32
    %dma_start3A_1770 = tpu.memref_slice %arg7[%dma_start3A_1769] : memref<9984xi32, #tpu.memory_space<vmem>> -> memref<128xi32, #tpu.memory_space<vmem>>
    %dma_start3A_1771 = arith.constant 0 : i32
    %dma_start3A_1772 = arith.constant 0 : i32
    %dma_start3A_1773 = tpu.memref_slice %arg6[%dma_start3A_1771, %dma_start3A_1772] : memref<10000x16xf32, #tpu.memory_space<vmem_shared>> -> memref<10000x16xf32, #tpu.memory_space<vmem_shared>>
    tpu.enqueue_indirect_dma source(%arg9 : memref<128x16xf32, #tpu.memory_space<vmem>>) target(%dma_start3A_1773 : memref<10000x16xf32, #tpu.memory_space<vmem_shared>>) offsets(%dma_start3A_1770 : memref<128xi32, #tpu.memory_space<vmem>>) semaphore(%arg14 : memref<!tpu.dma_semaphore, #tpu.memory_space<semaphore_mem>>) {add = true}
    %dma_start3A_1774 = arith.constant 1 : i32
    %dma_start3A_1775 = arith.constant 1024 : i32
    %dma_start3A_1776 = arith.constant 0 : i32
    %dma_start3A_1777 = tpu.memref_slice %arg8[%dma_start3A_1774, %dma_start3A_1775, %dma_start3A_1776] : memref<2x2560x16xf32, #tpu.memory_space<vmem>> -> memref<1x128x16xf32, #tpu.memory_space<vmem>>
    %dma_start3A_1778 = tpu.memref_squeeze %dma_start3A_1777 : memref<1x128x16xf32, #tpu.memory_space<vmem>> -> memref<128x16xf32, #tpu.memory_space<vmem>>
    %dma_start3A_1779 = arith.constant 8704 : i32
    %dma_start3A_1780 = tpu.memref_slice %arg7[%dma_start3A_1779] : memref<9984xi32, #tpu.memory_space<vmem>> -> memref<128xi32, #tpu.memory_space<vmem>>
    %dma_start3A_1781 = arith.constant 0 : i32
    %dma_start3A_1782 = arith.constant 0 : i32
    %dma_start3A_1783 = tpu.memref_slice %arg5[%dma_start3A_1781, %dma_start3A_1782] : memref<10000x16xf32, #tpu.memory_space<vmem_shared>> -> memref<10000x16xf32, #tpu.memory_space<vmem_shared>>
    tpu.enqueue_indirect_dma source(%dma_start3A_1778 : memref<128x16xf32, #tpu.memory_space<vmem>>) target(%dma_start3A_1783 : memref<10000x16xf32, #tpu.memory_space<vmem_shared>>) offsets(%dma_start3A_1780 : memref<128xi32, #tpu.memory_space<vmem>>) semaphore(%arg14 : memref<!tpu.dma_semaphore, #tpu.memory_space<semaphore_mem>>) {add = true}
    %dma_start3A_1784 = arith.constant 8704 : i32
    %dma_start3A_1785 = tpu.memref_slice %arg7[%dma_start3A_1784] : memref<9984xi32, #tpu.memory_space<vmem>> -> memref<128xi32, #tpu.memory_space<vmem>>
    %dma_start3A_1786 = arith.constant 0 : i32
    %dma_start3A_1787 = arith.constant 0 : i32
    %dma_start3A_1788 = tpu.memref_slice %arg6[%dma_start3A_1786, %dma_start3A_1787] : memref<10000x16xf32, #tpu.memory_space<vmem_shared>> -> memref<10000x16xf32, #tpu.memory_space<vmem_shared>>
    tpu.enqueue_indirect_dma source(%arg9 : memref<128x16xf32, #tpu.memory_space<vmem>>) target(%dma_start3A_1788 : memref<10000x16xf32, #tpu.memory_space<vmem_shared>>) offsets(%dma_start3A_1785 : memref<128xi32, #tpu.memory_space<vmem>>) semaphore(%arg14 : memref<!tpu.dma_semaphore, #tpu.memory_space<semaphore_mem>>) {add = true}
    %dma_start3A_1789 = arith.constant 1 : i32
    %dma_start3A_1790 = arith.constant 1152 : i32
    %dma_start3A_1791 = arith.constant 0 : i32
    %dma_start3A_1792 = tpu.memref_slice %arg8[%dma_start3A_1789, %dma_start3A_1790, %dma_start3A_1791] : memref<2x2560x16xf32, #tpu.memory_space<vmem>> -> memref<1x128x16xf32, #tpu.memory_space<vmem>>
    %dma_start3A_1793 = tpu.memref_squeeze %dma_start3A_1792 : memref<1x128x16xf32, #tpu.memory_space<vmem>> -> memref<128x16xf32, #tpu.memory_space<vmem>>
    %dma_start3A_1794 = arith.constant 8832 : i32
    %dma_start3A_1795 = tpu.memref_slice %arg7[%dma_start3A_1794] : memref<9984xi32, #tpu.memory_space<vmem>> -> memref<128xi32, #tpu.memory_space<vmem>>
    %dma_start3A_1796 = arith.constant 0 : i32
    %dma_start3A_1797 = arith.constant 0 : i32
    %dma_start3A_1798 = tpu.memref_slice %arg5[%dma_start3A_1796, %dma_start3A_1797] : memref<10000x16xf32, #tpu.memory_space<vmem_shared>> -> memref<10000x16xf32, #tpu.memory_space<vmem_shared>>
    tpu.enqueue_indirect_dma source(%dma_start3A_1793 : memref<128x16xf32, #tpu.memory_space<vmem>>) target(%dma_start3A_1798 : memref<10000x16xf32, #tpu.memory_space<vmem_shared>>) offsets(%dma_start3A_1795 : memref<128xi32, #tpu.memory_space<vmem>>) semaphore(%arg14 : memref<!tpu.dma_semaphore, #tpu.memory_space<semaphore_mem>>) {add = true}
    %dma_start3A_1799 = arith.constant 8832 : i32
    %dma_start3A_1800 = tpu.memref_slice %arg7[%dma_start3A_1799] : memref<9984xi32, #tpu.memory_space<vmem>> -> memref<128xi32, #tpu.memory_space<vmem>>
    %dma_start3A_1801 = arith.constant 0 : i32
    %dma_start3A_1802 = arith.constant 0 : i32
    %dma_start3A_1803 = tpu.memref_slice %arg6[%dma_start3A_1801, %dma_start3A_1802] : memref<10000x16xf32, #tpu.memory_space<vmem_shared>> -> memref<10000x16xf32, #tpu.memory_space<vmem_shared>>
    tpu.enqueue_indirect_dma source(%arg9 : memref<128x16xf32, #tpu.memory_space<vmem>>) target(%dma_start3A_1803 : memref<10000x16xf32, #tpu.memory_space<vmem_shared>>) offsets(%dma_start3A_1800 : memref<128xi32, #tpu.memory_space<vmem>>) semaphore(%arg14 : memref<!tpu.dma_semaphore, #tpu.memory_space<semaphore_mem>>) {add = true}
    %dma_start3A_1804 = arith.constant 1 : i32
    %dma_start3A_1805 = arith.constant 1280 : i32
    %dma_start3A_1806 = arith.constant 0 : i32
    %dma_start3A_1807 = tpu.memref_slice %arg8[%dma_start3A_1804, %dma_start3A_1805, %dma_start3A_1806] : memref<2x2560x16xf32, #tpu.memory_space<vmem>> -> memref<1x128x16xf32, #tpu.memory_space<vmem>>
    %dma_start3A_1808 = tpu.memref_squeeze %dma_start3A_1807 : memref<1x128x16xf32, #tpu.memory_space<vmem>> -> memref<128x16xf32, #tpu.memory_space<vmem>>
    %dma_start3A_1809 = arith.constant 8960 : i32
    %dma_start3A_1810 = tpu.memref_slice %arg7[%dma_start3A_1809] : memref<9984xi32, #tpu.memory_space<vmem>> -> memref<128xi32, #tpu.memory_space<vmem>>
    %dma_start3A_1811 = arith.constant 0 : i32
    %dma_start3A_1812 = arith.constant 0 : i32
    %dma_start3A_1813 = tpu.memref_slice %arg5[%dma_start3A_1811, %dma_start3A_1812] : memref<10000x16xf32, #tpu.memory_space<vmem_shared>> -> memref<10000x16xf32, #tpu.memory_space<vmem_shared>>
    tpu.enqueue_indirect_dma source(%dma_start3A_1808 : memref<128x16xf32, #tpu.memory_space<vmem>>) target(%dma_start3A_1813 : memref<10000x16xf32, #tpu.memory_space<vmem_shared>>) offsets(%dma_start3A_1810 : memref<128xi32, #tpu.memory_space<vmem>>) semaphore(%arg14 : memref<!tpu.dma_semaphore, #tpu.memory_space<semaphore_mem>>) {add = true}
    %dma_start3A_1814 = arith.constant 8960 : i32
    %dma_start3A_1815 = tpu.memref_slice %arg7[%dma_start3A_1814] : memref<9984xi32, #tpu.memory_space<vmem>> -> memref<128xi32, #tpu.memory_space<vmem>>
    %dma_start3A_1816 = arith.constant 0 : i32
    %dma_start3A_1817 = arith.constant 0 : i32
    %dma_start3A_1818 = tpu.memref_slice %arg6[%dma_start3A_1816, %dma_start3A_1817] : memref<10000x16xf32, #tpu.memory_space<vmem_shared>> -> memref<10000x16xf32, #tpu.memory_space<vmem_shared>>
    tpu.enqueue_indirect_dma source(%arg9 : memref<128x16xf32, #tpu.memory_space<vmem>>) target(%dma_start3A_1818 : memref<10000x16xf32, #tpu.memory_space<vmem_shared>>) offsets(%dma_start3A_1815 : memref<128xi32, #tpu.memory_space<vmem>>) semaphore(%arg14 : memref<!tpu.dma_semaphore, #tpu.memory_space<semaphore_mem>>) {add = true}
    %dma_start3A_1819 = arith.constant 1 : i32
    %dma_start3A_1820 = arith.constant 1408 : i32
    %dma_start3A_1821 = arith.constant 0 : i32
    %dma_start3A_1822 = tpu.memref_slice %arg8[%dma_start3A_1819, %dma_start3A_1820, %dma_start3A_1821] : memref<2x2560x16xf32, #tpu.memory_space<vmem>> -> memref<1x128x16xf32, #tpu.memory_space<vmem>>
    %dma_start3A_1823 = tpu.memref_squeeze %dma_start3A_1822 : memref<1x128x16xf32, #tpu.memory_space<vmem>> -> memref<128x16xf32, #tpu.memory_space<vmem>>
    %dma_start3A_1824 = arith.constant 9088 : i32
    %dma_start3A_1825 = tpu.memref_slice %arg7[%dma_start3A_1824] : memref<9984xi32, #tpu.memory_space<vmem>> -> memref<128xi32, #tpu.memory_space<vmem>>
    %dma_start3A_1826 = arith.constant 0 : i32
    %dma_start3A_1827 = arith.constant 0 : i32
    %dma_start3A_1828 = tpu.memref_slice %arg5[%dma_start3A_1826, %dma_start3A_1827] : memref<10000x16xf32, #tpu.memory_space<vmem_shared>> -> memref<10000x16xf32, #tpu.memory_space<vmem_shared>>
    tpu.enqueue_indirect_dma source(%dma_start3A_1823 : memref<128x16xf32, #tpu.memory_space<vmem>>) target(%dma_start3A_1828 : memref<10000x16xf32, #tpu.memory_space<vmem_shared>>) offsets(%dma_start3A_1825 : memref<128xi32, #tpu.memory_space<vmem>>) semaphore(%arg14 : memref<!tpu.dma_semaphore, #tpu.memory_space<semaphore_mem>>) {add = true}
    %dma_start3A_1829 = arith.constant 9088 : i32
    %dma_start3A_1830 = tpu.memref_slice %arg7[%dma_start3A_1829] : memref<9984xi32, #tpu.memory_space<vmem>> -> memref<128xi32, #tpu.memory_space<vmem>>
    %dma_start3A_1831 = arith.constant 0 : i32
    %dma_start3A_1832 = arith.constant 0 : i32
    %dma_start3A_1833 = tpu.memref_slice %arg6[%dma_start3A_1831, %dma_start3A_1832] : memref<10000x16xf32, #tpu.memory_space<vmem_shared>> -> memref<10000x16xf32, #tpu.memory_space<vmem_shared>>
    tpu.enqueue_indirect_dma source(%arg9 : memref<128x16xf32, #tpu.memory_space<vmem>>) target(%dma_start3A_1833 : memref<10000x16xf32, #tpu.memory_space<vmem_shared>>) offsets(%dma_start3A_1830 : memref<128xi32, #tpu.memory_space<vmem>>) semaphore(%arg14 : memref<!tpu.dma_semaphore, #tpu.memory_space<semaphore_mem>>) {add = true}
    %dma_start3A_1834 = arith.constant 1 : i32
    %dma_start3A_1835 = arith.constant 1536 : i32
    %dma_start3A_1836 = arith.constant 0 : i32
    %dma_start3A_1837 = tpu.memref_slice %arg8[%dma_start3A_1834, %dma_start3A_1835, %dma_start3A_1836] : memref<2x2560x16xf32, #tpu.memory_space<vmem>> -> memref<1x128x16xf32, #tpu.memory_space<vmem>>
    %dma_start3A_1838 = tpu.memref_squeeze %dma_start3A_1837 : memref<1x128x16xf32, #tpu.memory_space<vmem>> -> memref<128x16xf32, #tpu.memory_space<vmem>>
    %dma_start3A_1839 = arith.constant 9216 : i32
    %dma_start3A_1840 = tpu.memref_slice %arg7[%dma_start3A_1839] : memref<9984xi32, #tpu.memory_space<vmem>> -> memref<128xi32, #tpu.memory_space<vmem>>
    %dma_start3A_1841 = arith.constant 0 : i32
    %dma_start3A_1842 = arith.constant 0 : i32
    %dma_start3A_1843 = tpu.memref_slice %arg5[%dma_start3A_1841, %dma_start3A_1842] : memref<10000x16xf32, #tpu.memory_space<vmem_shared>> -> memref<10000x16xf32, #tpu.memory_space<vmem_shared>>
    tpu.enqueue_indirect_dma source(%dma_start3A_1838 : memref<128x16xf32, #tpu.memory_space<vmem>>) target(%dma_start3A_1843 : memref<10000x16xf32, #tpu.memory_space<vmem_shared>>) offsets(%dma_start3A_1840 : memref<128xi32, #tpu.memory_space<vmem>>) semaphore(%arg14 : memref<!tpu.dma_semaphore, #tpu.memory_space<semaphore_mem>>) {add = true}
    %dma_start3A_1844 = arith.constant 9216 : i32
    %dma_start3A_1845 = tpu.memref_slice %arg7[%dma_start3A_1844] : memref<9984xi32, #tpu.memory_space<vmem>> -> memref<128xi32, #tpu.memory_space<vmem>>
    %dma_start3A_1846 = arith.constant 0 : i32
    %dma_start3A_1847 = arith.constant 0 : i32
    %dma_start3A_1848 = tpu.memref_slice %arg6[%dma_start3A_1846, %dma_start3A_1847] : memref<10000x16xf32, #tpu.memory_space<vmem_shared>> -> memref<10000x16xf32, #tpu.memory_space<vmem_shared>>
    tpu.enqueue_indirect_dma source(%arg9 : memref<128x16xf32, #tpu.memory_space<vmem>>) target(%dma_start3A_1848 : memref<10000x16xf32, #tpu.memory_space<vmem_shared>>) offsets(%dma_start3A_1845 : memref<128xi32, #tpu.memory_space<vmem>>) semaphore(%arg14 : memref<!tpu.dma_semaphore, #tpu.memory_space<semaphore_mem>>) {add = true}
    %dma_start3A_1849 = arith.constant 1 : i32
    %dma_start3A_1850 = arith.constant 1664 : i32
    %dma_start3A_1851 = arith.constant 0 : i32
    %dma_start3A_1852 = tpu.memref_slice %arg8[%dma_start3A_1849, %dma_start3A_1850, %dma_start3A_1851] : memref<2x2560x16xf32, #tpu.memory_space<vmem>> -> memref<1x128x16xf32, #tpu.memory_space<vmem>>
    %dma_start3A_1853 = tpu.memref_squeeze %dma_start3A_1852 : memref<1x128x16xf32, #tpu.memory_space<vmem>> -> memref<128x16xf32, #tpu.memory_space<vmem>>
    %dma_start3A_1854 = arith.constant 9344 : i32
    %dma_start3A_1855 = tpu.memref_slice %arg7[%dma_start3A_1854] : memref<9984xi32, #tpu.memory_space<vmem>> -> memref<128xi32, #tpu.memory_space<vmem>>
    %dma_start3A_1856 = arith.constant 0 : i32
    %dma_start3A_1857 = arith.constant 0 : i32
    %dma_start3A_1858 = tpu.memref_slice %arg5[%dma_start3A_1856, %dma_start3A_1857] : memref<10000x16xf32, #tpu.memory_space<vmem_shared>> -> memref<10000x16xf32, #tpu.memory_space<vmem_shared>>
    tpu.enqueue_indirect_dma source(%dma_start3A_1853 : memref<128x16xf32, #tpu.memory_space<vmem>>) target(%dma_start3A_1858 : memref<10000x16xf32, #tpu.memory_space<vmem_shared>>) offsets(%dma_start3A_1855 : memref<128xi32, #tpu.memory_space<vmem>>) semaphore(%arg14 : memref<!tpu.dma_semaphore, #tpu.memory_space<semaphore_mem>>) {add = true}
    %dma_start3A_1859 = arith.constant 9344 : i32
    %dma_start3A_1860 = tpu.memref_slice %arg7[%dma_start3A_1859] : memref<9984xi32, #tpu.memory_space<vmem>> -> memref<128xi32, #tpu.memory_space<vmem>>
    %dma_start3A_1861 = arith.constant 0 : i32
    %dma_start3A_1862 = arith.constant 0 : i32
    %dma_start3A_1863 = tpu.memref_slice %arg6[%dma_start3A_1861, %dma_start3A_1862] : memref<10000x16xf32, #tpu.memory_space<vmem_shared>> -> memref<10000x16xf32, #tpu.memory_space<vmem_shared>>
    tpu.enqueue_indirect_dma source(%arg9 : memref<128x16xf32, #tpu.memory_space<vmem>>) target(%dma_start3A_1863 : memref<10000x16xf32, #tpu.memory_space<vmem_shared>>) offsets(%dma_start3A_1860 : memref<128xi32, #tpu.memory_space<vmem>>) semaphore(%arg14 : memref<!tpu.dma_semaphore, #tpu.memory_space<semaphore_mem>>) {add = true}
    %dma_start3A_1864 = arith.constant 1 : i32
    %dma_start3A_1865 = arith.constant 1792 : i32
    %dma_start3A_1866 = arith.constant 0 : i32
    %dma_start3A_1867 = tpu.memref_slice %arg8[%dma_start3A_1864, %dma_start3A_1865, %dma_start3A_1866] : memref<2x2560x16xf32, #tpu.memory_space<vmem>> -> memref<1x128x16xf32, #tpu.memory_space<vmem>>
    %dma_start3A_1868 = tpu.memref_squeeze %dma_start3A_1867 : memref<1x128x16xf32, #tpu.memory_space<vmem>> -> memref<128x16xf32, #tpu.memory_space<vmem>>
    %dma_start3A_1869 = arith.constant 9472 : i32
    %dma_start3A_1870 = tpu.memref_slice %arg7[%dma_start3A_1869] : memref<9984xi32, #tpu.memory_space<vmem>> -> memref<128xi32, #tpu.memory_space<vmem>>
    %dma_start3A_1871 = arith.constant 0 : i32
    %dma_start3A_1872 = arith.constant 0 : i32
    %dma_start3A_1873 = tpu.memref_slice %arg5[%dma_start3A_1871, %dma_start3A_1872] : memref<10000x16xf32, #tpu.memory_space<vmem_shared>> -> memref<10000x16xf32, #tpu.memory_space<vmem_shared>>
    tpu.enqueue_indirect_dma source(%dma_start3A_1868 : memref<128x16xf32, #tpu.memory_space<vmem>>) target(%dma_start3A_1873 : memref<10000x16xf32, #tpu.memory_space<vmem_shared>>) offsets(%dma_start3A_1870 : memref<128xi32, #tpu.memory_space<vmem>>) semaphore(%arg14 : memref<!tpu.dma_semaphore, #tpu.memory_space<semaphore_mem>>) {add = true}
    %dma_start3A_1874 = arith.constant 9472 : i32
    %dma_start3A_1875 = tpu.memref_slice %arg7[%dma_start3A_1874] : memref<9984xi32, #tpu.memory_space<vmem>> -> memref<128xi32, #tpu.memory_space<vmem>>
    %dma_start3A_1876 = arith.constant 0 : i32
    %dma_start3A_1877 = arith.constant 0 : i32
    %dma_start3A_1878 = tpu.memref_slice %arg6[%dma_start3A_1876, %dma_start3A_1877] : memref<10000x16xf32, #tpu.memory_space<vmem_shared>> -> memref<10000x16xf32, #tpu.memory_space<vmem_shared>>
    tpu.enqueue_indirect_dma source(%arg9 : memref<128x16xf32, #tpu.memory_space<vmem>>) target(%dma_start3A_1878 : memref<10000x16xf32, #tpu.memory_space<vmem_shared>>) offsets(%dma_start3A_1875 : memref<128xi32, #tpu.memory_space<vmem>>) semaphore(%arg14 : memref<!tpu.dma_semaphore, #tpu.memory_space<semaphore_mem>>) {add = true}
    %dma_start3A_1879 = arith.constant 1 : i32
    %dma_start3A_1880 = arith.constant 1920 : i32
    %dma_start3A_1881 = arith.constant 0 : i32
    %dma_start3A_1882 = tpu.memref_slice %arg8[%dma_start3A_1879, %dma_start3A_1880, %dma_start3A_1881] : memref<2x2560x16xf32, #tpu.memory_space<vmem>> -> memref<1x128x16xf32, #tpu.memory_space<vmem>>
    %dma_start3A_1883 = tpu.memref_squeeze %dma_start3A_1882 : memref<1x128x16xf32, #tpu.memory_space<vmem>> -> memref<128x16xf32, #tpu.memory_space<vmem>>
    %dma_start3A_1884 = arith.constant 9600 : i32
    %dma_start3A_1885 = tpu.memref_slice %arg7[%dma_start3A_1884] : memref<9984xi32, #tpu.memory_space<vmem>> -> memref<128xi32, #tpu.memory_space<vmem>>
    %dma_start3A_1886 = arith.constant 0 : i32
    %dma_start3A_1887 = arith.constant 0 : i32
    %dma_start3A_1888 = tpu.memref_slice %arg5[%dma_start3A_1886, %dma_start3A_1887] : memref<10000x16xf32, #tpu.memory_space<vmem_shared>> -> memref<10000x16xf32, #tpu.memory_space<vmem_shared>>
    tpu.enqueue_indirect_dma source(%dma_start3A_1883 : memref<128x16xf32, #tpu.memory_space<vmem>>) target(%dma_start3A_1888 : memref<10000x16xf32, #tpu.memory_space<vmem_shared>>) offsets(%dma_start3A_1885 : memref<128xi32, #tpu.memory_space<vmem>>) semaphore(%arg14 : memref<!tpu.dma_semaphore, #tpu.memory_space<semaphore_mem>>) {add = true}
    %dma_start3A_1889 = arith.constant 9600 : i32
    %dma_start3A_1890 = tpu.memref_slice %arg7[%dma_start3A_1889] : memref<9984xi32, #tpu.memory_space<vmem>> -> memref<128xi32, #tpu.memory_space<vmem>>
    %dma_start3A_1891 = arith.constant 0 : i32
    %dma_start3A_1892 = arith.constant 0 : i32
    %dma_start3A_1893 = tpu.memref_slice %arg6[%dma_start3A_1891, %dma_start3A_1892] : memref<10000x16xf32, #tpu.memory_space<vmem_shared>> -> memref<10000x16xf32, #tpu.memory_space<vmem_shared>>
    tpu.enqueue_indirect_dma source(%arg9 : memref<128x16xf32, #tpu.memory_space<vmem>>) target(%dma_start3A_1893 : memref<10000x16xf32, #tpu.memory_space<vmem_shared>>) offsets(%dma_start3A_1890 : memref<128xi32, #tpu.memory_space<vmem>>) semaphore(%arg14 : memref<!tpu.dma_semaphore, #tpu.memory_space<semaphore_mem>>) {add = true}
    %dma_start3A_1894 = arith.constant 1 : i32
    %dma_start3A_1895 = arith.constant 2048 : i32
    %dma_start3A_1896 = arith.constant 0 : i32
    %dma_start3A_1897 = tpu.memref_slice %arg8[%dma_start3A_1894, %dma_start3A_1895, %dma_start3A_1896] : memref<2x2560x16xf32, #tpu.memory_space<vmem>> -> memref<1x128x16xf32, #tpu.memory_space<vmem>>
    %dma_start3A_1898 = tpu.memref_squeeze %dma_start3A_1897 : memref<1x128x16xf32, #tpu.memory_space<vmem>> -> memref<128x16xf32, #tpu.memory_space<vmem>>
    %dma_start3A_1899 = arith.constant 9728 : i32
    %dma_start3A_1900 = tpu.memref_slice %arg7[%dma_start3A_1899] : memref<9984xi32, #tpu.memory_space<vmem>> -> memref<128xi32, #tpu.memory_space<vmem>>
    %dma_start3A_1901 = arith.constant 0 : i32
    %dma_start3A_1902 = arith.constant 0 : i32
    %dma_start3A_1903 = tpu.memref_slice %arg5[%dma_start3A_1901, %dma_start3A_1902] : memref<10000x16xf32, #tpu.memory_space<vmem_shared>> -> memref<10000x16xf32, #tpu.memory_space<vmem_shared>>
    tpu.enqueue_indirect_dma source(%dma_start3A_1898 : memref<128x16xf32, #tpu.memory_space<vmem>>) target(%dma_start3A_1903 : memref<10000x16xf32, #tpu.memory_space<vmem_shared>>) offsets(%dma_start3A_1900 : memref<128xi32, #tpu.memory_space<vmem>>) semaphore(%arg14 : memref<!tpu.dma_semaphore, #tpu.memory_space<semaphore_mem>>) {add = true}
    %dma_start3A_1904 = arith.constant 9728 : i32
    %dma_start3A_1905 = tpu.memref_slice %arg7[%dma_start3A_1904] : memref<9984xi32, #tpu.memory_space<vmem>> -> memref<128xi32, #tpu.memory_space<vmem>>
    %dma_start3A_1906 = arith.constant 0 : i32
    %dma_start3A_1907 = arith.constant 0 : i32
    %dma_start3A_1908 = tpu.memref_slice %arg6[%dma_start3A_1906, %dma_start3A_1907] : memref<10000x16xf32, #tpu.memory_space<vmem_shared>> -> memref<10000x16xf32, #tpu.memory_space<vmem_shared>>
    tpu.enqueue_indirect_dma source(%arg9 : memref<128x16xf32, #tpu.memory_space<vmem>>) target(%dma_start3A_1908 : memref<10000x16xf32, #tpu.memory_space<vmem_shared>>) offsets(%dma_start3A_1905 : memref<128xi32, #tpu.memory_space<vmem>>) semaphore(%arg14 : memref<!tpu.dma_semaphore, #tpu.memory_space<semaphore_mem>>) {add = true}
    %dma_start3A_1909 = arith.constant 1 : i32
    %dma_start3A_1910 = arith.constant 2176 : i32
    %dma_start3A_1911 = arith.constant 0 : i32
    %dma_start3A_1912 = tpu.memref_slice %arg8[%dma_start3A_1909, %dma_start3A_1910, %dma_start3A_1911] : memref<2x2560x16xf32, #tpu.memory_space<vmem>> -> memref<1x128x16xf32, #tpu.memory_space<vmem>>
    %dma_start3A_1913 = tpu.memref_squeeze %dma_start3A_1912 : memref<1x128x16xf32, #tpu.memory_space<vmem>> -> memref<128x16xf32, #tpu.memory_space<vmem>>
    %dma_start3A_1914 = arith.constant 9856 : i32
    %dma_start3A_1915 = tpu.memref_slice %arg7[%dma_start3A_1914] : memref<9984xi32, #tpu.memory_space<vmem>> -> memref<128xi32, #tpu.memory_space<vmem>>
    %dma_start3A_1916 = arith.constant 0 : i32
    %dma_start3A_1917 = arith.constant 0 : i32
    %dma_start3A_1918 = tpu.memref_slice %arg5[%dma_start3A_1916, %dma_start3A_1917] : memref<10000x16xf32, #tpu.memory_space<vmem_shared>> -> memref<10000x16xf32, #tpu.memory_space<vmem_shared>>
    tpu.enqueue_indirect_dma source(%dma_start3A_1913 : memref<128x16xf32, #tpu.memory_space<vmem>>) target(%dma_start3A_1918 : memref<10000x16xf32, #tpu.memory_space<vmem_shared>>) offsets(%dma_start3A_1915 : memref<128xi32, #tpu.memory_space<vmem>>) semaphore(%arg14 : memref<!tpu.dma_semaphore, #tpu.memory_space<semaphore_mem>>) {add = true}
    %dma_start3A_1919 = arith.constant 9856 : i32
    %dma_start3A_1920 = tpu.memref_slice %arg7[%dma_start3A_1919] : memref<9984xi32, #tpu.memory_space<vmem>> -> memref<128xi32, #tpu.memory_space<vmem>>
    %dma_start3A_1921 = arith.constant 0 : i32
    %dma_start3A_1922 = arith.constant 0 : i32
    %dma_start3A_1923 = tpu.memref_slice %arg6[%dma_start3A_1921, %dma_start3A_1922] : memref<10000x16xf32, #tpu.memory_space<vmem_shared>> -> memref<10000x16xf32, #tpu.memory_space<vmem_shared>>
    tpu.enqueue_indirect_dma source(%arg9 : memref<128x16xf32, #tpu.memory_space<vmem>>) target(%dma_start3A_1923 : memref<10000x16xf32, #tpu.memory_space<vmem_shared>>) offsets(%dma_start3A_1920 : memref<128xi32, #tpu.memory_space<vmem>>) semaphore(%arg14 : memref<!tpu.dma_semaphore, #tpu.memory_space<semaphore_mem>>) {add = true}
    %dma_wait3A_1924 = arith.constant 0 : i32
    %dma_wait3A_1925 = arith.constant 0 : i32
    %dma_wait3A_1926 = arith.constant 0 : i32
    %dma_wait3A_1927 = tpu.memref_slice %arg8[%dma_wait3A_1924, %dma_wait3A_1925, %dma_wait3A_1926] : memref<2x2560x16xf32, #tpu.memory_space<vmem>> -> memref<1x128x16xf32, #tpu.memory_space<vmem>>
    %dma_wait3A_1928 = tpu.memref_squeeze %dma_wait3A_1927 : memref<1x128x16xf32, #tpu.memory_space<vmem>> -> memref<128x16xf32, #tpu.memory_space<vmem>>
    %dma_wait3A_1929 = arith.constant 5120 : i32
    %dma_wait3A_1930 = tpu.memref_slice %arg7[%dma_wait3A_1929] : memref<9984xi32, #tpu.memory_space<vmem>> -> memref<128xi32, #tpu.memory_space<vmem>>
    %dma_wait3A_1931 = arith.constant 0 : i32
    %dma_wait3A_1932 = arith.constant 0 : i32
    %dma_wait3A_1933 = tpu.memref_slice %arg5[%dma_wait3A_1931, %dma_wait3A_1932] : memref<10000x16xf32, #tpu.memory_space<vmem_shared>> -> memref<10000x16xf32, #tpu.memory_space<vmem_shared>>
    tpu.wait_indirect_dma semaphore(%arg14 : memref<!tpu.dma_semaphore, #tpu.memory_space<semaphore_mem>>) src(%dma_wait3A_1928 : memref<128x16xf32, #tpu.memory_space<vmem>>) dst(%dma_wait3A_1933 : memref<10000x16xf32, #tpu.memory_space<vmem_shared>>)
    %dma_wait3A_1934 = arith.constant 5120 : i32
    %dma_wait3A_1935 = tpu.memref_slice %arg7[%dma_wait3A_1934] : memref<9984xi32, #tpu.memory_space<vmem>> -> memref<128xi32, #tpu.memory_space<vmem>>
    %dma_wait3A_1936 = arith.constant 0 : i32
    %dma_wait3A_1937 = arith.constant 0 : i32
    %dma_wait3A_1938 = tpu.memref_slice %arg6[%dma_wait3A_1936, %dma_wait3A_1937] : memref<10000x16xf32, #tpu.memory_space<vmem_shared>> -> memref<10000x16xf32, #tpu.memory_space<vmem_shared>>
    tpu.wait_indirect_dma semaphore(%arg14 : memref<!tpu.dma_semaphore, #tpu.memory_space<semaphore_mem>>) src(%arg9 : memref<128x16xf32, #tpu.memory_space<vmem>>) dst(%dma_wait3A_1938 : memref<10000x16xf32, #tpu.memory_space<vmem_shared>>)
    %dma_wait3A_1939 = arith.constant 0 : i32
    %dma_wait3A_1940 = arith.constant 128 : i32
    %dma_wait3A_1941 = arith.constant 0 : i32
    %dma_wait3A_1942 = tpu.memref_slice %arg8[%dma_wait3A_1939, %dma_wait3A_1940, %dma_wait3A_1941] : memref<2x2560x16xf32, #tpu.memory_space<vmem>> -> memref<1x128x16xf32, #tpu.memory_space<vmem>>
    %dma_wait3A_1943 = tpu.memref_squeeze %dma_wait3A_1942 : memref<1x128x16xf32, #tpu.memory_space<vmem>> -> memref<128x16xf32, #tpu.memory_space<vmem>>
    %dma_wait3A_1944 = arith.constant 5248 : i32
    %dma_wait3A_1945 = tpu.memref_slice %arg7[%dma_wait3A_1944] : memref<9984xi32, #tpu.memory_space<vmem>> -> memref<128xi32, #tpu.memory_space<vmem>>
    %dma_wait3A_1946 = arith.constant 0 : i32
    %dma_wait3A_1947 = arith.constant 0 : i32
    %dma_wait3A_1948 = tpu.memref_slice %arg5[%dma_wait3A_1946, %dma_wait3A_1947] : memref<10000x16xf32, #tpu.memory_space<vmem_shared>> -> memref<10000x16xf32, #tpu.memory_space<vmem_shared>>
    tpu.wait_indirect_dma semaphore(%arg14 : memref<!tpu.dma_semaphore, #tpu.memory_space<semaphore_mem>>) src(%dma_wait3A_1943 : memref<128x16xf32, #tpu.memory_space<vmem>>) dst(%dma_wait3A_1948 : memref<10000x16xf32, #tpu.memory_space<vmem_shared>>)
    %dma_wait3A_1949 = arith.constant 5248 : i32
    %dma_wait3A_1950 = tpu.memref_slice %arg7[%dma_wait3A_1949] : memref<9984xi32, #tpu.memory_space<vmem>> -> memref<128xi32, #tpu.memory_space<vmem>>
    %dma_wait3A_1951 = arith.constant 0 : i32
    %dma_wait3A_1952 = arith.constant 0 : i32
    %dma_wait3A_1953 = tpu.memref_slice %arg6[%dma_wait3A_1951, %dma_wait3A_1952] : memref<10000x16xf32, #tpu.memory_space<vmem_shared>> -> memref<10000x16xf32, #tpu.memory_space<vmem_shared>>
    tpu.wait_indirect_dma semaphore(%arg14 : memref<!tpu.dma_semaphore, #tpu.memory_space<semaphore_mem>>) src(%arg9 : memref<128x16xf32, #tpu.memory_space<vmem>>) dst(%dma_wait3A_1953 : memref<10000x16xf32, #tpu.memory_space<vmem_shared>>)
    %dma_wait3A_1954 = arith.constant 0 : i32
    %dma_wait3A_1955 = arith.constant 256 : i32
    %dma_wait3A_1956 = arith.constant 0 : i32
    %dma_wait3A_1957 = tpu.memref_slice %arg8[%dma_wait3A_1954, %dma_wait3A_1955, %dma_wait3A_1956] : memref<2x2560x16xf32, #tpu.memory_space<vmem>> -> memref<1x128x16xf32, #tpu.memory_space<vmem>>
    %dma_wait3A_1958 = tpu.memref_squeeze %dma_wait3A_1957 : memref<1x128x16xf32, #tpu.memory_space<vmem>> -> memref<128x16xf32, #tpu.memory_space<vmem>>
    %dma_wait3A_1959 = arith.constant 5376 : i32
    %dma_wait3A_1960 = tpu.memref_slice %arg7[%dma_wait3A_1959] : memref<9984xi32, #tpu.memory_space<vmem>> -> memref<128xi32, #tpu.memory_space<vmem>>
    %dma_wait3A_1961 = arith.constant 0 : i32
    %dma_wait3A_1962 = arith.constant 0 : i32
    %dma_wait3A_1963 = tpu.memref_slice %arg5[%dma_wait3A_1961, %dma_wait3A_1962] : memref<10000x16xf32, #tpu.memory_space<vmem_shared>> -> memref<10000x16xf32, #tpu.memory_space<vmem_shared>>
    tpu.wait_indirect_dma semaphore(%arg14 : memref<!tpu.dma_semaphore, #tpu.memory_space<semaphore_mem>>) src(%dma_wait3A_1958 : memref<128x16xf32, #tpu.memory_space<vmem>>) dst(%dma_wait3A_1963 : memref<10000x16xf32, #tpu.memory_space<vmem_shared>>)
    %dma_wait3A_1964 = arith.constant 5376 : i32
    %dma_wait3A_1965 = tpu.memref_slice %arg7[%dma_wait3A_1964] : memref<9984xi32, #tpu.memory_space<vmem>> -> memref<128xi32, #tpu.memory_space<vmem>>
    %dma_wait3A_1966 = arith.constant 0 : i32
    %dma_wait3A_1967 = arith.constant 0 : i32
    %dma_wait3A_1968 = tpu.memref_slice %arg6[%dma_wait3A_1966, %dma_wait3A_1967] : memref<10000x16xf32, #tpu.memory_space<vmem_shared>> -> memref<10000x16xf32, #tpu.memory_space<vmem_shared>>
    tpu.wait_indirect_dma semaphore(%arg14 : memref<!tpu.dma_semaphore, #tpu.memory_space<semaphore_mem>>) src(%arg9 : memref<128x16xf32, #tpu.memory_space<vmem>>) dst(%dma_wait3A_1968 : memref<10000x16xf32, #tpu.memory_space<vmem_shared>>)
    %dma_wait3A_1969 = arith.constant 0 : i32
    %dma_wait3A_1970 = arith.constant 384 : i32
    %dma_wait3A_1971 = arith.constant 0 : i32
    %dma_wait3A_1972 = tpu.memref_slice %arg8[%dma_wait3A_1969, %dma_wait3A_1970, %dma_wait3A_1971] : memref<2x2560x16xf32, #tpu.memory_space<vmem>> -> memref<1x128x16xf32, #tpu.memory_space<vmem>>
    %dma_wait3A_1973 = tpu.memref_squeeze %dma_wait3A_1972 : memref<1x128x16xf32, #tpu.memory_space<vmem>> -> memref<128x16xf32, #tpu.memory_space<vmem>>
    %dma_wait3A_1974 = arith.constant 5504 : i32
    %dma_wait3A_1975 = tpu.memref_slice %arg7[%dma_wait3A_1974] : memref<9984xi32, #tpu.memory_space<vmem>> -> memref<128xi32, #tpu.memory_space<vmem>>
    %dma_wait3A_1976 = arith.constant 0 : i32
    %dma_wait3A_1977 = arith.constant 0 : i32
    %dma_wait3A_1978 = tpu.memref_slice %arg5[%dma_wait3A_1976, %dma_wait3A_1977] : memref<10000x16xf32, #tpu.memory_space<vmem_shared>> -> memref<10000x16xf32, #tpu.memory_space<vmem_shared>>
    tpu.wait_indirect_dma semaphore(%arg14 : memref<!tpu.dma_semaphore, #tpu.memory_space<semaphore_mem>>) src(%dma_wait3A_1973 : memref<128x16xf32, #tpu.memory_space<vmem>>) dst(%dma_wait3A_1978 : memref<10000x16xf32, #tpu.memory_space<vmem_shared>>)
    %dma_wait3A_1979 = arith.constant 5504 : i32
    %dma_wait3A_1980 = tpu.memref_slice %arg7[%dma_wait3A_1979] : memref<9984xi32, #tpu.memory_space<vmem>> -> memref<128xi32, #tpu.memory_space<vmem>>
    %dma_wait3A_1981 = arith.constant 0 : i32
    %dma_wait3A_1982 = arith.constant 0 : i32
    %dma_wait3A_1983 = tpu.memref_slice %arg6[%dma_wait3A_1981, %dma_wait3A_1982] : memref<10000x16xf32, #tpu.memory_space<vmem_shared>> -> memref<10000x16xf32, #tpu.memory_space<vmem_shared>>
    tpu.wait_indirect_dma semaphore(%arg14 : memref<!tpu.dma_semaphore, #tpu.memory_space<semaphore_mem>>) src(%arg9 : memref<128x16xf32, #tpu.memory_space<vmem>>) dst(%dma_wait3A_1983 : memref<10000x16xf32, #tpu.memory_space<vmem_shared>>)
    %dma_wait3A_1984 = arith.constant 0 : i32
    %dma_wait3A_1985 = arith.constant 512 : i32
    %dma_wait3A_1986 = arith.constant 0 : i32
    %dma_wait3A_1987 = tpu.memref_slice %arg8[%dma_wait3A_1984, %dma_wait3A_1985, %dma_wait3A_1986] : memref<2x2560x16xf32, #tpu.memory_space<vmem>> -> memref<1x128x16xf32, #tpu.memory_space<vmem>>
    %dma_wait3A_1988 = tpu.memref_squeeze %dma_wait3A_1987 : memref<1x128x16xf32, #tpu.memory_space<vmem>> -> memref<128x16xf32, #tpu.memory_space<vmem>>
    %dma_wait3A_1989 = arith.constant 5632 : i32
    %dma_wait3A_1990 = tpu.memref_slice %arg7[%dma_wait3A_1989] : memref<9984xi32, #tpu.memory_space<vmem>> -> memref<128xi32, #tpu.memory_space<vmem>>
    %dma_wait3A_1991 = arith.constant 0 : i32
    %dma_wait3A_1992 = arith.constant 0 : i32
    %dma_wait3A_1993 = tpu.memref_slice %arg5[%dma_wait3A_1991, %dma_wait3A_1992] : memref<10000x16xf32, #tpu.memory_space<vmem_shared>> -> memref<10000x16xf32, #tpu.memory_space<vmem_shared>>
    tpu.wait_indirect_dma semaphore(%arg14 : memref<!tpu.dma_semaphore, #tpu.memory_space<semaphore_mem>>) src(%dma_wait3A_1988 : memref<128x16xf32, #tpu.memory_space<vmem>>) dst(%dma_wait3A_1993 : memref<10000x16xf32, #tpu.memory_space<vmem_shared>>)
    %dma_wait3A_1994 = arith.constant 5632 : i32
    %dma_wait3A_1995 = tpu.memref_slice %arg7[%dma_wait3A_1994] : memref<9984xi32, #tpu.memory_space<vmem>> -> memref<128xi32, #tpu.memory_space<vmem>>
    %dma_wait3A_1996 = arith.constant 0 : i32
    %dma_wait3A_1997 = arith.constant 0 : i32
    %dma_wait3A_1998 = tpu.memref_slice %arg6[%dma_wait3A_1996, %dma_wait3A_1997] : memref<10000x16xf32, #tpu.memory_space<vmem_shared>> -> memref<10000x16xf32, #tpu.memory_space<vmem_shared>>
    tpu.wait_indirect_dma semaphore(%arg14 : memref<!tpu.dma_semaphore, #tpu.memory_space<semaphore_mem>>) src(%arg9 : memref<128x16xf32, #tpu.memory_space<vmem>>) dst(%dma_wait3A_1998 : memref<10000x16xf32, #tpu.memory_space<vmem_shared>>)
    %dma_wait3A_1999 = arith.constant 0 : i32
    %dma_wait3A_2000 = arith.constant 640 : i32
    %dma_wait3A_2001 = arith.constant 0 : i32
    %dma_wait3A_2002 = tpu.memref_slice %arg8[%dma_wait3A_1999, %dma_wait3A_2000, %dma_wait3A_2001] : memref<2x2560x16xf32, #tpu.memory_space<vmem>> -> memref<1x128x16xf32, #tpu.memory_space<vmem>>
    %dma_wait3A_2003 = tpu.memref_squeeze %dma_wait3A_2002 : memref<1x128x16xf32, #tpu.memory_space<vmem>> -> memref<128x16xf32, #tpu.memory_space<vmem>>
    %dma_wait3A_2004 = arith.constant 5760 : i32
    %dma_wait3A_2005 = tpu.memref_slice %arg7[%dma_wait3A_2004] : memref<9984xi32, #tpu.memory_space<vmem>> -> memref<128xi32, #tpu.memory_space<vmem>>
    %dma_wait3A_2006 = arith.constant 0 : i32
    %dma_wait3A_2007 = arith.constant 0 : i32
    %dma_wait3A_2008 = tpu.memref_slice %arg5[%dma_wait3A_2006, %dma_wait3A_2007] : memref<10000x16xf32, #tpu.memory_space<vmem_shared>> -> memref<10000x16xf32, #tpu.memory_space<vmem_shared>>
    tpu.wait_indirect_dma semaphore(%arg14 : memref<!tpu.dma_semaphore, #tpu.memory_space<semaphore_mem>>) src(%dma_wait3A_2003 : memref<128x16xf32, #tpu.memory_space<vmem>>) dst(%dma_wait3A_2008 : memref<10000x16xf32, #tpu.memory_space<vmem_shared>>)
    %dma_wait3A_2009 = arith.constant 5760 : i32
    %dma_wait3A_2010 = tpu.memref_slice %arg7[%dma_wait3A_2009] : memref<9984xi32, #tpu.memory_space<vmem>> -> memref<128xi32, #tpu.memory_space<vmem>>
    %dma_wait3A_2011 = arith.constant 0 : i32
    %dma_wait3A_2012 = arith.constant 0 : i32
    %dma_wait3A_2013 = tpu.memref_slice %arg6[%dma_wait3A_2011, %dma_wait3A_2012] : memref<10000x16xf32, #tpu.memory_space<vmem_shared>> -> memref<10000x16xf32, #tpu.memory_space<vmem_shared>>
    tpu.wait_indirect_dma semaphore(%arg14 : memref<!tpu.dma_semaphore, #tpu.memory_space<semaphore_mem>>) src(%arg9 : memref<128x16xf32, #tpu.memory_space<vmem>>) dst(%dma_wait3A_2013 : memref<10000x16xf32, #tpu.memory_space<vmem_shared>>)
    %dma_wait3A_2014 = arith.constant 0 : i32
    %dma_wait3A_2015 = arith.constant 768 : i32
    %dma_wait3A_2016 = arith.constant 0 : i32
    %dma_wait3A_2017 = tpu.memref_slice %arg8[%dma_wait3A_2014, %dma_wait3A_2015, %dma_wait3A_2016] : memref<2x2560x16xf32, #tpu.memory_space<vmem>> -> memref<1x128x16xf32, #tpu.memory_space<vmem>>
    %dma_wait3A_2018 = tpu.memref_squeeze %dma_wait3A_2017 : memref<1x128x16xf32, #tpu.memory_space<vmem>> -> memref<128x16xf32, #tpu.memory_space<vmem>>
    %dma_wait3A_2019 = arith.constant 5888 : i32
    %dma_wait3A_2020 = tpu.memref_slice %arg7[%dma_wait3A_2019] : memref<9984xi32, #tpu.memory_space<vmem>> -> memref<128xi32, #tpu.memory_space<vmem>>
    %dma_wait3A_2021 = arith.constant 0 : i32
    %dma_wait3A_2022 = arith.constant 0 : i32
    %dma_wait3A_2023 = tpu.memref_slice %arg5[%dma_wait3A_2021, %dma_wait3A_2022] : memref<10000x16xf32, #tpu.memory_space<vmem_shared>> -> memref<10000x16xf32, #tpu.memory_space<vmem_shared>>
    tpu.wait_indirect_dma semaphore(%arg14 : memref<!tpu.dma_semaphore, #tpu.memory_space<semaphore_mem>>) src(%dma_wait3A_2018 : memref<128x16xf32, #tpu.memory_space<vmem>>) dst(%dma_wait3A_2023 : memref<10000x16xf32, #tpu.memory_space<vmem_shared>>)
    %dma_wait3A_2024 = arith.constant 5888 : i32
    %dma_wait3A_2025 = tpu.memref_slice %arg7[%dma_wait3A_2024] : memref<9984xi32, #tpu.memory_space<vmem>> -> memref<128xi32, #tpu.memory_space<vmem>>
    %dma_wait3A_2026 = arith.constant 0 : i32
    %dma_wait3A_2027 = arith.constant 0 : i32
    %dma_wait3A_2028 = tpu.memref_slice %arg6[%dma_wait3A_2026, %dma_wait3A_2027] : memref<10000x16xf32, #tpu.memory_space<vmem_shared>> -> memref<10000x16xf32, #tpu.memory_space<vmem_shared>>
    tpu.wait_indirect_dma semaphore(%arg14 : memref<!tpu.dma_semaphore, #tpu.memory_space<semaphore_mem>>) src(%arg9 : memref<128x16xf32, #tpu.memory_space<vmem>>) dst(%dma_wait3A_2028 : memref<10000x16xf32, #tpu.memory_space<vmem_shared>>)
    %dma_wait3A_2029 = arith.constant 0 : i32
    %dma_wait3A_2030 = arith.constant 896 : i32
    %dma_wait3A_2031 = arith.constant 0 : i32
    %dma_wait3A_2032 = tpu.memref_slice %arg8[%dma_wait3A_2029, %dma_wait3A_2030, %dma_wait3A_2031] : memref<2x2560x16xf32, #tpu.memory_space<vmem>> -> memref<1x128x16xf32, #tpu.memory_space<vmem>>
    %dma_wait3A_2033 = tpu.memref_squeeze %dma_wait3A_2032 : memref<1x128x16xf32, #tpu.memory_space<vmem>> -> memref<128x16xf32, #tpu.memory_space<vmem>>
    %dma_wait3A_2034 = arith.constant 6016 : i32
    %dma_wait3A_2035 = tpu.memref_slice %arg7[%dma_wait3A_2034] : memref<9984xi32, #tpu.memory_space<vmem>> -> memref<128xi32, #tpu.memory_space<vmem>>
    %dma_wait3A_2036 = arith.constant 0 : i32
    %dma_wait3A_2037 = arith.constant 0 : i32
    %dma_wait3A_2038 = tpu.memref_slice %arg5[%dma_wait3A_2036, %dma_wait3A_2037] : memref<10000x16xf32, #tpu.memory_space<vmem_shared>> -> memref<10000x16xf32, #tpu.memory_space<vmem_shared>>
    tpu.wait_indirect_dma semaphore(%arg14 : memref<!tpu.dma_semaphore, #tpu.memory_space<semaphore_mem>>) src(%dma_wait3A_2033 : memref<128x16xf32, #tpu.memory_space<vmem>>) dst(%dma_wait3A_2038 : memref<10000x16xf32, #tpu.memory_space<vmem_shared>>)
    %dma_wait3A_2039 = arith.constant 6016 : i32
    %dma_wait3A_2040 = tpu.memref_slice %arg7[%dma_wait3A_2039] : memref<9984xi32, #tpu.memory_space<vmem>> -> memref<128xi32, #tpu.memory_space<vmem>>
    %dma_wait3A_2041 = arith.constant 0 : i32
    %dma_wait3A_2042 = arith.constant 0 : i32
    %dma_wait3A_2043 = tpu.memref_slice %arg6[%dma_wait3A_2041, %dma_wait3A_2042] : memref<10000x16xf32, #tpu.memory_space<vmem_shared>> -> memref<10000x16xf32, #tpu.memory_space<vmem_shared>>
    tpu.wait_indirect_dma semaphore(%arg14 : memref<!tpu.dma_semaphore, #tpu.memory_space<semaphore_mem>>) src(%arg9 : memref<128x16xf32, #tpu.memory_space<vmem>>) dst(%dma_wait3A_2043 : memref<10000x16xf32, #tpu.memory_space<vmem_shared>>)
    %dma_wait3A_2044 = arith.constant 0 : i32
    %dma_wait3A_2045 = arith.constant 1024 : i32
    %dma_wait3A_2046 = arith.constant 0 : i32
    %dma_wait3A_2047 = tpu.memref_slice %arg8[%dma_wait3A_2044, %dma_wait3A_2045, %dma_wait3A_2046] : memref<2x2560x16xf32, #tpu.memory_space<vmem>> -> memref<1x128x16xf32, #tpu.memory_space<vmem>>
    %dma_wait3A_2048 = tpu.memref_squeeze %dma_wait3A_2047 : memref<1x128x16xf32, #tpu.memory_space<vmem>> -> memref<128x16xf32, #tpu.memory_space<vmem>>
    %dma_wait3A_2049 = arith.constant 6144 : i32
    %dma_wait3A_2050 = tpu.memref_slice %arg7[%dma_wait3A_2049] : memref<9984xi32, #tpu.memory_space<vmem>> -> memref<128xi32, #tpu.memory_space<vmem>>
    %dma_wait3A_2051 = arith.constant 0 : i32
    %dma_wait3A_2052 = arith.constant 0 : i32
    %dma_wait3A_2053 = tpu.memref_slice %arg5[%dma_wait3A_2051, %dma_wait3A_2052] : memref<10000x16xf32, #tpu.memory_space<vmem_shared>> -> memref<10000x16xf32, #tpu.memory_space<vmem_shared>>
    tpu.wait_indirect_dma semaphore(%arg14 : memref<!tpu.dma_semaphore, #tpu.memory_space<semaphore_mem>>) src(%dma_wait3A_2048 : memref<128x16xf32, #tpu.memory_space<vmem>>) dst(%dma_wait3A_2053 : memref<10000x16xf32, #tpu.memory_space<vmem_shared>>)
    %dma_wait3A_2054 = arith.constant 6144 : i32
    %dma_wait3A_2055 = tpu.memref_slice %arg7[%dma_wait3A_2054] : memref<9984xi32, #tpu.memory_space<vmem>> -> memref<128xi32, #tpu.memory_space<vmem>>
    %dma_wait3A_2056 = arith.constant 0 : i32
    %dma_wait3A_2057 = arith.constant 0 : i32
    %dma_wait3A_2058 = tpu.memref_slice %arg6[%dma_wait3A_2056, %dma_wait3A_2057] : memref<10000x16xf32, #tpu.memory_space<vmem_shared>> -> memref<10000x16xf32, #tpu.memory_space<vmem_shared>>
    tpu.wait_indirect_dma semaphore(%arg14 : memref<!tpu.dma_semaphore, #tpu.memory_space<semaphore_mem>>) src(%arg9 : memref<128x16xf32, #tpu.memory_space<vmem>>) dst(%dma_wait3A_2058 : memref<10000x16xf32, #tpu.memory_space<vmem_shared>>)
    %dma_wait3A_2059 = arith.constant 0 : i32
    %dma_wait3A_2060 = arith.constant 1152 : i32
    %dma_wait3A_2061 = arith.constant 0 : i32
    %dma_wait3A_2062 = tpu.memref_slice %arg8[%dma_wait3A_2059, %dma_wait3A_2060, %dma_wait3A_2061] : memref<2x2560x16xf32, #tpu.memory_space<vmem>> -> memref<1x128x16xf32, #tpu.memory_space<vmem>>
    %dma_wait3A_2063 = tpu.memref_squeeze %dma_wait3A_2062 : memref<1x128x16xf32, #tpu.memory_space<vmem>> -> memref<128x16xf32, #tpu.memory_space<vmem>>
    %dma_wait3A_2064 = arith.constant 6272 : i32
    %dma_wait3A_2065 = tpu.memref_slice %arg7[%dma_wait3A_2064] : memref<9984xi32, #tpu.memory_space<vmem>> -> memref<128xi32, #tpu.memory_space<vmem>>
    %dma_wait3A_2066 = arith.constant 0 : i32
    %dma_wait3A_2067 = arith.constant 0 : i32
    %dma_wait3A_2068 = tpu.memref_slice %arg5[%dma_wait3A_2066, %dma_wait3A_2067] : memref<10000x16xf32, #tpu.memory_space<vmem_shared>> -> memref<10000x16xf32, #tpu.memory_space<vmem_shared>>
    tpu.wait_indirect_dma semaphore(%arg14 : memref<!tpu.dma_semaphore, #tpu.memory_space<semaphore_mem>>) src(%dma_wait3A_2063 : memref<128x16xf32, #tpu.memory_space<vmem>>) dst(%dma_wait3A_2068 : memref<10000x16xf32, #tpu.memory_space<vmem_shared>>)
    %dma_wait3A_2069 = arith.constant 6272 : i32
    %dma_wait3A_2070 = tpu.memref_slice %arg7[%dma_wait3A_2069] : memref<9984xi32, #tpu.memory_space<vmem>> -> memref<128xi32, #tpu.memory_space<vmem>>
    %dma_wait3A_2071 = arith.constant 0 : i32
    %dma_wait3A_2072 = arith.constant 0 : i32
    %dma_wait3A_2073 = tpu.memref_slice %arg6[%dma_wait3A_2071, %dma_wait3A_2072] : memref<10000x16xf32, #tpu.memory_space<vmem_shared>> -> memref<10000x16xf32, #tpu.memory_space<vmem_shared>>
    tpu.wait_indirect_dma semaphore(%arg14 : memref<!tpu.dma_semaphore, #tpu.memory_space<semaphore_mem>>) src(%arg9 : memref<128x16xf32, #tpu.memory_space<vmem>>) dst(%dma_wait3A_2073 : memref<10000x16xf32, #tpu.memory_space<vmem_shared>>)
    %dma_wait3A_2074 = arith.constant 0 : i32
    %dma_wait3A_2075 = arith.constant 1280 : i32
    %dma_wait3A_2076 = arith.constant 0 : i32
    %dma_wait3A_2077 = tpu.memref_slice %arg8[%dma_wait3A_2074, %dma_wait3A_2075, %dma_wait3A_2076] : memref<2x2560x16xf32, #tpu.memory_space<vmem>> -> memref<1x128x16xf32, #tpu.memory_space<vmem>>
    %dma_wait3A_2078 = tpu.memref_squeeze %dma_wait3A_2077 : memref<1x128x16xf32, #tpu.memory_space<vmem>> -> memref<128x16xf32, #tpu.memory_space<vmem>>
    %dma_wait3A_2079 = arith.constant 6400 : i32
    %dma_wait3A_2080 = tpu.memref_slice %arg7[%dma_wait3A_2079] : memref<9984xi32, #tpu.memory_space<vmem>> -> memref<128xi32, #tpu.memory_space<vmem>>
    %dma_wait3A_2081 = arith.constant 0 : i32
    %dma_wait3A_2082 = arith.constant 0 : i32
    %dma_wait3A_2083 = tpu.memref_slice %arg5[%dma_wait3A_2081, %dma_wait3A_2082] : memref<10000x16xf32, #tpu.memory_space<vmem_shared>> -> memref<10000x16xf32, #tpu.memory_space<vmem_shared>>
    tpu.wait_indirect_dma semaphore(%arg14 : memref<!tpu.dma_semaphore, #tpu.memory_space<semaphore_mem>>) src(%dma_wait3A_2078 : memref<128x16xf32, #tpu.memory_space<vmem>>) dst(%dma_wait3A_2083 : memref<10000x16xf32, #tpu.memory_space<vmem_shared>>)
    %dma_wait3A_2084 = arith.constant 6400 : i32
    %dma_wait3A_2085 = tpu.memref_slice %arg7[%dma_wait3A_2084] : memref<9984xi32, #tpu.memory_space<vmem>> -> memref<128xi32, #tpu.memory_space<vmem>>
    %dma_wait3A_2086 = arith.constant 0 : i32
    %dma_wait3A_2087 = arith.constant 0 : i32
    %dma_wait3A_2088 = tpu.memref_slice %arg6[%dma_wait3A_2086, %dma_wait3A_2087] : memref<10000x16xf32, #tpu.memory_space<vmem_shared>> -> memref<10000x16xf32, #tpu.memory_space<vmem_shared>>
    tpu.wait_indirect_dma semaphore(%arg14 : memref<!tpu.dma_semaphore, #tpu.memory_space<semaphore_mem>>) src(%arg9 : memref<128x16xf32, #tpu.memory_space<vmem>>) dst(%dma_wait3A_2088 : memref<10000x16xf32, #tpu.memory_space<vmem_shared>>)
    %dma_wait3A_2089 = arith.constant 0 : i32
    %dma_wait3A_2090 = arith.constant 1408 : i32
    %dma_wait3A_2091 = arith.constant 0 : i32
    %dma_wait3A_2092 = tpu.memref_slice %arg8[%dma_wait3A_2089, %dma_wait3A_2090, %dma_wait3A_2091] : memref<2x2560x16xf32, #tpu.memory_space<vmem>> -> memref<1x128x16xf32, #tpu.memory_space<vmem>>
    %dma_wait3A_2093 = tpu.memref_squeeze %dma_wait3A_2092 : memref<1x128x16xf32, #tpu.memory_space<vmem>> -> memref<128x16xf32, #tpu.memory_space<vmem>>
    %dma_wait3A_2094 = arith.constant 6528 : i32
    %dma_wait3A_2095 = tpu.memref_slice %arg7[%dma_wait3A_2094] : memref<9984xi32, #tpu.memory_space<vmem>> -> memref<128xi32, #tpu.memory_space<vmem>>
    %dma_wait3A_2096 = arith.constant 0 : i32
    %dma_wait3A_2097 = arith.constant 0 : i32
    %dma_wait3A_2098 = tpu.memref_slice %arg5[%dma_wait3A_2096, %dma_wait3A_2097] : memref<10000x16xf32, #tpu.memory_space<vmem_shared>> -> memref<10000x16xf32, #tpu.memory_space<vmem_shared>>
    tpu.wait_indirect_dma semaphore(%arg14 : memref<!tpu.dma_semaphore, #tpu.memory_space<semaphore_mem>>) src(%dma_wait3A_2093 : memref<128x16xf32, #tpu.memory_space<vmem>>) dst(%dma_wait3A_2098 : memref<10000x16xf32, #tpu.memory_space<vmem_shared>>)
    %dma_wait3A_2099 = arith.constant 6528 : i32
    %dma_wait3A_2100 = tpu.memref_slice %arg7[%dma_wait3A_2099] : memref<9984xi32, #tpu.memory_space<vmem>> -> memref<128xi32, #tpu.memory_space<vmem>>
    %dma_wait3A_2101 = arith.constant 0 : i32
    %dma_wait3A_2102 = arith.constant 0 : i32
    %dma_wait3A_2103 = tpu.memref_slice %arg6[%dma_wait3A_2101, %dma_wait3A_2102] : memref<10000x16xf32, #tpu.memory_space<vmem_shared>> -> memref<10000x16xf32, #tpu.memory_space<vmem_shared>>
    tpu.wait_indirect_dma semaphore(%arg14 : memref<!tpu.dma_semaphore, #tpu.memory_space<semaphore_mem>>) src(%arg9 : memref<128x16xf32, #tpu.memory_space<vmem>>) dst(%dma_wait3A_2103 : memref<10000x16xf32, #tpu.memory_space<vmem_shared>>)
    %dma_wait3A_2104 = arith.constant 0 : i32
    %dma_wait3A_2105 = arith.constant 1536 : i32
    %dma_wait3A_2106 = arith.constant 0 : i32
    %dma_wait3A_2107 = tpu.memref_slice %arg8[%dma_wait3A_2104, %dma_wait3A_2105, %dma_wait3A_2106] : memref<2x2560x16xf32, #tpu.memory_space<vmem>> -> memref<1x128x16xf32, #tpu.memory_space<vmem>>
    %dma_wait3A_2108 = tpu.memref_squeeze %dma_wait3A_2107 : memref<1x128x16xf32, #tpu.memory_space<vmem>> -> memref<128x16xf32, #tpu.memory_space<vmem>>
    %dma_wait3A_2109 = arith.constant 6656 : i32
    %dma_wait3A_2110 = tpu.memref_slice %arg7[%dma_wait3A_2109] : memref<9984xi32, #tpu.memory_space<vmem>> -> memref<128xi32, #tpu.memory_space<vmem>>
    %dma_wait3A_2111 = arith.constant 0 : i32
    %dma_wait3A_2112 = arith.constant 0 : i32
    %dma_wait3A_2113 = tpu.memref_slice %arg5[%dma_wait3A_2111, %dma_wait3A_2112] : memref<10000x16xf32, #tpu.memory_space<vmem_shared>> -> memref<10000x16xf32, #tpu.memory_space<vmem_shared>>
    tpu.wait_indirect_dma semaphore(%arg14 : memref<!tpu.dma_semaphore, #tpu.memory_space<semaphore_mem>>) src(%dma_wait3A_2108 : memref<128x16xf32, #tpu.memory_space<vmem>>) dst(%dma_wait3A_2113 : memref<10000x16xf32, #tpu.memory_space<vmem_shared>>)
    %dma_wait3A_2114 = arith.constant 6656 : i32
    %dma_wait3A_2115 = tpu.memref_slice %arg7[%dma_wait3A_2114] : memref<9984xi32, #tpu.memory_space<vmem>> -> memref<128xi32, #tpu.memory_space<vmem>>
    %dma_wait3A_2116 = arith.constant 0 : i32
    %dma_wait3A_2117 = arith.constant 0 : i32
    %dma_wait3A_2118 = tpu.memref_slice %arg6[%dma_wait3A_2116, %dma_wait3A_2117] : memref<10000x16xf32, #tpu.memory_space<vmem_shared>> -> memref<10000x16xf32, #tpu.memory_space<vmem_shared>>
    tpu.wait_indirect_dma semaphore(%arg14 : memref<!tpu.dma_semaphore, #tpu.memory_space<semaphore_mem>>) src(%arg9 : memref<128x16xf32, #tpu.memory_space<vmem>>) dst(%dma_wait3A_2118 : memref<10000x16xf32, #tpu.memory_space<vmem_shared>>)
    %dma_wait3A_2119 = arith.constant 0 : i32
    %dma_wait3A_2120 = arith.constant 1664 : i32
    %dma_wait3A_2121 = arith.constant 0 : i32
    %dma_wait3A_2122 = tpu.memref_slice %arg8[%dma_wait3A_2119, %dma_wait3A_2120, %dma_wait3A_2121] : memref<2x2560x16xf32, #tpu.memory_space<vmem>> -> memref<1x128x16xf32, #tpu.memory_space<vmem>>
    %dma_wait3A_2123 = tpu.memref_squeeze %dma_wait3A_2122 : memref<1x128x16xf32, #tpu.memory_space<vmem>> -> memref<128x16xf32, #tpu.memory_space<vmem>>
    %dma_wait3A_2124 = arith.constant 6784 : i32
    %dma_wait3A_2125 = tpu.memref_slice %arg7[%dma_wait3A_2124] : memref<9984xi32, #tpu.memory_space<vmem>> -> memref<128xi32, #tpu.memory_space<vmem>>
    %dma_wait3A_2126 = arith.constant 0 : i32
    %dma_wait3A_2127 = arith.constant 0 : i32
    %dma_wait3A_2128 = tpu.memref_slice %arg5[%dma_wait3A_2126, %dma_wait3A_2127] : memref<10000x16xf32, #tpu.memory_space<vmem_shared>> -> memref<10000x16xf32, #tpu.memory_space<vmem_shared>>
    tpu.wait_indirect_dma semaphore(%arg14 : memref<!tpu.dma_semaphore, #tpu.memory_space<semaphore_mem>>) src(%dma_wait3A_2123 : memref<128x16xf32, #tpu.memory_space<vmem>>) dst(%dma_wait3A_2128 : memref<10000x16xf32, #tpu.memory_space<vmem_shared>>)
    %dma_wait3A_2129 = arith.constant 6784 : i32
    %dma_wait3A_2130 = tpu.memref_slice %arg7[%dma_wait3A_2129] : memref<9984xi32, #tpu.memory_space<vmem>> -> memref<128xi32, #tpu.memory_space<vmem>>
    %dma_wait3A_2131 = arith.constant 0 : i32
    %dma_wait3A_2132 = arith.constant 0 : i32
    %dma_wait3A_2133 = tpu.memref_slice %arg6[%dma_wait3A_2131, %dma_wait3A_2132] : memref<10000x16xf32, #tpu.memory_space<vmem_shared>> -> memref<10000x16xf32, #tpu.memory_space<vmem_shared>>
    tpu.wait_indirect_dma semaphore(%arg14 : memref<!tpu.dma_semaphore, #tpu.memory_space<semaphore_mem>>) src(%arg9 : memref<128x16xf32, #tpu.memory_space<vmem>>) dst(%dma_wait3A_2133 : memref<10000x16xf32, #tpu.memory_space<vmem_shared>>)
    %dma_wait3A_2134 = arith.constant 0 : i32
    %dma_wait3A_2135 = arith.constant 1792 : i32
    %dma_wait3A_2136 = arith.constant 0 : i32
    %dma_wait3A_2137 = tpu.memref_slice %arg8[%dma_wait3A_2134, %dma_wait3A_2135, %dma_wait3A_2136] : memref<2x2560x16xf32, #tpu.memory_space<vmem>> -> memref<1x128x16xf32, #tpu.memory_space<vmem>>
    %dma_wait3A_2138 = tpu.memref_squeeze %dma_wait3A_2137 : memref<1x128x16xf32, #tpu.memory_space<vmem>> -> memref<128x16xf32, #tpu.memory_space<vmem>>
    %dma_wait3A_2139 = arith.constant 6912 : i32
    %dma_wait3A_2140 = tpu.memref_slice %arg7[%dma_wait3A_2139] : memref<9984xi32, #tpu.memory_space<vmem>> -> memref<128xi32, #tpu.memory_space<vmem>>
    %dma_wait3A_2141 = arith.constant 0 : i32
    %dma_wait3A_2142 = arith.constant 0 : i32
    %dma_wait3A_2143 = tpu.memref_slice %arg5[%dma_wait3A_2141, %dma_wait3A_2142] : memref<10000x16xf32, #tpu.memory_space<vmem_shared>> -> memref<10000x16xf32, #tpu.memory_space<vmem_shared>>
    tpu.wait_indirect_dma semaphore(%arg14 : memref<!tpu.dma_semaphore, #tpu.memory_space<semaphore_mem>>) src(%dma_wait3A_2138 : memref<128x16xf32, #tpu.memory_space<vmem>>) dst(%dma_wait3A_2143 : memref<10000x16xf32, #tpu.memory_space<vmem_shared>>)
    %dma_wait3A_2144 = arith.constant 6912 : i32
    %dma_wait3A_2145 = tpu.memref_slice %arg7[%dma_wait3A_2144] : memref<9984xi32, #tpu.memory_space<vmem>> -> memref<128xi32, #tpu.memory_space<vmem>>
    %dma_wait3A_2146 = arith.constant 0 : i32
    %dma_wait3A_2147 = arith.constant 0 : i32
    %dma_wait3A_2148 = tpu.memref_slice %arg6[%dma_wait3A_2146, %dma_wait3A_2147] : memref<10000x16xf32, #tpu.memory_space<vmem_shared>> -> memref<10000x16xf32, #tpu.memory_space<vmem_shared>>
    tpu.wait_indirect_dma semaphore(%arg14 : memref<!tpu.dma_semaphore, #tpu.memory_space<semaphore_mem>>) src(%arg9 : memref<128x16xf32, #tpu.memory_space<vmem>>) dst(%dma_wait3A_2148 : memref<10000x16xf32, #tpu.memory_space<vmem_shared>>)
    %dma_wait3A_2149 = arith.constant 0 : i32
    %dma_wait3A_2150 = arith.constant 1920 : i32
    %dma_wait3A_2151 = arith.constant 0 : i32
    %dma_wait3A_2152 = tpu.memref_slice %arg8[%dma_wait3A_2149, %dma_wait3A_2150, %dma_wait3A_2151] : memref<2x2560x16xf32, #tpu.memory_space<vmem>> -> memref<1x128x16xf32, #tpu.memory_space<vmem>>
    %dma_wait3A_2153 = tpu.memref_squeeze %dma_wait3A_2152 : memref<1x128x16xf32, #tpu.memory_space<vmem>> -> memref<128x16xf32, #tpu.memory_space<vmem>>
    %dma_wait3A_2154 = arith.constant 7040 : i32
    %dma_wait3A_2155 = tpu.memref_slice %arg7[%dma_wait3A_2154] : memref<9984xi32, #tpu.memory_space<vmem>> -> memref<128xi32, #tpu.memory_space<vmem>>
    %dma_wait3A_2156 = arith.constant 0 : i32
    %dma_wait3A_2157 = arith.constant 0 : i32
    %dma_wait3A_2158 = tpu.memref_slice %arg5[%dma_wait3A_2156, %dma_wait3A_2157] : memref<10000x16xf32, #tpu.memory_space<vmem_shared>> -> memref<10000x16xf32, #tpu.memory_space<vmem_shared>>
    tpu.wait_indirect_dma semaphore(%arg14 : memref<!tpu.dma_semaphore, #tpu.memory_space<semaphore_mem>>) src(%dma_wait3A_2153 : memref<128x16xf32, #tpu.memory_space<vmem>>) dst(%dma_wait3A_2158 : memref<10000x16xf32, #tpu.memory_space<vmem_shared>>)
    %dma_wait3A_2159 = arith.constant 7040 : i32
    %dma_wait3A_2160 = tpu.memref_slice %arg7[%dma_wait3A_2159] : memref<9984xi32, #tpu.memory_space<vmem>> -> memref<128xi32, #tpu.memory_space<vmem>>
    %dma_wait3A_2161 = arith.constant 0 : i32
    %dma_wait3A_2162 = arith.constant 0 : i32
    %dma_wait3A_2163 = tpu.memref_slice %arg6[%dma_wait3A_2161, %dma_wait3A_2162] : memref<10000x16xf32, #tpu.memory_space<vmem_shared>> -> memref<10000x16xf32, #tpu.memory_space<vmem_shared>>
    tpu.wait_indirect_dma semaphore(%arg14 : memref<!tpu.dma_semaphore, #tpu.memory_space<semaphore_mem>>) src(%arg9 : memref<128x16xf32, #tpu.memory_space<vmem>>) dst(%dma_wait3A_2163 : memref<10000x16xf32, #tpu.memory_space<vmem_shared>>)
    %dma_wait3A_2164 = arith.constant 0 : i32
    %dma_wait3A_2165 = arith.constant 2048 : i32
    %dma_wait3A_2166 = arith.constant 0 : i32
    %dma_wait3A_2167 = tpu.memref_slice %arg8[%dma_wait3A_2164, %dma_wait3A_2165, %dma_wait3A_2166] : memref<2x2560x16xf32, #tpu.memory_space<vmem>> -> memref<1x128x16xf32, #tpu.memory_space<vmem>>
    %dma_wait3A_2168 = tpu.memref_squeeze %dma_wait3A_2167 : memref<1x128x16xf32, #tpu.memory_space<vmem>> -> memref<128x16xf32, #tpu.memory_space<vmem>>
    %dma_wait3A_2169 = arith.constant 7168 : i32
    %dma_wait3A_2170 = tpu.memref_slice %arg7[%dma_wait3A_2169] : memref<9984xi32, #tpu.memory_space<vmem>> -> memref<128xi32, #tpu.memory_space<vmem>>
    %dma_wait3A_2171 = arith.constant 0 : i32
    %dma_wait3A_2172 = arith.constant 0 : i32
    %dma_wait3A_2173 = tpu.memref_slice %arg5[%dma_wait3A_2171, %dma_wait3A_2172] : memref<10000x16xf32, #tpu.memory_space<vmem_shared>> -> memref<10000x16xf32, #tpu.memory_space<vmem_shared>>
    tpu.wait_indirect_dma semaphore(%arg14 : memref<!tpu.dma_semaphore, #tpu.memory_space<semaphore_mem>>) src(%dma_wait3A_2168 : memref<128x16xf32, #tpu.memory_space<vmem>>) dst(%dma_wait3A_2173 : memref<10000x16xf32, #tpu.memory_space<vmem_shared>>)
    %dma_wait3A_2174 = arith.constant 7168 : i32
    %dma_wait3A_2175 = tpu.memref_slice %arg7[%dma_wait3A_2174] : memref<9984xi32, #tpu.memory_space<vmem>> -> memref<128xi32, #tpu.memory_space<vmem>>
    %dma_wait3A_2176 = arith.constant 0 : i32
    %dma_wait3A_2177 = arith.constant 0 : i32
    %dma_wait3A_2178 = tpu.memref_slice %arg6[%dma_wait3A_2176, %dma_wait3A_2177] : memref<10000x16xf32, #tpu.memory_space<vmem_shared>> -> memref<10000x16xf32, #tpu.memory_space<vmem_shared>>
    tpu.wait_indirect_dma semaphore(%arg14 : memref<!tpu.dma_semaphore, #tpu.memory_space<semaphore_mem>>) src(%arg9 : memref<128x16xf32, #tpu.memory_space<vmem>>) dst(%dma_wait3A_2178 : memref<10000x16xf32, #tpu.memory_space<vmem_shared>>)
    %dma_wait3A_2179 = arith.constant 0 : i32
    %dma_wait3A_2180 = arith.constant 2176 : i32
    %dma_wait3A_2181 = arith.constant 0 : i32
    %dma_wait3A_2182 = tpu.memref_slice %arg8[%dma_wait3A_2179, %dma_wait3A_2180, %dma_wait3A_2181] : memref<2x2560x16xf32, #tpu.memory_space<vmem>> -> memref<1x128x16xf32, #tpu.memory_space<vmem>>
    %dma_wait3A_2183 = tpu.memref_squeeze %dma_wait3A_2182 : memref<1x128x16xf32, #tpu.memory_space<vmem>> -> memref<128x16xf32, #tpu.memory_space<vmem>>
    %dma_wait3A_2184 = arith.constant 7296 : i32
    %dma_wait3A_2185 = tpu.memref_slice %arg7[%dma_wait3A_2184] : memref<9984xi32, #tpu.memory_space<vmem>> -> memref<128xi32, #tpu.memory_space<vmem>>
    %dma_wait3A_2186 = arith.constant 0 : i32
    %dma_wait3A_2187 = arith.constant 0 : i32
    %dma_wait3A_2188 = tpu.memref_slice %arg5[%dma_wait3A_2186, %dma_wait3A_2187] : memref<10000x16xf32, #tpu.memory_space<vmem_shared>> -> memref<10000x16xf32, #tpu.memory_space<vmem_shared>>
    tpu.wait_indirect_dma semaphore(%arg14 : memref<!tpu.dma_semaphore, #tpu.memory_space<semaphore_mem>>) src(%dma_wait3A_2183 : memref<128x16xf32, #tpu.memory_space<vmem>>) dst(%dma_wait3A_2188 : memref<10000x16xf32, #tpu.memory_space<vmem_shared>>)
    %dma_wait3A_2189 = arith.constant 7296 : i32
    %dma_wait3A_2190 = tpu.memref_slice %arg7[%dma_wait3A_2189] : memref<9984xi32, #tpu.memory_space<vmem>> -> memref<128xi32, #tpu.memory_space<vmem>>
    %dma_wait3A_2191 = arith.constant 0 : i32
    %dma_wait3A_2192 = arith.constant 0 : i32
    %dma_wait3A_2193 = tpu.memref_slice %arg6[%dma_wait3A_2191, %dma_wait3A_2192] : memref<10000x16xf32, #tpu.memory_space<vmem_shared>> -> memref<10000x16xf32, #tpu.memory_space<vmem_shared>>
    tpu.wait_indirect_dma semaphore(%arg14 : memref<!tpu.dma_semaphore, #tpu.memory_space<semaphore_mem>>) src(%arg9 : memref<128x16xf32, #tpu.memory_space<vmem>>) dst(%dma_wait3A_2193 : memref<10000x16xf32, #tpu.memory_space<vmem_shared>>)
    %dma_wait3A_2194 = arith.constant 0 : i32
    %dma_wait3A_2195 = arith.constant 2304 : i32
    %dma_wait3A_2196 = arith.constant 0 : i32
    %dma_wait3A_2197 = tpu.memref_slice %arg8[%dma_wait3A_2194, %dma_wait3A_2195, %dma_wait3A_2196] : memref<2x2560x16xf32, #tpu.memory_space<vmem>> -> memref<1x128x16xf32, #tpu.memory_space<vmem>>
    %dma_wait3A_2198 = tpu.memref_squeeze %dma_wait3A_2197 : memref<1x128x16xf32, #tpu.memory_space<vmem>> -> memref<128x16xf32, #tpu.memory_space<vmem>>
    %dma_wait3A_2199 = arith.constant 7424 : i32
    %dma_wait3A_2200 = tpu.memref_slice %arg7[%dma_wait3A_2199] : memref<9984xi32, #tpu.memory_space<vmem>> -> memref<128xi32, #tpu.memory_space<vmem>>
    %dma_wait3A_2201 = arith.constant 0 : i32
    %dma_wait3A_2202 = arith.constant 0 : i32
    %dma_wait3A_2203 = tpu.memref_slice %arg5[%dma_wait3A_2201, %dma_wait3A_2202] : memref<10000x16xf32, #tpu.memory_space<vmem_shared>> -> memref<10000x16xf32, #tpu.memory_space<vmem_shared>>
    tpu.wait_indirect_dma semaphore(%arg14 : memref<!tpu.dma_semaphore, #tpu.memory_space<semaphore_mem>>) src(%dma_wait3A_2198 : memref<128x16xf32, #tpu.memory_space<vmem>>) dst(%dma_wait3A_2203 : memref<10000x16xf32, #tpu.memory_space<vmem_shared>>)
    %dma_wait3A_2204 = arith.constant 7424 : i32
    %dma_wait3A_2205 = tpu.memref_slice %arg7[%dma_wait3A_2204] : memref<9984xi32, #tpu.memory_space<vmem>> -> memref<128xi32, #tpu.memory_space<vmem>>
    %dma_wait3A_2206 = arith.constant 0 : i32
    %dma_wait3A_2207 = arith.constant 0 : i32
    %dma_wait3A_2208 = tpu.memref_slice %arg6[%dma_wait3A_2206, %dma_wait3A_2207] : memref<10000x16xf32, #tpu.memory_space<vmem_shared>> -> memref<10000x16xf32, #tpu.memory_space<vmem_shared>>
    tpu.wait_indirect_dma semaphore(%arg14 : memref<!tpu.dma_semaphore, #tpu.memory_space<semaphore_mem>>) src(%arg9 : memref<128x16xf32, #tpu.memory_space<vmem>>) dst(%dma_wait3A_2208 : memref<10000x16xf32, #tpu.memory_space<vmem_shared>>)
    %dma_wait3A_2209 = arith.constant 0 : i32
    %dma_wait3A_2210 = arith.constant 2432 : i32
    %dma_wait3A_2211 = arith.constant 0 : i32
    %dma_wait3A_2212 = tpu.memref_slice %arg8[%dma_wait3A_2209, %dma_wait3A_2210, %dma_wait3A_2211] : memref<2x2560x16xf32, #tpu.memory_space<vmem>> -> memref<1x128x16xf32, #tpu.memory_space<vmem>>
    %dma_wait3A_2213 = tpu.memref_squeeze %dma_wait3A_2212 : memref<1x128x16xf32, #tpu.memory_space<vmem>> -> memref<128x16xf32, #tpu.memory_space<vmem>>
    %dma_wait3A_2214 = arith.constant 7552 : i32
    %dma_wait3A_2215 = tpu.memref_slice %arg7[%dma_wait3A_2214] : memref<9984xi32, #tpu.memory_space<vmem>> -> memref<128xi32, #tpu.memory_space<vmem>>
    %dma_wait3A_2216 = arith.constant 0 : i32
    %dma_wait3A_2217 = arith.constant 0 : i32
    %dma_wait3A_2218 = tpu.memref_slice %arg5[%dma_wait3A_2216, %dma_wait3A_2217] : memref<10000x16xf32, #tpu.memory_space<vmem_shared>> -> memref<10000x16xf32, #tpu.memory_space<vmem_shared>>
    tpu.wait_indirect_dma semaphore(%arg14 : memref<!tpu.dma_semaphore, #tpu.memory_space<semaphore_mem>>) src(%dma_wait3A_2213 : memref<128x16xf32, #tpu.memory_space<vmem>>) dst(%dma_wait3A_2218 : memref<10000x16xf32, #tpu.memory_space<vmem_shared>>)
    %dma_wait3A_2219 = arith.constant 7552 : i32
    %dma_wait3A_2220 = tpu.memref_slice %arg7[%dma_wait3A_2219] : memref<9984xi32, #tpu.memory_space<vmem>> -> memref<128xi32, #tpu.memory_space<vmem>>
    %dma_wait3A_2221 = arith.constant 0 : i32
    %dma_wait3A_2222 = arith.constant 0 : i32
    %dma_wait3A_2223 = tpu.memref_slice %arg6[%dma_wait3A_2221, %dma_wait3A_2222] : memref<10000x16xf32, #tpu.memory_space<vmem_shared>> -> memref<10000x16xf32, #tpu.memory_space<vmem_shared>>
    tpu.wait_indirect_dma semaphore(%arg14 : memref<!tpu.dma_semaphore, #tpu.memory_space<semaphore_mem>>) src(%arg9 : memref<128x16xf32, #tpu.memory_space<vmem>>) dst(%dma_wait3A_2223 : memref<10000x16xf32, #tpu.memory_space<vmem_shared>>)
    %dma_wait3A_2224 = arith.constant 1 : i32
    %dma_wait3A_2225 = arith.constant 0 : i32
    %dma_wait3A_2226 = arith.constant 0 : i32
    %dma_wait3A_2227 = tpu.memref_slice %arg8[%dma_wait3A_2224, %dma_wait3A_2225, %dma_wait3A_2226] : memref<2x2560x16xf32, #tpu.memory_space<vmem>> -> memref<1x128x16xf32, #tpu.memory_space<vmem>>
    %dma_wait3A_2228 = tpu.memref_squeeze %dma_wait3A_2227 : memref<1x128x16xf32, #tpu.memory_space<vmem>> -> memref<128x16xf32, #tpu.memory_space<vmem>>
    %dma_wait3A_2229 = arith.constant 7680 : i32
    %dma_wait3A_2230 = tpu.memref_slice %arg7[%dma_wait3A_2229] : memref<9984xi32, #tpu.memory_space<vmem>> -> memref<128xi32, #tpu.memory_space<vmem>>
    %dma_wait3A_2231 = arith.constant 0 : i32
    %dma_wait3A_2232 = arith.constant 0 : i32
    %dma_wait3A_2233 = tpu.memref_slice %arg5[%dma_wait3A_2231, %dma_wait3A_2232] : memref<10000x16xf32, #tpu.memory_space<vmem_shared>> -> memref<10000x16xf32, #tpu.memory_space<vmem_shared>>
    tpu.wait_indirect_dma semaphore(%arg14 : memref<!tpu.dma_semaphore, #tpu.memory_space<semaphore_mem>>) src(%dma_wait3A_2228 : memref<128x16xf32, #tpu.memory_space<vmem>>) dst(%dma_wait3A_2233 : memref<10000x16xf32, #tpu.memory_space<vmem_shared>>)
    %dma_wait3A_2234 = arith.constant 7680 : i32
    %dma_wait3A_2235 = tpu.memref_slice %arg7[%dma_wait3A_2234] : memref<9984xi32, #tpu.memory_space<vmem>> -> memref<128xi32, #tpu.memory_space<vmem>>
    %dma_wait3A_2236 = arith.constant 0 : i32
    %dma_wait3A_2237 = arith.constant 0 : i32
    %dma_wait3A_2238 = tpu.memref_slice %arg6[%dma_wait3A_2236, %dma_wait3A_2237] : memref<10000x16xf32, #tpu.memory_space<vmem_shared>> -> memref<10000x16xf32, #tpu.memory_space<vmem_shared>>
    tpu.wait_indirect_dma semaphore(%arg14 : memref<!tpu.dma_semaphore, #tpu.memory_space<semaphore_mem>>) src(%arg9 : memref<128x16xf32, #tpu.memory_space<vmem>>) dst(%dma_wait3A_2238 : memref<10000x16xf32, #tpu.memory_space<vmem_shared>>)
    %dma_wait3A_2239 = arith.constant 1 : i32
    %dma_wait3A_2240 = arith.constant 128 : i32
    %dma_wait3A_2241 = arith.constant 0 : i32
    %dma_wait3A_2242 = tpu.memref_slice %arg8[%dma_wait3A_2239, %dma_wait3A_2240, %dma_wait3A_2241] : memref<2x2560x16xf32, #tpu.memory_space<vmem>> -> memref<1x128x16xf32, #tpu.memory_space<vmem>>
    %dma_wait3A_2243 = tpu.memref_squeeze %dma_wait3A_2242 : memref<1x128x16xf32, #tpu.memory_space<vmem>> -> memref<128x16xf32, #tpu.memory_space<vmem>>
    %dma_wait3A_2244 = arith.constant 7808 : i32
    %dma_wait3A_2245 = tpu.memref_slice %arg7[%dma_wait3A_2244] : memref<9984xi32, #tpu.memory_space<vmem>> -> memref<128xi32, #tpu.memory_space<vmem>>
    %dma_wait3A_2246 = arith.constant 0 : i32
    %dma_wait3A_2247 = arith.constant 0 : i32
    %dma_wait3A_2248 = tpu.memref_slice %arg5[%dma_wait3A_2246, %dma_wait3A_2247] : memref<10000x16xf32, #tpu.memory_space<vmem_shared>> -> memref<10000x16xf32, #tpu.memory_space<vmem_shared>>
    tpu.wait_indirect_dma semaphore(%arg14 : memref<!tpu.dma_semaphore, #tpu.memory_space<semaphore_mem>>) src(%dma_wait3A_2243 : memref<128x16xf32, #tpu.memory_space<vmem>>) dst(%dma_wait3A_2248 : memref<10000x16xf32, #tpu.memory_space<vmem_shared>>)
    %dma_wait3A_2249 = arith.constant 7808 : i32
    %dma_wait3A_2250 = tpu.memref_slice %arg7[%dma_wait3A_2249] : memref<9984xi32, #tpu.memory_space<vmem>> -> memref<128xi32, #tpu.memory_space<vmem>>
    %dma_wait3A_2251 = arith.constant 0 : i32
    %dma_wait3A_2252 = arith.constant 0 : i32
    %dma_wait3A_2253 = tpu.memref_slice %arg6[%dma_wait3A_2251, %dma_wait3A_2252] : memref<10000x16xf32, #tpu.memory_space<vmem_shared>> -> memref<10000x16xf32, #tpu.memory_space<vmem_shared>>
    tpu.wait_indirect_dma semaphore(%arg14 : memref<!tpu.dma_semaphore, #tpu.memory_space<semaphore_mem>>) src(%arg9 : memref<128x16xf32, #tpu.memory_space<vmem>>) dst(%dma_wait3A_2253 : memref<10000x16xf32, #tpu.memory_space<vmem_shared>>)
    %dma_wait3A_2254 = arith.constant 1 : i32
    %dma_wait3A_2255 = arith.constant 256 : i32
    %dma_wait3A_2256 = arith.constant 0 : i32
    %dma_wait3A_2257 = tpu.memref_slice %arg8[%dma_wait3A_2254, %dma_wait3A_2255, %dma_wait3A_2256] : memref<2x2560x16xf32, #tpu.memory_space<vmem>> -> memref<1x128x16xf32, #tpu.memory_space<vmem>>
    %dma_wait3A_2258 = tpu.memref_squeeze %dma_wait3A_2257 : memref<1x128x16xf32, #tpu.memory_space<vmem>> -> memref<128x16xf32, #tpu.memory_space<vmem>>
    %dma_wait3A_2259 = arith.constant 7936 : i32
    %dma_wait3A_2260 = tpu.memref_slice %arg7[%dma_wait3A_2259] : memref<9984xi32, #tpu.memory_space<vmem>> -> memref<128xi32, #tpu.memory_space<vmem>>
    %dma_wait3A_2261 = arith.constant 0 : i32
    %dma_wait3A_2262 = arith.constant 0 : i32
    %dma_wait3A_2263 = tpu.memref_slice %arg5[%dma_wait3A_2261, %dma_wait3A_2262] : memref<10000x16xf32, #tpu.memory_space<vmem_shared>> -> memref<10000x16xf32, #tpu.memory_space<vmem_shared>>
    tpu.wait_indirect_dma semaphore(%arg14 : memref<!tpu.dma_semaphore, #tpu.memory_space<semaphore_mem>>) src(%dma_wait3A_2258 : memref<128x16xf32, #tpu.memory_space<vmem>>) dst(%dma_wait3A_2263 : memref<10000x16xf32, #tpu.memory_space<vmem_shared>>)
    %dma_wait3A_2264 = arith.constant 7936 : i32
    %dma_wait3A_2265 = tpu.memref_slice %arg7[%dma_wait3A_2264] : memref<9984xi32, #tpu.memory_space<vmem>> -> memref<128xi32, #tpu.memory_space<vmem>>
    %dma_wait3A_2266 = arith.constant 0 : i32
    %dma_wait3A_2267 = arith.constant 0 : i32
    %dma_wait3A_2268 = tpu.memref_slice %arg6[%dma_wait3A_2266, %dma_wait3A_2267] : memref<10000x16xf32, #tpu.memory_space<vmem_shared>> -> memref<10000x16xf32, #tpu.memory_space<vmem_shared>>
    tpu.wait_indirect_dma semaphore(%arg14 : memref<!tpu.dma_semaphore, #tpu.memory_space<semaphore_mem>>) src(%arg9 : memref<128x16xf32, #tpu.memory_space<vmem>>) dst(%dma_wait3A_2268 : memref<10000x16xf32, #tpu.memory_space<vmem_shared>>)
    %dma_wait3A_2269 = arith.constant 1 : i32
    %dma_wait3A_2270 = arith.constant 384 : i32
    %dma_wait3A_2271 = arith.constant 0 : i32
    %dma_wait3A_2272 = tpu.memref_slice %arg8[%dma_wait3A_2269, %dma_wait3A_2270, %dma_wait3A_2271] : memref<2x2560x16xf32, #tpu.memory_space<vmem>> -> memref<1x128x16xf32, #tpu.memory_space<vmem>>
    %dma_wait3A_2273 = tpu.memref_squeeze %dma_wait3A_2272 : memref<1x128x16xf32, #tpu.memory_space<vmem>> -> memref<128x16xf32, #tpu.memory_space<vmem>>
    %dma_wait3A_2274 = arith.constant 8064 : i32
    %dma_wait3A_2275 = tpu.memref_slice %arg7[%dma_wait3A_2274] : memref<9984xi32, #tpu.memory_space<vmem>> -> memref<128xi32, #tpu.memory_space<vmem>>
    %dma_wait3A_2276 = arith.constant 0 : i32
    %dma_wait3A_2277 = arith.constant 0 : i32
    %dma_wait3A_2278 = tpu.memref_slice %arg5[%dma_wait3A_2276, %dma_wait3A_2277] : memref<10000x16xf32, #tpu.memory_space<vmem_shared>> -> memref<10000x16xf32, #tpu.memory_space<vmem_shared>>
    tpu.wait_indirect_dma semaphore(%arg14 : memref<!tpu.dma_semaphore, #tpu.memory_space<semaphore_mem>>) src(%dma_wait3A_2273 : memref<128x16xf32, #tpu.memory_space<vmem>>) dst(%dma_wait3A_2278 : memref<10000x16xf32, #tpu.memory_space<vmem_shared>>)
    %dma_wait3A_2279 = arith.constant 8064 : i32
    %dma_wait3A_2280 = tpu.memref_slice %arg7[%dma_wait3A_2279] : memref<9984xi32, #tpu.memory_space<vmem>> -> memref<128xi32, #tpu.memory_space<vmem>>
    %dma_wait3A_2281 = arith.constant 0 : i32
    %dma_wait3A_2282 = arith.constant 0 : i32
    %dma_wait3A_2283 = tpu.memref_slice %arg6[%dma_wait3A_2281, %dma_wait3A_2282] : memref<10000x16xf32, #tpu.memory_space<vmem_shared>> -> memref<10000x16xf32, #tpu.memory_space<vmem_shared>>
    tpu.wait_indirect_dma semaphore(%arg14 : memref<!tpu.dma_semaphore, #tpu.memory_space<semaphore_mem>>) src(%arg9 : memref<128x16xf32, #tpu.memory_space<vmem>>) dst(%dma_wait3A_2283 : memref<10000x16xf32, #tpu.memory_space<vmem_shared>>)
    %dma_wait3A_2284 = arith.constant 1 : i32
    %dma_wait3A_2285 = arith.constant 512 : i32
    %dma_wait3A_2286 = arith.constant 0 : i32
    %dma_wait3A_2287 = tpu.memref_slice %arg8[%dma_wait3A_2284, %dma_wait3A_2285, %dma_wait3A_2286] : memref<2x2560x16xf32, #tpu.memory_space<vmem>> -> memref<1x128x16xf32, #tpu.memory_space<vmem>>
    %dma_wait3A_2288 = tpu.memref_squeeze %dma_wait3A_2287 : memref<1x128x16xf32, #tpu.memory_space<vmem>> -> memref<128x16xf32, #tpu.memory_space<vmem>>
    %dma_wait3A_2289 = arith.constant 8192 : i32
    %dma_wait3A_2290 = tpu.memref_slice %arg7[%dma_wait3A_2289] : memref<9984xi32, #tpu.memory_space<vmem>> -> memref<128xi32, #tpu.memory_space<vmem>>
    %dma_wait3A_2291 = arith.constant 0 : i32
    %dma_wait3A_2292 = arith.constant 0 : i32
    %dma_wait3A_2293 = tpu.memref_slice %arg5[%dma_wait3A_2291, %dma_wait3A_2292] : memref<10000x16xf32, #tpu.memory_space<vmem_shared>> -> memref<10000x16xf32, #tpu.memory_space<vmem_shared>>
    tpu.wait_indirect_dma semaphore(%arg14 : memref<!tpu.dma_semaphore, #tpu.memory_space<semaphore_mem>>) src(%dma_wait3A_2288 : memref<128x16xf32, #tpu.memory_space<vmem>>) dst(%dma_wait3A_2293 : memref<10000x16xf32, #tpu.memory_space<vmem_shared>>)
    %dma_wait3A_2294 = arith.constant 8192 : i32
    %dma_wait3A_2295 = tpu.memref_slice %arg7[%dma_wait3A_2294] : memref<9984xi32, #tpu.memory_space<vmem>> -> memref<128xi32, #tpu.memory_space<vmem>>
    %dma_wait3A_2296 = arith.constant 0 : i32
    %dma_wait3A_2297 = arith.constant 0 : i32
    %dma_wait3A_2298 = tpu.memref_slice %arg6[%dma_wait3A_2296, %dma_wait3A_2297] : memref<10000x16xf32, #tpu.memory_space<vmem_shared>> -> memref<10000x16xf32, #tpu.memory_space<vmem_shared>>
    tpu.wait_indirect_dma semaphore(%arg14 : memref<!tpu.dma_semaphore, #tpu.memory_space<semaphore_mem>>) src(%arg9 : memref<128x16xf32, #tpu.memory_space<vmem>>) dst(%dma_wait3A_2298 : memref<10000x16xf32, #tpu.memory_space<vmem_shared>>)
    %dma_wait3A_2299 = arith.constant 1 : i32
    %dma_wait3A_2300 = arith.constant 640 : i32
    %dma_wait3A_2301 = arith.constant 0 : i32
    %dma_wait3A_2302 = tpu.memref_slice %arg8[%dma_wait3A_2299, %dma_wait3A_2300, %dma_wait3A_2301] : memref<2x2560x16xf32, #tpu.memory_space<vmem>> -> memref<1x128x16xf32, #tpu.memory_space<vmem>>
    %dma_wait3A_2303 = tpu.memref_squeeze %dma_wait3A_2302 : memref<1x128x16xf32, #tpu.memory_space<vmem>> -> memref<128x16xf32, #tpu.memory_space<vmem>>
    %dma_wait3A_2304 = arith.constant 8320 : i32
    %dma_wait3A_2305 = tpu.memref_slice %arg7[%dma_wait3A_2304] : memref<9984xi32, #tpu.memory_space<vmem>> -> memref<128xi32, #tpu.memory_space<vmem>>
    %dma_wait3A_2306 = arith.constant 0 : i32
    %dma_wait3A_2307 = arith.constant 0 : i32
    %dma_wait3A_2308 = tpu.memref_slice %arg5[%dma_wait3A_2306, %dma_wait3A_2307] : memref<10000x16xf32, #tpu.memory_space<vmem_shared>> -> memref<10000x16xf32, #tpu.memory_space<vmem_shared>>
    tpu.wait_indirect_dma semaphore(%arg14 : memref<!tpu.dma_semaphore, #tpu.memory_space<semaphore_mem>>) src(%dma_wait3A_2303 : memref<128x16xf32, #tpu.memory_space<vmem>>) dst(%dma_wait3A_2308 : memref<10000x16xf32, #tpu.memory_space<vmem_shared>>)
    %dma_wait3A_2309 = arith.constant 8320 : i32
    %dma_wait3A_2310 = tpu.memref_slice %arg7[%dma_wait3A_2309] : memref<9984xi32, #tpu.memory_space<vmem>> -> memref<128xi32, #tpu.memory_space<vmem>>
    %dma_wait3A_2311 = arith.constant 0 : i32
    %dma_wait3A_2312 = arith.constant 0 : i32
    %dma_wait3A_2313 = tpu.memref_slice %arg6[%dma_wait3A_2311, %dma_wait3A_2312] : memref<10000x16xf32, #tpu.memory_space<vmem_shared>> -> memref<10000x16xf32, #tpu.memory_space<vmem_shared>>
    tpu.wait_indirect_dma semaphore(%arg14 : memref<!tpu.dma_semaphore, #tpu.memory_space<semaphore_mem>>) src(%arg9 : memref<128x16xf32, #tpu.memory_space<vmem>>) dst(%dma_wait3A_2313 : memref<10000x16xf32, #tpu.memory_space<vmem_shared>>)
    %dma_wait3A_2314 = arith.constant 1 : i32
    %dma_wait3A_2315 = arith.constant 768 : i32
    %dma_wait3A_2316 = arith.constant 0 : i32
    %dma_wait3A_2317 = tpu.memref_slice %arg8[%dma_wait3A_2314, %dma_wait3A_2315, %dma_wait3A_2316] : memref<2x2560x16xf32, #tpu.memory_space<vmem>> -> memref<1x128x16xf32, #tpu.memory_space<vmem>>
    %dma_wait3A_2318 = tpu.memref_squeeze %dma_wait3A_2317 : memref<1x128x16xf32, #tpu.memory_space<vmem>> -> memref<128x16xf32, #tpu.memory_space<vmem>>
    %dma_wait3A_2319 = arith.constant 8448 : i32
    %dma_wait3A_2320 = tpu.memref_slice %arg7[%dma_wait3A_2319] : memref<9984xi32, #tpu.memory_space<vmem>> -> memref<128xi32, #tpu.memory_space<vmem>>
    %dma_wait3A_2321 = arith.constant 0 : i32
    %dma_wait3A_2322 = arith.constant 0 : i32
    %dma_wait3A_2323 = tpu.memref_slice %arg5[%dma_wait3A_2321, %dma_wait3A_2322] : memref<10000x16xf32, #tpu.memory_space<vmem_shared>> -> memref<10000x16xf32, #tpu.memory_space<vmem_shared>>
    tpu.wait_indirect_dma semaphore(%arg14 : memref<!tpu.dma_semaphore, #tpu.memory_space<semaphore_mem>>) src(%dma_wait3A_2318 : memref<128x16xf32, #tpu.memory_space<vmem>>) dst(%dma_wait3A_2323 : memref<10000x16xf32, #tpu.memory_space<vmem_shared>>)
    %dma_wait3A_2324 = arith.constant 8448 : i32
    %dma_wait3A_2325 = tpu.memref_slice %arg7[%dma_wait3A_2324] : memref<9984xi32, #tpu.memory_space<vmem>> -> memref<128xi32, #tpu.memory_space<vmem>>
    %dma_wait3A_2326 = arith.constant 0 : i32
    %dma_wait3A_2327 = arith.constant 0 : i32
    %dma_wait3A_2328 = tpu.memref_slice %arg6[%dma_wait3A_2326, %dma_wait3A_2327] : memref<10000x16xf32, #tpu.memory_space<vmem_shared>> -> memref<10000x16xf32, #tpu.memory_space<vmem_shared>>
    tpu.wait_indirect_dma semaphore(%arg14 : memref<!tpu.dma_semaphore, #tpu.memory_space<semaphore_mem>>) src(%arg9 : memref<128x16xf32, #tpu.memory_space<vmem>>) dst(%dma_wait3A_2328 : memref<10000x16xf32, #tpu.memory_space<vmem_shared>>)
    %dma_wait3A_2329 = arith.constant 1 : i32
    %dma_wait3A_2330 = arith.constant 896 : i32
    %dma_wait3A_2331 = arith.constant 0 : i32
    %dma_wait3A_2332 = tpu.memref_slice %arg8[%dma_wait3A_2329, %dma_wait3A_2330, %dma_wait3A_2331] : memref<2x2560x16xf32, #tpu.memory_space<vmem>> -> memref<1x128x16xf32, #tpu.memory_space<vmem>>
    %dma_wait3A_2333 = tpu.memref_squeeze %dma_wait3A_2332 : memref<1x128x16xf32, #tpu.memory_space<vmem>> -> memref<128x16xf32, #tpu.memory_space<vmem>>
    %dma_wait3A_2334 = arith.constant 8576 : i32
    %dma_wait3A_2335 = tpu.memref_slice %arg7[%dma_wait3A_2334] : memref<9984xi32, #tpu.memory_space<vmem>> -> memref<128xi32, #tpu.memory_space<vmem>>
    %dma_wait3A_2336 = arith.constant 0 : i32
    %dma_wait3A_2337 = arith.constant 0 : i32
    %dma_wait3A_2338 = tpu.memref_slice %arg5[%dma_wait3A_2336, %dma_wait3A_2337] : memref<10000x16xf32, #tpu.memory_space<vmem_shared>> -> memref<10000x16xf32, #tpu.memory_space<vmem_shared>>
    tpu.wait_indirect_dma semaphore(%arg14 : memref<!tpu.dma_semaphore, #tpu.memory_space<semaphore_mem>>) src(%dma_wait3A_2333 : memref<128x16xf32, #tpu.memory_space<vmem>>) dst(%dma_wait3A_2338 : memref<10000x16xf32, #tpu.memory_space<vmem_shared>>)
    %dma_wait3A_2339 = arith.constant 8576 : i32
    %dma_wait3A_2340 = tpu.memref_slice %arg7[%dma_wait3A_2339] : memref<9984xi32, #tpu.memory_space<vmem>> -> memref<128xi32, #tpu.memory_space<vmem>>
    %dma_wait3A_2341 = arith.constant 0 : i32
    %dma_wait3A_2342 = arith.constant 0 : i32
    %dma_wait3A_2343 = tpu.memref_slice %arg6[%dma_wait3A_2341, %dma_wait3A_2342] : memref<10000x16xf32, #tpu.memory_space<vmem_shared>> -> memref<10000x16xf32, #tpu.memory_space<vmem_shared>>
    tpu.wait_indirect_dma semaphore(%arg14 : memref<!tpu.dma_semaphore, #tpu.memory_space<semaphore_mem>>) src(%arg9 : memref<128x16xf32, #tpu.memory_space<vmem>>) dst(%dma_wait3A_2343 : memref<10000x16xf32, #tpu.memory_space<vmem_shared>>)
    %dma_wait3A_2344 = arith.constant 1 : i32
    %dma_wait3A_2345 = arith.constant 1024 : i32
    %dma_wait3A_2346 = arith.constant 0 : i32
    %dma_wait3A_2347 = tpu.memref_slice %arg8[%dma_wait3A_2344, %dma_wait3A_2345, %dma_wait3A_2346] : memref<2x2560x16xf32, #tpu.memory_space<vmem>> -> memref<1x128x16xf32, #tpu.memory_space<vmem>>
    %dma_wait3A_2348 = tpu.memref_squeeze %dma_wait3A_2347 : memref<1x128x16xf32, #tpu.memory_space<vmem>> -> memref<128x16xf32, #tpu.memory_space<vmem>>
    %dma_wait3A_2349 = arith.constant 8704 : i32
    %dma_wait3A_2350 = tpu.memref_slice %arg7[%dma_wait3A_2349] : memref<9984xi32, #tpu.memory_space<vmem>> -> memref<128xi32, #tpu.memory_space<vmem>>
    %dma_wait3A_2351 = arith.constant 0 : i32
    %dma_wait3A_2352 = arith.constant 0 : i32
    %dma_wait3A_2353 = tpu.memref_slice %arg5[%dma_wait3A_2351, %dma_wait3A_2352] : memref<10000x16xf32, #tpu.memory_space<vmem_shared>> -> memref<10000x16xf32, #tpu.memory_space<vmem_shared>>
    tpu.wait_indirect_dma semaphore(%arg14 : memref<!tpu.dma_semaphore, #tpu.memory_space<semaphore_mem>>) src(%dma_wait3A_2348 : memref<128x16xf32, #tpu.memory_space<vmem>>) dst(%dma_wait3A_2353 : memref<10000x16xf32, #tpu.memory_space<vmem_shared>>)
    %dma_wait3A_2354 = arith.constant 8704 : i32
    %dma_wait3A_2355 = tpu.memref_slice %arg7[%dma_wait3A_2354] : memref<9984xi32, #tpu.memory_space<vmem>> -> memref<128xi32, #tpu.memory_space<vmem>>
    %dma_wait3A_2356 = arith.constant 0 : i32
    %dma_wait3A_2357 = arith.constant 0 : i32
    %dma_wait3A_2358 = tpu.memref_slice %arg6[%dma_wait3A_2356, %dma_wait3A_2357] : memref<10000x16xf32, #tpu.memory_space<vmem_shared>> -> memref<10000x16xf32, #tpu.memory_space<vmem_shared>>
    tpu.wait_indirect_dma semaphore(%arg14 : memref<!tpu.dma_semaphore, #tpu.memory_space<semaphore_mem>>) src(%arg9 : memref<128x16xf32, #tpu.memory_space<vmem>>) dst(%dma_wait3A_2358 : memref<10000x16xf32, #tpu.memory_space<vmem_shared>>)
    %dma_wait3A_2359 = arith.constant 1 : i32
    %dma_wait3A_2360 = arith.constant 1152 : i32
    %dma_wait3A_2361 = arith.constant 0 : i32
    %dma_wait3A_2362 = tpu.memref_slice %arg8[%dma_wait3A_2359, %dma_wait3A_2360, %dma_wait3A_2361] : memref<2x2560x16xf32, #tpu.memory_space<vmem>> -> memref<1x128x16xf32, #tpu.memory_space<vmem>>
    %dma_wait3A_2363 = tpu.memref_squeeze %dma_wait3A_2362 : memref<1x128x16xf32, #tpu.memory_space<vmem>> -> memref<128x16xf32, #tpu.memory_space<vmem>>
    %dma_wait3A_2364 = arith.constant 8832 : i32
    %dma_wait3A_2365 = tpu.memref_slice %arg7[%dma_wait3A_2364] : memref<9984xi32, #tpu.memory_space<vmem>> -> memref<128xi32, #tpu.memory_space<vmem>>
    %dma_wait3A_2366 = arith.constant 0 : i32
    %dma_wait3A_2367 = arith.constant 0 : i32
    %dma_wait3A_2368 = tpu.memref_slice %arg5[%dma_wait3A_2366, %dma_wait3A_2367] : memref<10000x16xf32, #tpu.memory_space<vmem_shared>> -> memref<10000x16xf32, #tpu.memory_space<vmem_shared>>
    tpu.wait_indirect_dma semaphore(%arg14 : memref<!tpu.dma_semaphore, #tpu.memory_space<semaphore_mem>>) src(%dma_wait3A_2363 : memref<128x16xf32, #tpu.memory_space<vmem>>) dst(%dma_wait3A_2368 : memref<10000x16xf32, #tpu.memory_space<vmem_shared>>)
    %dma_wait3A_2369 = arith.constant 8832 : i32
    %dma_wait3A_2370 = tpu.memref_slice %arg7[%dma_wait3A_2369] : memref<9984xi32, #tpu.memory_space<vmem>> -> memref<128xi32, #tpu.memory_space<vmem>>
    %dma_wait3A_2371 = arith.constant 0 : i32
    %dma_wait3A_2372 = arith.constant 0 : i32
    %dma_wait3A_2373 = tpu.memref_slice %arg6[%dma_wait3A_2371, %dma_wait3A_2372] : memref<10000x16xf32, #tpu.memory_space<vmem_shared>> -> memref<10000x16xf32, #tpu.memory_space<vmem_shared>>
    tpu.wait_indirect_dma semaphore(%arg14 : memref<!tpu.dma_semaphore, #tpu.memory_space<semaphore_mem>>) src(%arg9 : memref<128x16xf32, #tpu.memory_space<vmem>>) dst(%dma_wait3A_2373 : memref<10000x16xf32, #tpu.memory_space<vmem_shared>>)
    %dma_wait3A_2374 = arith.constant 1 : i32
    %dma_wait3A_2375 = arith.constant 1280 : i32
    %dma_wait3A_2376 = arith.constant 0 : i32
    %dma_wait3A_2377 = tpu.memref_slice %arg8[%dma_wait3A_2374, %dma_wait3A_2375, %dma_wait3A_2376] : memref<2x2560x16xf32, #tpu.memory_space<vmem>> -> memref<1x128x16xf32, #tpu.memory_space<vmem>>
    %dma_wait3A_2378 = tpu.memref_squeeze %dma_wait3A_2377 : memref<1x128x16xf32, #tpu.memory_space<vmem>> -> memref<128x16xf32, #tpu.memory_space<vmem>>
    %dma_wait3A_2379 = arith.constant 8960 : i32
    %dma_wait3A_2380 = tpu.memref_slice %arg7[%dma_wait3A_2379] : memref<9984xi32, #tpu.memory_space<vmem>> -> memref<128xi32, #tpu.memory_space<vmem>>
    %dma_wait3A_2381 = arith.constant 0 : i32
    %dma_wait3A_2382 = arith.constant 0 : i32
    %dma_wait3A_2383 = tpu.memref_slice %arg5[%dma_wait3A_2381, %dma_wait3A_2382] : memref<10000x16xf32, #tpu.memory_space<vmem_shared>> -> memref<10000x16xf32, #tpu.memory_space<vmem_shared>>
    tpu.wait_indirect_dma semaphore(%arg14 : memref<!tpu.dma_semaphore, #tpu.memory_space<semaphore_mem>>) src(%dma_wait3A_2378 : memref<128x16xf32, #tpu.memory_space<vmem>>) dst(%dma_wait3A_2383 : memref<10000x16xf32, #tpu.memory_space<vmem_shared>>)
    %dma_wait3A_2384 = arith.constant 8960 : i32
    %dma_wait3A_2385 = tpu.memref_slice %arg7[%dma_wait3A_2384] : memref<9984xi32, #tpu.memory_space<vmem>> -> memref<128xi32, #tpu.memory_space<vmem>>
    %dma_wait3A_2386 = arith.constant 0 : i32
    %dma_wait3A_2387 = arith.constant 0 : i32
    %dma_wait3A_2388 = tpu.memref_slice %arg6[%dma_wait3A_2386, %dma_wait3A_2387] : memref<10000x16xf32, #tpu.memory_space<vmem_shared>> -> memref<10000x16xf32, #tpu.memory_space<vmem_shared>>
    tpu.wait_indirect_dma semaphore(%arg14 : memref<!tpu.dma_semaphore, #tpu.memory_space<semaphore_mem>>) src(%arg9 : memref<128x16xf32, #tpu.memory_space<vmem>>) dst(%dma_wait3A_2388 : memref<10000x16xf32, #tpu.memory_space<vmem_shared>>)
    %dma_wait3A_2389 = arith.constant 1 : i32
    %dma_wait3A_2390 = arith.constant 1408 : i32
    %dma_wait3A_2391 = arith.constant 0 : i32
    %dma_wait3A_2392 = tpu.memref_slice %arg8[%dma_wait3A_2389, %dma_wait3A_2390, %dma_wait3A_2391] : memref<2x2560x16xf32, #tpu.memory_space<vmem>> -> memref<1x128x16xf32, #tpu.memory_space<vmem>>
    %dma_wait3A_2393 = tpu.memref_squeeze %dma_wait3A_2392 : memref<1x128x16xf32, #tpu.memory_space<vmem>> -> memref<128x16xf32, #tpu.memory_space<vmem>>
    %dma_wait3A_2394 = arith.constant 9088 : i32
    %dma_wait3A_2395 = tpu.memref_slice %arg7[%dma_wait3A_2394] : memref<9984xi32, #tpu.memory_space<vmem>> -> memref<128xi32, #tpu.memory_space<vmem>>
    %dma_wait3A_2396 = arith.constant 0 : i32
    %dma_wait3A_2397 = arith.constant 0 : i32
    %dma_wait3A_2398 = tpu.memref_slice %arg5[%dma_wait3A_2396, %dma_wait3A_2397] : memref<10000x16xf32, #tpu.memory_space<vmem_shared>> -> memref<10000x16xf32, #tpu.memory_space<vmem_shared>>
    tpu.wait_indirect_dma semaphore(%arg14 : memref<!tpu.dma_semaphore, #tpu.memory_space<semaphore_mem>>) src(%dma_wait3A_2393 : memref<128x16xf32, #tpu.memory_space<vmem>>) dst(%dma_wait3A_2398 : memref<10000x16xf32, #tpu.memory_space<vmem_shared>>)
    %dma_wait3A_2399 = arith.constant 9088 : i32
    %dma_wait3A_2400 = tpu.memref_slice %arg7[%dma_wait3A_2399] : memref<9984xi32, #tpu.memory_space<vmem>> -> memref<128xi32, #tpu.memory_space<vmem>>
    %dma_wait3A_2401 = arith.constant 0 : i32
    %dma_wait3A_2402 = arith.constant 0 : i32
    %dma_wait3A_2403 = tpu.memref_slice %arg6[%dma_wait3A_2401, %dma_wait3A_2402] : memref<10000x16xf32, #tpu.memory_space<vmem_shared>> -> memref<10000x16xf32, #tpu.memory_space<vmem_shared>>
    tpu.wait_indirect_dma semaphore(%arg14 : memref<!tpu.dma_semaphore, #tpu.memory_space<semaphore_mem>>) src(%arg9 : memref<128x16xf32, #tpu.memory_space<vmem>>) dst(%dma_wait3A_2403 : memref<10000x16xf32, #tpu.memory_space<vmem_shared>>)
    %dma_wait3A_2404 = arith.constant 1 : i32
    %dma_wait3A_2405 = arith.constant 1536 : i32
    %dma_wait3A_2406 = arith.constant 0 : i32
    %dma_wait3A_2407 = tpu.memref_slice %arg8[%dma_wait3A_2404, %dma_wait3A_2405, %dma_wait3A_2406] : memref<2x2560x16xf32, #tpu.memory_space<vmem>> -> memref<1x128x16xf32, #tpu.memory_space<vmem>>
    %dma_wait3A_2408 = tpu.memref_squeeze %dma_wait3A_2407 : memref<1x128x16xf32, #tpu.memory_space<vmem>> -> memref<128x16xf32, #tpu.memory_space<vmem>>
    %dma_wait3A_2409 = arith.constant 9216 : i32
    %dma_wait3A_2410 = tpu.memref_slice %arg7[%dma_wait3A_2409] : memref<9984xi32, #tpu.memory_space<vmem>> -> memref<128xi32, #tpu.memory_space<vmem>>
    %dma_wait3A_2411 = arith.constant 0 : i32
    %dma_wait3A_2412 = arith.constant 0 : i32
    %dma_wait3A_2413 = tpu.memref_slice %arg5[%dma_wait3A_2411, %dma_wait3A_2412] : memref<10000x16xf32, #tpu.memory_space<vmem_shared>> -> memref<10000x16xf32, #tpu.memory_space<vmem_shared>>
    tpu.wait_indirect_dma semaphore(%arg14 : memref<!tpu.dma_semaphore, #tpu.memory_space<semaphore_mem>>) src(%dma_wait3A_2408 : memref<128x16xf32, #tpu.memory_space<vmem>>) dst(%dma_wait3A_2413 : memref<10000x16xf32, #tpu.memory_space<vmem_shared>>)
    %dma_wait3A_2414 = arith.constant 9216 : i32
    %dma_wait3A_2415 = tpu.memref_slice %arg7[%dma_wait3A_2414] : memref<9984xi32, #tpu.memory_space<vmem>> -> memref<128xi32, #tpu.memory_space<vmem>>
    %dma_wait3A_2416 = arith.constant 0 : i32
    %dma_wait3A_2417 = arith.constant 0 : i32
    %dma_wait3A_2418 = tpu.memref_slice %arg6[%dma_wait3A_2416, %dma_wait3A_2417] : memref<10000x16xf32, #tpu.memory_space<vmem_shared>> -> memref<10000x16xf32, #tpu.memory_space<vmem_shared>>
    tpu.wait_indirect_dma semaphore(%arg14 : memref<!tpu.dma_semaphore, #tpu.memory_space<semaphore_mem>>) src(%arg9 : memref<128x16xf32, #tpu.memory_space<vmem>>) dst(%dma_wait3A_2418 : memref<10000x16xf32, #tpu.memory_space<vmem_shared>>)
    %dma_wait3A_2419 = arith.constant 1 : i32
    %dma_wait3A_2420 = arith.constant 1664 : i32
    %dma_wait3A_2421 = arith.constant 0 : i32
    %dma_wait3A_2422 = tpu.memref_slice %arg8[%dma_wait3A_2419, %dma_wait3A_2420, %dma_wait3A_2421] : memref<2x2560x16xf32, #tpu.memory_space<vmem>> -> memref<1x128x16xf32, #tpu.memory_space<vmem>>
    %dma_wait3A_2423 = tpu.memref_squeeze %dma_wait3A_2422 : memref<1x128x16xf32, #tpu.memory_space<vmem>> -> memref<128x16xf32, #tpu.memory_space<vmem>>
    %dma_wait3A_2424 = arith.constant 9344 : i32
    %dma_wait3A_2425 = tpu.memref_slice %arg7[%dma_wait3A_2424] : memref<9984xi32, #tpu.memory_space<vmem>> -> memref<128xi32, #tpu.memory_space<vmem>>
    %dma_wait3A_2426 = arith.constant 0 : i32
    %dma_wait3A_2427 = arith.constant 0 : i32
    %dma_wait3A_2428 = tpu.memref_slice %arg5[%dma_wait3A_2426, %dma_wait3A_2427] : memref<10000x16xf32, #tpu.memory_space<vmem_shared>> -> memref<10000x16xf32, #tpu.memory_space<vmem_shared>>
    tpu.wait_indirect_dma semaphore(%arg14 : memref<!tpu.dma_semaphore, #tpu.memory_space<semaphore_mem>>) src(%dma_wait3A_2423 : memref<128x16xf32, #tpu.memory_space<vmem>>) dst(%dma_wait3A_2428 : memref<10000x16xf32, #tpu.memory_space<vmem_shared>>)
    %dma_wait3A_2429 = arith.constant 9344 : i32
    %dma_wait3A_2430 = tpu.memref_slice %arg7[%dma_wait3A_2429] : memref<9984xi32, #tpu.memory_space<vmem>> -> memref<128xi32, #tpu.memory_space<vmem>>
    %dma_wait3A_2431 = arith.constant 0 : i32
    %dma_wait3A_2432 = arith.constant 0 : i32
    %dma_wait3A_2433 = tpu.memref_slice %arg6[%dma_wait3A_2431, %dma_wait3A_2432] : memref<10000x16xf32, #tpu.memory_space<vmem_shared>> -> memref<10000x16xf32, #tpu.memory_space<vmem_shared>>
    tpu.wait_indirect_dma semaphore(%arg14 : memref<!tpu.dma_semaphore, #tpu.memory_space<semaphore_mem>>) src(%arg9 : memref<128x16xf32, #tpu.memory_space<vmem>>) dst(%dma_wait3A_2433 : memref<10000x16xf32, #tpu.memory_space<vmem_shared>>)
    %dma_wait3A_2434 = arith.constant 1 : i32
    %dma_wait3A_2435 = arith.constant 1792 : i32
    %dma_wait3A_2436 = arith.constant 0 : i32
    %dma_wait3A_2437 = tpu.memref_slice %arg8[%dma_wait3A_2434, %dma_wait3A_2435, %dma_wait3A_2436] : memref<2x2560x16xf32, #tpu.memory_space<vmem>> -> memref<1x128x16xf32, #tpu.memory_space<vmem>>
    %dma_wait3A_2438 = tpu.memref_squeeze %dma_wait3A_2437 : memref<1x128x16xf32, #tpu.memory_space<vmem>> -> memref<128x16xf32, #tpu.memory_space<vmem>>
    %dma_wait3A_2439 = arith.constant 9472 : i32
    %dma_wait3A_2440 = tpu.memref_slice %arg7[%dma_wait3A_2439] : memref<9984xi32, #tpu.memory_space<vmem>> -> memref<128xi32, #tpu.memory_space<vmem>>
    %dma_wait3A_2441 = arith.constant 0 : i32
    %dma_wait3A_2442 = arith.constant 0 : i32
    %dma_wait3A_2443 = tpu.memref_slice %arg5[%dma_wait3A_2441, %dma_wait3A_2442] : memref<10000x16xf32, #tpu.memory_space<vmem_shared>> -> memref<10000x16xf32, #tpu.memory_space<vmem_shared>>
    tpu.wait_indirect_dma semaphore(%arg14 : memref<!tpu.dma_semaphore, #tpu.memory_space<semaphore_mem>>) src(%dma_wait3A_2438 : memref<128x16xf32, #tpu.memory_space<vmem>>) dst(%dma_wait3A_2443 : memref<10000x16xf32, #tpu.memory_space<vmem_shared>>)
    %dma_wait3A_2444 = arith.constant 9472 : i32
    %dma_wait3A_2445 = tpu.memref_slice %arg7[%dma_wait3A_2444] : memref<9984xi32, #tpu.memory_space<vmem>> -> memref<128xi32, #tpu.memory_space<vmem>>
    %dma_wait3A_2446 = arith.constant 0 : i32
    %dma_wait3A_2447 = arith.constant 0 : i32
    %dma_wait3A_2448 = tpu.memref_slice %arg6[%dma_wait3A_2446, %dma_wait3A_2447] : memref<10000x16xf32, #tpu.memory_space<vmem_shared>> -> memref<10000x16xf32, #tpu.memory_space<vmem_shared>>
    tpu.wait_indirect_dma semaphore(%arg14 : memref<!tpu.dma_semaphore, #tpu.memory_space<semaphore_mem>>) src(%arg9 : memref<128x16xf32, #tpu.memory_space<vmem>>) dst(%dma_wait3A_2448 : memref<10000x16xf32, #tpu.memory_space<vmem_shared>>)
    %dma_wait3A_2449 = arith.constant 1 : i32
    %dma_wait3A_2450 = arith.constant 1920 : i32
    %dma_wait3A_2451 = arith.constant 0 : i32
    %dma_wait3A_2452 = tpu.memref_slice %arg8[%dma_wait3A_2449, %dma_wait3A_2450, %dma_wait3A_2451] : memref<2x2560x16xf32, #tpu.memory_space<vmem>> -> memref<1x128x16xf32, #tpu.memory_space<vmem>>
    %dma_wait3A_2453 = tpu.memref_squeeze %dma_wait3A_2452 : memref<1x128x16xf32, #tpu.memory_space<vmem>> -> memref<128x16xf32, #tpu.memory_space<vmem>>
    %dma_wait3A_2454 = arith.constant 9600 : i32
    %dma_wait3A_2455 = tpu.memref_slice %arg7[%dma_wait3A_2454] : memref<9984xi32, #tpu.memory_space<vmem>> -> memref<128xi32, #tpu.memory_space<vmem>>
    %dma_wait3A_2456 = arith.constant 0 : i32
    %dma_wait3A_2457 = arith.constant 0 : i32
    %dma_wait3A_2458 = tpu.memref_slice %arg5[%dma_wait3A_2456, %dma_wait3A_2457] : memref<10000x16xf32, #tpu.memory_space<vmem_shared>> -> memref<10000x16xf32, #tpu.memory_space<vmem_shared>>
    tpu.wait_indirect_dma semaphore(%arg14 : memref<!tpu.dma_semaphore, #tpu.memory_space<semaphore_mem>>) src(%dma_wait3A_2453 : memref<128x16xf32, #tpu.memory_space<vmem>>) dst(%dma_wait3A_2458 : memref<10000x16xf32, #tpu.memory_space<vmem_shared>>)
    %dma_wait3A_2459 = arith.constant 9600 : i32
    %dma_wait3A_2460 = tpu.memref_slice %arg7[%dma_wait3A_2459] : memref<9984xi32, #tpu.memory_space<vmem>> -> memref<128xi32, #tpu.memory_space<vmem>>
    %dma_wait3A_2461 = arith.constant 0 : i32
    %dma_wait3A_2462 = arith.constant 0 : i32
    %dma_wait3A_2463 = tpu.memref_slice %arg6[%dma_wait3A_2461, %dma_wait3A_2462] : memref<10000x16xf32, #tpu.memory_space<vmem_shared>> -> memref<10000x16xf32, #tpu.memory_space<vmem_shared>>
    tpu.wait_indirect_dma semaphore(%arg14 : memref<!tpu.dma_semaphore, #tpu.memory_space<semaphore_mem>>) src(%arg9 : memref<128x16xf32, #tpu.memory_space<vmem>>) dst(%dma_wait3A_2463 : memref<10000x16xf32, #tpu.memory_space<vmem_shared>>)
    %dma_wait3A_2464 = arith.constant 1 : i32
    %dma_wait3A_2465 = arith.constant 2048 : i32
    %dma_wait3A_2466 = arith.constant 0 : i32
    %dma_wait3A_2467 = tpu.memref_slice %arg8[%dma_wait3A_2464, %dma_wait3A_2465, %dma_wait3A_2466] : memref<2x2560x16xf32, #tpu.memory_space<vmem>> -> memref<1x128x16xf32, #tpu.memory_space<vmem>>
    %dma_wait3A_2468 = tpu.memref_squeeze %dma_wait3A_2467 : memref<1x128x16xf32, #tpu.memory_space<vmem>> -> memref<128x16xf32, #tpu.memory_space<vmem>>
    %dma_wait3A_2469 = arith.constant 9728 : i32
    %dma_wait3A_2470 = tpu.memref_slice %arg7[%dma_wait3A_2469] : memref<9984xi32, #tpu.memory_space<vmem>> -> memref<128xi32, #tpu.memory_space<vmem>>
    %dma_wait3A_2471 = arith.constant 0 : i32
    %dma_wait3A_2472 = arith.constant 0 : i32
    %dma_wait3A_2473 = tpu.memref_slice %arg5[%dma_wait3A_2471, %dma_wait3A_2472] : memref<10000x16xf32, #tpu.memory_space<vmem_shared>> -> memref<10000x16xf32, #tpu.memory_space<vmem_shared>>
    tpu.wait_indirect_dma semaphore(%arg14 : memref<!tpu.dma_semaphore, #tpu.memory_space<semaphore_mem>>) src(%dma_wait3A_2468 : memref<128x16xf32, #tpu.memory_space<vmem>>) dst(%dma_wait3A_2473 : memref<10000x16xf32, #tpu.memory_space<vmem_shared>>)
    %dma_wait3A_2474 = arith.constant 9728 : i32
    %dma_wait3A_2475 = tpu.memref_slice %arg7[%dma_wait3A_2474] : memref<9984xi32, #tpu.memory_space<vmem>> -> memref<128xi32, #tpu.memory_space<vmem>>
    %dma_wait3A_2476 = arith.constant 0 : i32
    %dma_wait3A_2477 = arith.constant 0 : i32
    %dma_wait3A_2478 = tpu.memref_slice %arg6[%dma_wait3A_2476, %dma_wait3A_2477] : memref<10000x16xf32, #tpu.memory_space<vmem_shared>> -> memref<10000x16xf32, #tpu.memory_space<vmem_shared>>
    tpu.wait_indirect_dma semaphore(%arg14 : memref<!tpu.dma_semaphore, #tpu.memory_space<semaphore_mem>>) src(%arg9 : memref<128x16xf32, #tpu.memory_space<vmem>>) dst(%dma_wait3A_2478 : memref<10000x16xf32, #tpu.memory_space<vmem_shared>>)
    %dma_wait3A_2479 = arith.constant 1 : i32
    %dma_wait3A_2480 = arith.constant 2176 : i32
    %dma_wait3A_2481 = arith.constant 0 : i32
    %dma_wait3A_2482 = tpu.memref_slice %arg8[%dma_wait3A_2479, %dma_wait3A_2480, %dma_wait3A_2481] : memref<2x2560x16xf32, #tpu.memory_space<vmem>> -> memref<1x128x16xf32, #tpu.memory_space<vmem>>
    %dma_wait3A_2483 = tpu.memref_squeeze %dma_wait3A_2482 : memref<1x128x16xf32, #tpu.memory_space<vmem>> -> memref<128x16xf32, #tpu.memory_space<vmem>>
    %dma_wait3A_2484 = arith.constant 9856 : i32
    %dma_wait3A_2485 = tpu.memref_slice %arg7[%dma_wait3A_2484] : memref<9984xi32, #tpu.memory_space<vmem>> -> memref<128xi32, #tpu.memory_space<vmem>>
    %dma_wait3A_2486 = arith.constant 0 : i32
    %dma_wait3A_2487 = arith.constant 0 : i32
    %dma_wait3A_2488 = tpu.memref_slice %arg5[%dma_wait3A_2486, %dma_wait3A_2487] : memref<10000x16xf32, #tpu.memory_space<vmem_shared>> -> memref<10000x16xf32, #tpu.memory_space<vmem_shared>>
    tpu.wait_indirect_dma semaphore(%arg14 : memref<!tpu.dma_semaphore, #tpu.memory_space<semaphore_mem>>) src(%dma_wait3A_2483 : memref<128x16xf32, #tpu.memory_space<vmem>>) dst(%dma_wait3A_2488 : memref<10000x16xf32, #tpu.memory_space<vmem_shared>>)
    %dma_wait3A_2489 = arith.constant 9856 : i32
    %dma_wait3A_2490 = tpu.memref_slice %arg7[%dma_wait3A_2489] : memref<9984xi32, #tpu.memory_space<vmem>> -> memref<128xi32, #tpu.memory_space<vmem>>
    %dma_wait3A_2491 = arith.constant 0 : i32
    %dma_wait3A_2492 = arith.constant 0 : i32
    %dma_wait3A_2493 = tpu.memref_slice %arg6[%dma_wait3A_2491, %dma_wait3A_2492] : memref<10000x16xf32, #tpu.memory_space<vmem_shared>> -> memref<10000x16xf32, #tpu.memory_space<vmem_shared>>
    tpu.wait_indirect_dma semaphore(%arg14 : memref<!tpu.dma_semaphore, #tpu.memory_space<semaphore_mem>>) src(%arg9 : memref<128x16xf32, #tpu.memory_space<vmem>>) dst(%dma_wait3A_2493 : memref<10000x16xf32, #tpu.memory_space<vmem_shared>>)
    %lt3A = arith.constant 4 : i32
    %lt3A_2494 = arith.cmpi slt, %add3A, %lt3A : i32
    %convert_element_type3A_2495 = arith.extui %lt3A_2494 : i1 to i32
    %cond3A_2496 = arith.constant 0 : i32
    %cond3A_2497 = arith.cmpi ne, %convert_element_type3A_2495, %cond3A_2496 : i32
    scf.if %cond3A_2497 {
      %add3A_2512 = arith.constant 2496 : i32
      %add3A_2513 = arith.addi %add3A_2512, %add3A : i32
      %mul3A_2514 = arith.constant 128 : i32
      %mul3A_2515 = arith.muli %add3A_2513, %mul3A_2514 : i32
      "tpu.region"() ({
        %run_scoped3A = tpu.sem_alloc : memref<!tpu.dma_semaphore, #tpu.memory_space<semaphore_mem>>
        %dma_start3A_2516 = tpu.memref_slice %arg3[%mul3A_2515] : memref<320000xi32, #tpu.memory_space<hbm>> -> memref<128xi32, #tpu.memory_space<hbm>>
        %dma_start3A_2517 = tpu.memref_slice %arg3[%mul3A_2515] : memref<320000xi32, #tpu.memory_space<hbm>> -> memref<128xi32, #tpu.memory_space<hbm>>
        tpu.enqueue_dma source(%dma_start3A_2517 : memref<128xi32, #tpu.memory_space<hbm>>) target(%arg11 : memref<128xi32, #tpu.memory_space<vmem>>) target_semaphore(%run_scoped3A : memref<!tpu.dma_semaphore, #tpu.memory_space<semaphore_mem>>)
        %dma_wait3A_2518 = tpu.memref_slice %arg3[%mul3A_2515] : memref<320000xi32, #tpu.memory_space<hbm>> -> memref<128xi32, #tpu.memory_space<hbm>>
        %dma_wait3A_2519 = tpu.memref_slice %arg3[%mul3A_2515] : memref<320000xi32, #tpu.memory_space<hbm>> -> memref<128xi32, #tpu.memory_space<hbm>>
        tpu.wait_dma2 semaphore(%run_scoped3A : memref<!tpu.dma_semaphore, #tpu.memory_space<semaphore_mem>>) src(%dma_wait3A_2519 : memref<128xi32, #tpu.memory_space<hbm>>) dst(%arg11 : memref<128xi32, #tpu.memory_space<vmem>>)
        tpu.yield
      }) : () -> ()
      "tpu.region"() ({
        %run_scoped3A = tpu.sem_alloc : memref<!tpu.dma_semaphore, #tpu.memory_space<semaphore_mem>>
        %dma_start3A_2516 = arith.constant 0 : i32
        %dma_start3A_2517 = tpu.memref_slice %arg2[%mul3A_2515, %dma_start3A_2516] : memref<320000x16xf32, #tpu.memory_space<hbm>> -> memref<128x16xf32, #tpu.memory_space<hbm>>
        %dma_start3A_2518 = arith.constant 0 : i32
        %dma_start3A_2519 = tpu.memref_slice %arg2[%mul3A_2515, %dma_start3A_2518] : memref<320000x16xf32, #tpu.memory_space<hbm>> -> memref<128x16xf32, #tpu.memory_space<hbm>>
        tpu.enqueue_dma source(%dma_start3A_2519 : memref<128x16xf32, #tpu.memory_space<hbm>>) target(%arg12 : memref<128x16xf32, #tpu.memory_space<vmem>>) target_semaphore(%run_scoped3A : memref<!tpu.dma_semaphore, #tpu.memory_space<semaphore_mem>>)
        %dma_wait3A_2520 = arith.constant 0 : i32
        %dma_wait3A_2521 = tpu.memref_slice %arg2[%mul3A_2515, %dma_wait3A_2520] : memref<320000x16xf32, #tpu.memory_space<hbm>> -> memref<128x16xf32, #tpu.memory_space<hbm>>
        %dma_wait3A_2522 = arith.constant 0 : i32
        %dma_wait3A_2523 = tpu.memref_slice %arg2[%mul3A_2515, %dma_wait3A_2522] : memref<320000x16xf32, #tpu.memory_space<hbm>> -> memref<128x16xf32, #tpu.memory_space<hbm>>
        tpu.wait_dma2 semaphore(%run_scoped3A : memref<!tpu.dma_semaphore, #tpu.memory_space<semaphore_mem>>) src(%dma_wait3A_2523 : memref<128x16xf32, #tpu.memory_space<hbm>>) dst(%arg12 : memref<128x16xf32, #tpu.memory_space<vmem>>)
        tpu.yield
      }) : () -> ()
      "tpu.region"() ({
        %run_scoped3A = tpu.sem_alloc : memref<!tpu.dma_semaphore, #tpu.memory_space<semaphore_mem>>
        %dma_start3A_2516 = arith.constant 0 : i32
        %dma_start3A_2517 = arith.constant 0 : i32
        %dma_start3A_2518 = tpu.memref_slice %arg5[%dma_start3A_2516, %dma_start3A_2517] : memref<10000x16xf32, #tpu.memory_space<vmem_shared>> -> memref<10000x16xf32, #tpu.memory_space<vmem_shared>>
        tpu.enqueue_indirect_dma source(%arg12 : memref<128x16xf32, #tpu.memory_space<vmem>>) target(%dma_start3A_2518 : memref<10000x16xf32, #tpu.memory_space<vmem_shared>>) offsets(%arg11 : memref<128xi32, #tpu.memory_space<vmem>>) semaphore(%run_scoped3A : memref<!tpu.dma_semaphore, #tpu.memory_space<semaphore_mem>>) {add = true}
        %dma_wait3A_2519 = arith.constant 0 : i32
        %dma_wait3A_2520 = arith.constant 0 : i32
        %dma_wait3A_2521 = tpu.memref_slice %arg5[%dma_wait3A_2519, %dma_wait3A_2520] : memref<10000x16xf32, #tpu.memory_space<vmem_shared>> -> memref<10000x16xf32, #tpu.memory_space<vmem_shared>>
        tpu.wait_indirect_dma semaphore(%run_scoped3A : memref<!tpu.dma_semaphore, #tpu.memory_space<semaphore_mem>>) src(%arg12 : memref<128x16xf32, #tpu.memory_space<vmem>>) dst(%dma_wait3A_2521 : memref<10000x16xf32, #tpu.memory_space<vmem_shared>>)
        tpu.yield
      }) : () -> ()
      "tpu.region"() ({
        %run_scoped3A = tpu.sem_alloc : memref<!tpu.dma_semaphore, #tpu.memory_space<semaphore_mem>>
        %dma_start3A_2516 = arith.constant 0 : i32
        %dma_start3A_2517 = arith.constant 0 : i32
        %dma_start3A_2518 = tpu.memref_slice %arg6[%dma_start3A_2516, %dma_start3A_2517] : memref<10000x16xf32, #tpu.memory_space<vmem_shared>> -> memref<10000x16xf32, #tpu.memory_space<vmem_shared>>
        tpu.enqueue_indirect_dma source(%arg9 : memref<128x16xf32, #tpu.memory_space<vmem>>) target(%dma_start3A_2518 : memref<10000x16xf32, #tpu.memory_space<vmem_shared>>) offsets(%arg11 : memref<128xi32, #tpu.memory_space<vmem>>) semaphore(%run_scoped3A : memref<!tpu.dma_semaphore, #tpu.memory_space<semaphore_mem>>) {add = true}
        %dma_wait3A_2519 = arith.constant 0 : i32
        %dma_wait3A_2520 = arith.constant 0 : i32
        %dma_wait3A_2521 = tpu.memref_slice %arg6[%dma_wait3A_2519, %dma_wait3A_2520] : memref<10000x16xf32, #tpu.memory_space<vmem_shared>> -> memref<10000x16xf32, #tpu.memory_space<vmem_shared>>
        tpu.wait_indirect_dma semaphore(%run_scoped3A : memref<!tpu.dma_semaphore, #tpu.memory_space<semaphore_mem>>) src(%arg9 : memref<128x16xf32, #tpu.memory_space<vmem>>) dst(%dma_wait3A_2521 : memref<10000x16xf32, #tpu.memory_space<vmem_shared>>)
        tpu.yield
      }) : () -> ()
    } else {
    }
    %barrier3A_2498 = arith.constant 0 : index
    tpu.barrier barrier_id(%barrier3A_2498)
    %mul3A_2499 = arith.constant 624 : i32
    %mul3A_2500 = arith.muli %arg1, %mul3A_2499 : i32
    %mul3A_2501 = arith.constant 624 : i32
    %mul3A_2502 = arith.muli %arg1, %mul3A_2501 : i32
    "tpu.region"() ({
      %run_scoped3A = tpu.sem_alloc : memref<!tpu.dma_semaphore, #tpu.memory_space<semaphore_mem>>
      %dma_start3A_2512 = arith.constant 0 : i32
      %dma_start3A_2513 = tpu.memref_slice %arg4[%arg0, %mul3A_2502, %dma_start3A_2512] : memref<2x10000x32xf32, #tpu.memory_space<hbm>> -> memref<1x624x16xf32, #tpu.memory_space<hbm>>
      %dma_start3A_2514 = tpu.memref_squeeze %dma_start3A_2513 : memref<1x624x16xf32, #tpu.memory_space<hbm>> -> memref<624x16xf32, #tpu.memory_space<hbm>>
      %dma_start3A_2515 = arith.constant 0 : i32
      %dma_start3A_2516 = tpu.memref_slice %arg5[%mul3A_2500, %dma_start3A_2515] : memref<10000x16xf32, #tpu.memory_space<vmem_shared>> -> memref<624x16xf32, #tpu.memory_space<vmem_shared>>
      tpu.enqueue_dma source(%dma_start3A_2516 : memref<624x16xf32, #tpu.memory_space<vmem_shared>>) target(%dma_start3A_2514 : memref<624x16xf32, #tpu.memory_space<hbm>>) target_semaphore(%run_scoped3A : memref<!tpu.dma_semaphore, #tpu.memory_space<semaphore_mem>>)
      %dma_wait3A_2517 = arith.constant 0 : i32
      %dma_wait3A_2518 = tpu.memref_slice %arg4[%arg0, %mul3A_2502, %dma_wait3A_2517] : memref<2x10000x32xf32, #tpu.memory_space<hbm>> -> memref<1x624x16xf32, #tpu.memory_space<hbm>>
      %dma_wait3A_2519 = tpu.memref_squeeze %dma_wait3A_2518 : memref<1x624x16xf32, #tpu.memory_space<hbm>> -> memref<624x16xf32, #tpu.memory_space<hbm>>
      %dma_wait3A_2520 = arith.constant 0 : i32
      %dma_wait3A_2521 = tpu.memref_slice %arg5[%mul3A_2500, %dma_wait3A_2520] : memref<10000x16xf32, #tpu.memory_space<vmem_shared>> -> memref<624x16xf32, #tpu.memory_space<vmem_shared>>
      tpu.wait_dma2 semaphore(%run_scoped3A : memref<!tpu.dma_semaphore, #tpu.memory_space<semaphore_mem>>) src(%dma_wait3A_2521 : memref<624x16xf32, #tpu.memory_space<vmem_shared>>) dst(%dma_wait3A_2519 : memref<624x16xf32, #tpu.memory_space<hbm>>)
      tpu.yield
    }) : () -> ()
    %mul3A_2503 = arith.constant 624 : i32
    %mul3A_2504 = arith.muli %arg1, %mul3A_2503 : i32
    %mul3A_2505 = arith.constant 624 : i32
    %mul3A_2506 = arith.muli %arg1, %mul3A_2505 : i32
    "tpu.region"() ({
      %run_scoped3A = tpu.sem_alloc : memref<!tpu.dma_semaphore, #tpu.memory_space<semaphore_mem>>
      %dma_start3A_2512 = arith.constant 16 : i32
      %dma_start3A_2513 = tpu.memref_slice %arg4[%arg0, %mul3A_2506, %dma_start3A_2512] : memref<2x10000x32xf32, #tpu.memory_space<hbm>> -> memref<1x624x16xf32, #tpu.memory_space<hbm>>
      %dma_start3A_2514 = tpu.memref_squeeze %dma_start3A_2513 : memref<1x624x16xf32, #tpu.memory_space<hbm>> -> memref<624x16xf32, #tpu.memory_space<hbm>>
      %dma_start3A_2515 = arith.constant 0 : i32
      %dma_start3A_2516 = tpu.memref_slice %arg6[%mul3A_2504, %dma_start3A_2515] : memref<10000x16xf32, #tpu.memory_space<vmem_shared>> -> memref<624x16xf32, #tpu.memory_space<vmem_shared>>
      tpu.enqueue_dma source(%dma_start3A_2516 : memref<624x16xf32, #tpu.memory_space<vmem_shared>>) target(%dma_start3A_2514 : memref<624x16xf32, #tpu.memory_space<hbm>>) target_semaphore(%run_scoped3A : memref<!tpu.dma_semaphore, #tpu.memory_space<semaphore_mem>>)
      %dma_wait3A_2517 = arith.constant 16 : i32
      %dma_wait3A_2518 = tpu.memref_slice %arg4[%arg0, %mul3A_2506, %dma_wait3A_2517] : memref<2x10000x32xf32, #tpu.memory_space<hbm>> -> memref<1x624x16xf32, #tpu.memory_space<hbm>>
      %dma_wait3A_2519 = tpu.memref_squeeze %dma_wait3A_2518 : memref<1x624x16xf32, #tpu.memory_space<hbm>> -> memref<624x16xf32, #tpu.memory_space<hbm>>
      %dma_wait3A_2520 = arith.constant 0 : i32
      %dma_wait3A_2521 = tpu.memref_slice %arg6[%mul3A_2504, %dma_wait3A_2520] : memref<10000x16xf32, #tpu.memory_space<vmem_shared>> -> memref<624x16xf32, #tpu.memory_space<vmem_shared>>
      tpu.wait_dma2 semaphore(%run_scoped3A : memref<!tpu.dma_semaphore, #tpu.memory_space<semaphore_mem>>) src(%dma_wait3A_2521 : memref<624x16xf32, #tpu.memory_space<vmem_shared>>) dst(%dma_wait3A_2519 : memref<624x16xf32, #tpu.memory_space<hbm>>)
      tpu.yield
    }) : () -> ()
    %eq3A_2507 = arith.constant 0 : i32
    %eq3A_2508 = arith.cmpi eq, %arg1, %eq3A_2507 : i32
    %convert_element_type3A_2509 = arith.extui %eq3A_2508 : i1 to i32
    %cond3A_2510 = arith.constant 0 : i32
    %cond3A_2511 = arith.cmpi ne, %convert_element_type3A_2509, %cond3A_2510 : i32
    scf.if %cond3A_2511 {
      "tpu.region"() ({
        %run_scoped3A = tpu.sem_alloc : memref<!tpu.dma_semaphore, #tpu.memory_space<semaphore_mem>>
        %dma_start3A_2512 = arith.constant 9984 : i32
        %dma_start3A_2513 = arith.constant 0 : i32
        %dma_start3A_2514 = tpu.memref_slice %arg4[%arg0, %dma_start3A_2512, %dma_start3A_2513] : memref<2x10000x32xf32, #tpu.memory_space<hbm>> -> memref<1x16x16xf32, #tpu.memory_space<hbm>>
        %dma_start3A_2515 = tpu.memref_squeeze %dma_start3A_2514 : memref<1x16x16xf32, #tpu.memory_space<hbm>> -> memref<16x16xf32, #tpu.memory_space<hbm>>
        %dma_start3A_2516 = arith.constant 9984 : i32
        %dma_start3A_2517 = arith.constant 0 : i32
        %dma_start3A_2518 = tpu.memref_slice %arg5[%dma_start3A_2516, %dma_start3A_2517] : memref<10000x16xf32, #tpu.memory_space<vmem_shared>> -> memref<16x16xf32, #tpu.memory_space<vmem_shared>>
        tpu.enqueue_dma source(%dma_start3A_2518 : memref<16x16xf32, #tpu.memory_space<vmem_shared>>) target(%dma_start3A_2515 : memref<16x16xf32, #tpu.memory_space<hbm>>) target_semaphore(%run_scoped3A : memref<!tpu.dma_semaphore, #tpu.memory_space<semaphore_mem>>)
        %dma_wait3A_2519 = arith.constant 9984 : i32
        %dma_wait3A_2520 = arith.constant 0 : i32
        %dma_wait3A_2521 = tpu.memref_slice %arg4[%arg0, %dma_wait3A_2519, %dma_wait3A_2520] : memref<2x10000x32xf32, #tpu.memory_space<hbm>> -> memref<1x16x16xf32, #tpu.memory_space<hbm>>
        %dma_wait3A_2522 = tpu.memref_squeeze %dma_wait3A_2521 : memref<1x16x16xf32, #tpu.memory_space<hbm>> -> memref<16x16xf32, #tpu.memory_space<hbm>>
        %dma_wait3A_2523 = arith.constant 9984 : i32
        %dma_wait3A_2524 = arith.constant 0 : i32
        %dma_wait3A_2525 = tpu.memref_slice %arg5[%dma_wait3A_2523, %dma_wait3A_2524] : memref<10000x16xf32, #tpu.memory_space<vmem_shared>> -> memref<16x16xf32, #tpu.memory_space<vmem_shared>>
        tpu.wait_dma2 semaphore(%run_scoped3A : memref<!tpu.dma_semaphore, #tpu.memory_space<semaphore_mem>>) src(%dma_wait3A_2525 : memref<16x16xf32, #tpu.memory_space<vmem_shared>>) dst(%dma_wait3A_2522 : memref<16x16xf32, #tpu.memory_space<hbm>>)
        tpu.yield
      }) : () -> ()
      "tpu.region"() ({
        %run_scoped3A = tpu.sem_alloc : memref<!tpu.dma_semaphore, #tpu.memory_space<semaphore_mem>>
        %dma_start3A_2512 = arith.constant 9984 : i32
        %dma_start3A_2513 = arith.constant 16 : i32
        %dma_start3A_2514 = tpu.memref_slice %arg4[%arg0, %dma_start3A_2512, %dma_start3A_2513] : memref<2x10000x32xf32, #tpu.memory_space<hbm>> -> memref<1x16x16xf32, #tpu.memory_space<hbm>>
        %dma_start3A_2515 = tpu.memref_squeeze %dma_start3A_2514 : memref<1x16x16xf32, #tpu.memory_space<hbm>> -> memref<16x16xf32, #tpu.memory_space<hbm>>
        %dma_start3A_2516 = arith.constant 9984 : i32
        %dma_start3A_2517 = arith.constant 0 : i32
        %dma_start3A_2518 = tpu.memref_slice %arg6[%dma_start3A_2516, %dma_start3A_2517] : memref<10000x16xf32, #tpu.memory_space<vmem_shared>> -> memref<16x16xf32, #tpu.memory_space<vmem_shared>>
        tpu.enqueue_dma source(%dma_start3A_2518 : memref<16x16xf32, #tpu.memory_space<vmem_shared>>) target(%dma_start3A_2515 : memref<16x16xf32, #tpu.memory_space<hbm>>) target_semaphore(%run_scoped3A : memref<!tpu.dma_semaphore, #tpu.memory_space<semaphore_mem>>)
        %dma_wait3A_2519 = arith.constant 9984 : i32
        %dma_wait3A_2520 = arith.constant 16 : i32
        %dma_wait3A_2521 = tpu.memref_slice %arg4[%arg0, %dma_wait3A_2519, %dma_wait3A_2520] : memref<2x10000x32xf32, #tpu.memory_space<hbm>> -> memref<1x16x16xf32, #tpu.memory_space<hbm>>
        %dma_wait3A_2522 = tpu.memref_squeeze %dma_wait3A_2521 : memref<1x16x16xf32, #tpu.memory_space<hbm>> -> memref<16x16xf32, #tpu.memory_space<hbm>>
        %dma_wait3A_2523 = arith.constant 9984 : i32
        %dma_wait3A_2524 = arith.constant 0 : i32
        %dma_wait3A_2525 = tpu.memref_slice %arg6[%dma_wait3A_2523, %dma_wait3A_2524] : memref<10000x16xf32, #tpu.memory_space<vmem_shared>> -> memref<16x16xf32, #tpu.memory_space<vmem_shared>>
        tpu.wait_dma2 semaphore(%run_scoped3A : memref<!tpu.dma_semaphore, #tpu.memory_space<semaphore_mem>>) src(%dma_wait3A_2525 : memref<16x16xf32, #tpu.memory_space<vmem_shared>>) dst(%dma_wait3A_2522 : memref<16x16xf32, #tpu.memory_space<hbm>>)
        tpu.yield
      }) : () -> ()
    } else {
    }
    return
  }
}

module attributes {stable_mosaic.version = 14 : i64} {
  func.func @_tc_body(%arg0: i32, %arg1: memref<2x2000x32xf32, #tpu.memory_space<vmem>>, %arg2: memref<2000x128xf32, #tpu.memory_space<vmem>>, %arg3: memref<16x128xf32, #tpu.memory_space<vmem>>, %arg4: memref<128x128xf32, #tpu.memory_space<vmem>>, %arg5: memref<1x128xf32, #tpu.memory_space<vmem>>, %arg6: memref<1x128xf32, #tpu.memory_space<vmem>>, %arg7: memref<128x128xf32, #tpu.memory_space<vmem>>, %arg8: memref<1x128xf32, #tpu.memory_space<vmem>>, %arg9: memref<128x128xf32, #tpu.memory_space<vmem>>, %arg10: memref<1x128xf32, #tpu.memory_space<vmem>>, %arg11: memref<2000x128xf32, #tpu.memory_space<vmem>>) attributes {dimension_semantics = [#tpu.dimension_semantics<arbitrary>], iteration_bounds = array<i64: 5>, scalar_prefetch = 0 : i64, scratch_operands = 0 : i64, tpu.core_type = #tpu.core_type<tc>, window_params = [{transform_indices = @transform_0, window_bounds = array<i64: 2, 2000, 32>}, {transform_indices = @transform_1, window_bounds = array<i64: 2000, 128>}, {pipeline_mode = #tpu.pipeline_mode<synchronous>, transform_indices = @transform_2, window_bounds = array<i64: 16, 128>}, {pipeline_mode = #tpu.pipeline_mode<synchronous>, transform_indices = @transform_3, window_bounds = array<i64: 128, 128>}, {pipeline_mode = #tpu.pipeline_mode<synchronous>, transform_indices = @transform_4, window_bounds = array<i64: 1, 128>}, {pipeline_mode = #tpu.pipeline_mode<synchronous>, transform_indices = @transform_5, window_bounds = array<i64: 1, 128>}, {pipeline_mode = #tpu.pipeline_mode<synchronous>, transform_indices = @transform_6, window_bounds = array<i64: 128, 128>}, {pipeline_mode = #tpu.pipeline_mode<synchronous>, transform_indices = @transform_7, window_bounds = array<i64: 1, 128>}, {pipeline_mode = #tpu.pipeline_mode<synchronous>, transform_indices = @transform_8, window_bounds = array<i64: 128, 128>}, {pipeline_mode = #tpu.pipeline_mode<synchronous>, transform_indices = @transform_9, window_bounds = array<i64: 1, 128>}, {transform_indices = @transform_10, window_bounds = array<i64: 2000, 128>}]} {
    %get3A = arith.constant 0 : index
    %get3A_0 = arith.constant 0 : index
    %get3A_1 = vector.load %arg3[%get3A, %get3A_0] : memref<16x128xf32, #tpu.memory_space<vmem>>, vector<16x128xf32>
    %get3A_2 = arith.constant 0 : index
    %get3A_3 = arith.constant 0 : index
    %get3A_4 = vector.load %arg4[%get3A_2, %get3A_3] : memref<128x128xf32, #tpu.memory_space<vmem>>, vector<128x128xf32>
    %dot_general3A = arith.constant dense<0.000000e+00> : vector<16x128xf32>
    %dot_general3A_5 = tpu.matmul %get3A_1, %get3A_4, %dot_general3A {dimension_numbers = #tpu.dot_dimension_numbers<[1], [0], [0], [1], [0, 0, 1, 1], [], []>, transpose_lhs_hint = false} : vector<16x128xf32>, vector<128x128xf32>, vector<16x128xf32> -> vector<16x128xf32>
    %get3A_6 = arith.constant 0 : index
    %get3A_7 = arith.constant 0 : index
    %get3A_8 = vector.load %arg7[%get3A_6, %get3A_7] : memref<128x128xf32, #tpu.memory_space<vmem>>, vector<128x128xf32>
    %dot_general3A_9 = arith.constant dense<0.000000e+00> : vector<16x128xf32>
    %dot_general3A_10 = tpu.matmul %dot_general3A_5, %get3A_8, %dot_general3A_9 {dimension_numbers = #tpu.dot_dimension_numbers<[1], [0], [0], [1], [0, 0, 1, 1], [], []>, transpose_lhs_hint = false} : vector<16x128xf32>, vector<128x128xf32>, vector<16x128xf32> -> vector<16x128xf32>
    %get3A_11 = arith.constant 0 : index
    %get3A_12 = arith.constant 0 : index
    %get3A_13 = vector.load %arg5[%get3A_11, %get3A_12] : memref<1x128xf32, #tpu.memory_space<vmem>>, vector<1x128xf32>
    %get3A_14 = arith.constant 0 : index
    %get3A_15 = arith.constant 0 : index
    %get3A_16 = vector.load %arg4[%get3A_14, %get3A_15] : memref<128x128xf32, #tpu.memory_space<vmem>>, vector<128x128xf32>
    %dot_general3A_17 = arith.constant dense<0.000000e+00> : vector<1x128xf32>
    %dot_general3A_18 = tpu.matmul %get3A_13, %get3A_16, %dot_general3A_17 {dimension_numbers = #tpu.dot_dimension_numbers<[1], [0], [0], [1], [0, 0, 1, 1], [], []>, transpose_lhs_hint = false} : vector<1x128xf32>, vector<128x128xf32>, vector<1x128xf32> -> vector<1x128xf32>
    %get3A_19 = arith.constant 0 : index
    %get3A_20 = arith.constant 0 : index
    %get3A_21 = vector.load %arg6[%get3A_19, %get3A_20] : memref<1x128xf32, #tpu.memory_space<vmem>>, vector<1x128xf32>
    %add3A = arith.addf %dot_general3A_18, %get3A_21 : vector<1x128xf32>
    %get3A_22 = arith.constant 0 : index
    %get3A_23 = arith.constant 0 : index
    %get3A_24 = vector.load %arg7[%get3A_22, %get3A_23] : memref<128x128xf32, #tpu.memory_space<vmem>>, vector<128x128xf32>
    %dot_general3A_25 = arith.constant dense<0.000000e+00> : vector<1x128xf32>
    %dot_general3A_26 = tpu.matmul %add3A, %get3A_24, %dot_general3A_25 {dimension_numbers = #tpu.dot_dimension_numbers<[1], [0], [0], [1], [0, 0, 1, 1], [], []>, transpose_lhs_hint = false} : vector<1x128xf32>, vector<128x128xf32>, vector<1x128xf32> -> vector<1x128xf32>
    %get3A_27 = arith.constant 0 : index
    %get3A_28 = arith.constant 0 : index
    %get3A_29 = arith.constant 0 : index
    %get3A_30 = vector.load %arg1[%get3A_27, %get3A_28, %get3A_29] : memref<2x2000x32xf32, #tpu.memory_space<vmem>>, vector<1x2000x32xf32>
    %get3A_31 = vector.shape_cast %get3A_30 : vector<1x2000x32xf32> to vector<2000x32xf32>
    %get3A_32 = arith.constant 1 : index
    %get3A_33 = arith.constant 0 : index
    %get3A_34 = arith.constant 0 : index
    %get3A_35 = vector.load %arg1[%get3A_32, %get3A_33, %get3A_34] : memref<2x2000x32xf32, #tpu.memory_space<vmem>>, vector<1x2000x32xf32>
    %get3A_36 = vector.shape_cast %get3A_35 : vector<1x2000x32xf32> to vector<2000x32xf32>
    %add3A_37 = arith.addf %get3A_31, %get3A_36 : vector<2000x32xf32>
    %slice3A = vector.extract_strided_slice %add3A_37 {offsets = [0, 0], sizes = [2000, 16], strides = [1, 1]} : vector<2000x32xf32> to vector<2000x16xf32>
    %slice3A_38 = vector.extract_strided_slice %add3A_37 {offsets = [0, 16], sizes = [2000, 1], strides = [1, 1]} : vector<2000x32xf32> to vector<2000x1xf32>
    %dot_general3A_39 = arith.constant dense<0.000000e+00> : vector<2000x128xf32>
    %dot_general3A_40 = tpu.matmul %slice3A, %dot_general3A_10, %dot_general3A_39 {dimension_numbers = #tpu.dot_dimension_numbers<[1], [0], [0], [1], [0, 0, 1, 1], [], []>, transpose_lhs_hint = false} : vector<2000x16xf32>, vector<16x128xf32>, vector<2000x128xf32> -> vector<2000x128xf32>
    %mul3A = vector.broadcast %slice3A_38 : vector<2000x1xf32> to vector<2000x128xf32>
    %mul3A_41 = vector.broadcast %dot_general3A_26 : vector<1x128xf32> to vector<2000x128xf32>
    %mul3A_42 = arith.mulf %mul3A, %mul3A_41 : vector<2000x128xf32>
    %add3A_43 = arith.addf %dot_general3A_40, %mul3A_42 : vector<2000x128xf32>
    %get3A_44 = arith.constant 0 : index
    %get3A_45 = arith.constant 0 : index
    %get3A_46 = vector.load %arg8[%get3A_44, %get3A_45] : memref<1x128xf32, #tpu.memory_space<vmem>>, vector<1x128xf32>
    %add3A_47 = vector.broadcast %get3A_46 : vector<1x128xf32> to vector<2000x128xf32>
    %add3A_48 = arith.addf %add3A_43, %add3A_47 : vector<2000x128xf32>
    %logistic3A = arith.negf %add3A_48 : vector<2000x128xf32>
    %logistic3A_49 = math.exp %logistic3A : vector<2000x128xf32>
    %logistic3A_50 = arith.constant 1.000000e+00 : f32
    %logistic3A_51 = vector.broadcast %logistic3A_50 : f32 to vector<2000x128xf32>
    %logistic3A_52 = arith.addf %logistic3A_51, %logistic3A_49 : vector<2000x128xf32>
    %logistic3A_53 = arith.divf %logistic3A_51, %logistic3A_52 : vector<2000x128xf32>
    %mul3A_54 = arith.mulf %add3A_48, %logistic3A_53 : vector<2000x128xf32>
    %get3A_55 = arith.constant 0 : index
    %get3A_56 = arith.constant 0 : index
    %get3A_57 = vector.load %arg2[%get3A_55, %get3A_56] : memref<2000x128xf32, #tpu.memory_space<vmem>>, vector<2000x128xf32>
    %get3A_58 = arith.constant 0 : index
    %get3A_59 = arith.constant 0 : index
    %get3A_60 = vector.load %arg9[%get3A_58, %get3A_59] : memref<128x128xf32, #tpu.memory_space<vmem>>, vector<128x128xf32>
    %dot_general3A_61 = arith.constant dense<0.000000e+00> : vector<2000x128xf32>
    %dot_general3A_62 = tpu.matmul %mul3A_54, %get3A_60, %dot_general3A_61 {dimension_numbers = #tpu.dot_dimension_numbers<[1], [0], [0], [1], [0, 0, 1, 1], [], []>, transpose_lhs_hint = false} : vector<2000x128xf32>, vector<128x128xf32>, vector<2000x128xf32> -> vector<2000x128xf32>
    %add3A_63 = arith.addf %get3A_57, %dot_general3A_62 : vector<2000x128xf32>
    %get3A_64 = arith.constant 0 : index
    %get3A_65 = arith.constant 0 : index
    %get3A_66 = vector.load %arg10[%get3A_64, %get3A_65] : memref<1x128xf32, #tpu.memory_space<vmem>>, vector<1x128xf32>
    %add3A_67 = vector.broadcast %get3A_66 : vector<1x128xf32> to vector<2000x128xf32>
    %add3A_68 = arith.addf %add3A_63, %add3A_67 : vector<2000x128xf32>
    %swap3A = arith.constant 0 : index
    %swap3A_69 = arith.constant 0 : index
    %swap3A_70 = vector.load %arg11[%swap3A, %swap3A_69] : memref<2000x128xf32, #tpu.memory_space<vmem>>, vector<2000x128xf32>
    tpu.vector_store %arg11[%swap3A, %swap3A_69], %add3A_68 {strides = array<i32>} : memref<2000x128xf32, #tpu.memory_space<vmem>>, vector<2000x128xf32>,
    return
  }
  func.func @transform_0(%arg0: i32) -> (i32, i32, i32) {
    %c0_i32 = arith.constant 0 : i32
    %c0_i32_0 = arith.constant 0 : i32
    %c0_i32_1 = arith.constant 0 : i32
    return %c0_i32, %arg0, %c0_i32_0 : i32, i32, i32
  }
  func.func @transform_1(%arg0: i32) -> (i32, i32) {
    %c0_i32 = arith.constant 0 : i32
    %c0_i32_0 = arith.constant 0 : i32
    return %arg0, %c0_i32 : i32, i32
  }
  func.func @transform_2(%arg0: i32) -> (i32, i32) {
    %c0_i32 = arith.constant 0 : i32
    %c0_i32_0 = arith.constant 0 : i32
    %c0_i32_1 = arith.constant 0 : i32
    return %c0_i32, %c0_i32_0 : i32, i32
  }
  func.func @transform_3(%arg0: i32) -> (i32, i32) {
    %c0_i32 = arith.constant 0 : i32
    %c0_i32_0 = arith.constant 0 : i32
    %c0_i32_1 = arith.constant 0 : i32
    return %c0_i32, %c0_i32_0 : i32, i32
  }
  func.func @transform_4(%arg0: i32) -> (i32, i32) {
    %c0_i32 = arith.constant 0 : i32
    %c0_i32_0 = arith.constant 0 : i32
    %c0_i32_1 = arith.constant 0 : i32
    return %c0_i32, %c0_i32_0 : i32, i32
  }
  func.func @transform_5(%arg0: i32) -> (i32, i32) {
    %c0_i32 = arith.constant 0 : i32
    %c0_i32_0 = arith.constant 0 : i32
    %c0_i32_1 = arith.constant 0 : i32
    return %c0_i32, %c0_i32_0 : i32, i32
  }
  func.func @transform_6(%arg0: i32) -> (i32, i32) {
    %c0_i32 = arith.constant 0 : i32
    %c0_i32_0 = arith.constant 0 : i32
    %c0_i32_1 = arith.constant 0 : i32
    return %c0_i32, %c0_i32_0 : i32, i32
  }
  func.func @transform_7(%arg0: i32) -> (i32, i32) {
    %c0_i32 = arith.constant 0 : i32
    %c0_i32_0 = arith.constant 0 : i32
    %c0_i32_1 = arith.constant 0 : i32
    return %c0_i32, %c0_i32_0 : i32, i32
  }
  func.func @transform_8(%arg0: i32) -> (i32, i32) {
    %c0_i32 = arith.constant 0 : i32
    %c0_i32_0 = arith.constant 0 : i32
    %c0_i32_1 = arith.constant 0 : i32
    return %c0_i32, %c0_i32_0 : i32, i32
  }
  func.func @transform_9(%arg0: i32) -> (i32, i32) {
    %c0_i32 = arith.constant 0 : i32
    %c0_i32_0 = arith.constant 0 : i32
    %c0_i32_1 = arith.constant 0 : i32
    return %c0_i32, %c0_i32_0 : i32, i32
  }
  func.func @transform_10(%arg0: i32) -> (i32, i32) {
    %c0_i32 = arith.constant 0 : i32
    %c0_i32_0 = arith.constant 0 : i32
    return %arg0, %c0_i32 : i32, i32
  }
}

</mosaic_0001>

<sc_bundles>
// kernel: kernel.4.cloned.1.call-start
scs
__scs_entry_jumppad:
0x0: {  	(pc) =	sbr.rel $0x88, $3  }
0x1: {  	(tag) =	ssettag $0x0;
	lr =	simm.s32 $0x1  }
0x2: {  	[smem:$0x3F96] =	sst lr;
	_ =	strace $0xD0000000  }
0x3: {  	_ = 	snop  }
0x4: {  	_ = 	snop  }
0x5: {  	_ = 	snop  }
0x6: {  	_ = 	snop  }
0x7: {  	_ = 	snop  }
__scs_overlays_trampoline_lowered:
0x8: {  	[smem:$0x3FA5] =	sst s0  }
0x9: {  	[smem:$0x3FA6] =	sst s1  }
0xa: {  	[smem:$0x3FA7] =	sst s2  }
0xb: {  	[smem:$0x3FA8] =	sst s3  }
0xc: {  	[smem:$0x3FA9] =	sst s4  }
0xd: {  	[smem:$0x3FAA] =	sst s5  }
0xe: {  	[smem:$0x3FAB] =	sst s6  }
0xf: {  	[smem:$0x3FAC] =	sst s7  }
0x10: {  	[smem:$0x3FAD] =	sst s8  }
0x11: {  	[smem:$0x3FAE] =	sst s9;
	s0 =	simm.s32 @!p0 $0x0  }
0x12: {  	s1 =	sld [smem:$0x3F94];
	s0 =	simm.s32 @p0 $0x1  }
0x13: {  	[smem:$0x3FAF] =	sst s0;
	s0 =	simm.s32 @!p1 $0x0  }
0x14: {  	s2 =	sld [smem:$0x3F93];
	s0 =	simm.s32 @p1 $0x1  }
0x15: {  	[smem:$0x3FB0] =	sst s0;
	s0 =	simm.s32 @!p2 $0x0  }
0x16: {  	s3 =	sld [smem:$0x3FDB];
	s0 =	simm.s32 @p2 $0x1  }
0x17: {  	s4 =	simm.s32 $0x1BF5;
	[smem:$0x3FB2] =	sst s0  }
0x18: {  	s0 =	sld [smem:$0x3F95];
	_ =	swait.ge [sflag:s4], $0x0  }
0x19: {  	s7 =	sld [smem:$0x3F96]  }
0x1a: {  	s8 =	sadd.s32 $0xFFFFE003, lr  }
0x1b: {  	s9 =	sadd.s32 $0xFFFFFEF7, lr;
	s5 =	simm.s32 $0xFFFFFFFF;
	p2 =	slt.u32 s8, $0xFFFFF086  }
0x1c: {  	p1 =	slt.u32 s9, $0xF7A;
	s5 =	simm.s32 @!p2 $0x0  }
0x1d: {  	s5 =	simm.s32 @p1 $0x1;
	p0 =	seq.s32 s7, s2  }
0x1e: {  	s7 =	smul.u32 @!p0 $0xF7A, s2;
	p2 =	seq.s32 @!p0 s5, $0x0  }
0x1f: {  	s9 =	smul.u32 $0xF7A, s1;
	s8 =	simm.s32 @!p0 $0x1BF5;
	p2 =	por !p2, p0  }
0x20: {  	[sflag:s8] =	ssyncset.s32 @!p0 $0xFFFFF086;
	s6 =	sadd.s32 @!p0 s3, s7;
	s7 =	simm.s32 @!p0 $0x108  }
0x21: {  	s3 =	sadd.s32 s3, s9;
	s6 =	sadd.s32 @!p0 $0x88, s6;
	s7 =	simm.s32 @p2 $0x1082  }
0x22: {  	[simem:s7], [sflag:s8] =	dma.local @!p0 [hbm:s6], $0xF7A  }
0x23: {  	s9 =	sor.u32 $0xD0000000, s2;
	s6 =	simm.s32 $0x108;
	_ =	swait.ge @!p0 [sflag:s8], $0x0  }
0x24: {  	s3 =	sadd.s32 $0x88, s3;
	s6 =	simm.s32 @!p1 $0x1082;
	[sflag:s4] =	ssyncset.s32 $0xFFFFF086  }
0x25: {  	[simem:s6], [sflag:s4] =	dma.local [hbm:s3], $0xF7A  }
0x26: {  	[smem:$0x3F96] =	sst s1;
	(tag) =	ssettag s2;
	_ =	strace s9  }
0x27: {  	s1 =	sld [smem:$0x3FA6]  }
0x28: {  	s2 =	sld [smem:$0x3FA7]  }
0x29: {  	s4 =	sld [smem:$0x3FA9]  }
0x2a: {  	p0 =	seq.s32 s5, $0x0;
	s5 =	sld [smem:$0x3FAA]  }
0x2b: {  	s6 =	sld [smem:$0x3FAB]  }
0x2c: {  	s7 =	sld [smem:$0x3FAC]  }
0x2d: {  	s3 =	simm.s32 $0x108;
	s8 =	sld [smem:$0x3FAD]  }
0x2e: {  	s3 =	simm.s32 @!p0 $0x1082;
	s9 =	sld [smem:$0x3FAE]  }
0x2f: {  	lr =	sadd.s32 s0, s3;
	s0 =	sld [smem:$0x3FA5]  }
0x30: {  	s3 =	sld [smem:$0x3FA8]  }
0x31: {  	[smem:$0x3FB1] =	sst s10  }
0x32: {  	s10 =	sld [smem:$0x3FAF];
	_ =	sdelay $0x3  }
0x33: {  	p0 =	seq.s32 s10, $0x1;
	s10 =	sld [smem:$0x3FB1];
	_ =	sdelay $0x3  }
0x34: {  	[smem:$0x3FB1] =	sst s10  }
0x35: {  	s10 =	sld [smem:$0x3FB0];
	_ =	sdelay $0x3  }
0x36: {  	p1 =	seq.s32 s10, $0x1;
	s10 =	sld [smem:$0x3FB1];
	_ =	sdelay $0x3  }
0x37: {  	[smem:$0x3FB1] =	sst s10  }
0x38: {  	s10 =	sld [smem:$0x3FB2]  }
0x39: {  	_ = 	snop;
	(pc) =	sbr.ind lr, $3  }
0x3a: {  	_ = 	snop  }
0x3b: {  	_ = 	snop  }
0x3c: {  	p2 =	seq.s32 s10, $0x1;
	s10 =	sld [smem:$0x3FB1]  }
0x3d: {  	_ =	shalt  }
0x3e: {  	_ =	shalt  }
0x3f: {  	_ =	shalt  }
0x40: {  	_ =	shalt  }
0x41: {  	_ =	shalt  }
0x42: {  	_ =	shalt  }
0x43: {  	_ =	shalt  }
0x44: {  	_ =	shalt  }
0x45: {  	_ =	shalt  }
0x46: {  	_ =	shalt  }
0x47: {  	_ =	shalt  }
0x48: {  	_ =	shalt  }
0x49: {  	_ =	shalt  }
0x4a: {  	_ =	shalt  }
0x4b: {  	_ =	shalt  }
0x4c: {  	_ =	shalt  }
0x4d: {  	_ =	shalt  }
0x4e: {  	_ =	shalt  }
0x4f: {  	_ =	shalt  }
0x50: {  	_ =	shalt  }
0x51: {  	_ =	shalt  }
0x52: {  	_ =	shalt  }
0x53: {  	_ =	shalt  }
0x54: {  	_ =	shalt  }
0x55: {  	_ =	shalt  }
0x56: {  	_ =	shalt  }
0x57: {  	_ =	shalt  }
0x58: {  	_ =	shalt  }
0x59: {  	_ =	shalt  }
0x5a: {  	_ =	shalt  }
0x5b: {  	_ =	shalt  }
0x5c: {  	_ =	shalt  }
0x5d: {  	_ =	shalt  }
0x5e: {  	_ =	shalt  }
0x5f: {  	_ =	shalt  }
0x60: {  	_ =	shalt  }
0x61: {  	_ =	shalt  }
0x62: {  	_ =	shalt  }
0x63: {  	_ =	shalt  }
0x64: {  	_ =	shalt  }
0x65: {  	_ =	shalt  }
0x66: {  	_ =	shalt  }
0x67: {  	_ =	shalt  }
0x68: {  	_ =	shalt  }
0x69: {  	_ =	shalt  }
0x6a: {  	_ =	shalt  }
0x6b: {  	_ =	shalt  }
0x6c: {  	_ =	shalt  }
0x6d: {  	_ =	shalt  }
0x6e: {  	_ =	shalt  }
0x6f: {  	_ =	shalt  }
0x70: {  	_ =	shalt  }
0x71: {  	_ =	shalt  }
0x72: {  	_ =	shalt  }
0x73: {  	_ =	shalt  }
0x74: {  	_ =	shalt  }
0x75: {  	_ =	shalt  }
0x76: {  	_ =	shalt  }
0x77: {  	_ =	shalt  }
0x78: {  	_ =	shalt  }
0x79: {  	_ =	shalt  }
0x7a: {  	_ =	shalt  }
0x7b: {  	_ =	shalt  }
0x7c: {  	_ =	shalt  }
0x7d: {  	_ =	shalt  }
0x7e: {  	_ =	shalt  }
0x7f: {  	_ =	shalt  }
0x80: {  	_ =	shalt  }
0x81: {  	_ =	shalt  }
0x82: {  	_ =	shalt  }
0x83: {  	_ =	shalt  }
0x84: {  	_ =	shalt  }
0x85: {  	_ =	shalt  }
0x86: {  	_ =	shalt  }
0x87: {  	_ =	shalt  }
.Lfunc_end0:
.L_simem_size_0:
called_computation_lowered:
.L_overlay_start_0:
0x88: {  	s2 =	sld [smem:$0x3FD9]  }
0x89: {  	s3 =	sld [smem:$0x3FFE];
	_ =	sdelay $0x1  }
0x8a: {  	s1 =	srdreg.scid  }
0x8b: {  	s0 =	sand.u32 $0x1, s1  }
0x8c: {  	s17 =	sshll.u32 s0, $0xA;
	s2 =	sadd.s32 s3, s2  }
0x8d: {  	s2 =	sadd.s32 s2, s17  }
0x8e: {  	[smem:$0x3FBD] =	sst s2  }
0x8f: {  	_ = 	snop  }
0x90: {  	s2 =	sld [smem:$0x3FC7]  }
0x91: {  	s18 =	sld [smem:$0x3FD0];
	(tm) =	ssettm $0x1  }
0x92: {  	s4 =	sld [smem:$0x3FFB];
	_ =	sdelay $0x3  }
0x93: {  	_ =	strace s4  }
0x94: {  	s4 =	sld [smem:$0x3FFC];
	_ =	sdelay $0x3  }
0x95: {  	_ =	strace s4  }
0x96: {  	s4 =	sld [smem:$0x3FFD];
	_ =	sdelay $0x3  }
0x97: {  	_ =	strace s4  }
0x98: {  	_ =	strace $0x8FFFFFFF  }
0x99: {  	s19 =	sld [smem:$0x3FDB];
	_ =	sdelay $0x1  }
0x9a: {  	s5 =	simm.s32 $_scs_section_size  }
0x9b: {  	s6 =	simm.s32 $_size__tile_overlayer_lowered;
	s7 =	simm.s32 $_tile_overlayer_lowered  }
0x9c: {  	s22 =	simm.s32 $0x1BFF;
	s21 =	sshll.u32 s7, $0x1;
	s4 =	sadd.s32 s5, s19  }
0x9d: {  	s8 =	simm.s32 $0x0;
	s20 =	sshll.u32 s6, $0x1;
	s6 =	sadd.s32 s21, s4  }
0x9e: {  	[timem:s8], [sflag:s22] =	dma.local [hbm:s6], s20  }
0x9f: {  	_ =	swait.ge [sflag:s22], s20  }
0xa0: {  	s5 =	ssub.s32 $0x0, s20;
	[sflag:s22] =	ssyncset.done $0x0  }
0xa1: {  	[sflag:s22] =	ssyncadd.s32 s5;
	_ =	sdelay $0x1  }
0xa2: {  	s23 =	simm.s32 $0x1B8B  }
0xa3: {  	_ =	swait.ge [sflag:s23], $0x1  }
0xa4: {  	[sflag:s23] =	ssyncset.done $0x0  }
0xa5: {  	s25 =	simm.s32 $0x1B8E;
	s24 =	sld [smem:$0x3FFE];
	[sflag:s23] =	ssyncadd.s32 $0xFFFFFFFF  }
0xa6: {  	s26 =	simm.s32 $execute0_lowered;
	[smem:$0x3FD2] =	sst s25  }
0xa7: {  	s6 =	sshll.u32 s26, $0x1;
	_ =	strace $0x80000046;
	[dreg:$0x1] =	wrdreg $0xFFFFFFFF  }
0xa8: {  	s28 =	simm.s32 $_size_execute0_lowered;
	s4 =	sadd.s32 s4, s6;
	[dreg:$0x0] =	wrdreg $0x0  }
0xa9: {  	s6 =	sshll.u32 s28, $0x1;
	[dreg:$0x2] =	wrdreg s4  }
0xaa: {  	[dreg:$0x3] =	wrdreg s6  }
0xab: {  	[dreg:$0x4] =	wrdreg $0xC0  }
0xac: {  	_ =	task [dreg:s8], $0x5FFFF  }
0xad: {  	[dreg:$0x1] =	wrdreg $0xFFFFFFFF  }
0xae: {  	[dreg:$0x0] =	wrdreg $0x60  }
0xaf: {  	[dreg:$0x2] =	wrdreg s24  }
0xb0: {  	[dreg:$0x3] =	wrdreg s2  }
0xb1: {  	[dreg:$0x4] =	wrdreg s18  }
0xb2: {  	[dreg:$0x5] =	wrdreg $0x0  }
0xb3: {  	[dreg:$0x6] =	wrdreg $0x27100  }
0xb4: {  	[dreg:$0x7] =	wrdreg $0x9  }
0xb5: {  	_ =	task.clear_ibuf [dreg:s8], $0x8FFFF;
	_ =	strace $0x90000046  }
0xb6: {  	s29 =	simm.s32 $0x9;
	_ =	strace $0x80000048  }
0xb7: {  	_ =	swait.ge [sflag:s29], $0x1  }
0xb8: {  	[sflag:s29] =	ssyncadd.s32 $0xFFFFFFFF  }
0xb9: {  	_ =	strace $0x90000048  }
0xba: {  	_ =	sfence  }
0xbb: {  	s30 =	sld [smem:$0x0];
	_ =	sdelay $0x2  }
0xbc: {  	s31 =	sshll.u32 s1, $0xD;
	s1 =	sshrl.u32 s1, $0x2  }
0xbd: {  	s3 =	sand.u32 $0x4000, s31;
	s1 =	sadd.s32 s1, s30  }
0xbe: {  	s0 =	sor.u32 s3, s0;
	s1 =	sshll.u32 s1, $0x11  }
0xbf: {  	s0 =	sor.u32 s1, s0  }
0xc0: {  	s0 =	sadd.s32 $0x8F2B, s0  }
0xc1: {  	[sflag:s0] =	ssyncadd.remote.s32 $0x1  }
0xc2: {  	_ =	sfence.sel $0xFFFF  }
0xc3: {  	[dreg:$0x0] =	wrdreg $0xFFFFFFFF;
	(pc) =	sbr.abs _section_cstart, $3  }
0xc4: {  	[dreg:$0x1] =	wrdreg $0xFFFFFFFF  }
0xc5: {  	_ =	task.clear_ibuf [dreg:s8], $0x2FFFF;
	_ =	strace $0x9FFFFFFF  }
0xc6: {  	(tm) =	ssettm $0x7FFFFFFF  }
0xc7: {  	_ =	shalt  }
tec
execute0_lowered:
.L_overlay_start_1:
0x0: {  	(tag) =	ssettag $0x1  }
0x1: {  	s0 =	rddreg [dreg:$0x0]  }
0x2: {  	s2 =	rddreg [dreg:$0x1]  }
0x3: {  	s1 =	srdreg.scid;
	s5 =	rddreg [dreg:$0x2]  }
0x4: {  	s17 =	stileid.u32;
	s3 =	rddreg [dreg:$0x4]  }
0x5: {  	s18 =	simm.s32 $0x0;
	s28 =	simm.s32 $0x80;
	s29 =	simm.s32 $0x1B520  }
0x6: {  	s30 =	simm.s32 $0x11520;
	s6 =	sand.u32 $0x1, s1;
	s1 =	rddreg [dreg:$0x3]  }
0x7: {  	[smem:$0x7FF] =	sst s18;
	s12 =	smul.u32 $0x2700, s17;
	s0 =	sadd.s32 $0x4E3C00, s0  }
0x8: {  	s16 =	sadd.s32 $0x27000, s3;
	s20 =	sshll.u32 s17, $0x7;
	p0 =	sne.s32 s17, $0x0  }
0x9: {  	s4 =	sshll.u32 s6, $0x4;
	s8 =	ssub.s32 $0x2, s6;
	_ =	strace $0x80000047  }
0xa: {  	s15 =	sadd.s32 $0x27000, s1;
	[dreg:$0x15] =	wrdreg s16;
	s6 =	smul.u32 $0x4E200, s6  }
0xb: {  	s11 =	sor.u32 s17, s4;
	[dreg:$0x14] =	wrdreg s15;
	s15 =	smul.u32 $0x4E00, s17  }
0xc: {  	s10 =	sshrl.u32 s8, $0x1;
	s17 =	simm.s32 $0x17520;
	s7 =	smul.u32 $0x4E0, s11  }
0xd: {  	s9 =	smul.u32 $0x4E00, s11;
	s13 =	ssub.s32 s8, s10;
	s10 =	sadd.s32 s12, s1  }
0xe: {  	s14 =	smul.u32 $0x27000, s11;
	s12 =	sadd.s32 s12, s3;
	p1 =	sgt.u32 s11, $0x3  }
0xf: {  	s11 =	simm.s32 $0x2;
	s8 =	simm.s32 $0x13520;
	[dreg:$0x12] =	wrdreg s10  }
0x10: {  	[dreg:$0x13] =	wrdreg s12;
	s23 =	sadd.s32 s15, s6;
	s6 =	sshrl.u32 s6, $0x3  }
0x11: {  	s31 =	smax.u32 s13, $0x1;
	s10 =	simm.s32 $0x14520;
	s15 =	simm.s32 $0x16520  }
0x12: {  	s7 =	sadd.s32 s2, s7;
	s9 =	sadd.s32 s0, s9;
	s19 =	sshrl.u32 s14, $0x3  }
0x13: {  	s14 =	sor.u32 $0x4E000, s20;
	s25 =	sadd.s32 s5, s6;
	[dreg:$0x11] =	wrdreg s31  }
0x14: {  	s6 =	simm.s32 $0x7520;
	s20 =	simm.s32 $0x0;
	[dreg:$0x6] =	wrdreg s7  }
0x15: {  	[dreg:$0x7] =	wrdreg s9;
	s12 =	sadd.s32 s0, s19;
	s22 =	sshrl.u32 s14, $0x3  }
0x16: {  	s24 =	sshll.u32 s14, $0x1;
	s26 =	sadd.s32 $0x9C00, s25;
	s7 =	simm.s32 $0x12D20  }
0x17: {  	s9 =	simm.s32 $0x13D20;
	s16 =	sadd.s32 $0x1400, s12;
	[dreg:$0xf] =	wrdreg s26  }
0x18: {  	s19 =	simm.s32 $0x17D20;
	s21 =	sadd.s32 $0x2800, s12;
	[dreg:$0x8] =	wrdreg s16  }
0x19: {  	s12 =	sadd.s32 $0x3C00, s12;
	s2 =	sadd.s32 s2, s22;
	[dreg:$0x9] =	wrdreg s21  }
0x1a: {  	s0 =	sadd.s32 s0, s24;
	s24 =	simm.s32 $0x3;
	[dreg:$0xa] =	wrdreg s12  }
0x1b: {  	s22 =	simm.s32 $0x18D20;
	s26 =	simm.s32 $0x19D20;
	[dreg:$0xb] =	wrdreg s2  }
0x1c: {  	s2 =	sshrl.u32 s23, $0x3;
	[dreg:$0xc] =	wrdreg s0;
	s0 =	sadd.s32 $0x9C02, s25  }
0x1d: {  	s25 =	simm.s32 $0x1;
	s2 =	sadd.s32 s5, s2;
	[dreg:$0x10] =	wrdreg s0  }
0x1e: {  	s21 =	simm.s32 $0x18520;
	[dreg:$0xd] =	wrdreg s2;
	s2 =	sadd.s32 $0x2, s2  }
0x1f: {  	v0 =	vimm.f32 $0.0e+00;
	v1 =	vimm.f32 $1.000000000e+00;
	s23 =	simm.s32 $0x19520;
	s0 =	simm.s32 $0x4E20;
	[dreg:$0xe] =	wrdreg s2  }
.LBB2_1:
0x20: {  	s2 =	rddreg [dreg:$0x6]  }
0x21: {  	[tilespmem:s0], [sflag:$0x1] =	stream.linear.gather [hbm4b:s2+s18], $0x2700, $0x38;
	[tilespmem:$0x1ECA0] =	vst v63  }
0x22: {  	s31 =	rddreg [dreg:$0x7];
	s2 =	simm.s32 $0x0  }
0x23: {  	[tilespmem:s6], [sflag:$0x1] =	stream.linear.gather [hbm4b:s31+s18], $0xA000, $0x38;
	[tilespmem:$0x1ECA0] =	vst v63  }
.LBB2_2:
0x24: {  	p2 =	sne.s32 s2, $0x9BC0  }
.Ltmp0:
0x25: {  	_ = 	snop;
	(pc) =	sbr.rel @p2 .LBB2_2-.Ltmp0, $3  }
0x26: {  	_ =	sdelay $0x1  }
0x27: {  	s5 =	sshra.s32 s2, $0x2  }
0x28: {  	s2 =	sadd.s32 $0x40, s2;
	[tilespmem:s5+$0x1BD20] =	vst v0  }
0x29: {  	s2 =	simm.s32 $0x40;
	s5 =	simm.s32 $0x0  }
.LBB2_4:
0x2a: {  	p2 =	sne.s32 s2, $0x1FC0;
	[tilespmem:s5+$0x1B520] =	vst v1;
	s5 =	smov.u32 s2;
	s2 =	sadd.s32 $0x40, s2  }
.Ltmp1:
0x2b: {  	(pc) =	sbr.rel @p2 .LBB2_4-.Ltmp1, $2  }
0x2c: {  	_ =	sdelay $0x2  }
0x2d: {  	s5 =	sshra.s32 s5, $0x2  }
0x2e: {  	[tilespmem:s5+$0x1B520] =	vst v1;
	s2 =	simm.s32 $0x1BD20;
	s4 =	rddreg [dreg:$0x12]  }
0x2f: {  	[spmem:s4] =	stream.linear.scatter [tilespmem:s2], [sflag:$0x3], $0x2700, $0x38;
	[tilespmem:$0x1ECA0] =	vst v63  }
0x30: {  	_ =	swait.ge [sflag:s24], $0x2700  }
0x31: {  	[sflag:s24] =	ssyncset.done $0x0  }
0x32: {  	s31 =	rddreg [dreg:$0x13];
	[sflag:s24] =	ssyncadd.s32 $0xFFFFD900  }
0x33: {  	[spmem:s31] =	stream.linear.scatter [tilespmem:s2], [sflag:$0x3], $0x2700, $0x38;
	[tilespmem:$0x1ECA0] =	vst v63  }
0x34: {  	_ =	swait.ge [sflag:s24], $0x2700  }
0x35: {  	[sflag:s24] =	ssyncset.done $0x0  }
0x36: {  	s5 =	simm.s32 @!p0 $0x1BD20;
	s2 =	rddreg [dreg:$0x14];
	[sflag:s24] =	ssyncadd.s32 $0xFFFFD900  }
0x37: {  	[spmem:s2] =	stream.linear.scatter @!p0 [tilespmem:s5], [sflag:$0x3], $0x100, $0x38;
	[tilespmem:$0x1ECA0] =	vst v63  }
0x38: {  	s2 =	simm.s32 @!p0 $0x3  }
0x39: {  	_ =	swait.ge @!p0 [sflag:s2], $0x100  }
0x3a: {  	[sflag:s2] =	ssyncset.done @!p0 $0x0  }
0x3b: {  	s4 =	rddreg [dreg:$0x15];
	[sflag:s2] =	ssyncadd.s32 @!p0 $0xFFFFFF00  }
0x3c: {  	[spmem:s4] =	stream.linear.scatter @!p0 [tilespmem:s5], [sflag:$0x3], $0x100, $0x38;
	[tilespmem:$0x1ECA0] =	vst v63  }
0x3d: {  	_ =	swait.ge @!p0 [sflag:s2], $0x100  }
0x3e: {  	[sflag:s2] =	ssyncset.done @!p0 $0x0  }
0x3f: {  	[sflag:s2] =	ssyncadd.s32 @!p0 $0xFFFFFF00  }
0x40: {  	[bflag:$0x0] =	sbarrier.arrive $0xFFFF  }
0x41: {  	_ =	swait.ge [sflag:s25], $0x2700  }
0x42: {  	[sflag:s25] =	ssyncset.done $0x0  }
0x43: {  	[sflag:s25] =	ssyncadd.s32 $0xFFFFD900  }
0x44: {  	_ =	swait.ge [sflag:s25], $0xA000  }
0x45: {  	[sflag:s25] =	ssyncset.done $0x0  }
0x46: {  	s4 =	rddreg [dreg:$0x8];
	[sflag:s25] =	ssyncadd.s32 $0xFFFF6000  }
0x47: {  	[tilespmem:s30], [sflag:$0x1] =	stream.linear.gather [hbm4b:s4+s18], $0xA000, $0x38;
	[tilespmem:$0x1ECA0] =	vst v63  }
0x48: {  	_ = 	snop  }
0x49: {  	[spmem:s1] =	stream.indirect.scatter.add.f32 [tilespmem:s6], [sflag:$0x2], $0x10, s0, s28, $0xb8;
	[tilespmem:$0x1ECA0] =	vst v63  }
0x4a: {  	_ = 	snop  }
0x4b: {  	[spmem:s3] =	stream.indirect.scatter.add.f32 [tilespmem:s29], [sflag:$0x2], $0x10, s0, s28, $0xb8;
	[tilespmem:$0x1ECA0] =	vst v63  }
0x4c: {  	s12 =	simm.s32 $0x7D20;
	s6 =	simm.s32 $0x4EA0  }
0x4d: {  	[spmem:s1] =	stream.indirect.scatter.add.f32 [tilespmem:s12], [sflag:$0x2], $0x10, s6, s28, $0xb8;
	[tilespmem:$0x1ECA0] =	vst v63  }
0x4e: {  	_ = 	snop  }
0x4f: {  	[spmem:s3] =	stream.indirect.scatter.add.f32 [tilespmem:s29], [sflag:$0x2], $0x10, s6, s28, $0xb8;
	[tilespmem:$0x1ECA0] =	vst v63  }
0x50: {  	s13 =	simm.s32 $0x4F20;
	s14 =	simm.s32 $0x8520  }
0x51: {  	[spmem:s1] =	stream.indirect.scatter.add.f32 [tilespmem:s14], [sflag:$0x2], $0x10, s13, s28, $0xb8;
	[tilespmem:$0x1ECA0] =	vst v63  }
0x52: {  	_ = 	snop  }
0x53: {  	[spmem:s3] =	stream.indirect.scatter.add.f32 [tilespmem:s29], [sflag:$0x2], $0x10, s13, s28, $0xb8;
	[tilespmem:$0x1ECA0] =	vst v63  }
0x54: {  	s16 =	simm.s32 $0x4FA0;
	s18 =	simm.s32 $0x8D20  }
0x55: {  	[spmem:s1] =	stream.indirect.scatter.add.f32 [tilespmem:s18], [sflag:$0x2], $0x10, s16, s28, $0xb8;
	[tilespmem:$0x1ECA0] =	vst v63  }
0x56: {  	_ = 	snop  }
0x57: {  	[spmem:s3] =	stream.indirect.scatter.add.f32 [tilespmem:s29], [sflag:$0x2], $0x10, s16, s28, $0xb8;
	[tilespmem:$0x1ECA0] =	vst v63  }
0x58: {  	s31 =	simm.s32 $0x5020;
	s4 =	simm.s32 $0x9520  }
0x59: {  	[spmem:s1] =	stream.indirect.scatter.add.f32 [tilespmem:s4], [sflag:$0x2], $0x10, s31, s28, $0xb8;
	[tilespmem:$0x1ECA0] =	vst v63  }
0x5a: {  	_ = 	snop  }
0x5b: {  	[spmem:s3] =	stream.indirect.scatter.add.f32 [tilespmem:s29], [sflag:$0x2], $0x10, s31, s28, $0xb8;
	[tilespmem:$0x1ECA0] =	vst v63  }
0x5c: {  	s12 =	simm.s32 $0x9D20;
	s6 =	simm.s32 $0x50A0  }
0x5d: {  	[spmem:s1] =	stream.indirect.scatter.add.f32 [tilespmem:s12], [sflag:$0x2], $0x10, s6, s28, $0xb8;
	[tilespmem:$0x1ECA0] =	vst v63  }
0x5e: {  	_ = 	snop  }
0x5f: {  	[spmem:s3] =	stream.indirect.scatter.add.f32 [tilespmem:s29], [sflag:$0x2], $0x10, s6, s28, $0xb8;
	[tilespmem:$0x1ECA0] =	vst v63  }
0x60: {  	s14 =	simm.s32 $0xA520;
	s13 =	simm.s32 $0x5120  }
0x61: {  	[spmem:s1] =	stream.indirect.scatter.add.f32 [tilespmem:s14], [sflag:$0x2], $0x10, s13, s28, $0xb8;
	[tilespmem:$0x1ECA0] =	vst v63  }
0x62: {  	_ = 	snop  }
0x63: {  	[spmem:s3] =	stream.indirect.scatter.add.f32 [tilespmem:s29], [sflag:$0x2], $0x10, s13, s28, $0xb8;
	[tilespmem:$0x1ECA0] =	vst v63  }
0x64: {  	s18 =	simm.s32 $0xAD20;
	s16 =	simm.s32 $0x51A0  }
0x65: {  	[spmem:s1] =	stream.indirect.scatter.add.f32 [tilespmem:s18], [sflag:$0x2], $0x10, s16, s28, $0xb8;
	[tilespmem:$0x1ECA0] =	vst v63  }
0x66: {  	_ = 	snop  }
0x67: {  	[spmem:s3] =	stream.indirect.scatter.add.f32 [tilespmem:s29], [sflag:$0x2], $0x10, s16, s28, $0xb8;
	[tilespmem:$0x1ECA0] =	vst v63  }
0x68: {  	s4 =	simm.s32 $0xB520;
	s31 =	simm.s32 $0x5220  }
0x69: {  	[spmem:s1] =	stream.indirect.scatter.add.f32 [tilespmem:s4], [sflag:$0x2], $0x10, s31, s28, $0xb8;
	[tilespmem:$0x1ECA0] =	vst v63  }
0x6a: {  	_ = 	snop  }
0x6b: {  	[spmem:s3] =	stream.indirect.scatter.add.f32 [tilespmem:s29], [sflag:$0x2], $0x10, s31, s28, $0xb8;
	[tilespmem:$0x1ECA0] =	vst v63  }
0x6c: {  	s12 =	simm.s32 $0xBD20;
	s6 =	simm.s32 $0x52A0  }
0x6d: {  	[spmem:s1] =	stream.indirect.scatter.add.f32 [tilespmem:s12], [sflag:$0x2], $0x10, s6, s28, $0xb8;
	[tilespmem:$0x1ECA0] =	vst v63  }
0x6e: {  	_ = 	snop  }
0x6f: {  	[spmem:s3] =	stream.indirect.scatter.add.f32 [tilespmem:s29], [sflag:$0x2], $0x10, s6, s28, $0xb8;
	[tilespmem:$0x1ECA0] =	vst v63  }
0x70: {  	s14 =	simm.s32 $0xC520;
	s13 =	simm.s32 $0x5320  }
0x71: {  	[spmem:s1] =	stream.indirect.scatter.add.f32 [tilespmem:s14], [sflag:$0x2], $0x10, s13, s28, $0xb8;
	[tilespmem:$0x1ECA0] =	vst v63  }
0x72: {  	_ = 	snop  }
0x73: {  	[spmem:s3] =	stream.indirect.scatter.add.f32 [tilespmem:s29], [sflag:$0x2], $0x10, s13, s28, $0xb8;
	[tilespmem:$0x1ECA0] =	vst v63  }
0x74: {  	s18 =	simm.s32 $0xCD20;
	s16 =	simm.s32 $0x53A0  }
0x75: {  	[spmem:s1] =	stream.indirect.scatter.add.f32 [tilespmem:s18], [sflag:$0x2], $0x10, s16, s28, $0xb8;
	[tilespmem:$0x1ECA0] =	vst v63  }
0x76: {  	_ = 	snop  }
0x77: {  	[spmem:s3] =	stream.indirect.scatter.add.f32 [tilespmem:s29], [sflag:$0x2], $0x10, s16, s28, $0xb8;
	[tilespmem:$0x1ECA0] =	vst v63  }
0x78: {  	s31 =	simm.s32 $0x5420;
	s6 =	simm.s32 $0xD520  }
0x79: {  	[spmem:s1] =	stream.indirect.scatter.add.f32 [tilespmem:s6], [sflag:$0x2], $0x10, s31, s28, $0xb8;
	[tilespmem:$0x1ECA0] =	vst v63  }
0x7a: {  	_ = 	snop  }
0x7b: {  	[spmem:s3] =	stream.indirect.scatter.add.f32 [tilespmem:s29], [sflag:$0x2], $0x10, s31, s28, $0xb8;
	[tilespmem:$0x1ECA0] =	vst v63  }
0x7c: {  	s12 =	simm.s32 $0x54A0;
	s13 =	simm.s32 $0xDD20  }
0x7d: {  	[spmem:s1] =	stream.indirect.scatter.add.f32 [tilespmem:s13], [sflag:$0x2], $0x10, s12, s28, $0xb8;
	[tilespmem:$0x1ECA0] =	vst v63  }
0x7e: {  	_ = 	snop  }
0x7f: {  	[spmem:s3] =	stream.indirect.scatter.add.f32 [tilespmem:s29], [sflag:$0x2], $0x10, s12, s28, $0xb8;
	[tilespmem:$0x1ECA0] =	vst v63  }
0x80: {  	s14 =	simm.s32 $0x5520;
	s16 =	simm.s32 $0xE520  }
0x81: {  	[spmem:s1] =	stream.indirect.scatter.add.f32 [tilespmem:s16], [sflag:$0x2], $0x10, s14, s28, $0xb8;
	[tilespmem:$0x1ECA0] =	vst v63  }
0x82: {  	_ = 	snop  }
0x83: {  	[spmem:s3] =	stream.indirect.scatter.add.f32 [tilespmem:s29], [sflag:$0x2], $0x10, s14, s28, $0xb8;
	[tilespmem:$0x1ECA0] =	vst v63  }
0x84: {  	s18 =	simm.s32 $0x55A0;
	s31 =	simm.s32 $0xED20  }
0x85: {  	[spmem:s1] =	stream.indirect.scatter.add.f32 [tilespmem:s31], [sflag:$0x2], $0x10, s18, s28, $0xb8;
	[tilespmem:$0x1ECA0] =	vst v63  }
0x86: {  	_ = 	snop  }
0x87: {  	[spmem:s3] =	stream.indirect.scatter.add.f32 [tilespmem:s29], [sflag:$0x2], $0x10, s18, s28, $0xb8;
	[tilespmem:$0x1ECA0] =	vst v63  }
0x88: {  	s6 =	simm.s32 $0x5620;
	s12 =	simm.s32 $0xF520  }
0x89: {  	[spmem:s1] =	stream.indirect.scatter.add.f32 [tilespmem:s12], [sflag:$0x2], $0x10, s6, s28, $0xb8;
	[tilespmem:$0x1ECA0] =	vst v63  }
0x8a: {  	_ = 	snop  }
0x8b: {  	[spmem:s3] =	stream.indirect.scatter.add.f32 [tilespmem:s29], [sflag:$0x2], $0x10, s6, s28, $0xb8;
	[tilespmem:$0x1ECA0] =	vst v63  }
0x8c: {  	s13 =	simm.s32 $0x56A0;
	s14 =	simm.s32 $0xFD20  }
0x8d: {  	[spmem:s1] =	stream.indirect.scatter.add.f32 [tilespmem:s14], [sflag:$0x2], $0x10, s13, s28, $0xb8;
	[tilespmem:$0x1ECA0] =	vst v63  }
0x8e: {  	_ = 	snop  }
0x8f: {  	[spmem:s3] =	stream.indirect.scatter.add.f32 [tilespmem:s29], [sflag:$0x2], $0x10, s13, s28, $0xb8;
	[tilespmem:$0x1ECA0] =	vst v63  }
0x90: {  	s16 =	simm.s32 $0x5720;
	s18 =	simm.s32 $0x10520  }
0x91: {  	[spmem:s1] =	stream.indirect.scatter.add.f32 [tilespmem:s18], [sflag:$0x2], $0x10, s16, s28, $0xb8;
	[tilespmem:$0x1ECA0] =	vst v63  }
0x92: {  	_ = 	snop  }
0x93: {  	[spmem:s3] =	stream.indirect.scatter.add.f32 [tilespmem:s29], [sflag:$0x2], $0x10, s16, s28, $0xb8;
	[tilespmem:$0x1ECA0] =	vst v63  }
0x94: {  	s31 =	simm.s32 $0x57A0;
	s6 =	simm.s32 $0x10D20  }
0x95: {  	[spmem:s1] =	stream.indirect.scatter.add.f32 [tilespmem:s6], [sflag:$0x2], $0x10, s31, s28, $0xb8;
	[tilespmem:$0x1ECA0] =	vst v63  }
0x96: {  	_ = 	snop  }
0x97: {  	[spmem:s3] =	stream.indirect.scatter.add.f32 [tilespmem:s29], [sflag:$0x2], $0x10, s31, s28, $0xb8;
	[tilespmem:$0x1ECA0] =	vst v63  }
0x98: {  	_ =	swait.ge [sflag:s25], $0xA000  }
0x99: {  	[sflag:s25] =	ssyncset.done $0x0  }
0x9a: {  	[sflag:s25] =	ssyncadd.s32 $0xFFFF6000  }
0x9b: {  	_ =	swait.ge [sflag:s11], $0x800  }
0x9c: {  	[sflag:s11] =	ssyncset.done $0x0  }
0x9d: {  	[sflag:s11] =	ssyncadd.s32 $0xFFFFF800  }
0x9e: {  	_ =	swait.ge [sflag:s11], $0x800  }
0x9f: {  	[sflag:s11] =	ssyncset.done $0x0  }
0xa0: {  	[sflag:s11] =	ssyncadd.s32 $0xFFFFF800  }
0xa1: {  	_ =	swait.ge [sflag:s11], $0x800  }
0xa2: {  	[sflag:s11] =	ssyncset.done $0x0  }
0xa3: {  	[sflag:s11] =	ssyncadd.s32 $0xFFFFF800  }
0xa4: {  	_ =	swait.ge [sflag:s11], $0x800  }
0xa5: {  	[sflag:s11] =	ssyncset.done $0x0  }
0xa6: {  	[sflag:s11] =	ssyncadd.s32 $0xFFFFF800  }
0xa7: {  	_ =	swait.ge [sflag:s11], $0x800  }
0xa8: {  	[sflag:s11] =	ssyncset.done $0x0  }
0xa9: {  	[sflag:s11] =	ssyncadd.s32 $0xFFFFF800  }
0xaa: {  	_ =	swait.ge [sflag:s11], $0x800  }
0xab: {  	[sflag:s11] =	ssyncset.done $0x0  }
0xac: {  	[sflag:s11] =	ssyncadd.s32 $0xFFFFF800  }
0xad: {  	_ =	swait.ge [sflag:s11], $0x800  }
0xae: {  	[sflag:s11] =	ssyncset.done $0x0  }
0xaf: {  	[sflag:s11] =	ssyncadd.s32 $0xFFFFF800  }
0xb0: {  	_ =	swait.ge [sflag:s11], $0x800  }
0xb1: {  	[sflag:s11] =	ssyncset.done $0x0  }
0xb2: {  	[sflag:s11] =	ssyncadd.s32 $0xFFFFF800  }
0xb3: {  	_ =	swait.ge [sflag:s11], $0x800  }
0xb4: {  	[sflag:s11] =	ssyncset.done $0x0  }
0xb5: {  	[sflag:s11] =	ssyncadd.s32 $0xFFFFF800  }
0xb6: {  	_ =	swait.ge [sflag:s11], $0x800  }
0xb7: {  	[sflag:s11] =	ssyncset.done $0x0  }
0xb8: {  	[sflag:s11] =	ssyncadd.s32 $0xFFFFF800  }
0xb9: {  	_ =	swait.ge [sflag:s11], $0x800  }
0xba: {  	[sflag:s11] =	ssyncset.done $0x0  }
0xbb: {  	[sflag:s11] =	ssyncadd.s32 $0xFFFFF800  }
0xbc: {  	_ =	swait.ge [sflag:s11], $0x800  }
0xbd: {  	[sflag:s11] =	ssyncset.done $0x0  }
0xbe: {  	[sflag:s11] =	ssyncadd.s32 $0xFFFFF800  }
0xbf: {  	_ =	swait.ge [sflag:s11], $0x800  }
0xc0: {  	[sflag:s11] =	ssyncset.done $0x0  }
0xc1: {  	[sflag:s11] =	ssyncadd.s32 $0xFFFFF800  }
0xc2: {  	_ =	swait.ge [sflag:s11], $0x800  }
0xc3: {  	[sflag:s11] =	ssyncset.done $0x0  }
0xc4: {  	[sflag:s11] =	ssyncadd.s32 $0xFFFFF800  }
0xc5: {  	_ =	swait.ge [sflag:s11], $0x800  }
0xc6: {  	[sflag:s11] =	ssyncset.done $0x0  }
0xc7: {  	[sflag:s11] =	ssyncadd.s32 $0xFFFFF800  }
0xc8: {  	_ =	swait.ge [sflag:s11], $0x800  }
0xc9: {  	[sflag:s11] =	ssyncset.done $0x0  }
0xca: {  	[sflag:s11] =	ssyncadd.s32 $0xFFFFF800  }
0xcb: {  	_ =	swait.ge [sflag:s11], $0x800  }
0xcc: {  	[sflag:s11] =	ssyncset.done $0x0  }
0xcd: {  	[sflag:s11] =	ssyncadd.s32 $0xFFFFF800  }
0xce: {  	_ =	swait.ge [sflag:s11], $0x800  }
0xcf: {  	[sflag:s11] =	ssyncset.done $0x0  }
0xd0: {  	[sflag:s11] =	ssyncadd.s32 $0xFFFFF800  }
0xd1: {  	_ =	swait.ge [sflag:s11], $0x800  }
0xd2: {  	[sflag:s11] =	ssyncset.done $0x0  }
0xd3: {  	[sflag:s11] =	ssyncadd.s32 $0xFFFFF800  }
0xd4: {  	_ =	swait.ge [sflag:s11], $0x800  }
0xd5: {  	[sflag:s11] =	ssyncset.done $0x0  }
0xd6: {  	[sflag:s11] =	ssyncadd.s32 $0xFFFFF800  }
0xd7: {  	_ =	swait.ge [sflag:s11], $0x800  }
0xd8: {  	[sflag:s11] =	ssyncset.done $0x0  }
0xd9: {  	[sflag:s11] =	ssyncadd.s32 $0xFFFFF800  }
0xda: {  	_ =	swait.ge [sflag:s11], $0x800  }
0xdb: {  	[sflag:s11] =	ssyncset.done $0x0  }
0xdc: {  	[sflag:s11] =	ssyncadd.s32 $0xFFFFF800  }
0xdd: {  	_ =	swait.ge [sflag:s11], $0x800  }
0xde: {  	[sflag:s11] =	ssyncset.done $0x0  }
0xdf: {  	[sflag:s11] =	ssyncadd.s32 $0xFFFFF800  }
0xe0: {  	_ =	swait.ge [sflag:s11], $0x800  }
0xe1: {  	[sflag:s11] =	ssyncset.done $0x0  }
0xe2: {  	[sflag:s11] =	ssyncadd.s32 $0xFFFFF800  }
0xe3: {  	_ =	swait.ge [sflag:s11], $0x800  }
0xe4: {  	[sflag:s11] =	ssyncset.done $0x0  }
0xe5: {  	[sflag:s11] =	ssyncadd.s32 $0xFFFFF800  }
0xe6: {  	_ =	swait.ge [sflag:s11], $0x800  }
0xe7: {  	[sflag:s11] =	ssyncset.done $0x0  }
0xe8: {  	[sflag:s11] =	ssyncadd.s32 $0xFFFFF800  }
0xe9: {  	_ =	swait.ge [sflag:s11], $0x800  }
0xea: {  	[sflag:s11] =	ssyncset.done $0x0  }
0xeb: {  	[sflag:s11] =	ssyncadd.s32 $0xFFFFF800  }
0xec: {  	_ =	swait.ge [sflag:s11], $0x800  }
0xed: {  	[sflag:s11] =	ssyncset.done $0x0  }
0xee: {  	[sflag:s11] =	ssyncadd.s32 $0xFFFFF800  }
0xef: {  	_ =	swait.ge [sflag:s11], $0x800  }
0xf0: {  	[sflag:s11] =	ssyncset.done $0x0  }
0xf1: {  	[sflag:s11] =	ssyncadd.s32 $0xFFFFF800  }
0xf2: {  	_ =	swait.ge [sflag:s11], $0x800  }
0xf3: {  	[sflag:s11] =	ssyncset.done $0x0  }
0xf4: {  	[sflag:s11] =	ssyncadd.s32 $0xFFFFF800  }
0xf5: {  	_ =	swait.ge [sflag:s11], $0x800  }
0xf6: {  	[sflag:s11] =	ssyncset.done $0x0  }
0xf7: {  	[sflag:s11] =	ssyncadd.s32 $0xFFFFF800  }
0xf8: {  	_ =	swait.ge [sflag:s11], $0x800  }
0xf9: {  	[sflag:s11] =	ssyncset.done $0x0  }
0xfa: {  	[sflag:s11] =	ssyncadd.s32 $0xFFFFF800  }
0xfb: {  	_ =	swait.ge [sflag:s11], $0x800  }
0xfc: {  	[sflag:s11] =	ssyncset.done $0x0  }
0xfd: {  	[sflag:s11] =	ssyncadd.s32 $0xFFFFF800  }
0xfe: {  	_ =	swait.ge [sflag:s11], $0x800  }
0xff: {  	[sflag:s11] =	ssyncset.done $0x0  }
0x100: {  	[sflag:s11] =	ssyncadd.s32 $0xFFFFF800  }
0x101: {  	_ =	swait.ge [sflag:s11], $0x800  }
0x102: {  	[sflag:s11] =	ssyncset.done $0x0  }
0x103: {  	[sflag:s11] =	ssyncadd.s32 $0xFFFFF800  }
0x104: {  	_ =	swait.ge [sflag:s11], $0x800  }
0x105: {  	[sflag:s11] =	ssyncset.done $0x0  }
0x106: {  	[sflag:s11] =	ssyncadd.s32 $0xFFFFF800  }
0x107: {  	_ =	swait.ge [sflag:s11], $0x800  }
0x108: {  	[sflag:s11] =	ssyncset.done $0x0  }
0x109: {  	[sflag:s11] =	ssyncadd.s32 $0xFFFFF800  }
0x10a: {  	_ =	swait.ge [sflag:s11], $0x800  }
0x10b: {  	[sflag:s11] =	ssyncset.done $0x0  }
0x10c: {  	[sflag:s11] =	ssyncadd.s32 $0xFFFFF800  }
0x10d: {  	_ =	swait.ge [sflag:s11], $0x800  }
0x10e: {  	[sflag:s11] =	ssyncset.done $0x0  }
0x10f: {  	[sflag:s11] =	ssyncadd.s32 $0xFFFFF800  }
0x110: {  	_ =	swait.ge [sflag:s11], $0x800  }
0x111: {  	s0 =	simm.s32 $0x0;
	[sflag:s11] =	ssyncset.done $0x0  }
0x112: {  	s13 =	simm.s32 $0x7520;
	s12 =	rddreg [dreg:$0x9];
	[sflag:s11] =	ssyncadd.s32 $0xFFFFF800  }
0x113: {  	[tilespmem:s13], [sflag:$0x1] =	stream.linear.gather [hbm4b:s12+s0], $0xA000, $0x38;
	[tilespmem:$0x1ECA0] =	vst v63  }
0x114: {  	s14 =	simm.s32 $0x5820  }
0x115: {  	[spmem:s1] =	stream.indirect.scatter.add.f32 [tilespmem:s30], [sflag:$0x2], $0x10, s14, s28, $0xb8;
	[tilespmem:$0x1ECA0] =	vst v63  }
0x116: {  	_ = 	snop  }
0x117: {  	[spmem:s3] =	stream.indirect.scatter.add.f32 [tilespmem:s29], [sflag:$0x2], $0x10, s14, s28, $0xb8;
	[tilespmem:$0x1ECA0] =	vst v63  }
0x118: {  	s4 =	simm.s32 $0x11D20;
	s16 =	simm.s32 $0x58A0  }
0x119: {  	[spmem:s1] =	stream.indirect.scatter.add.f32 [tilespmem:s4], [sflag:$0x2], $0x10, s16, s28, $0xb8;
	[tilespmem:$0x1ECA0] =	vst v63  }
0x11a: {  	_ = 	snop  }
0x11b: {  	[spmem:s3] =	stream.indirect.scatter.add.f32 [tilespmem:s29], [sflag:$0x2], $0x10, s16, s28, $0xb8;
	[tilespmem:$0x1ECA0] =	vst v63  }
0x11c: {  	s18 =	simm.s32 $0x5920;
	s6 =	simm.s32 $0x12520  }
0x11d: {  	[spmem:s1] =	stream.indirect.scatter.add.f32 [tilespmem:s6], [sflag:$0x2], $0x10, s18, s28, $0xb8;
	[tilespmem:$0x1ECA0] =	vst v63  }
0x11e: {  	_ = 	snop  }
0x11f: {  	[spmem:s3] =	stream.indirect.scatter.add.f32 [tilespmem:s29], [sflag:$0x2], $0x10, s18, s28, $0xb8;
	[tilespmem:$0x1ECA0] =	vst v63  }
0x120: {  	s31 =	simm.s32 $0x59A0  }
0x121: {  	[spmem:s1] =	stream.indirect.scatter.add.f32 [tilespmem:s7], [sflag:$0x2], $0x10, s31, s28, $0xb8;
	[tilespmem:$0x1ECA0] =	vst v63  }
0x122: {  	_ = 	snop  }
0x123: {  	[spmem:s3] =	stream.indirect.scatter.add.f32 [tilespmem:s29], [sflag:$0x2], $0x10, s31, s28, $0xb8;
	[tilespmem:$0x1ECA0] =	vst v63  }
0x124: {  	s12 =	simm.s32 $0x5A20  }
0x125: {  	[spmem:s1] =	stream.indirect.scatter.add.f32 [tilespmem:s8], [sflag:$0x2], $0x10, s12, s28, $0xb8;
	[tilespmem:$0x1ECA0] =	vst v63  }
0x126: {  	_ = 	snop  }
0x127: {  	[spmem:s3] =	stream.indirect.scatter.add.f32 [tilespmem:s29], [sflag:$0x2], $0x10, s12, s28, $0xb8;
	[tilespmem:$0x1ECA0] =	vst v63  }
0x128: {  	s13 =	simm.s32 $0x5AA0  }
0x129: {  	[spmem:s1] =	stream.indirect.scatter.add.f32 [tilespmem:s9], [sflag:$0x2], $0x10, s13, s28, $0xb8;
	[tilespmem:$0x1ECA0] =	vst v63  }
0x12a: {  	_ = 	snop  }
0x12b: {  	[spmem:s3] =	stream.indirect.scatter.add.f32 [tilespmem:s29], [sflag:$0x2], $0x10, s13, s28, $0xb8;
	[tilespmem:$0x1ECA0] =	vst v63  }
0x12c: {  	s14 =	simm.s32 $0x5B20  }
0x12d: {  	[spmem:s1] =	stream.indirect.scatter.add.f32 [tilespmem:s10], [sflag:$0x2], $0x10, s14, s28, $0xb8;
	[tilespmem:$0x1ECA0] =	vst v63  }
0x12e: {  	_ = 	snop  }
0x12f: {  	[spmem:s3] =	stream.indirect.scatter.add.f32 [tilespmem:s29], [sflag:$0x2], $0x10, s14, s28, $0xb8;
	[tilespmem:$0x1ECA0] =	vst v63  }
0x130: {  	s16 =	simm.s32 $0x5BA0;
	s12 =	simm.s32 $0x14D20  }
0x131: {  	[spmem:s1] =	stream.indirect.scatter.add.f32 [tilespmem:s12], [sflag:$0x2], $0x10, s16, s28, $0xb8;
	[tilespmem:$0x1ECA0] =	vst v63  }
0x132: {  	_ = 	snop  }
0x133: {  	[spmem:s3] =	stream.indirect.scatter.add.f32 [tilespmem:s29], [sflag:$0x2], $0x10, s16, s28, $0xb8;
	[tilespmem:$0x1ECA0] =	vst v63  }
0x134: {  	s18 =	simm.s32 $0x5C20;
	s13 =	simm.s32 $0x15520  }
0x135: {  	[spmem:s1] =	stream.indirect.scatter.add.f32 [tilespmem:s13], [sflag:$0x2], $0x10, s18, s28, $0xb8;
	[tilespmem:$0x1ECA0] =	vst v63  }
0x136: {  	_ = 	snop  }
0x137: {  	[spmem:s3] =	stream.indirect.scatter.add.f32 [tilespmem:s29], [sflag:$0x2], $0x10, s18, s28, $0xb8;
	[tilespmem:$0x1ECA0] =	vst v63  }
0x138: {  	s31 =	simm.s32 $0x5CA0;
	s14 =	simm.s32 $0x15D20  }
0x139: {  	[spmem:s1] =	stream.indirect.scatter.add.f32 [tilespmem:s14], [sflag:$0x2], $0x10, s31, s28, $0xb8;
	[tilespmem:$0x1ECA0] =	vst v63  }
0x13a: {  	_ = 	snop  }
0x13b: {  	[spmem:s3] =	stream.indirect.scatter.add.f32 [tilespmem:s29], [sflag:$0x2], $0x10, s31, s28, $0xb8;
	[tilespmem:$0x1ECA0] =	vst v63  }
0x13c: {  	s16 =	simm.s32 $0x5D20  }
0x13d: {  	[spmem:s1] =	stream.indirect.scatter.add.f32 [tilespmem:s15], [sflag:$0x2], $0x10, s16, s28, $0xb8;
	[tilespmem:$0x1ECA0] =	vst v63  }
0x13e: {  	_ = 	snop  }
0x13f: {  	[spmem:s3] =	stream.indirect.scatter.add.f32 [tilespmem:s29], [sflag:$0x2], $0x10, s16, s28, $0xb8;
	[tilespmem:$0x1ECA0] =	vst v63  }
0x140: {  	s18 =	simm.s32 $0x5DA0;
	s16 =	simm.s32 $0x16D20  }
0x141: {  	[spmem:s1] =	stream.indirect.scatter.add.f32 [tilespmem:s16], [sflag:$0x2], $0x10, s18, s28, $0xb8;
	[tilespmem:$0x1ECA0] =	vst v63  }
0x142: {  	_ = 	snop  }
0x143: {  	[spmem:s3] =	stream.indirect.scatter.add.f32 [tilespmem:s29], [sflag:$0x2], $0x10, s18, s28, $0xb8;
	[tilespmem:$0x1ECA0] =	vst v63  }
0x144: {  	s31 =	simm.s32 $0x5E20  }
0x145: {  	[spmem:s1] =	stream.indirect.scatter.add.f32 [tilespmem:s17], [sflag:$0x2], $0x10, s31, s28, $0xb8;
	[tilespmem:$0x1ECA0] =	vst v63  }
0x146: {  	_ = 	snop  }
0x147: {  	[spmem:s3] =	stream.indirect.scatter.add.f32 [tilespmem:s29], [sflag:$0x2], $0x10, s31, s28, $0xb8;
	[tilespmem:$0x1ECA0] =	vst v63  }
0x148: {  	s18 =	simm.s32 $0x5EA0  }
0x149: {  	[spmem:s1] =	stream.indirect.scatter.add.f32 [tilespmem:s19], [sflag:$0x2], $0x10, s18, s28, $0xb8;
	[tilespmem:$0x1ECA0] =	vst v63  }
0x14a: {  	_ = 	snop  }
0x14b: {  	[spmem:s3] =	stream.indirect.scatter.add.f32 [tilespmem:s29], [sflag:$0x2], $0x10, s18, s28, $0xb8;
	[tilespmem:$0x1ECA0] =	vst v63  }
0x14c: {  	s31 =	simm.s32 $0x5F20  }
0x14d: {  	[spmem:s1] =	stream.indirect.scatter.add.f32 [tilespmem:s21], [sflag:$0x2], $0x10, s31, s28, $0xb8;
	[tilespmem:$0x1ECA0] =	vst v63  }
0x14e: {  	_ = 	snop  }
0x14f: {  	[spmem:s3] =	stream.indirect.scatter.add.f32 [tilespmem:s29], [sflag:$0x2], $0x10, s31, s28, $0xb8;
	[tilespmem:$0x1ECA0] =	vst v63  }
0x150: {  	s18 =	simm.s32 $0x5FA0  }
0x151: {  	[spmem:s1] =	stream.indirect.scatter.add.f32 [tilespmem:s22], [sflag:$0x2], $0x10, s18, s28, $0xb8;
	[tilespmem:$0x1ECA0] =	vst v63  }
0x152: {  	_ = 	snop  }
0x153: {  	[spmem:s3] =	stream.indirect.scatter.add.f32 [tilespmem:s29], [sflag:$0x2], $0x10, s18, s28, $0xb8;
	[tilespmem:$0x1ECA0] =	vst v63  }
0x154: {  	s31 =	simm.s32 $0x6020  }
0x155: {  	[spmem:s1] =	stream.indirect.scatter.add.f32 [tilespmem:s23], [sflag:$0x2], $0x10, s31, s28, $0xb8;
	[tilespmem:$0x1ECA0] =	vst v63  }
0x156: {  	_ = 	snop  }
0x157: {  	[spmem:s3] =	stream.indirect.scatter.add.f32 [tilespmem:s29], [sflag:$0x2], $0x10, s31, s28, $0xb8;
	[tilespmem:$0x1ECA0] =	vst v63  }
0x158: {  	s18 =	simm.s32 $0x60A0  }
0x159: {  	[spmem:s1] =	stream.indirect.scatter.add.f32 [tilespmem:s26], [sflag:$0x2], $0x10, s18, s28, $0xb8;
	[tilespmem:$0x1ECA0] =	vst v63  }
0x15a: {  	_ = 	snop  }
0x15b: {  	[spmem:s3] =	stream.indirect.scatter.add.f32 [tilespmem:s29], [sflag:$0x2], $0x10, s18, s28, $0xb8;
	[tilespmem:$0x1ECA0] =	vst v63  }
0x15c: {  	s5 =	simm.s32 $0x6120;
	s31 =	simm.s32 $0x1A520  }
0x15d: {  	[spmem:s1] =	stream.indirect.scatter.add.f32 [tilespmem:s31], [sflag:$0x2], $0x10, s5, s28, $0xb8;
	[tilespmem:$0x1ECA0] =	vst v63  }
0x15e: {  	_ = 	snop  }
0x15f: {  	[spmem:s3] =	stream.indirect.scatter.add.f32 [tilespmem:s29], [sflag:$0x2], $0x10, s5, s28, $0xb8;
	[tilespmem:$0x1ECA0] =	vst v63  }
0x160: {  	s31 =	simm.s32 $0x1AD20;
	s5 =	simm.s32 $0x61A0  }
0x161: {  	[spmem:s1] =	stream.indirect.scatter.add.f32 [tilespmem:s31], [sflag:$0x2], $0x10, s5, s28, $0xb8;
	[tilespmem:$0x1ECA0] =	vst v63  }
0x162: {  	_ = 	snop  }
0x163: {  	[spmem:s3] =	stream.indirect.scatter.add.f32 [tilespmem:s29], [sflag:$0x2], $0x10, s5, s28, $0xb8;
	[tilespmem:$0x1ECA0] =	vst v63  }
0x164: {  	_ =	swait.ge [sflag:s25], $0xA000  }
0x165: {  	[sflag:s25] =	ssyncset.done $0x0  }
0x166: {  	[sflag:s25] =	ssyncadd.s32 $0xFFFF6000  }
0x167: {  	_ =	swait.ge [sflag:s11], $0x800  }
0x168: {  	[sflag:s11] =	ssyncset.done $0x0  }
0x169: {  	[sflag:s11] =	ssyncadd.s32 $0xFFFFF800  }
0x16a: {  	_ =	swait.ge [sflag:s11], $0x800  }
0x16b: {  	[sflag:s11] =	ssyncset.done $0x0  }
0x16c: {  	[sflag:s11] =	ssyncadd.s32 $0xFFFFF800  }
0x16d: {  	_ =	swait.ge [sflag:s11], $0x800  }
0x16e: {  	[sflag:s11] =	ssyncset.done $0x0  }
0x16f: {  	[sflag:s11] =	ssyncadd.s32 $0xFFFFF800  }
0x170: {  	_ =	swait.ge [sflag:s11], $0x800  }
0x171: {  	[sflag:s11] =	ssyncset.done $0x0  }
0x172: {  	[sflag:s11] =	ssyncadd.s32 $0xFFFFF800  }
0x173: {  	_ =	swait.ge [sflag:s11], $0x800  }
0x174: {  	[sflag:s11] =	ssyncset.done $0x0  }
0x175: {  	[sflag:s11] =	ssyncadd.s32 $0xFFFFF800  }
0x176: {  	_ =	swait.ge [sflag:s11], $0x800  }
0x177: {  	[sflag:s11] =	ssyncset.done $0x0  }
0x178: {  	[sflag:s11] =	ssyncadd.s32 $0xFFFFF800  }
0x179: {  	_ =	swait.ge [sflag:s11], $0x800  }
0x17a: {  	[sflag:s11] =	ssyncset.done $0x0  }
0x17b: {  	[sflag:s11] =	ssyncadd.s32 $0xFFFFF800  }
0x17c: {  	_ =	swait.ge [sflag:s11], $0x800  }
0x17d: {  	[sflag:s11] =	ssyncset.done $0x0  }
0x17e: {  	[sflag:s11] =	ssyncadd.s32 $0xFFFFF800  }
0x17f: {  	_ =	swait.ge [sflag:s11], $0x800  }
0x180: {  	[sflag:s11] =	ssyncset.done $0x0  }
0x181: {  	[sflag:s11] =	ssyncadd.s32 $0xFFFFF800  }
0x182: {  	_ =	swait.ge [sflag:s11], $0x800  }
0x183: {  	[sflag:s11] =	ssyncset.done $0x0  }
0x184: {  	[sflag:s11] =	ssyncadd.s32 $0xFFFFF800  }
0x185: {  	_ =	swait.ge [sflag:s11], $0x800  }
0x186: {  	[sflag:s11] =	ssyncset.done $0x0  }
0x187: {  	[sflag:s11] =	ssyncadd.s32 $0xFFFFF800  }
0x188: {  	_ =	swait.ge [sflag:s11], $0x800  }
0x189: {  	[sflag:s11] =	ssyncset.done $0x0  }
0x18a: {  	[sflag:s11] =	ssyncadd.s32 $0xFFFFF800  }
0x18b: {  	_ =	swait.ge [sflag:s11], $0x800  }
0x18c: {  	[sflag:s11] =	ssyncset.done $0x0  }
0x18d: {  	[sflag:s11] =	ssyncadd.s32 $0xFFFFF800  }
0x18e: {  	_ =	swait.ge [sflag:s11], $0x800  }
0x18f: {  	[sflag:s11] =	ssyncset.done $0x0  }
0x190: {  	[sflag:s11] =	ssyncadd.s32 $0xFFFFF800  }
0x191: {  	_ =	swait.ge [sflag:s11], $0x800  }
0x192: {  	[sflag:s11] =	ssyncset.done $0x0  }
0x193: {  	[sflag:s11] =	ssyncadd.s32 $0xFFFFF800  }
0x194: {  	_ =	swait.ge [sflag:s11], $0x800  }
0x195: {  	[sflag:s11] =	ssyncset.done $0x0  }
0x196: {  	[sflag:s11] =	ssyncadd.s32 $0xFFFFF800  }
0x197: {  	_ =	swait.ge [sflag:s11], $0x800  }
0x198: {  	[sflag:s11] =	ssyncset.done $0x0  }
0x199: {  	[sflag:s11] =	ssyncadd.s32 $0xFFFFF800  }
0x19a: {  	_ =	swait.ge [sflag:s11], $0x800  }
0x19b: {  	[sflag:s11] =	ssyncset.done $0x0  }
0x19c: {  	[sflag:s11] =	ssyncadd.s32 $0xFFFFF800  }
0x19d: {  	_ =	swait.ge [sflag:s11], $0x800  }
0x19e: {  	[sflag:s11] =	ssyncset.done $0x0  }
0x19f: {  	[sflag:s11] =	ssyncadd.s32 $0xFFFFF800  }
0x1a0: {  	_ =	swait.ge [sflag:s11], $0x800  }
0x1a1: {  	[sflag:s11] =	ssyncset.done $0x0  }
0x1a2: {  	[sflag:s11] =	ssyncadd.s32 $0xFFFFF800  }
0x1a3: {  	_ =	swait.ge [sflag:s11], $0x800  }
0x1a4: {  	[sflag:s11] =	ssyncset.done $0x0  }
0x1a5: {  	[sflag:s11] =	ssyncadd.s32 $0xFFFFF800  }
0x1a6: {  	_ =	swait.ge [sflag:s11], $0x800  }
0x1a7: {  	[sflag:s11] =	ssyncset.done $0x0  }
0x1a8: {  	[sflag:s11] =	ssyncadd.s32 $0xFFFFF800  }
0x1a9: {  	_ =	swait.ge [sflag:s11], $0x800  }
0x1aa: {  	[sflag:s11] =	ssyncset.done $0x0  }
0x1ab: {  	[sflag:s11] =	ssyncadd.s32 $0xFFFFF800  }
0x1ac: {  	_ =	swait.ge [sflag:s11], $0x800  }
0x1ad: {  	[sflag:s11] =	ssyncset.done $0x0  }
0x1ae: {  	[sflag:s11] =	ssyncadd.s32 $0xFFFFF800  }
0x1af: {  	_ =	swait.ge [sflag:s11], $0x800  }
0x1b0: {  	[sflag:s11] =	ssyncset.done $0x0  }
0x1b1: {  	[sflag:s11] =	ssyncadd.s32 $0xFFFFF800  }
0x1b2: {  	_ =	swait.ge [sflag:s11], $0x800  }
0x1b3: {  	[sflag:s11] =	ssyncset.done $0x0  }
0x1b4: {  	[sflag:s11] =	ssyncadd.s32 $0xFFFFF800  }
0x1b5: {  	_ =	swait.ge [sflag:s11], $0x800  }
0x1b6: {  	[sflag:s11] =	ssyncset.done $0x0  }
0x1b7: {  	[sflag:s11] =	ssyncadd.s32 $0xFFFFF800  }
0x1b8: {  	_ =	swait.ge [sflag:s11], $0x800  }
0x1b9: {  	[sflag:s11] =	ssyncset.done $0x0  }
0x1ba: {  	[sflag:s11] =	ssyncadd.s32 $0xFFFFF800  }
0x1bb: {  	_ =	swait.ge [sflag:s11], $0x800  }
0x1bc: {  	[sflag:s11] =	ssyncset.done $0x0  }
0x1bd: {  	[sflag:s11] =	ssyncadd.s32 $0xFFFFF800  }
0x1be: {  	_ =	swait.ge [sflag:s11], $0x800  }
0x1bf: {  	[sflag:s11] =	ssyncset.done $0x0  }
0x1c0: {  	[sflag:s11] =	ssyncadd.s32 $0xFFFFF800  }
0x1c1: {  	_ =	swait.ge [sflag:s11], $0x800  }
0x1c2: {  	[sflag:s11] =	ssyncset.done $0x0  }
0x1c3: {  	[sflag:s11] =	ssyncadd.s32 $0xFFFFF800  }
0x1c4: {  	_ =	swait.ge [sflag:s11], $0x800  }
0x1c5: {  	[sflag:s11] =	ssyncset.done $0x0  }
0x1c6: {  	[sflag:s11] =	ssyncadd.s32 $0xFFFFF800  }
0x1c7: {  	_ =	swait.ge [sflag:s11], $0x800  }
0x1c8: {  	[sflag:s11] =	ssyncset.done $0x0  }
0x1c9: {  	[sflag:s11] =	ssyncadd.s32 $0xFFFFF800  }
0x1ca: {  	_ =	swait.ge [sflag:s11], $0x800  }
0x1cb: {  	[sflag:s11] =	ssyncset.done $0x0  }
0x1cc: {  	[sflag:s11] =	ssyncadd.s32 $0xFFFFF800  }
0x1cd: {  	_ =	swait.ge [sflag:s11], $0x800  }
0x1ce: {  	[sflag:s11] =	ssyncset.done $0x0  }
0x1cf: {  	[sflag:s11] =	ssyncadd.s32 $0xFFFFF800  }
0x1d0: {  	_ =	swait.ge [sflag:s11], $0x800  }
0x1d1: {  	[sflag:s11] =	ssyncset.done $0x0  }
0x1d2: {  	[sflag:s11] =	ssyncadd.s32 $0xFFFFF800  }
0x1d3: {  	_ =	swait.ge [sflag:s11], $0x800  }
0x1d4: {  	[sflag:s11] =	ssyncset.done $0x0  }
0x1d5: {  	[sflag:s11] =	ssyncadd.s32 $0xFFFFF800  }
0x1d6: {  	_ =	swait.ge [sflag:s11], $0x800  }
0x1d7: {  	[sflag:s11] =	ssyncset.done $0x0  }
0x1d8: {  	[sflag:s11] =	ssyncadd.s32 $0xFFFFF800  }
0x1d9: {  	_ =	swait.ge [sflag:s11], $0x800  }
0x1da: {  	[sflag:s11] =	ssyncset.done $0x0  }
0x1db: {  	[sflag:s11] =	ssyncadd.s32 $0xFFFFF800  }
0x1dc: {  	_ =	swait.ge [sflag:s11], $0x800  }
0x1dd: {  	[sflag:s11] =	ssyncset.done $0x0  }
0x1de: {  	s31 =	rddreg [dreg:$0xa];
	[sflag:s11] =	ssyncadd.s32 $0xFFFFF800  }
0x1df: {  	[tilespmem:s30], [sflag:$0x1] =	stream.linear.gather [hbm4b:s31+s0], $0x9000, $0x38;
	[tilespmem:$0x1ECA0] =	vst v63  }
0x1e0: {  	s18 =	simm.s32 $0x6220;
	s5 =	simm.s32 $0x7520  }
0x1e1: {  	[spmem:s1] =	stream.indirect.scatter.add.f32 [tilespmem:s5], [sflag:$0x2], $0x10, s18, s28, $0xb8;
	[tilespmem:$0x1ECA0] =	vst v63  }
0x1e2: {  	_ = 	snop  }
0x1e3: {  	[spmem:s3] =	stream.indirect.scatter.add.f32 [tilespmem:s29], [sflag:$0x2], $0x10, s18, s28, $0xb8;
	[tilespmem:$0x1ECA0] =	vst v63  }
0x1e4: {  	s31 =	simm.s32 $0x62A0;
	s18 =	simm.s32 $0x7D20  }
0x1e5: {  	[spmem:s1] =	stream.indirect.scatter.add.f32 [tilespmem:s18], [sflag:$0x2], $0x10, s31, s28, $0xb8;
	[tilespmem:$0x1ECA0] =	vst v63  }
0x1e6: {  	_ = 	snop  }
0x1e7: {  	[spmem:s3] =	stream.indirect.scatter.add.f32 [tilespmem:s29], [sflag:$0x2], $0x10, s31, s28, $0xb8;
	[tilespmem:$0x1ECA0] =	vst v63  }
0x1e8: {  	s18 =	simm.s32 $0x8520;
	s31 =	simm.s32 $0x6320  }
0x1e9: {  	[spmem:s1] =	stream.indirect.scatter.add.f32 [tilespmem:s18], [sflag:$0x2], $0x10, s31, s28, $0xb8;
	[tilespmem:$0x1ECA0] =	vst v63  }
0x1ea: {  	_ = 	snop  }
0x1eb: {  	[spmem:s3] =	stream.indirect.scatter.add.f32 [tilespmem:s29], [sflag:$0x2], $0x10, s31, s28, $0xb8;
	[tilespmem:$0x1ECA0] =	vst v63  }
0x1ec: {  	s18 =	simm.s32 $0x8D20;
	s31 =	simm.s32 $0x63A0  }
0x1ed: {  	[spmem:s1] =	stream.indirect.scatter.add.f32 [tilespmem:s18], [sflag:$0x2], $0x10, s31, s28, $0xb8;
	[tilespmem:$0x1ECA0] =	vst v63  }
0x1ee: {  	_ = 	snop  }
0x1ef: {  	[spmem:s3] =	stream.indirect.scatter.add.f32 [tilespmem:s29], [sflag:$0x2], $0x10, s31, s28, $0xb8;
	[tilespmem:$0x1ECA0] =	vst v63  }
0x1f0: {  	s18 =	simm.s32 $0x9520;
	s31 =	simm.s32 $0x6420  }
0x1f1: {  	[spmem:s1] =	stream.indirect.scatter.add.f32 [tilespmem:s18], [sflag:$0x2], $0x10, s31, s28, $0xb8;
	[tilespmem:$0x1ECA0] =	vst v63  }
0x1f2: {  	_ = 	snop  }
0x1f3: {  	[spmem:s3] =	stream.indirect.scatter.add.f32 [tilespmem:s29], [sflag:$0x2], $0x10, s31, s28, $0xb8;
	[tilespmem:$0x1ECA0] =	vst v63  }
0x1f4: {  	s18 =	simm.s32 $0x9D20;
	s31 =	simm.s32 $0x64A0  }
0x1f5: {  	[spmem:s1] =	stream.indirect.scatter.add.f32 [tilespmem:s18], [sflag:$0x2], $0x10, s31, s28, $0xb8;
	[tilespmem:$0x1ECA0] =	vst v63  }
0x1f6: {  	_ = 	snop  }
0x1f7: {  	[spmem:s3] =	stream.indirect.scatter.add.f32 [tilespmem:s29], [sflag:$0x2], $0x10, s31, s28, $0xb8;
	[tilespmem:$0x1ECA0] =	vst v63  }
0x1f8: {  	s18 =	simm.s32 $0xA520;
	s31 =	simm.s32 $0x6520  }
0x1f9: {  	[spmem:s1] =	stream.indirect.scatter.add.f32 [tilespmem:s18], [sflag:$0x2], $0x10, s31, s28, $0xb8;
	[tilespmem:$0x1ECA0] =	vst v63  }
0x1fa: {  	_ = 	snop  }
0x1fb: {  	[spmem:s3] =	stream.indirect.scatter.add.f32 [tilespmem:s29], [sflag:$0x2], $0x10, s31, s28, $0xb8;
	[tilespmem:$0x1ECA0] =	vst v63  }
0x1fc: {  	s18 =	simm.s32 $0xAD20;
	s31 =	simm.s32 $0x65A0  }
0x1fd: {  	[spmem:s1] =	stream.indirect.scatter.add.f32 [tilespmem:s18], [sflag:$0x2], $0x10, s31, s28, $0xb8;
	[tilespmem:$0x1ECA0] =	vst v63  }
0x1fe: {  	_ = 	snop  }
0x1ff: {  	[spmem:s3] =	stream.indirect.scatter.add.f32 [tilespmem:s29], [sflag:$0x2], $0x10, s31, s28, $0xb8;
	[tilespmem:$0x1ECA0] =	vst v63  }
0x200: {  	s18 =	simm.s32 $0xB520;
	s31 =	simm.s32 $0x6620  }
0x201: {  	[spmem:s1] =	stream.indirect.scatter.add.f32 [tilespmem:s18], [sflag:$0x2], $0x10, s31, s28, $0xb8;
	[tilespmem:$0x1ECA0] =	vst v63  }
0x202: {  	_ = 	snop  }
0x203: {  	[spmem:s3] =	stream.indirect.scatter.add.f32 [tilespmem:s29], [sflag:$0x2], $0x10, s31, s28, $0xb8;
	[tilespmem:$0x1ECA0] =	vst v63  }
0x204: {  	s18 =	simm.s32 $0xBD20;
	s31 =	simm.s32 $0x66A0  }
0x205: {  	[spmem:s1] =	stream.indirect.scatter.add.f32 [tilespmem:s18], [sflag:$0x2], $0x10, s31, s28, $0xb8;
	[tilespmem:$0x1ECA0] =	vst v63  }
0x206: {  	_ = 	snop  }
0x207: {  	[spmem:s3] =	stream.indirect.scatter.add.f32 [tilespmem:s29], [sflag:$0x2], $0x10, s31, s28, $0xb8;
	[tilespmem:$0x1ECA0] =	vst v63  }
0x208: {  	s18 =	simm.s32 $0xC520;
	s31 =	simm.s32 $0x6720  }
0x209: {  	[spmem:s1] =	stream.indirect.scatter.add.f32 [tilespmem:s18], [sflag:$0x2], $0x10, s31, s28, $0xb8;
	[tilespmem:$0x1ECA0] =	vst v63  }
0x20a: {  	_ = 	snop  }
0x20b: {  	[spmem:s3] =	stream.indirect.scatter.add.f32 [tilespmem:s29], [sflag:$0x2], $0x10, s31, s28, $0xb8;
	[tilespmem:$0x1ECA0] =	vst v63  }
0x20c: {  	s0 =	simm.s32 $0x67A0;
	s31 =	simm.s32 $0xCD20  }
0x20d: {  	[spmem:s1] =	stream.indirect.scatter.add.f32 [tilespmem:s31], [sflag:$0x2], $0x10, s0, s28, $0xb8;
	[tilespmem:$0x1ECA0] =	vst v63  }
0x20e: {  	_ = 	snop  }
0x20f: {  	[spmem:s3] =	stream.indirect.scatter.add.f32 [tilespmem:s29], [sflag:$0x2], $0x10, s0, s28, $0xb8;
	[tilespmem:$0x1ECA0] =	vst v63  }
0x210: {  	s31 =	simm.s32 $0xD520;
	s0 =	simm.s32 $0x6820  }
0x211: {  	[spmem:s1] =	stream.indirect.scatter.add.f32 [tilespmem:s31], [sflag:$0x2], $0x10, s0, s28, $0xb8;
	[tilespmem:$0x1ECA0] =	vst v63  }
0x212: {  	_ = 	snop  }
0x213: {  	[spmem:s3] =	stream.indirect.scatter.add.f32 [tilespmem:s29], [sflag:$0x2], $0x10, s0, s28, $0xb8;
	[tilespmem:$0x1ECA0] =	vst v63  }
0x214: {  	s5 =	simm.s32 $0x68A0;
	s31 =	simm.s32 $0xDD20  }
0x215: {  	[spmem:s1] =	stream.indirect.scatter.add.f32 [tilespmem:s31], [sflag:$0x2], $0x10, s5, s28, $0xb8;
	[tilespmem:$0x1ECA0] =	vst v63  }
0x216: {  	_ = 	snop  }
0x217: {  	[spmem:s3] =	stream.indirect.scatter.add.f32 [tilespmem:s29], [sflag:$0x2], $0x10, s5, s28, $0xb8;
	[tilespmem:$0x1ECA0] =	vst v63  }
0x218: {  	s31 =	simm.s32 $0xE520;
	s5 =	simm.s32 $0x6920  }
0x219: {  	[spmem:s1] =	stream.indirect.scatter.add.f32 [tilespmem:s31], [sflag:$0x2], $0x10, s5, s28, $0xb8;
	[tilespmem:$0x1ECA0] =	vst v63  }
0x21a: {  	_ = 	snop  }
0x21b: {  	[spmem:s3] =	stream.indirect.scatter.add.f32 [tilespmem:s29], [sflag:$0x2], $0x10, s5, s28, $0xb8;
	[tilespmem:$0x1ECA0] =	vst v63  }
0x21c: {  	s31 =	simm.s32 $0xED20;
	s5 =	simm.s32 $0x69A0  }
0x21d: {  	[spmem:s1] =	stream.indirect.scatter.add.f32 [tilespmem:s31], [sflag:$0x2], $0x10, s5, s28, $0xb8;
	[tilespmem:$0x1ECA0] =	vst v63  }
0x21e: {  	_ = 	snop  }
0x21f: {  	[spmem:s3] =	stream.indirect.scatter.add.f32 [tilespmem:s29], [sflag:$0x2], $0x10, s5, s28, $0xb8;
	[tilespmem:$0x1ECA0] =	vst v63  }
0x220: {  	s31 =	simm.s32 $0xF520;
	s5 =	simm.s32 $0x6A20  }
0x221: {  	[spmem:s1] =	stream.indirect.scatter.add.f32 [tilespmem:s31], [sflag:$0x2], $0x10, s5, s28, $0xb8;
	[tilespmem:$0x1ECA0] =	vst v63  }
0x222: {  	_ = 	snop  }
0x223: {  	[spmem:s3] =	stream.indirect.scatter.add.f32 [tilespmem:s29], [sflag:$0x2], $0x10, s5, s28, $0xb8;
	[tilespmem:$0x1ECA0] =	vst v63  }
0x224: {  	s31 =	simm.s32 $0xFD20;
	s5 =	simm.s32 $0x6AA0  }
0x225: {  	[spmem:s1] =	stream.indirect.scatter.add.f32 [tilespmem:s31], [sflag:$0x2], $0x10, s5, s28, $0xb8;
	[tilespmem:$0x1ECA0] =	vst v63  }
0x226: {  	_ = 	snop  }
0x227: {  	[spmem:s3] =	stream.indirect.scatter.add.f32 [tilespmem:s29], [sflag:$0x2], $0x10, s5, s28, $0xb8;
	[tilespmem:$0x1ECA0] =	vst v63  }
0x228: {  	s31 =	simm.s32 $0x10520;
	s5 =	simm.s32 $0x6B20  }
0x229: {  	[spmem:s1] =	stream.indirect.scatter.add.f32 [tilespmem:s31], [sflag:$0x2], $0x10, s5, s28, $0xb8;
	[tilespmem:$0x1ECA0] =	vst v63  }
0x22a: {  	_ = 	snop  }
0x22b: {  	[spmem:s3] =	stream.indirect.scatter.add.f32 [tilespmem:s29], [sflag:$0x2], $0x10, s5, s28, $0xb8;
	[tilespmem:$0x1ECA0] =	vst v63  }
0x22c: {  	s31 =	simm.s32 $0x10D20;
	s5 =	simm.s32 $0x6BA0  }
0x22d: {  	[spmem:s1] =	stream.indirect.scatter.add.f32 [tilespmem:s31], [sflag:$0x2], $0x10, s5, s28, $0xb8;
	[tilespmem:$0x1ECA0] =	vst v63  }
0x22e: {  	_ = 	snop  }
0x22f: {  	[spmem:s3] =	stream.indirect.scatter.add.f32 [tilespmem:s29], [sflag:$0x2], $0x10, s5, s28, $0xb8;
	[tilespmem:$0x1ECA0] =	vst v63  }
0x230: {  	_ =	swait.ge [sflag:s25], $0x9000  }
0x231: {  	[sflag:s25] =	ssyncset.done $0x0  }
0x232: {  	s31 =	simm.s32 $0x6C20;
	[sflag:s25] =	ssyncadd.s32 $0xFFFF7000  }
0x233: {  	[spmem:s1] =	stream.indirect.scatter.add.f32 [tilespmem:s30], [sflag:$0x2], $0x10, s31, s28, $0xb8;
	[tilespmem:$0x1ECA0] =	vst v63  }
0x234: {  	_ = 	snop  }
0x235: {  	[spmem:s3] =	stream.indirect.scatter.add.f32 [tilespmem:s29], [sflag:$0x2], $0x10, s31, s28, $0xb8;
	[tilespmem:$0x1ECA0] =	vst v63  }
0x236: {  	s31 =	simm.s32 $0x6CA0  }
0x237: {  	[spmem:s1] =	stream.indirect.scatter.add.f32 [tilespmem:s4], [sflag:$0x2], $0x10, s31, s28, $0xb8;
	[tilespmem:$0x1ECA0] =	vst v63  }
0x238: {  	_ = 	snop  }
0x239: {  	[spmem:s3] =	stream.indirect.scatter.add.f32 [tilespmem:s29], [sflag:$0x2], $0x10, s31, s28, $0xb8;
	[tilespmem:$0x1ECA0] =	vst v63  }
0x23a: {  	s5 =	simm.s32 $0x6D20  }
0x23b: {  	[spmem:s1] =	stream.indirect.scatter.add.f32 [tilespmem:s6], [sflag:$0x2], $0x10, s5, s28, $0xb8;
	[tilespmem:$0x1ECA0] =	vst v63  }
0x23c: {  	_ = 	snop  }
0x23d: {  	[spmem:s3] =	stream.indirect.scatter.add.f32 [tilespmem:s29], [sflag:$0x2], $0x10, s5, s28, $0xb8;
	[tilespmem:$0x1ECA0] =	vst v63  }
0x23e: {  	s31 =	simm.s32 $0x6DA0  }
0x23f: {  	[spmem:s1] =	stream.indirect.scatter.add.f32 [tilespmem:s7], [sflag:$0x2], $0x10, s31, s28, $0xb8;
	[tilespmem:$0x1ECA0] =	vst v63  }
0x240: {  	_ = 	snop  }
0x241: {  	[spmem:s3] =	stream.indirect.scatter.add.f32 [tilespmem:s29], [sflag:$0x2], $0x10, s31, s28, $0xb8;
	[tilespmem:$0x1ECA0] =	vst v63  }
0x242: {  	s5 =	simm.s32 $0x6E20  }
0x243: {  	[spmem:s1] =	stream.indirect.scatter.add.f32 [tilespmem:s8], [sflag:$0x2], $0x10, s5, s28, $0xb8;
	[tilespmem:$0x1ECA0] =	vst v63  }
0x244: {  	_ = 	snop  }
0x245: {  	[spmem:s3] =	stream.indirect.scatter.add.f32 [tilespmem:s29], [sflag:$0x2], $0x10, s5, s28, $0xb8;
	[tilespmem:$0x1ECA0] =	vst v63  }
0x246: {  	s6 =	simm.s32 $0x6EA0  }
0x247: {  	[spmem:s1] =	stream.indirect.scatter.add.f32 [tilespmem:s9], [sflag:$0x2], $0x10, s6, s28, $0xb8;
	[tilespmem:$0x1ECA0] =	vst v63  }
0x248: {  	_ = 	snop  }
0x249: {  	[spmem:s3] =	stream.indirect.scatter.add.f32 [tilespmem:s29], [sflag:$0x2], $0x10, s6, s28, $0xb8;
	[tilespmem:$0x1ECA0] =	vst v63  }
0x24a: {  	s31 =	simm.s32 $0x6F20  }
0x24b: {  	[spmem:s1] =	stream.indirect.scatter.add.f32 [tilespmem:s10], [sflag:$0x2], $0x10, s31, s28, $0xb8;
	[tilespmem:$0x1ECA0] =	vst v63  }
0x24c: {  	_ = 	snop  }
0x24d: {  	[spmem:s3] =	stream.indirect.scatter.add.f32 [tilespmem:s29], [sflag:$0x2], $0x10, s31, s28, $0xb8;
	[tilespmem:$0x1ECA0] =	vst v63  }
0x24e: {  	s5 =	simm.s32 $0x6FA0  }
0x24f: {  	[spmem:s1] =	stream.indirect.scatter.add.f32 [tilespmem:s12], [sflag:$0x2], $0x10, s5, s28, $0xb8;
	[tilespmem:$0x1ECA0] =	vst v63  }
0x250: {  	_ = 	snop  }
0x251: {  	[spmem:s3] =	stream.indirect.scatter.add.f32 [tilespmem:s29], [sflag:$0x2], $0x10, s5, s28, $0xb8;
	[tilespmem:$0x1ECA0] =	vst v63  }
0x252: {  	s6 =	simm.s32 $0x7020  }
0x253: {  	[spmem:s1] =	stream.indirect.scatter.add.f32 [tilespmem:s13], [sflag:$0x2], $0x10, s6, s28, $0xb8;
	[tilespmem:$0x1ECA0] =	vst v63  }
0x254: {  	_ = 	snop  }
0x255: {  	[spmem:s3] =	stream.indirect.scatter.add.f32 [tilespmem:s29], [sflag:$0x2], $0x10, s6, s28, $0xb8;
	[tilespmem:$0x1ECA0] =	vst v63  }
0x256: {  	s12 =	simm.s32 $0x70A0  }
0x257: {  	[spmem:s1] =	stream.indirect.scatter.add.f32 [tilespmem:s14], [sflag:$0x2], $0x10, s12, s28, $0xb8;
	[tilespmem:$0x1ECA0] =	vst v63  }
0x258: {  	_ = 	snop  }
0x259: {  	[spmem:s3] =	stream.indirect.scatter.add.f32 [tilespmem:s29], [sflag:$0x2], $0x10, s12, s28, $0xb8;
	[tilespmem:$0x1ECA0] =	vst v63  }
0x25a: {  	s13 =	simm.s32 $0x7120  }
0x25b: {  	[spmem:s1] =	stream.indirect.scatter.add.f32 [tilespmem:s15], [sflag:$0x2], $0x10, s13, s28, $0xb8;
	[tilespmem:$0x1ECA0] =	vst v63  }
0x25c: {  	_ = 	snop  }
0x25d: {  	[spmem:s3] =	stream.indirect.scatter.add.f32 [tilespmem:s29], [sflag:$0x2], $0x10, s13, s28, $0xb8;
	[tilespmem:$0x1ECA0] =	vst v63  }
0x25e: {  	s14 =	simm.s32 $0x71A0  }
0x25f: {  	[spmem:s1] =	stream.indirect.scatter.add.f32 [tilespmem:s16], [sflag:$0x2], $0x10, s14, s28, $0xb8;
	[tilespmem:$0x1ECA0] =	vst v63  }
0x260: {  	_ = 	snop  }
0x261: {  	[spmem:s3] =	stream.indirect.scatter.add.f32 [tilespmem:s29], [sflag:$0x2], $0x10, s14, s28, $0xb8;
	[tilespmem:$0x1ECA0] =	vst v63  }
0x262: {  	s16 =	simm.s32 $0x7220  }
0x263: {  	[spmem:s1] =	stream.indirect.scatter.add.f32 [tilespmem:s17], [sflag:$0x2], $0x10, s16, s28, $0xb8;
	[tilespmem:$0x1ECA0] =	vst v63  }
0x264: {  	_ = 	snop  }
0x265: {  	[spmem:s3] =	stream.indirect.scatter.add.f32 [tilespmem:s29], [sflag:$0x2], $0x10, s16, s28, $0xb8;
	[tilespmem:$0x1ECA0] =	vst v63  }
0x266: {  	s31 =	simm.s32 $0x72A0  }
0x267: {  	[spmem:s1] =	stream.indirect.scatter.add.f32 [tilespmem:s19], [sflag:$0x2], $0x10, s31, s28, $0xb8;
	[tilespmem:$0x1ECA0] =	vst v63  }
0x268: {  	_ = 	snop  }
0x269: {  	[spmem:s3] =	stream.indirect.scatter.add.f32 [tilespmem:s29], [sflag:$0x2], $0x10, s31, s28, $0xb8;
	[tilespmem:$0x1ECA0] =	vst v63  }
0x26a: {  	s5 =	simm.s32 $0x7320  }
0x26b: {  	[spmem:s1] =	stream.indirect.scatter.add.f32 [tilespmem:s21], [sflag:$0x2], $0x10, s5, s28, $0xb8;
	[tilespmem:$0x1ECA0] =	vst v63  }
0x26c: {  	_ = 	snop  }
0x26d: {  	[spmem:s3] =	stream.indirect.scatter.add.f32 [tilespmem:s29], [sflag:$0x2], $0x10, s5, s28, $0xb8;
	[tilespmem:$0x1ECA0] =	vst v63  }
0x26e: {  	s6 =	simm.s32 $0x73A0  }
0x26f: {  	[spmem:s1] =	stream.indirect.scatter.add.f32 [tilespmem:s22], [sflag:$0x2], $0x10, s6, s28, $0xb8;
	[tilespmem:$0x1ECA0] =	vst v63  }
0x270: {  	_ = 	snop  }
0x271: {  	[spmem:s3] =	stream.indirect.scatter.add.f32 [tilespmem:s29], [sflag:$0x2], $0x10, s6, s28, $0xb8;
	[tilespmem:$0x1ECA0] =	vst v63  }
0x272: {  	s12 =	simm.s32 $0x7420  }
0x273: {  	[spmem:s1] =	stream.indirect.scatter.add.f32 [tilespmem:s23], [sflag:$0x2], $0x10, s12, s28, $0xb8;
	[tilespmem:$0x1ECA0] =	vst v63  }
0x274: {  	_ = 	snop  }
0x275: {  	[spmem:s3] =	stream.indirect.scatter.add.f32 [tilespmem:s29], [sflag:$0x2], $0x10, s12, s28, $0xb8;
	[tilespmem:$0x1ECA0] =	vst v63  }
0x276: {  	s13 =	simm.s32 $0x74A0  }
0x277: {  	[spmem:s1] =	stream.indirect.scatter.add.f32 [tilespmem:s26], [sflag:$0x2], $0x10, s13, s28, $0xb8;
	[tilespmem:$0x1ECA0] =	vst v63  }
0x278: {  	_ = 	snop  }
0x279: {  	[spmem:s3] =	stream.indirect.scatter.add.f32 [tilespmem:s29], [sflag:$0x2], $0x10, s13, s28, $0xb8;
	[tilespmem:$0x1ECA0] =	vst v63  }
0x27a: {  	_ =	swait.ge [sflag:s11], $0x800  }
0x27b: {  	[sflag:s11] =	ssyncset.done $0x0  }
0x27c: {  	[sflag:s11] =	ssyncadd.s32 $0xFFFFF800  }
0x27d: {  	_ =	swait.ge [sflag:s11], $0x800  }
0x27e: {  	[sflag:s11] =	ssyncset.done $0x0  }
0x27f: {  	[sflag:s11] =	ssyncadd.s32 $0xFFFFF800  }
0x280: {  	_ =	swait.ge [sflag:s11], $0x800  }
0x281: {  	[sflag:s11] =	ssyncset.done $0x0  }
0x282: {  	[sflag:s11] =	ssyncadd.s32 $0xFFFFF800  }
0x283: {  	_ =	swait.ge [sflag:s11], $0x800  }
0x284: {  	[sflag:s11] =	ssyncset.done $0x0  }
0x285: {  	[sflag:s11] =	ssyncadd.s32 $0xFFFFF800  }
0x286: {  	_ =	swait.ge [sflag:s11], $0x800  }
0x287: {  	[sflag:s11] =	ssyncset.done $0x0  }
0x288: {  	[sflag:s11] =	ssyncadd.s32 $0xFFFFF800  }
0x289: {  	_ =	swait.ge [sflag:s11], $0x800  }
0x28a: {  	[sflag:s11] =	ssyncset.done $0x0  }
0x28b: {  	[sflag:s11] =	ssyncadd.s32 $0xFFFFF800  }
0x28c: {  	_ =	swait.ge [sflag:s11], $0x800  }
0x28d: {  	[sflag:s11] =	ssyncset.done $0x0  }
0x28e: {  	[sflag:s11] =	ssyncadd.s32 $0xFFFFF800  }
0x28f: {  	_ =	swait.ge [sflag:s11], $0x800  }
0x290: {  	[sflag:s11] =	ssyncset.done $0x0  }
0x291: {  	[sflag:s11] =	ssyncadd.s32 $0xFFFFF800  }
0x292: {  	_ =	swait.ge [sflag:s11], $0x800  }
0x293: {  	[sflag:s11] =	ssyncset.done $0x0  }
0x294: {  	[sflag:s11] =	ssyncadd.s32 $0xFFFFF800  }
0x295: {  	_ =	swait.ge [sflag:s11], $0x800  }
0x296: {  	[sflag:s11] =	ssyncset.done $0x0  }
0x297: {  	[sflag:s11] =	ssyncadd.s32 $0xFFFFF800  }
0x298: {  	_ =	swait.ge [sflag:s11], $0x800  }
0x299: {  	[sflag:s11] =	ssyncset.done $0x0  }
0x29a: {  	[sflag:s11] =	ssyncadd.s32 $0xFFFFF800  }
0x29b: {  	_ =	swait.ge [sflag:s11], $0x800  }
0x29c: {  	[sflag:s11] =	ssyncset.done $0x0  }
0x29d: {  	[sflag:s11] =	ssyncadd.s32 $0xFFFFF800  }
0x29e: {  	_ =	swait.ge [sflag:s11], $0x800  }
0x29f: {  	[sflag:s11] =	ssyncset.done $0x0  }
0x2a0: {  	[sflag:s11] =	ssyncadd.s32 $0xFFFFF800  }
0x2a1: {  	_ =	swait.ge [sflag:s11], $0x800  }
0x2a2: {  	[sflag:s11] =	ssyncset.done $0x0  }
0x2a3: {  	[sflag:s11] =	ssyncadd.s32 $0xFFFFF800  }
0x2a4: {  	_ =	swait.ge [sflag:s11], $0x800  }
0x2a5: {  	[sflag:s11] =	ssyncset.done $0x0  }
0x2a6: {  	[sflag:s11] =	ssyncadd.s32 $0xFFFFF800  }
0x2a7: {  	_ =	swait.ge [sflag:s11], $0x800  }
0x2a8: {  	[sflag:s11] =	ssyncset.done $0x0  }
0x2a9: {  	[sflag:s11] =	ssyncadd.s32 $0xFFFFF800  }
0x2aa: {  	_ =	swait.ge [sflag:s11], $0x800  }
0x2ab: {  	[sflag:s11] =	ssyncset.done $0x0  }
0x2ac: {  	[sflag:s11] =	ssyncadd.s32 $0xFFFFF800  }
0x2ad: {  	_ =	swait.ge [sflag:s11], $0x800  }
0x2ae: {  	[sflag:s11] =	ssyncset.done $0x0  }
0x2af: {  	[sflag:s11] =	ssyncadd.s32 $0xFFFFF800  }
0x2b0: {  	_ =	swait.ge [sflag:s11], $0x800  }
0x2b1: {  	[sflag:s11] =	ssyncset.done $0x0  }
0x2b2: {  	[sflag:s11] =	ssyncadd.s32 $0xFFFFF800  }
0x2b3: {  	_ =	swait.ge [sflag:s11], $0x800  }
0x2b4: {  	[sflag:s11] =	ssyncset.done $0x0  }
0x2b5: {  	[sflag:s11] =	ssyncadd.s32 $0xFFFFF800  }
0x2b6: {  	_ =	swait.ge [sflag:s11], $0x800  }
0x2b7: {  	[sflag:s11] =	ssyncset.done $0x0  }
0x2b8: {  	[sflag:s11] =	ssyncadd.s32 $0xFFFFF800  }
0x2b9: {  	_ =	swait.ge [sflag:s11], $0x800  }
0x2ba: {  	[sflag:s11] =	ssyncset.done $0x0  }
0x2bb: {  	[sflag:s11] =	ssyncadd.s32 $0xFFFFF800  }
0x2bc: {  	_ =	swait.ge [sflag:s11], $0x800  }
0x2bd: {  	[sflag:s11] =	ssyncset.done $0x0  }
0x2be: {  	[sflag:s11] =	ssyncadd.s32 $0xFFFFF800  }
0x2bf: {  	_ =	swait.ge [sflag:s11], $0x800  }
0x2c0: {  	[sflag:s11] =	ssyncset.done $0x0  }
0x2c1: {  	[sflag:s11] =	ssyncadd.s32 $0xFFFFF800  }
0x2c2: {  	_ =	swait.ge [sflag:s11], $0x800  }
0x2c3: {  	[sflag:s11] =	ssyncset.done $0x0  }
0x2c4: {  	[sflag:s11] =	ssyncadd.s32 $0xFFFFF800  }
0x2c5: {  	_ =	swait.ge [sflag:s11], $0x800  }
0x2c6: {  	[sflag:s11] =	ssyncset.done $0x0  }
0x2c7: {  	[sflag:s11] =	ssyncadd.s32 $0xFFFFF800  }
0x2c8: {  	_ =	swait.ge [sflag:s11], $0x800  }
0x2c9: {  	[sflag:s11] =	ssyncset.done $0x0  }
0x2ca: {  	[sflag:s11] =	ssyncadd.s32 $0xFFFFF800  }
0x2cb: {  	_ =	swait.ge [sflag:s11], $0x800  }
0x2cc: {  	[sflag:s11] =	ssyncset.done $0x0  }
0x2cd: {  	[sflag:s11] =	ssyncadd.s32 $0xFFFFF800  }
0x2ce: {  	_ =	swait.ge [sflag:s11], $0x800  }
0x2cf: {  	[sflag:s11] =	ssyncset.done $0x0  }
0x2d0: {  	[sflag:s11] =	ssyncadd.s32 $0xFFFFF800  }
0x2d1: {  	_ =	swait.ge [sflag:s11], $0x800  }
0x2d2: {  	[sflag:s11] =	ssyncset.done $0x0  }
0x2d3: {  	[sflag:s11] =	ssyncadd.s32 $0xFFFFF800  }
0x2d4: {  	_ =	swait.ge [sflag:s11], $0x800  }
0x2d5: {  	[sflag:s11] =	ssyncset.done $0x0  }
0x2d6: {  	[sflag:s11] =	ssyncadd.s32 $0xFFFFF800  }
0x2d7: {  	_ =	swait.ge [sflag:s11], $0x800  }
0x2d8: {  	[sflag:s11] =	ssyncset.done $0x0  }
0x2d9: {  	[sflag:s11] =	ssyncadd.s32 $0xFFFFF800  }
0x2da: {  	_ =	swait.ge [sflag:s11], $0x800  }
0x2db: {  	[sflag:s11] =	ssyncset.done $0x0  }
0x2dc: {  	[sflag:s11] =	ssyncadd.s32 $0xFFFFF800  }
0x2dd: {  	_ =	swait.ge [sflag:s11], $0x800  }
0x2de: {  	[sflag:s11] =	ssyncset.done $0x0  }
0x2df: {  	[sflag:s11] =	ssyncadd.s32 $0xFFFFF800  }
0x2e0: {  	_ =	swait.ge [sflag:s11], $0x800  }
0x2e1: {  	[sflag:s11] =	ssyncset.done $0x0  }
0x2e2: {  	[sflag:s11] =	ssyncadd.s32 $0xFFFFF800  }
0x2e3: {  	_ =	swait.ge [sflag:s11], $0x800  }
0x2e4: {  	[sflag:s11] =	ssyncset.done $0x0  }
0x2e5: {  	[sflag:s11] =	ssyncadd.s32 $0xFFFFF800  }
0x2e6: {  	_ =	swait.ge [sflag:s11], $0x800  }
0x2e7: {  	[sflag:s11] =	ssyncset.done $0x0  }
0x2e8: {  	[sflag:s11] =	ssyncadd.s32 $0xFFFFF800  }
0x2e9: {  	_ =	swait.ge [sflag:s11], $0x800  }
0x2ea: {  	[sflag:s11] =	ssyncset.done $0x0  }
0x2eb: {  	[sflag:s11] =	ssyncadd.s32 $0xFFFFF800  }
0x2ec: {  	_ =	swait.ge [sflag:s11], $0x800  }
0x2ed: {  	[sflag:s11] =	ssyncset.done $0x0  }
0x2ee: {  	[sflag:s11] =	ssyncadd.s32 $0xFFFFF800  }
0x2ef: {  	_ =	swait.ge [sflag:s11], $0x800  }
0x2f0: {  	[sflag:s11] =	ssyncset.done $0x0  }
0x2f1: {  	[sflag:s11] =	ssyncadd.s32 $0xFFFFF800  }
0x2f2: {  	_ =	swait.ge [sflag:s11], $0x800  }
0x2f3: {  	[sflag:s11] =	ssyncset.done $0x0  }
0x2f4: {  	[sflag:s11] =	ssyncadd.s32 $0xFFFFF800  }
0x2f5: {  	_ =	swait.ge [sflag:s11], $0x800  }
0x2f6: {  	[sflag:s11] =	ssyncset.done $0x0  }
0x2f7: {  	[sflag:s11] =	ssyncadd.s32 $0xFFFFF800  }
0x2f8: {  	_ =	swait.ge [sflag:s11], $0x800  }
0x2f9: {  	[sflag:s11] =	ssyncset.done $0x0  }
0x2fa: {  	[sflag:s11] =	ssyncadd.s32 $0xFFFFF800  }
0x2fb: {  	_ =	swait.ge [sflag:s11], $0x800  }
0x2fc: {  	[sflag:s11] =	ssyncset.done $0x0  }
0x2fd: {  	[sflag:s11] =	ssyncadd.s32 $0xFFFFF800  }
0x2fe: {  	_ =	swait.ge [sflag:s11], $0x800  }
0x2ff: {  	[sflag:s11] =	ssyncset.done $0x0  }
0x300: {  	[sflag:s11] =	ssyncadd.s32 $0xFFFFF800  }
0x301: {  	_ =	swait.ge [sflag:s11], $0x800  }
0x302: {  	[sflag:s11] =	ssyncset.done $0x0  }
0x303: {  	[sflag:s11] =	ssyncadd.s32 $0xFFFFF800  }
0x304: {  	_ =	swait.ge [sflag:s11], $0x800  }
0x305: {  	[sflag:s11] =	ssyncset.done $0x0  }
0x306: {  	[sflag:s11] =	ssyncadd.s32 $0xFFFFF800  }
0x307: {  	_ =	swait.ge [sflag:s11], $0x800  }
0x308: {  	[sflag:s11] =	ssyncset.done $0x0  }
0x309: {  	[sflag:s11] =	ssyncadd.s32 $0xFFFFF800  }
0x30a: {  	_ =	swait.ge [sflag:s11], $0x800  }
0x30b: {  	[sflag:s11] =	ssyncset.done $0x0  }
0x30c: {  	[sflag:s11] =	ssyncadd.s32 $0xFFFFF800  }
0x30d: {  	_ =	swait.ge [sflag:s11], $0x800  }
0x30e: {  	[sflag:s11] =	ssyncset.done $0x0  }
0x30f: {  	[sflag:s11] =	ssyncadd.s32 $0xFFFFF800  }
0x310: {  	_ =	swait.ge [sflag:s11], $0x800  }
0x311: {  	[sflag:s11] =	ssyncset.done $0x0  }
0x312: {  	[sflag:s11] =	ssyncadd.s32 $0xFFFFF800  }
0x313: {  	_ =	swait.ge [sflag:s11], $0x800  }
0x314: {  	[sflag:s11] =	ssyncset.done $0x0  }
0x315: {  	[sflag:s11] =	ssyncadd.s32 $0xFFFFF800  }
0x316: {  	_ =	swait.ge [sflag:s11], $0x800  }
0x317: {  	[sflag:s11] =	ssyncset.done $0x0  }
0x318: {  	[sflag:s11] =	ssyncadd.s32 $0xFFFFF800  }
0x319: {  	_ =	swait.ge [sflag:s11], $0x800  }
0x31a: {  	[sflag:s11] =	ssyncset.done $0x0  }
0x31b: {  	[sflag:s11] =	ssyncadd.s32 $0xFFFFF800  }
0x31c: {  	_ =	swait.ge [sflag:s11], $0x800  }
0x31d: {  	[sflag:s11] =	ssyncset.done $0x0  }
0x31e: {  	[sflag:s11] =	ssyncadd.s32 $0xFFFFF800  }
0x31f: {  	_ =	swait.ge [sflag:s11], $0x800  }
0x320: {  	[sflag:s11] =	ssyncset.done $0x0  }
0x321: {  	[sflag:s11] =	ssyncadd.s32 $0xFFFFF800  }
0x322: {  	_ =	swait.ge [sflag:s11], $0x800  }
0x323: {  	[sflag:s11] =	ssyncset.done $0x0  }
0x324: {  	[sflag:s11] =	ssyncadd.s32 $0xFFFFF800  }
0x325: {  	_ =	swait.ge [sflag:s11], $0x800  }
0x326: {  	[sflag:s11] =	ssyncset.done $0x0  }
0x327: {  	[sflag:s11] =	ssyncadd.s32 $0xFFFFF800  }
0x328: {  	_ =	swait.ge [sflag:s11], $0x800  }
0x329: {  	[sflag:s11] =	ssyncset.done $0x0  }
0x32a: {  	[sflag:s11] =	ssyncadd.s32 $0xFFFFF800  }
0x32b: {  	_ =	swait.ge [sflag:s11], $0x800  }
0x32c: {  	[sflag:s11] =	ssyncset.done $0x0  }
0x32d: {  	[sflag:s11] =	ssyncadd.s32 $0xFFFFF800  }
0x32e: {  	_ =	swait.ge [sflag:s11], $0x800  }
0x32f: {  	[sflag:s11] =	ssyncset.done $0x0  }
0x330: {  	[sflag:s11] =	ssyncadd.s32 $0xFFFFF800  }
0x331: {  	_ =	swait.ge [sflag:s11], $0x800  }
0x332: {  	[sflag:s11] =	ssyncset.done $0x0  }
0x333: {  	[sflag:s11] =	ssyncadd.s32 $0xFFFFF800  }
0x334: {  	_ =	swait.ge [sflag:s11], $0x800  }
0x335: {  	[sflag:s11] =	ssyncset.done $0x0  }
0x336: {  	[sflag:s11] =	ssyncadd.s32 $0xFFFFF800  }
0x337: {  	_ =	swait.ge [sflag:s11], $0x800  }
0x338: {  	[sflag:s11] =	ssyncset.done $0x0  }
0x339: {  	[sflag:s11] =	ssyncadd.s32 $0xFFFFF800  }
0x33a: {  	_ =	swait.ge [sflag:s11], $0x800  }
0x33b: {  	[sflag:s11] =	ssyncset.done $0x0  }
0x33c: {  	[sflag:s11] =	ssyncadd.s32 $0xFFFFF800  }
0x33d: {  	_ =	swait.ge [sflag:s11], $0x800  }
0x33e: {  	[sflag:s11] =	ssyncset.done $0x0  }
0x33f: {  	[sflag:s11] =	ssyncadd.s32 $0xFFFFF800  }
0x340: {  	_ =	swait.ge [sflag:s11], $0x800  }
0x341: {  	[sflag:s11] =	ssyncset.done $0x0  }
0x342: {  	[sflag:s11] =	ssyncadd.s32 $0xFFFFF800  }
0x343: {  	_ =	swait.ge [sflag:s11], $0x800  }
0x344: {  	[sflag:s11] =	ssyncset.done $0x0  }
0x345: {  	[sflag:s11] =	ssyncadd.s32 $0xFFFFF800  }
0x346: {  	_ =	swait.ge [sflag:s11], $0x800  }
0x347: {  	[sflag:s11] =	ssyncset.done $0x0  }
0x348: {  	[sflag:s11] =	ssyncadd.s32 $0xFFFFF800  }
0x349: {  	_ =	swait.ge [sflag:s11], $0x800  }
0x34a: {  	[sflag:s11] =	ssyncset.done $0x0  }
0x34b: {  	[sflag:s11] =	ssyncadd.s32 $0xFFFFF800  }
0x34c: {  	_ =	swait.ge [sflag:s11], $0x800  }
0x34d: {  	[sflag:s11] =	ssyncset.done $0x0  }
0x34e: {  	[sflag:s11] =	ssyncadd.s32 $0xFFFFF800  }
0x34f: {  	_ =	swait.ge [sflag:s11], $0x800  }
0x350: {  	[sflag:s11] =	ssyncset.done $0x0  }
0x351: {  	[sflag:s11] =	ssyncadd.s32 $0xFFFFF800  }
0x352: {  	_ =	swait.ge [sflag:s11], $0x800  }
0x353: {  	[sflag:s11] =	ssyncset.done $0x0  }
0x354: {  	[sflag:s11] =	ssyncadd.s32 $0xFFFFF800  }
0x355: {  	_ =	swait.ge [sflag:s11], $0x800  }
0x356: {  	[sflag:s11] =	ssyncset.done $0x0  }
0x357: {  	[sflag:s11] =	ssyncadd.s32 $0xFFFFF800  }
0x358: {  	_ =	swait.ge [sflag:s11], $0x800  }
0x359: {  	[sflag:s11] =	ssyncset.done $0x0  }
0x35a: {  	[sflag:s11] =	ssyncadd.s32 $0xFFFFF800  }
0x35b: {  	_ =	swait.ge [sflag:s11], $0x800  }
0x35c: {  	s5 =	simm.s32 @!p1 $0x0;
	[sflag:s11] =	ssyncset.done $0x0  }
0x35d: {  	s6 =	simm.s32 @!p1 $0x1E420;
	s12 =	rddreg [dreg:$0xb];
	[sflag:s11] =	ssyncadd.s32 $0xFFFFF800  }
0x35e: {  	[tilespmem:s6], [sflag:$0x3] =	stream.linear.gather @!p1 [hbm4b:s12+s5], $0x80, $0x38;
	[tilespmem:$0x1ECA0] =	vst v63  }
0x35f: {  	s12 =	simm.s32 @!p1 $0x3  }
0x360: {  	_ =	swait.ge @!p1 [sflag:s12], $0x80  }
0x361: {  	[sflag:s12] =	ssyncset.done @!p1 $0x0  }
0x362: {  	s16 =	simm.s32 @!p1 $0x1E4A0;
	s13 =	rddreg [dreg:$0xc];
	[sflag:s12] =	ssyncadd.s32 @!p1 $0xFFFFFF80  }
0x363: {  	[tilespmem:s16], [sflag:$0x3] =	stream.linear.gather @!p1 [hbm4b:s13+s5], $0x800, $0x38;
	[tilespmem:$0x1ECA0] =	vst v63  }
0x364: {  	_ =	swait.ge @!p1 [sflag:s12], $0x800  }
0x365: {  	[sflag:s12] =	ssyncset.done @!p1 $0x0  }
0x366: {  	s5 =	simm.s32 @!p1 $0x80;
	[sflag:s12] =	ssyncadd.s32 @!p1 $0xFFFFF800  }
0x367: {  	[spmem:s1] =	stream.indirect.scatter.add.f32 @!p1 [tilespmem:s16], [sflag:$0x3], $0x10, s6, s5, $0xb8;
	[tilespmem:$0x1ECA0] =	vst v63  }
0x368: {  	_ =	swait.ge @!p1 [sflag:s12], $0x800  }
0x369: {  	[sflag:s12] =	ssyncset.done @!p1 $0x0  }
0x36a: {  	s16 =	simm.s32 @!p1 $0x1B520;
	[sflag:s12] =	ssyncadd.s32 @!p1 $0xFFFFF800  }
0x36b: {  	[spmem:s3] =	stream.indirect.scatter.add.f32 @!p1 [tilespmem:s16], [sflag:$0x3], $0x10, s6, s5, $0xb8;
	[tilespmem:$0x1ECA0] =	vst v63  }
0x36c: {  	_ =	swait.ge @!p1 [sflag:s12], $0x800  }
0x36d: {  	[sflag:s12] =	ssyncset.done @!p1 $0x0  }
0x36e: {  	[sflag:s12] =	ssyncadd.s32 @!p1 $0xFFFFF800  }
0x36f: {  	s14 =	stileid.u32;
	[bflag:$0x0] =	sbarrier.arrive $0xFFFF  }
0x370: {  	s13 =	simm.s32 $0x4;
	s5 =	sshll.u32 s14, $0x6;
	s16 =	rddreg [dreg:$0x12]  }
0x371: {  	s5 =	sor.u32 $0x1C03, s5;
	s4 =	rddreg [dreg:$0xd];
	s31 =	sshrl.u32 s16, $0x3  }
0x372: {  	[hbm:s4@s13], [sflag:s5] =	dma.strided [spmem:s31@s11], $0x4E0, s25, $0x2   }
0x373: {  	_ =	swait.ge [sflag:s24], $0x4E0  }
0x374: {  	[sflag:s24] =	ssyncset.done $0x0;
	s14 =	rddreg [dreg:$0x13]  }
0x375: {  	s16 =	rddreg [dreg:$0xe];
	[sflag:s24] =	ssyncadd.s32 $0xFFFFFB20;
	s6 =	sshrl.u32 s14, $0x3  }
0x376: {  	[hbm:s16@s13], [sflag:s5] =	dma.strided [spmem:s6@s11], $0x4E0, s25, $0x2   }
0x377: {  	s12 =	simm.s32 @!p0 $0x1;
	s16 =	simm.s32 @!p0 $0x4;
	_ =	swait.ge [sflag:s24], $0x4E0  }
0x378: {  	s13 =	simm.s32 @!p0 $0x2;
	[sflag:s24] =	ssyncset.done $0x0;
	s4 =	rddreg [dreg:$0x14]  }
0x379: {  	s14 =	rddreg [dreg:$0xf];
	[sflag:s24] =	ssyncadd.s32 $0xFFFFFB20;
	s6 =	sshrl.u32 @!p0 s4, $0x3  }
0x37a: {  	[hbm:s14@s16], [sflag:s5] =	dma.strided @!p0 [spmem:s6@s13], $0x20, s12, $0x2   }
0x37b: {  	_ =	swait.ge @!p0 [sflag:s2], $0x20  }
0x37c: {  	[sflag:s2] =	ssyncset.done @!p0 $0x0;
	s4 =	rddreg [dreg:$0x15]  }
0x37d: {  	s14 =	rddreg [dreg:$0x10];
	[sflag:s2] =	ssyncadd.s32 @!p0 $0xFFFFFFE0;
	s6 =	sshrl.u32 @!p0 s4, $0x3  }
0x37e: {  	[hbm:s14@s16], [sflag:s5] =	dma.strided @!p0 [spmem:s6@s13], $0x20, s12, $0x2   }
0x37f: {  	_ =	swait.ge @!p0 [sflag:s2], $0x20  }
0x380: {  	s20 =	sadd.s32 $0x1, s20;
	s31 =	rddreg [dreg:$0x11]  }
0x381: {  	p2 =	sne.s32 s20, s31  }
.Ltmp2:
0x382: {  	_ = 	snop;
	(pc) =	sbr.rel @p2 .LBB2_1-.Ltmp2, $3  }
0x383: {  	_ =	sdelay $0x1  }
0x384: {  	s18 =	simm.s32 $0x0;
	[sflag:s2] =	ssyncset.done @!p0 $0x0  }
0x385: {  	s0 =	simm.s32 $0x4E20;
	s6 =	simm.s32 $0x7520;
	[sflag:s2] =	ssyncadd.s32 @!p0 $0xFFFFFFE0  }
0x386: {  	_ =	sfence.sel $0x180000  }
0x387: {  	[bflag:$0x0] =	sbarrier.arrive $0xFFFF  }
0x388: {  	_ =	strace $0x90000047  }
0x389: {  	[bflag:$0x2] =	sbarrier.arrive $0xFFFF  }
0x38a: {  	s0 =	rddreg [dreg:$0x5]  }
0x38b: {  	s0 =	sadd.s32 @!p0 $0x100000, s0  }
0x38c: {  	[sflag:s0] =	ssyncadd.tile.s32 @!p0 $0x1;
	_ =	shalt  }
.Lfunc_end2:
_tile_overlayer_lowered:
.L_overlay_start_2:
0x38d: {  	(tag) =	ssettag $0x2  }
0x38e: {  	s0 =	rddreg [dreg:$0x0];
	s2 =	stileid.u32  }
0x38f: {  	s1 =	rddreg [dreg:$0x1];
	p0 =	sne.s32 s2, $0x0  }
0x390: {  	s3 =	rddreg [dreg:$0x2];
	[bflag:$0x3] =	sbarrier.arrive $0xFFFF;
	s2 =	simm.s32 @!p0 $0x1C03  }
0x391: {  	[timem:s3], [sflag:s2] =	dma.local @!p0 [hbm:s0], s1  }
0x392: {  	s0 =	simm.s32 @!p0 $0x3  }
0x393: {  	_ =	swait.ge @!p0 [sflag:s0], s1  }
0x394: {  	s1 =	ssub.s32 @!p0 $0x0, s1;
	[sflag:s0] =	ssyncset.done @!p0 $0x0  }
0x395: {  	[sflag:s0] =	ssyncadd.s32 @!p0 s1  }
0x396: {  	[bflag:$0x3] =	sbarrier.arrive $0xFFFF  }
0x397: {  	_ =	shalt  }

</sc_bundles>
